<compile_context>
chip_gen: v7x
topology: tpu7x:2x2x1
jax: 0.10.2.dev20260603
libtpu: 0.0.44.dev20260713+nightly
codegen_flags: <defaults>
</compile_context>

<pallas_src>
import functools

import jax
import jax.numpy as jnp
from jax import lax
from jax.experimental import pallas as pl
from jax.experimental.pallas import tpu as pltpu
from jax.experimental.pallas import tpu_sc as plsc

N = 10000
E = 320000
IN_CH = 128
H = 8

NC = 2
NS = 16
NW = NC * NS
EPT = E // NW
K = 2000
NCHUNK = EPT // K
GPC = K // 16
NPAD = 10240
RPS = NPAD // NS

BN = 1000


def _prep_body(x_ref, w_ref, as_ref, ad_ref, xp_ref, mx_ref, att_ref):
    i = pl.program_id(0)
    xp = jnp.dot(x_ref[...], w_ref[...], preferred_element_type=jnp.float32)
    xp_ref[...] = xp
    s = jnp.max(xp * as_ref[...], axis=0)
    d = jnp.max(xp * ad_ref[...], axis=0)
    sd = jnp.stack([s, d])

    @pl.when(i == 0)
    def _():
        mx_ref[...] = sd

    @pl.when(i > 0)
    def _():
        mx_ref[...] = jnp.maximum(mx_ref[...], sd)

    @pl.when(i == N // BN - 1)
    def _():
        mx = mx_ref[...]
        t = mx[0:1, :] + mx[1:2, :]
        b = jnp.maximum(t, 0.2 * t)
        pad = jnp.zeros((1, H), jnp.float32)
        rows = jnp.concatenate([
            jnp.concatenate([as_ref[...], pad], axis=1),
            jnp.concatenate([ad_ref[...], pad], axis=1),
            jnp.concatenate([b, pad], axis=1),
        ], axis=0)
        att_ref[...] = rows


def _prep(x, w, asv, adv):
    return pl.pallas_call(
        _prep_body,
        grid=(N // BN,),
        in_specs=[
            pl.BlockSpec((BN, IN_CH), lambda i: (i, 0)),
            pl.BlockSpec((IN_CH, H), lambda i: (0, 0)),
            pl.BlockSpec((1, H), lambda i: (0, 0)),
            pl.BlockSpec((1, H), lambda i: (0, 0)),
        ],
        out_specs=[
            pl.BlockSpec((BN, H), lambda i: (i, 0)),
            pl.BlockSpec((2, H), lambda i: (0, 0)),
            pl.BlockSpec((3, 2 * H), lambda i: (0, 0)),
        ],
        out_shape=[
            jax.ShapeDtypeStruct((N, H), jnp.float32),
            jax.ShapeDtypeStruct((2, H), jnp.float32),
            jax.ShapeDtypeStruct((3, 2 * H), jnp.float32),
        ],
    )(x, w, asv, adv)


def _edge_kernel_body(xp_hbm, ei_hbm, att_hbm, out_hbm,
                      xp_v, src_v, dst_v, val0, att_v, acc_sh):
    c = lax.axis_index("c")
    s = lax.axis_index("s")
    w = c * NS + s

    pltpu.sync_copy(xp_hbm, xp_v)
    pltpu.sync_copy(att_hbm, att_v)

    zeros16 = jnp.zeros((16,), jnp.float32)

    def _zero_row(i, _):
        val0[i, :] = zeros16
        return 0

    lax.fori_loop(0, RPS, _zero_row, 0)
    pltpu.sync_copy(val0.at[pl.ds(0, RPS)], acc_sh.at[pl.ds(s * RPS, RPS)])
    plsc.subcore_barrier()

    iota = lax.iota(jnp.int32, 16)
    cols = [iota * 0 + j for j in range(16)]
    aS = [plsc.load_gather(att_v, [cols[h]]) for h in range(H)]
    aD = [plsc.load_gather(att_v, [cols[h] + 2 * H]) for h in range(H)]
    Bv = [plsc.load_gather(att_v, [cols[h] + 4 * H]) for h in range(H)]
    for ci in range(NCHUNK):
        base = w * EPT + ci * K
        pltpu.sync_copy(ei_hbm.at[pl.ds(base, K)], src_v)
        pltpu.sync_copy(ei_hbm.at[pl.ds(E + base, K)], dst_v)

        @plsc.parallel_loop(0, GPC, step=1, unroll=1)
        def _group(g):
            s16 = src_v[pl.ds(g * 16, 16)]
            d16 = dst_v[pl.ds(g * 16, 16)]
            is0 = s16 * H
            id0 = d16 * H
            row = g * 16 + iota
            for h in range(H):
                xs = plsc.load_gather(xp_v, [is0 + h])
                xd = plsc.load_gather(xp_v, [id0 + h])
                pre = xs * aS[h] + xd * aD[h]
                alpha = jnp.maximum(pre, 0.2 * pre)
                ex = jnp.exp(alpha - Bv[h])
                plsc.store_scatter(val0, [row, cols[h]], ex)
                plsc.store_scatter(val0, [row, cols[H + h]], ex * xs)

        pltpu.sync_copy(val0, acc_sh.at[dst_v], add=True)

    plsc.subcore_barrier()
    pltpu.sync_copy(acc_sh.at[pl.ds(s * RPS, RPS)],
                    out_hbm.at[c, pl.ds(s * RPS, RPS)])


def _edges(xp_flat, ei_flat, att_flat):
    mesh = plsc.VectorSubcoreMesh(core_axis_name="c", subcore_axis_name="s",
                                  num_cores=NC, num_subcores=NS)

    f = pl.kernel(
        _edge_kernel_body,
        out_type=jax.ShapeDtypeStruct((NC, NPAD, 16), jnp.float32),
        mesh=mesh,
        scratch_types=[
            pltpu.VMEM((N * H,), jnp.float32),
            pltpu.VMEM((K,), jnp.int32),
            pltpu.VMEM((K,), jnp.int32),
            pltpu.VMEM((K, 16), jnp.float32),
            pltpu.VMEM((3 * 2 * H,), jnp.float32),
            pltpu.VMEM_SHARED((NPAD, 16), jnp.float32),
        ],
        compiler_params=pltpu.CompilerParams(needs_layout_passes=False,
                                             use_tc_tiling_on_sc=False),
    )
    return f(xp_flat, ei_flat, att_flat)


def _final_body(acc_ref, gb_ref, lw_ref, lb_ref, bp_ref, out_ref):
    a = acc_ref[0] + acc_ref[1]
    denom = a[:, 0:H]
    numer = a[:, H:2 * H]
    hmid = numer / (denom + 1e-16) + gb_ref[...]
    t = jnp.sum(hmid * lw_ref[...], axis=1, keepdims=True) + lb_ref[...]
    out_ref[...] = jnp.maximum(t, 0.0) + bp_ref[...]


def _final(acc, gb, lw, lb, bp):
    return pl.pallas_call(
        _final_body,
        grid=(N // BN,),
        in_specs=[
            pl.BlockSpec((NC, BN, 16), lambda i: (0, i, 0)),
            pl.BlockSpec((1, H), lambda i: (0, 0)),
            pl.BlockSpec((1, H), lambda i: (0, 0)),
            pl.BlockSpec((1, 1), lambda i: (0, 0)),
            pl.BlockSpec((1, 1), lambda i: (0, 0)),
        ],
        out_specs=pl.BlockSpec((BN, 1), lambda i: (i, 0)),
        out_shape=jax.ShapeDtypeStruct((N, 1), jnp.float32),
    )(acc, gb, lw, lb, bp)


def kernel(x, edge_index, W, att_src, att_dst, gat_bias, lin_w, lin_b, bias_param):
    asv = att_src.reshape(1, H)
    adv = att_dst.reshape(1, H)

    xp, _, att = _prep(x, W, asv, adv)

    ei = edge_index.astype(jnp.int32)
    acc = _edges(xp.reshape(-1), ei.reshape(-1), att.reshape(-1))

    return _final(acc, gat_bias.reshape(1, H), lin_w,
                  lin_b.reshape(1, 1), bias_param.reshape(1, 1))

# --- scband reference (transcript-rebuilt; emitter-appended) ---
"""Pipeline reference for scband-calib-attention-layer-42296837931443 (READ-ONLY COPY).

The authoritative reference and input builder live on the scoring server;
editing this copy changes nothing except your own understanding.
"""

import jax, jax.numpy as jnp
import numpy as np

N = 10000
E = 320000
IN_CH = 128
HEADS = 8
OUT_CH = 1  # GATConv out_channels must be 1 so that Linear(heads,1) matches h's last dim (heads*1)


def setup_inputs(seed: int = 0) -> dict:
    key = jax.random.key(seed)
    k1, k2, k3, k4, k5, k6, k7, k8 = jax.random.split(key, 8)
    x = jax.random.normal(k1, (N, IN_CH), dtype=jnp.float32)
    edge_index = jax.random.randint(k2, (2, E), 0, N, dtype=jnp.int64)
    # GATConv parameters (heads=8, out_channels=1, concat=True)
    glorot = float(np.sqrt(2.0 / (IN_CH + HEADS * OUT_CH)))
    W = jax.random.normal(k3, (IN_CH, HEADS * OUT_CH), dtype=jnp.float32) * glorot
    att_src = jax.random.normal(k4, (1, HEADS, OUT_CH), dtype=jnp.float32) * float(np.sqrt(2.0 / (1 + OUT_CH)))
    att_dst = jax.random.normal(k5, (1, HEADS, OUT_CH), dtype=jnp.float32) * float(np.sqrt(2.0 / (1 + OUT_CH)))
    gat_bias = jnp.zeros((HEADS * OUT_CH,), dtype=jnp.float32)
    # nn.Linear(heads, 1)
    lin_w = jax.random.normal(k6, (1, HEADS), dtype=jnp.float32) * float(1.0 / np.sqrt(HEADS))
    lin_b = jax.random.normal(k7, (1,), dtype=jnp.float32) * 0.1
    # self.bias = Parameter(ones(1) * 1.0)
    bias_param = jnp.ones((1,), dtype=jnp.float32)
    return {"x": x, "edge_index": edge_index, "W": W, "att_src": att_src,
            "att_dst": att_dst, "gat_bias": gat_bias, "lin_w": lin_w,
            "lin_b": lin_b, "bias_param": bias_param}


def reference(x, edge_index, W, att_src, att_dst, gat_bias, lin_w, lin_b, bias_param):
    n = x.shape[0]
    # --- GATConv forward (concat=True) ---
    xp = (x @ W).reshape(n, HEADS, OUT_CH)                      # [N, H, C]
    a_src = (xp * att_src).sum(axis=-1)                         # [N, H]
    a_dst = (xp * att_dst).sum(axis=-1)                         # [N, H]
    src = edge_index[0]
    dst = edge_index[1]
    alpha = a_src[src] + a_dst[dst]                             # [E, H] gather
    alpha = jax.nn.leaky_relu(alpha, negative_slope=0.2)
    # segment softmax over incoming edges of each dst node
    m = jax.ops.segment_max(alpha, dst, num_segments=n)         # [N, H]
    m = jnp.where(jnp.isfinite(m), m, 0.0)
    ex = jnp.exp(alpha - m[dst])                                # [E, H]
    denom = jax.ops.segment_sum(ex, dst, num_segments=n)        # [N, H]
    att = ex / (denom[dst] + 1e-16)                             # [E, H]
    msg = xp[src] * att[:, :, None]                             # [E, H, C]
    out = jax.ops.segment_sum(msg, dst, num_segments=n)         # [N, H, C] scatter-add
    h = out.reshape(n, HEADS * OUT_CH) + gat_bias               # [N, H]
    # --- temperature head ---
    temperature = jax.nn.relu(h @ lin_w.T + lin_b) + bias_param # [N, 1]
    return temperature

if __name__ == "__main__":
    import jax
    _d = setup_inputs()
    print(jax.jit(kernel)(*tuple(_d.values())))

</pallas_src>

<mosaic_0001>
#map = affine_map<(d0, d1) -> (0)>
#map1 = affine_map<(d0, d1) -> (0, 0, 0)>
module attributes {stable_mosaic.version = 14 : i64} {
  func.func @_edge_kernel_body(%arg0: i32, %arg1: i32, %arg2: memref<80000xf32, #tpu.memory_space<hbm>>, %arg3: memref<640000xi32, #tpu.memory_space<hbm>>, %arg4: memref<48xf32, #tpu.memory_space<hbm>>, %arg5: memref<2x10240x16xf32, #tpu.memory_space<hbm>>, %arg6: memref<80000xf32, #tpu.memory_space<vmem>>, %arg7: memref<2000xi32, #tpu.memory_space<vmem>>, %arg8: memref<2000xi32, #tpu.memory_space<vmem>>, %arg9: memref<2000x16xf32, #tpu.memory_space<vmem>>, %arg10: memref<48xf32, #tpu.memory_space<vmem>>, %arg11: memref<10240x16xf32, #tpu.memory_space<vmem_shared>>) attributes {dimension_semantics = [#tpu.dimension_semantics<core_parallel>, #tpu.dimension_semantics<subcore_parallel>], iteration_bounds = array<i64: 2, 16>, scalar_prefetch = 0 : i64, scratch_operands = 6 : i64, tpu.core_type = #tpu.core_type<sc_vector_subcore>, window_params = [{transform_indices = #map}, {transform_indices = #map}, {transform_indices = #map}, {transform_indices = #map1}]} {
    %mul3A = arith.constant 16 : i32
    %mul3A_0 = arith.muli %arg0, %mul3A : i32
    %add3A = arith.addi %mul3A_0, %arg1 : i32
    "tpu.region"() ({
      %run_scoped3A = tpu.sem_alloc : memref<!tpu.dma_semaphore, #tpu.memory_space<semaphore_mem>>
      tpu.enqueue_dma source(%arg2 : memref<80000xf32, #tpu.memory_space<hbm>>) target(%arg6 : memref<80000xf32, #tpu.memory_space<vmem>>) target_semaphore(%run_scoped3A : memref<!tpu.dma_semaphore, #tpu.memory_space<semaphore_mem>>)
      tpu.wait_dma2 semaphore(%run_scoped3A : memref<!tpu.dma_semaphore, #tpu.memory_space<semaphore_mem>>) src(%arg2 : memref<80000xf32, #tpu.memory_space<hbm>>) dst(%arg6 : memref<80000xf32, #tpu.memory_space<vmem>>)
      tpu.yield
    }) : () -> ()
    "tpu.region"() ({
      %run_scoped3A = tpu.sem_alloc : memref<!tpu.dma_semaphore, #tpu.memory_space<semaphore_mem>>
      tpu.enqueue_dma source(%arg4 : memref<48xf32, #tpu.memory_space<hbm>>) target(%arg10 : memref<48xf32, #tpu.memory_space<vmem>>) target_semaphore(%run_scoped3A : memref<!tpu.dma_semaphore, #tpu.memory_space<semaphore_mem>>)
      tpu.wait_dma2 semaphore(%run_scoped3A : memref<!tpu.dma_semaphore, #tpu.memory_space<semaphore_mem>>) src(%arg4 : memref<48xf32, #tpu.memory_space<hbm>>) dst(%arg10 : memref<48xf32, #tpu.memory_space<vmem>>)
      tpu.yield
    }) : () -> ()
    %broadcast_in_dim3A = arith.constant 0.000000e+00 : f32
    %broadcast_in_dim3A_1 = vector.broadcast %broadcast_in_dim3A : f32 to vector<16xf32>
    %scan3A = arith.constant 0 : i32
    %scan3A_2 = arith.constant 0 : i32
    %scan3A_3 = arith.constant 640 : i32
    %scan3A_4 = arith.addi %scan3A_2, %scan3A_3 : i32
    %scan3A_5 = arith.constant 1 : i32
    %scan3A_6 = scf.for %scan3A_226 = %scan3A_2 to %scan3A_4 step %scan3A_5 iter_args(%scan3A_227 = %scan3A) -> (i32)  : i32 {
      %swap3A = arith.index_cast %scan3A_226 : i32 to index
      %swap3A_228 = arith.constant 0 : index
      %swap3A_229 = tpu.vector_load %arg9[%swap3A, %swap3A_228] {strides = array<i32>} : memref<2000x16xf32, #tpu.memory_space<vmem>>, vector<16xf32>,
      tpu.vector_store %arg9[%swap3A, %swap3A_228], %broadcast_in_dim3A_1 {strides = array<i32>} : memref<2000x16xf32, #tpu.memory_space<vmem>>, vector<16xf32>,
      %scan3A_230 = arith.constant 0 : i32
      scf.yield %scan3A_230 : i32
    }
    %scan3A_7 = arith.constant 640 : i32
    %mul3A_8 = arith.constant 640 : i32
    %mul3A_9 = arith.muli %arg1, %mul3A_8 : i32
    "tpu.region"() ({
      %run_scoped3A = tpu.sem_alloc : memref<!tpu.dma_semaphore, #tpu.memory_space<semaphore_mem>>
      %dma_start3A = arith.constant 0 : i32
      %dma_start3A_226 = arith.constant 0 : i32
      %dma_start3A_227 = tpu.memref_slice %arg9[%dma_start3A, %dma_start3A_226] : memref<2000x16xf32, #tpu.memory_space<vmem>> -> memref<640x16xf32, #tpu.memory_space<vmem>>
      %dma_start3A_228 = arith.constant 0 : i32
      %dma_start3A_229 = tpu.memref_slice %arg11[%mul3A_9, %dma_start3A_228] : memref<10240x16xf32, #tpu.memory_space<vmem_shared>> -> memref<640x16xf32, #tpu.memory_space<vmem_shared>>
      %dma_start3A_230 = arith.constant 0 : i32
      %dma_start3A_231 = tpu.memref_slice %arg11[%mul3A_9, %dma_start3A_230] : memref<10240x16xf32, #tpu.memory_space<vmem_shared>> -> memref<640x16xf32, #tpu.memory_space<vmem_shared>>
      %dma_start3A_232 = arith.constant 0 : i32
      %dma_start3A_233 = arith.constant 0 : i32
      %dma_start3A_234 = tpu.memref_slice %arg9[%dma_start3A_232, %dma_start3A_233] : memref<2000x16xf32, #tpu.memory_space<vmem>> -> memref<640x16xf32, #tpu.memory_space<vmem>>
      tpu.enqueue_dma source(%dma_start3A_234 : memref<640x16xf32, #tpu.memory_space<vmem>>) target(%dma_start3A_231 : memref<640x16xf32, #tpu.memory_space<vmem_shared>>) target_semaphore(%run_scoped3A : memref<!tpu.dma_semaphore, #tpu.memory_space<semaphore_mem>>)
      %dma_wait3A = arith.constant 0 : i32
      %dma_wait3A_235 = arith.constant 0 : i32
      %dma_wait3A_236 = tpu.memref_slice %arg9[%dma_wait3A, %dma_wait3A_235] : memref<2000x16xf32, #tpu.memory_space<vmem>> -> memref<640x16xf32, #tpu.memory_space<vmem>>
      %dma_wait3A_237 = arith.constant 0 : i32
      %dma_wait3A_238 = tpu.memref_slice %arg11[%mul3A_9, %dma_wait3A_237] : memref<10240x16xf32, #tpu.memory_space<vmem_shared>> -> memref<640x16xf32, #tpu.memory_space<vmem_shared>>
      %dma_wait3A_239 = arith.constant 0 : i32
      %dma_wait3A_240 = tpu.memref_slice %arg11[%mul3A_9, %dma_wait3A_239] : memref<10240x16xf32, #tpu.memory_space<vmem_shared>> -> memref<640x16xf32, #tpu.memory_space<vmem_shared>>
      %dma_wait3A_241 = arith.constant 0 : i32
      %dma_wait3A_242 = arith.constant 0 : i32
      %dma_wait3A_243 = tpu.memref_slice %arg9[%dma_wait3A_241, %dma_wait3A_242] : memref<2000x16xf32, #tpu.memory_space<vmem>> -> memref<640x16xf32, #tpu.memory_space<vmem>>
      tpu.wait_dma2 semaphore(%run_scoped3A : memref<!tpu.dma_semaphore, #tpu.memory_space<semaphore_mem>>) src(%dma_wait3A_243 : memref<640x16xf32, #tpu.memory_space<vmem>>) dst(%dma_wait3A_240 : memref<640x16xf32, #tpu.memory_space<vmem_shared>>)
      tpu.yield
    }) : () -> ()
    %barrier3A = arith.constant 0 : index
    tpu.barrier barrier_id(%barrier3A)
    %iota3A = tpu.iota {dimensions = array<i32: 0>} : vector<16xi32>
    %mul3A_10 = arith.constant 0 : i32
    %mul3A_11 = vector.broadcast %mul3A_10 : i32 to vector<16xi32>
    %mul3A_12 = arith.muli %iota3A, %mul3A_11 : vector<16xi32>
    %add3A_13 = arith.constant 0 : i32
    %add3A_14 = vector.broadcast %add3A_13 : i32 to vector<16xi32>
    %add3A_15 = arith.addi %mul3A_12, %add3A_14 : vector<16xi32>
    %mul3A_16 = arith.constant 0 : i32
    %mul3A_17 = vector.broadcast %mul3A_16 : i32 to vector<16xi32>
    %mul3A_18 = arith.muli %iota3A, %mul3A_17 : vector<16xi32>
    %add3A_19 = arith.constant 1 : i32
    %add3A_20 = vector.broadcast %add3A_19 : i32 to vector<16xi32>
    %add3A_21 = arith.addi %mul3A_18, %add3A_20 : vector<16xi32>
    %mul3A_22 = arith.constant 0 : i32
    %mul3A_23 = vector.broadcast %mul3A_22 : i32 to vector<16xi32>
    %mul3A_24 = arith.muli %iota3A, %mul3A_23 : vector<16xi32>
    %add3A_25 = arith.constant 2 : i32
    %add3A_26 = vector.broadcast %add3A_25 : i32 to vector<16xi32>
    %add3A_27 = arith.addi %mul3A_24, %add3A_26 : vector<16xi32>
    %mul3A_28 = arith.constant 0 : i32
    %mul3A_29 = vector.broadcast %mul3A_28 : i32 to vector<16xi32>
    %mul3A_30 = arith.muli %iota3A, %mul3A_29 : vector<16xi32>
    %add3A_31 = arith.constant 3 : i32
    %add3A_32 = vector.broadcast %add3A_31 : i32 to vector<16xi32>
    %add3A_33 = arith.addi %mul3A_30, %add3A_32 : vector<16xi32>
    %mul3A_34 = arith.constant 0 : i32
    %mul3A_35 = vector.broadcast %mul3A_34 : i32 to vector<16xi32>
    %mul3A_36 = arith.muli %iota3A, %mul3A_35 : vector<16xi32>
    %add3A_37 = arith.constant 4 : i32
    %add3A_38 = vector.broadcast %add3A_37 : i32 to vector<16xi32>
    %add3A_39 = arith.addi %mul3A_36, %add3A_38 : vector<16xi32>
    %mul3A_40 = arith.constant 0 : i32
    %mul3A_41 = vector.broadcast %mul3A_40 : i32 to vector<16xi32>
    %mul3A_42 = arith.muli %iota3A, %mul3A_41 : vector<16xi32>
    %add3A_43 = arith.constant 5 : i32
    %add3A_44 = vector.broadcast %add3A_43 : i32 to vector<16xi32>
    %add3A_45 = arith.addi %mul3A_42, %add3A_44 : vector<16xi32>
    %mul3A_46 = arith.constant 0 : i32
    %mul3A_47 = vector.broadcast %mul3A_46 : i32 to vector<16xi32>
    %mul3A_48 = arith.muli %iota3A, %mul3A_47 : vector<16xi32>
    %add3A_49 = arith.constant 6 : i32
    %add3A_50 = vector.broadcast %add3A_49 : i32 to vector<16xi32>
    %add3A_51 = arith.addi %mul3A_48, %add3A_50 : vector<16xi32>
    %mul3A_52 = arith.constant 0 : i32
    %mul3A_53 = vector.broadcast %mul3A_52 : i32 to vector<16xi32>
    %mul3A_54 = arith.muli %iota3A, %mul3A_53 : vector<16xi32>
    %add3A_55 = arith.constant 7 : i32
    %add3A_56 = vector.broadcast %add3A_55 : i32 to vector<16xi32>
    %add3A_57 = arith.addi %mul3A_54, %add3A_56 : vector<16xi32>
    %mul3A_58 = arith.constant 0 : i32
    %mul3A_59 = vector.broadcast %mul3A_58 : i32 to vector<16xi32>
    %mul3A_60 = arith.muli %iota3A, %mul3A_59 : vector<16xi32>
    %add3A_61 = arith.constant 8 : i32
    %add3A_62 = vector.broadcast %add3A_61 : i32 to vector<16xi32>
    %add3A_63 = arith.addi %mul3A_60, %add3A_62 : vector<16xi32>
    %mul3A_64 = arith.constant 0 : i32
    %mul3A_65 = vector.broadcast %mul3A_64 : i32 to vector<16xi32>
    %mul3A_66 = arith.muli %iota3A, %mul3A_65 : vector<16xi32>
    %add3A_67 = arith.constant 9 : i32
    %add3A_68 = vector.broadcast %add3A_67 : i32 to vector<16xi32>
    %add3A_69 = arith.addi %mul3A_66, %add3A_68 : vector<16xi32>
    %mul3A_70 = arith.constant 0 : i32
    %mul3A_71 = vector.broadcast %mul3A_70 : i32 to vector<16xi32>
    %mul3A_72 = arith.muli %iota3A, %mul3A_71 : vector<16xi32>
    %add3A_73 = arith.constant 10 : i32
    %add3A_74 = vector.broadcast %add3A_73 : i32 to vector<16xi32>
    %add3A_75 = arith.addi %mul3A_72, %add3A_74 : vector<16xi32>
    %mul3A_76 = arith.constant 0 : i32
    %mul3A_77 = vector.broadcast %mul3A_76 : i32 to vector<16xi32>
    %mul3A_78 = arith.muli %iota3A, %mul3A_77 : vector<16xi32>
    %add3A_79 = arith.constant 11 : i32
    %add3A_80 = vector.broadcast %add3A_79 : i32 to vector<16xi32>
    %add3A_81 = arith.addi %mul3A_78, %add3A_80 : vector<16xi32>
    %mul3A_82 = arith.constant 0 : i32
    %mul3A_83 = vector.broadcast %mul3A_82 : i32 to vector<16xi32>
    %mul3A_84 = arith.muli %iota3A, %mul3A_83 : vector<16xi32>
    %add3A_85 = arith.constant 12 : i32
    %add3A_86 = vector.broadcast %add3A_85 : i32 to vector<16xi32>
    %add3A_87 = arith.addi %mul3A_84, %add3A_86 : vector<16xi32>
    %mul3A_88 = arith.constant 0 : i32
    %mul3A_89 = vector.broadcast %mul3A_88 : i32 to vector<16xi32>
    %mul3A_90 = arith.muli %iota3A, %mul3A_89 : vector<16xi32>
    %add3A_91 = arith.constant 13 : i32
    %add3A_92 = vector.broadcast %add3A_91 : i32 to vector<16xi32>
    %add3A_93 = arith.addi %mul3A_90, %add3A_92 : vector<16xi32>
    %mul3A_94 = arith.constant 0 : i32
    %mul3A_95 = vector.broadcast %mul3A_94 : i32 to vector<16xi32>
    %mul3A_96 = arith.muli %iota3A, %mul3A_95 : vector<16xi32>
    %add3A_97 = arith.constant 14 : i32
    %add3A_98 = vector.broadcast %add3A_97 : i32 to vector<16xi32>
    %add3A_99 = arith.addi %mul3A_96, %add3A_98 : vector<16xi32>
    %mul3A_100 = arith.constant 0 : i32
    %mul3A_101 = vector.broadcast %mul3A_100 : i32 to vector<16xi32>
    %mul3A_102 = arith.muli %iota3A, %mul3A_101 : vector<16xi32>
    %add3A_103 = arith.constant 15 : i32
    %add3A_104 = vector.broadcast %add3A_103 : i32 to vector<16xi32>
    %add3A_105 = arith.addi %mul3A_102, %add3A_104 : vector<16xi32>
    %gather3A = tpu.vector_load_idx %arg10[%add3A_15] : memref<48xf32, #tpu.memory_space<vmem>>[vector<16xi32>], vector<16xf32>,
    %gather3A_106 = tpu.vector_load_idx %arg10[%add3A_21] : memref<48xf32, #tpu.memory_space<vmem>>[vector<16xi32>], vector<16xf32>,
    %gather3A_107 = tpu.vector_load_idx %arg10[%add3A_27] : memref<48xf32, #tpu.memory_space<vmem>>[vector<16xi32>], vector<16xf32>,
    %gather3A_108 = tpu.vector_load_idx %arg10[%add3A_33] : memref<48xf32, #tpu.memory_space<vmem>>[vector<16xi32>], vector<16xf32>,
    %gather3A_109 = tpu.vector_load_idx %arg10[%add3A_39] : memref<48xf32, #tpu.memory_space<vmem>>[vector<16xi32>], vector<16xf32>,
    %gather3A_110 = tpu.vector_load_idx %arg10[%add3A_45] : memref<48xf32, #tpu.memory_space<vmem>>[vector<16xi32>], vector<16xf32>,
    %gather3A_111 = tpu.vector_load_idx %arg10[%add3A_51] : memref<48xf32, #tpu.memory_space<vmem>>[vector<16xi32>], vector<16xf32>,
    %gather3A_112 = tpu.vector_load_idx %arg10[%add3A_57] : memref<48xf32, #tpu.memory_space<vmem>>[vector<16xi32>], vector<16xf32>,
    %add3A_113 = arith.constant 16 : i32
    %add3A_114 = vector.broadcast %add3A_113 : i32 to vector<16xi32>
    %add3A_115 = arith.addi %add3A_15, %add3A_114 : vector<16xi32>
    %gather3A_116 = tpu.vector_load_idx %arg10[%add3A_115] : memref<48xf32, #tpu.memory_space<vmem>>[vector<16xi32>], vector<16xf32>,
    %add3A_117 = arith.constant 16 : i32
    %add3A_118 = vector.broadcast %add3A_117 : i32 to vector<16xi32>
    %add3A_119 = arith.addi %add3A_21, %add3A_118 : vector<16xi32>
    %gather3A_120 = tpu.vector_load_idx %arg10[%add3A_119] : memref<48xf32, #tpu.memory_space<vmem>>[vector<16xi32>], vector<16xf32>,
    %add3A_121 = arith.constant 16 : i32
    %add3A_122 = vector.broadcast %add3A_121 : i32 to vector<16xi32>
    %add3A_123 = arith.addi %add3A_27, %add3A_122 : vector<16xi32>
    %gather3A_124 = tpu.vector_load_idx %arg10[%add3A_123] : memref<48xf32, #tpu.memory_space<vmem>>[vector<16xi32>], vector<16xf32>,
    %add3A_125 = arith.constant 16 : i32
    %add3A_126 = vector.broadcast %add3A_125 : i32 to vector<16xi32>
    %add3A_127 = arith.addi %add3A_33, %add3A_126 : vector<16xi32>
    %gather3A_128 = tpu.vector_load_idx %arg10[%add3A_127] : memref<48xf32, #tpu.memory_space<vmem>>[vector<16xi32>], vector<16xf32>,
    %add3A_129 = arith.constant 16 : i32
    %add3A_130 = vector.broadcast %add3A_129 : i32 to vector<16xi32>
    %add3A_131 = arith.addi %add3A_39, %add3A_130 : vector<16xi32>
    %gather3A_132 = tpu.vector_load_idx %arg10[%add3A_131] : memref<48xf32, #tpu.memory_space<vmem>>[vector<16xi32>], vector<16xf32>,
    %add3A_133 = arith.constant 16 : i32
    %add3A_134 = vector.broadcast %add3A_133 : i32 to vector<16xi32>
    %add3A_135 = arith.addi %add3A_45, %add3A_134 : vector<16xi32>
    %gather3A_136 = tpu.vector_load_idx %arg10[%add3A_135] : memref<48xf32, #tpu.memory_space<vmem>>[vector<16xi32>], vector<16xf32>,
    %add3A_137 = arith.constant 16 : i32
    %add3A_138 = vector.broadcast %add3A_137 : i32 to vector<16xi32>
    %add3A_139 = arith.addi %add3A_51, %add3A_138 : vector<16xi32>
    %gather3A_140 = tpu.vector_load_idx %arg10[%add3A_139] : memref<48xf32, #tpu.memory_space<vmem>>[vector<16xi32>], vector<16xf32>,
    %add3A_141 = arith.constant 16 : i32
    %add3A_142 = vector.broadcast %add3A_141 : i32 to vector<16xi32>
    %add3A_143 = arith.addi %add3A_57, %add3A_142 : vector<16xi32>
    %gather3A_144 = tpu.vector_load_idx %arg10[%add3A_143] : memref<48xf32, #tpu.memory_space<vmem>>[vector<16xi32>], vector<16xf32>,
    %add3A_145 = arith.constant 32 : i32
    %add3A_146 = vector.broadcast %add3A_145 : i32 to vector<16xi32>
    %add3A_147 = arith.addi %add3A_15, %add3A_146 : vector<16xi32>
    %gather3A_148 = tpu.vector_load_idx %arg10[%add3A_147] : memref<48xf32, #tpu.memory_space<vmem>>[vector<16xi32>], vector<16xf32>,
    %add3A_149 = arith.constant 32 : i32
    %add3A_150 = vector.broadcast %add3A_149 : i32 to vector<16xi32>
    %add3A_151 = arith.addi %add3A_21, %add3A_150 : vector<16xi32>
    %gather3A_152 = tpu.vector_load_idx %arg10[%add3A_151] : memref<48xf32, #tpu.memory_space<vmem>>[vector<16xi32>], vector<16xf32>,
    %add3A_153 = arith.constant 32 : i32
    %add3A_154 = vector.broadcast %add3A_153 : i32 to vector<16xi32>
    %add3A_155 = arith.addi %add3A_27, %add3A_154 : vector<16xi32>
    %gather3A_156 = tpu.vector_load_idx %arg10[%add3A_155] : memref<48xf32, #tpu.memory_space<vmem>>[vector<16xi32>], vector<16xf32>,
    %add3A_157 = arith.constant 32 : i32
    %add3A_158 = vector.broadcast %add3A_157 : i32 to vector<16xi32>
    %add3A_159 = arith.addi %add3A_33, %add3A_158 : vector<16xi32>
    %gather3A_160 = tpu.vector_load_idx %arg10[%add3A_159] : memref<48xf32, #tpu.memory_space<vmem>>[vector<16xi32>], vector<16xf32>,
    %add3A_161 = arith.constant 32 : i32
    %add3A_162 = vector.broadcast %add3A_161 : i32 to vector<16xi32>
    %add3A_163 = arith.addi %add3A_39, %add3A_162 : vector<16xi32>
    %gather3A_164 = tpu.vector_load_idx %arg10[%add3A_163] : memref<48xf32, #tpu.memory_space<vmem>>[vector<16xi32>], vector<16xf32>,
    %add3A_165 = arith.constant 32 : i32
    %add3A_166 = vector.broadcast %add3A_165 : i32 to vector<16xi32>
    %add3A_167 = arith.addi %add3A_45, %add3A_166 : vector<16xi32>
    %gather3A_168 = tpu.vector_load_idx %arg10[%add3A_167] : memref<48xf32, #tpu.memory_space<vmem>>[vector<16xi32>], vector<16xf32>,
    %add3A_169 = arith.constant 32 : i32
    %add3A_170 = vector.broadcast %add3A_169 : i32 to vector<16xi32>
    %add3A_171 = arith.addi %add3A_51, %add3A_170 : vector<16xi32>
    %gather3A_172 = tpu.vector_load_idx %arg10[%add3A_171] : memref<48xf32, #tpu.memory_space<vmem>>[vector<16xi32>], vector<16xf32>,
    %add3A_173 = arith.constant 32 : i32
    %add3A_174 = vector.broadcast %add3A_173 : i32 to vector<16xi32>
    %add3A_175 = arith.addi %add3A_57, %add3A_174 : vector<16xi32>
    %gather3A_176 = tpu.vector_load_idx %arg10[%add3A_175] : memref<48xf32, #tpu.memory_space<vmem>>[vector<16xi32>], vector<16xf32>,
    %mul3A_177 = arith.constant 10000 : i32
    %mul3A_178 = arith.muli %add3A, %mul3A_177 : i32
    %add3A_179 = arith.constant 0 : i32
    %add3A_180 = arith.addi %mul3A_178, %add3A_179 : i32
    "tpu.region"() ({
      %run_scoped3A = tpu.sem_alloc : memref<!tpu.dma_semaphore, #tpu.memory_space<semaphore_mem>>
      %dma_start3A = tpu.memref_slice %arg3[%add3A_180] : memref<640000xi32, #tpu.memory_space<hbm>> -> memref<2000xi32, #tpu.memory_space<hbm>>
      %dma_start3A_226 = tpu.memref_slice %arg3[%add3A_180] : memref<640000xi32, #tpu.memory_space<hbm>> -> memref<2000xi32, #tpu.memory_space<hbm>>
      tpu.enqueue_dma source(%dma_start3A_226 : memref<2000xi32, #tpu.memory_space<hbm>>) target(%arg7 : memref<2000xi32, #tpu.memory_space<vmem>>) target_semaphore(%run_scoped3A : memref<!tpu.dma_semaphore, #tpu.memory_space<semaphore_mem>>)
      %dma_wait3A = tpu.memref_slice %arg3[%add3A_180] : memref<640000xi32, #tpu.memory_space<hbm>> -> memref<2000xi32, #tpu.memory_space<hbm>>
      %dma_wait3A_227 = tpu.memref_slice %arg3[%add3A_180] : memref<640000xi32, #tpu.memory_space<hbm>> -> memref<2000xi32, #tpu.memory_space<hbm>>
      tpu.wait_dma2 semaphore(%run_scoped3A : memref<!tpu.dma_semaphore, #tpu.memory_space<semaphore_mem>>) src(%dma_wait3A_227 : memref<2000xi32, #tpu.memory_space<hbm>>) dst(%arg7 : memref<2000xi32, #tpu.memory_space<vmem>>)
      tpu.yield
    }) : () -> ()
    %add3A_181 = arith.constant 320000 : i32
    %add3A_182 = arith.addi %add3A_181, %add3A_180 : i32
    "tpu.region"() ({
      %run_scoped3A = tpu.sem_alloc : memref<!tpu.dma_semaphore, #tpu.memory_space<semaphore_mem>>
      %dma_start3A = tpu.memref_slice %arg3[%add3A_182] : memref<640000xi32, #tpu.memory_space<hbm>> -> memref<2000xi32, #tpu.memory_space<hbm>>
      %dma_start3A_226 = tpu.memref_slice %arg3[%add3A_182] : memref<640000xi32, #tpu.memory_space<hbm>> -> memref<2000xi32, #tpu.memory_space<hbm>>
      tpu.enqueue_dma source(%dma_start3A_226 : memref<2000xi32, #tpu.memory_space<hbm>>) target(%arg8 : memref<2000xi32, #tpu.memory_space<vmem>>) target_semaphore(%run_scoped3A : memref<!tpu.dma_semaphore, #tpu.memory_space<semaphore_mem>>)
      %dma_wait3A = tpu.memref_slice %arg3[%add3A_182] : memref<640000xi32, #tpu.memory_space<hbm>> -> memref<2000xi32, #tpu.memory_space<hbm>>
      %dma_wait3A_227 = tpu.memref_slice %arg3[%add3A_182] : memref<640000xi32, #tpu.memory_space<hbm>> -> memref<2000xi32, #tpu.memory_space<hbm>>
      tpu.wait_dma2 semaphore(%run_scoped3A : memref<!tpu.dma_semaphore, #tpu.memory_space<semaphore_mem>>) src(%dma_wait3A_227 : memref<2000xi32, #tpu.memory_space<hbm>>) dst(%arg8 : memref<2000xi32, #tpu.memory_space<vmem>>)
      tpu.yield
    }) : () -> ()
    %parallel_loop3A = arith.constant 0 : i32
    %parallel_loop3A_183 = arith.constant 125 : i32
    %parallel_loop3A_184 = arith.constant 1 : i32
    scf.for %parallel_loop3A_226 = %parallel_loop3A to %parallel_loop3A_183 step %parallel_loop3A_184  : i32 {
      %parallel_loop3A_227 = arith.constant 16 : i32
      %parallel_loop3A_228 = arith.muli %parallel_loop3A_226, %parallel_loop3A_227 : i32
      %parallel_loop3A_229 = arith.index_cast %parallel_loop3A_228 : i32 to index
      %parallel_loop3A_230 = tpu.vector_load %arg7[%parallel_loop3A_229] {strides = array<i32>} : memref<2000xi32, #tpu.memory_space<vmem>>, vector<16xi32>,
      %parallel_loop3A_231 = arith.constant 16 : i32
      %parallel_loop3A_232 = arith.muli %parallel_loop3A_226, %parallel_loop3A_231 : i32
      %parallel_loop3A_233 = arith.index_cast %parallel_loop3A_232 : i32 to index
      %parallel_loop3A_234 = tpu.vector_load %arg8[%parallel_loop3A_233] {strides = array<i32>} : memref<2000xi32, #tpu.memory_space<vmem>>, vector<16xi32>,
      %parallel_loop3A_235 = arith.constant 8 : i32
      %parallel_loop3A_236 = vector.broadcast %parallel_loop3A_235 : i32 to vector<16xi32>
      %parallel_loop3A_237 = arith.muli %parallel_loop3A_230, %parallel_loop3A_236 : vector<16xi32>
      %parallel_loop3A_238 = arith.constant 8 : i32
      %parallel_loop3A_239 = vector.broadcast %parallel_loop3A_238 : i32 to vector<16xi32>
      %parallel_loop3A_240 = arith.muli %parallel_loop3A_234, %parallel_loop3A_239 : vector<16xi32>
      %parallel_loop3A_241 = arith.constant 16 : i32
      %parallel_loop3A_242 = arith.muli %parallel_loop3A_226, %parallel_loop3A_241 : i32
      %parallel_loop3A_243 = vector.broadcast %parallel_loop3A_242 : i32 to vector<16xi32>
      %parallel_loop3A_244 = arith.addi %parallel_loop3A_243, %iota3A : vector<16xi32>
      %parallel_loop3A_245 = arith.constant 0 : i32
      %parallel_loop3A_246 = vector.broadcast %parallel_loop3A_245 : i32 to vector<16xi32>
      %parallel_loop3A_247 = arith.addi %parallel_loop3A_237, %parallel_loop3A_246 : vector<16xi32>
      %parallel_loop3A_248 = tpu.vector_load_idx %arg6[%parallel_loop3A_247] : memref<80000xf32, #tpu.memory_space<vmem>>[vector<16xi32>], vector<16xf32>,
      %parallel_loop3A_249 = arith.constant 0 : i32
      %parallel_loop3A_250 = vector.broadcast %parallel_loop3A_249 : i32 to vector<16xi32>
      %parallel_loop3A_251 = arith.addi %parallel_loop3A_240, %parallel_loop3A_250 : vector<16xi32>
      %parallel_loop3A_252 = tpu.vector_load_idx %arg6[%parallel_loop3A_251] : memref<80000xf32, #tpu.memory_space<vmem>>[vector<16xi32>], vector<16xf32>,
      %parallel_loop3A_253 = arith.mulf %parallel_loop3A_248, %gather3A : vector<16xf32>
      %parallel_loop3A_254 = arith.mulf %parallel_loop3A_252, %gather3A_116 : vector<16xf32>
      %parallel_loop3A_255 = arith.addf %parallel_loop3A_253, %parallel_loop3A_254 : vector<16xf32>
      %parallel_loop3A_256 = arith.constant 2.000000e-01 : f32
      %parallel_loop3A_257 = vector.broadcast %parallel_loop3A_256 : f32 to vector<16xf32>
      %parallel_loop3A_258 = arith.mulf %parallel_loop3A_257, %parallel_loop3A_255 : vector<16xf32>
      %parallel_loop3A_259 = arith.maximumf %parallel_loop3A_255, %parallel_loop3A_258 : vector<16xf32>
      %parallel_loop3A_260 = arith.subf %parallel_loop3A_259, %gather3A_148 : vector<16xf32>
      %parallel_loop3A_261 = math.exp %parallel_loop3A_260 : vector<16xf32>
      tpu.vector_store_idx %arg9[%parallel_loop3A_244, %add3A_15], %parallel_loop3A_261 : memref<2000x16xf32, #tpu.memory_space<vmem>>[vector<16xi32>, vector<16xi32>], vector<16xf32>,
      %parallel_loop3A_262 = arith.mulf %parallel_loop3A_261, %parallel_loop3A_248 : vector<16xf32>
      tpu.vector_store_idx %arg9[%parallel_loop3A_244, %add3A_63], %parallel_loop3A_262 : memref<2000x16xf32, #tpu.memory_space<vmem>>[vector<16xi32>, vector<16xi32>], vector<16xf32>,
      %parallel_loop3A_263 = arith.constant 1 : i32
      %parallel_loop3A_264 = vector.broadcast %parallel_loop3A_263 : i32 to vector<16xi32>
      %parallel_loop3A_265 = arith.addi %parallel_loop3A_237, %parallel_loop3A_264 : vector<16xi32>
      %parallel_loop3A_266 = tpu.vector_load_idx %arg6[%parallel_loop3A_265] : memref<80000xf32, #tpu.memory_space<vmem>>[vector<16xi32>], vector<16xf32>,
      %parallel_loop3A_267 = arith.constant 1 : i32
      %parallel_loop3A_268 = vector.broadcast %parallel_loop3A_267 : i32 to vector<16xi32>
      %parallel_loop3A_269 = arith.addi %parallel_loop3A_240, %parallel_loop3A_268 : vector<16xi32>
      %parallel_loop3A_270 = tpu.vector_load_idx %arg6[%parallel_loop3A_269] : memref<80000xf32, #tpu.memory_space<vmem>>[vector<16xi32>], vector<16xf32>,
      %parallel_loop3A_271 = arith.mulf %parallel_loop3A_266, %gather3A_106 : vector<16xf32>
      %parallel_loop3A_272 = arith.mulf %parallel_loop3A_270, %gather3A_120 : vector<16xf32>
      %parallel_loop3A_273 = arith.addf %parallel_loop3A_271, %parallel_loop3A_272 : vector<16xf32>
      %parallel_loop3A_274 = arith.constant 2.000000e-01 : f32
      %parallel_loop3A_275 = vector.broadcast %parallel_loop3A_274 : f32 to vector<16xf32>
      %parallel_loop3A_276 = arith.mulf %parallel_loop3A_275, %parallel_loop3A_273 : vector<16xf32>
      %parallel_loop3A_277 = arith.maximumf %parallel_loop3A_273, %parallel_loop3A_276 : vector<16xf32>
      %parallel_loop3A_278 = arith.subf %parallel_loop3A_277, %gather3A_152 : vector<16xf32>
      %parallel_loop3A_279 = math.exp %parallel_loop3A_278 : vector<16xf32>
      tpu.vector_store_idx %arg9[%parallel_loop3A_244, %add3A_21], %parallel_loop3A_279 : memref<2000x16xf32, #tpu.memory_space<vmem>>[vector<16xi32>, vector<16xi32>], vector<16xf32>,
      %parallel_loop3A_280 = arith.mulf %parallel_loop3A_279, %parallel_loop3A_266 : vector<16xf32>
      tpu.vector_store_idx %arg9[%parallel_loop3A_244, %add3A_69], %parallel_loop3A_280 : memref<2000x16xf32, #tpu.memory_space<vmem>>[vector<16xi32>, vector<16xi32>], vector<16xf32>,
      %parallel_loop3A_281 = arith.constant 2 : i32
      %parallel_loop3A_282 = vector.broadcast %parallel_loop3A_281 : i32 to vector<16xi32>
      %parallel_loop3A_283 = arith.addi %parallel_loop3A_237, %parallel_loop3A_282 : vector<16xi32>
      %parallel_loop3A_284 = tpu.vector_load_idx %arg6[%parallel_loop3A_283] : memref<80000xf32, #tpu.memory_space<vmem>>[vector<16xi32>], vector<16xf32>,
      %parallel_loop3A_285 = arith.constant 2 : i32
      %parallel_loop3A_286 = vector.broadcast %parallel_loop3A_285 : i32 to vector<16xi32>
      %parallel_loop3A_287 = arith.addi %parallel_loop3A_240, %parallel_loop3A_286 : vector<16xi32>
      %parallel_loop3A_288 = tpu.vector_load_idx %arg6[%parallel_loop3A_287] : memref<80000xf32, #tpu.memory_space<vmem>>[vector<16xi32>], vector<16xf32>,
      %parallel_loop3A_289 = arith.mulf %parallel_loop3A_284, %gather3A_107 : vector<16xf32>
      %parallel_loop3A_290 = arith.mulf %parallel_loop3A_288, %gather3A_124 : vector<16xf32>
      %parallel_loop3A_291 = arith.addf %parallel_loop3A_289, %parallel_loop3A_290 : vector<16xf32>
      %parallel_loop3A_292 = arith.constant 2.000000e-01 : f32
      %parallel_loop3A_293 = vector.broadcast %parallel_loop3A_292 : f32 to vector<16xf32>
      %parallel_loop3A_294 = arith.mulf %parallel_loop3A_293, %parallel_loop3A_291 : vector<16xf32>
      %parallel_loop3A_295 = arith.maximumf %parallel_loop3A_291, %parallel_loop3A_294 : vector<16xf32>
      %parallel_loop3A_296 = arith.subf %parallel_loop3A_295, %gather3A_156 : vector<16xf32>
      %parallel_loop3A_297 = math.exp %parallel_loop3A_296 : vector<16xf32>
      tpu.vector_store_idx %arg9[%parallel_loop3A_244, %add3A_27], %parallel_loop3A_297 : memref<2000x16xf32, #tpu.memory_space<vmem>>[vector<16xi32>, vector<16xi32>], vector<16xf32>,
      %parallel_loop3A_298 = arith.mulf %parallel_loop3A_297, %parallel_loop3A_284 : vector<16xf32>
      tpu.vector_store_idx %arg9[%parallel_loop3A_244, %add3A_75], %parallel_loop3A_298 : memref<2000x16xf32, #tpu.memory_space<vmem>>[vector<16xi32>, vector<16xi32>], vector<16xf32>,
      %parallel_loop3A_299 = arith.constant 3 : i32
      %parallel_loop3A_300 = vector.broadcast %parallel_loop3A_299 : i32 to vector<16xi32>
      %parallel_loop3A_301 = arith.addi %parallel_loop3A_237, %parallel_loop3A_300 : vector<16xi32>
      %parallel_loop3A_302 = tpu.vector_load_idx %arg6[%parallel_loop3A_301] : memref<80000xf32, #tpu.memory_space<vmem>>[vector<16xi32>], vector<16xf32>,
      %parallel_loop3A_303 = arith.constant 3 : i32
      %parallel_loop3A_304 = vector.broadcast %parallel_loop3A_303 : i32 to vector<16xi32>
      %parallel_loop3A_305 = arith.addi %parallel_loop3A_240, %parallel_loop3A_304 : vector<16xi32>
      %parallel_loop3A_306 = tpu.vector_load_idx %arg6[%parallel_loop3A_305] : memref<80000xf32, #tpu.memory_space<vmem>>[vector<16xi32>], vector<16xf32>,
      %parallel_loop3A_307 = arith.mulf %parallel_loop3A_302, %gather3A_108 : vector<16xf32>
      %parallel_loop3A_308 = arith.mulf %parallel_loop3A_306, %gather3A_128 : vector<16xf32>
      %parallel_loop3A_309 = arith.addf %parallel_loop3A_307, %parallel_loop3A_308 : vector<16xf32>
      %parallel_loop3A_310 = arith.constant 2.000000e-01 : f32
      %parallel_loop3A_311 = vector.broadcast %parallel_loop3A_310 : f32 to vector<16xf32>
      %parallel_loop3A_312 = arith.mulf %parallel_loop3A_311, %parallel_loop3A_309 : vector<16xf32>
      %parallel_loop3A_313 = arith.maximumf %parallel_loop3A_309, %parallel_loop3A_312 : vector<16xf32>
      %parallel_loop3A_314 = arith.subf %parallel_loop3A_313, %gather3A_160 : vector<16xf32>
      %parallel_loop3A_315 = math.exp %parallel_loop3A_314 : vector<16xf32>
      tpu.vector_store_idx %arg9[%parallel_loop3A_244, %add3A_33], %parallel_loop3A_315 : memref<2000x16xf32, #tpu.memory_space<vmem>>[vector<16xi32>, vector<16xi32>], vector<16xf32>,
      %parallel_loop3A_316 = arith.mulf %parallel_loop3A_315, %parallel_loop3A_302 : vector<16xf32>
      tpu.vector_store_idx %arg9[%parallel_loop3A_244, %add3A_81], %parallel_loop3A_316 : memref<2000x16xf32, #tpu.memory_space<vmem>>[vector<16xi32>, vector<16xi32>], vector<16xf32>,
      %parallel_loop3A_317 = arith.constant 4 : i32
      %parallel_loop3A_318 = vector.broadcast %parallel_loop3A_317 : i32 to vector<16xi32>
      %parallel_loop3A_319 = arith.addi %parallel_loop3A_237, %parallel_loop3A_318 : vector<16xi32>
      %parallel_loop3A_320 = tpu.vector_load_idx %arg6[%parallel_loop3A_319] : memref<80000xf32, #tpu.memory_space<vmem>>[vector<16xi32>], vector<16xf32>,
      %parallel_loop3A_321 = arith.constant 4 : i32
      %parallel_loop3A_322 = vector.broadcast %parallel_loop3A_321 : i32 to vector<16xi32>
      %parallel_loop3A_323 = arith.addi %parallel_loop3A_240, %parallel_loop3A_322 : vector<16xi32>
      %parallel_loop3A_324 = tpu.vector_load_idx %arg6[%parallel_loop3A_323] : memref<80000xf32, #tpu.memory_space<vmem>>[vector<16xi32>], vector<16xf32>,
      %parallel_loop3A_325 = arith.mulf %parallel_loop3A_320, %gather3A_109 : vector<16xf32>
      %parallel_loop3A_326 = arith.mulf %parallel_loop3A_324, %gather3A_132 : vector<16xf32>
      %parallel_loop3A_327 = arith.addf %parallel_loop3A_325, %parallel_loop3A_326 : vector<16xf32>
      %parallel_loop3A_328 = arith.constant 2.000000e-01 : f32
      %parallel_loop3A_329 = vector.broadcast %parallel_loop3A_328 : f32 to vector<16xf32>
      %parallel_loop3A_330 = arith.mulf %parallel_loop3A_329, %parallel_loop3A_327 : vector<16xf32>
      %parallel_loop3A_331 = arith.maximumf %parallel_loop3A_327, %parallel_loop3A_330 : vector<16xf32>
      %parallel_loop3A_332 = arith.subf %parallel_loop3A_331, %gather3A_164 : vector<16xf32>
      %parallel_loop3A_333 = math.exp %parallel_loop3A_332 : vector<16xf32>
      tpu.vector_store_idx %arg9[%parallel_loop3A_244, %add3A_39], %parallel_loop3A_333 : memref<2000x16xf32, #tpu.memory_space<vmem>>[vector<16xi32>, vector<16xi32>], vector<16xf32>,
      %parallel_loop3A_334 = arith.mulf %parallel_loop3A_333, %parallel_loop3A_320 : vector<16xf32>
      tpu.vector_store_idx %arg9[%parallel_loop3A_244, %add3A_87], %parallel_loop3A_334 : memref<2000x16xf32, #tpu.memory_space<vmem>>[vector<16xi32>, vector<16xi32>], vector<16xf32>,
      %parallel_loop3A_335 = arith.constant 5 : i32
      %parallel_loop3A_336 = vector.broadcast %parallel_loop3A_335 : i32 to vector<16xi32>
      %parallel_loop3A_337 = arith.addi %parallel_loop3A_237, %parallel_loop3A_336 : vector<16xi32>
      %parallel_loop3A_338 = tpu.vector_load_idx %arg6[%parallel_loop3A_337] : memref<80000xf32, #tpu.memory_space<vmem>>[vector<16xi32>], vector<16xf32>,
      %parallel_loop3A_339 = arith.constant 5 : i32
      %parallel_loop3A_340 = vector.broadcast %parallel_loop3A_339 : i32 to vector<16xi32>
      %parallel_loop3A_341 = arith.addi %parallel_loop3A_240, %parallel_loop3A_340 : vector<16xi32>
      %parallel_loop3A_342 = tpu.vector_load_idx %arg6[%parallel_loop3A_341] : memref<80000xf32, #tpu.memory_space<vmem>>[vector<16xi32>], vector<16xf32>,
      %parallel_loop3A_343 = arith.mulf %parallel_loop3A_338, %gather3A_110 : vector<16xf32>
      %parallel_loop3A_344 = arith.mulf %parallel_loop3A_342, %gather3A_136 : vector<16xf32>
      %parallel_loop3A_345 = arith.addf %parallel_loop3A_343, %parallel_loop3A_344 : vector<16xf32>
      %parallel_loop3A_346 = arith.constant 2.000000e-01 : f32
      %parallel_loop3A_347 = vector.broadcast %parallel_loop3A_346 : f32 to vector<16xf32>
      %parallel_loop3A_348 = arith.mulf %parallel_loop3A_347, %parallel_loop3A_345 : vector<16xf32>
      %parallel_loop3A_349 = arith.maximumf %parallel_loop3A_345, %parallel_loop3A_348 : vector<16xf32>
      %parallel_loop3A_350 = arith.subf %parallel_loop3A_349, %gather3A_168 : vector<16xf32>
      %parallel_loop3A_351 = math.exp %parallel_loop3A_350 : vector<16xf32>
      tpu.vector_store_idx %arg9[%parallel_loop3A_244, %add3A_45], %parallel_loop3A_351 : memref<2000x16xf32, #tpu.memory_space<vmem>>[vector<16xi32>, vector<16xi32>], vector<16xf32>,
      %parallel_loop3A_352 = arith.mulf %parallel_loop3A_351, %parallel_loop3A_338 : vector<16xf32>
      tpu.vector_store_idx %arg9[%parallel_loop3A_244, %add3A_93], %parallel_loop3A_352 : memref<2000x16xf32, #tpu.memory_space<vmem>>[vector<16xi32>, vector<16xi32>], vector<16xf32>,
      %parallel_loop3A_353 = arith.constant 6 : i32
      %parallel_loop3A_354 = vector.broadcast %parallel_loop3A_353 : i32 to vector<16xi32>
      %parallel_loop3A_355 = arith.addi %parallel_loop3A_237, %parallel_loop3A_354 : vector<16xi32>
      %parallel_loop3A_356 = tpu.vector_load_idx %arg6[%parallel_loop3A_355] : memref<80000xf32, #tpu.memory_space<vmem>>[vector<16xi32>], vector<16xf32>,
      %parallel_loop3A_357 = arith.constant 6 : i32
      %parallel_loop3A_358 = vector.broadcast %parallel_loop3A_357 : i32 to vector<16xi32>
      %parallel_loop3A_359 = arith.addi %parallel_loop3A_240, %parallel_loop3A_358 : vector<16xi32>
      %parallel_loop3A_360 = tpu.vector_load_idx %arg6[%parallel_loop3A_359] : memref<80000xf32, #tpu.memory_space<vmem>>[vector<16xi32>], vector<16xf32>,
      %parallel_loop3A_361 = arith.mulf %parallel_loop3A_356, %gather3A_111 : vector<16xf32>
      %parallel_loop3A_362 = arith.mulf %parallel_loop3A_360, %gather3A_140 : vector<16xf32>
      %parallel_loop3A_363 = arith.addf %parallel_loop3A_361, %parallel_loop3A_362 : vector<16xf32>
      %parallel_loop3A_364 = arith.constant 2.000000e-01 : f32
      %parallel_loop3A_365 = vector.broadcast %parallel_loop3A_364 : f32 to vector<16xf32>
      %parallel_loop3A_366 = arith.mulf %parallel_loop3A_365, %parallel_loop3A_363 : vector<16xf32>
      %parallel_loop3A_367 = arith.maximumf %parallel_loop3A_363, %parallel_loop3A_366 : vector<16xf32>
      %parallel_loop3A_368 = arith.subf %parallel_loop3A_367, %gather3A_172 : vector<16xf32>
      %parallel_loop3A_369 = math.exp %parallel_loop3A_368 : vector<16xf32>
      tpu.vector_store_idx %arg9[%parallel_loop3A_244, %add3A_51], %parallel_loop3A_369 : memref<2000x16xf32, #tpu.memory_space<vmem>>[vector<16xi32>, vector<16xi32>], vector<16xf32>,
      %parallel_loop3A_370 = arith.mulf %parallel_loop3A_369, %parallel_loop3A_356 : vector<16xf32>
      tpu.vector_store_idx %arg9[%parallel_loop3A_244, %add3A_99], %parallel_loop3A_370 : memref<2000x16xf32, #tpu.memory_space<vmem>>[vector<16xi32>, vector<16xi32>], vector<16xf32>,
      %parallel_loop3A_371 = arith.constant 7 : i32
      %parallel_loop3A_372 = vector.broadcast %parallel_loop3A_371 : i32 to vector<16xi32>
      %parallel_loop3A_373 = arith.addi %parallel_loop3A_237, %parallel_loop3A_372 : vector<16xi32>
      %parallel_loop3A_374 = tpu.vector_load_idx %arg6[%parallel_loop3A_373] : memref<80000xf32, #tpu.memory_space<vmem>>[vector<16xi32>], vector<16xf32>,
      %parallel_loop3A_375 = arith.constant 7 : i32
      %parallel_loop3A_376 = vector.broadcast %parallel_loop3A_375 : i32 to vector<16xi32>
      %parallel_loop3A_377 = arith.addi %parallel_loop3A_240, %parallel_loop3A_376 : vector<16xi32>
      %parallel_loop3A_378 = tpu.vector_load_idx %arg6[%parallel_loop3A_377] : memref<80000xf32, #tpu.memory_space<vmem>>[vector<16xi32>], vector<16xf32>,
      %parallel_loop3A_379 = arith.mulf %parallel_loop3A_374, %gather3A_112 : vector<16xf32>
      %parallel_loop3A_380 = arith.mulf %parallel_loop3A_378, %gather3A_144 : vector<16xf32>
      %parallel_loop3A_381 = arith.addf %parallel_loop3A_379, %parallel_loop3A_380 : vector<16xf32>
      %parallel_loop3A_382 = arith.constant 2.000000e-01 : f32
      %parallel_loop3A_383 = vector.broadcast %parallel_loop3A_382 : f32 to vector<16xf32>
      %parallel_loop3A_384 = arith.mulf %parallel_loop3A_383, %parallel_loop3A_381 : vector<16xf32>
      %parallel_loop3A_385 = arith.maximumf %parallel_loop3A_381, %parallel_loop3A_384 : vector<16xf32>
      %parallel_loop3A_386 = arith.subf %parallel_loop3A_385, %gather3A_176 : vector<16xf32>
      %parallel_loop3A_387 = math.exp %parallel_loop3A_386 : vector<16xf32>
      tpu.vector_store_idx %arg9[%parallel_loop3A_244, %add3A_57], %parallel_loop3A_387 : memref<2000x16xf32, #tpu.memory_space<vmem>>[vector<16xi32>, vector<16xi32>], vector<16xf32>,
      %parallel_loop3A_388 = arith.mulf %parallel_loop3A_387, %parallel_loop3A_374 : vector<16xf32>
      tpu.vector_store_idx %arg9[%parallel_loop3A_244, %add3A_105], %parallel_loop3A_388 : memref<2000x16xf32, #tpu.memory_space<vmem>>[vector<16xi32>, vector<16xi32>], vector<16xf32>,
    } {sc.loop_unroll_factor = 1 : i64, sc.parallel_access}
    "tpu.region"() ({
      %run_scoped3A = tpu.sem_alloc : memref<!tpu.dma_semaphore, #tpu.memory_space<semaphore_mem>>
      %dma_start3A = arith.constant 0 : i32
      %dma_start3A_226 = arith.constant 0 : i32
      %dma_start3A_227 = tpu.memref_slice %arg11[%dma_start3A, %dma_start3A_226] : memref<10240x16xf32, #tpu.memory_space<vmem_shared>> -> memref<10240x16xf32, #tpu.memory_space<vmem_shared>>
      tpu.enqueue_indirect_dma source(%arg9 : memref<2000x16xf32, #tpu.memory_space<vmem>>) target(%dma_start3A_227 : memref<10240x16xf32, #tpu.memory_space<vmem_shared>>) offsets(%arg8 : memref<2000xi32, #tpu.memory_space<vmem>>) semaphore(%run_scoped3A : memref<!tpu.dma_semaphore, #tpu.memory_space<semaphore_mem>>) {add = true}
      %dma_wait3A = arith.constant 0 : i32
      %dma_wait3A_228 = arith.constant 0 : i32
      %dma_wait3A_229 = tpu.memref_slice %arg11[%dma_wait3A, %dma_wait3A_228] : memref<10240x16xf32, #tpu.memory_space<vmem_shared>> -> memref<10240x16xf32, #tpu.memory_space<vmem_shared>>
      tpu.wait_indirect_dma semaphore(%run_scoped3A : memref<!tpu.dma_semaphore, #tpu.memory_space<semaphore_mem>>) src(%arg9 : memref<2000x16xf32, #tpu.memory_space<vmem>>) dst(%dma_wait3A_229 : memref<10240x16xf32, #tpu.memory_space<vmem_shared>>)
      tpu.yield
    }) : () -> ()
    %mul3A_185 = arith.constant 10000 : i32
    %mul3A_186 = arith.muli %add3A, %mul3A_185 : i32
    %add3A_187 = arith.constant 2000 : i32
    %add3A_188 = arith.addi %mul3A_186, %add3A_187 : i32
    "tpu.region"() ({
      %run_scoped3A = tpu.sem_alloc : memref<!tpu.dma_semaphore, #tpu.memory_space<semaphore_mem>>
      %dma_start3A = tpu.memref_slice %arg3[%add3A_188] : memref<640000xi32, #tpu.memory_space<hbm>> -> memref<2000xi32, #tpu.memory_space<hbm>>
      %dma_start3A_226 = tpu.memref_slice %arg3[%add3A_188] : memref<640000xi32, #tpu.memory_space<hbm>> -> memref<2000xi32, #tpu.memory_space<hbm>>
      tpu.enqueue_dma source(%dma_start3A_226 : memref<2000xi32, #tpu.memory_space<hbm>>) target(%arg7 : memref<2000xi32, #tpu.memory_space<vmem>>) target_semaphore(%run_scoped3A : memref<!tpu.dma_semaphore, #tpu.memory_space<semaphore_mem>>)
      %dma_wait3A = tpu.memref_slice %arg3[%add3A_188] : memref<640000xi32, #tpu.memory_space<hbm>> -> memref<2000xi32, #tpu.memory_space<hbm>>
      %dma_wait3A_227 = tpu.memref_slice %arg3[%add3A_188] : memref<640000xi32, #tpu.memory_space<hbm>> -> memref<2000xi32, #tpu.memory_space<hbm>>
      tpu.wait_dma2 semaphore(%run_scoped3A : memref<!tpu.dma_semaphore, #tpu.memory_space<semaphore_mem>>) src(%dma_wait3A_227 : memref<2000xi32, #tpu.memory_space<hbm>>) dst(%arg7 : memref<2000xi32, #tpu.memory_space<vmem>>)
      tpu.yield
    }) : () -> ()
    %add3A_189 = arith.constant 320000 : i32
    %add3A_190 = arith.addi %add3A_189, %add3A_188 : i32
    "tpu.region"() ({
      %run_scoped3A = tpu.sem_alloc : memref<!tpu.dma_semaphore, #tpu.memory_space<semaphore_mem>>
      %dma_start3A = tpu.memref_slice %arg3[%add3A_190] : memref<640000xi32, #tpu.memory_space<hbm>> -> memref<2000xi32, #tpu.memory_space<hbm>>
      %dma_start3A_226 = tpu.memref_slice %arg3[%add3A_190] : memref<640000xi32, #tpu.memory_space<hbm>> -> memref<2000xi32, #tpu.memory_space<hbm>>
      tpu.enqueue_dma source(%dma_start3A_226 : memref<2000xi32, #tpu.memory_space<hbm>>) target(%arg8 : memref<2000xi32, #tpu.memory_space<vmem>>) target_semaphore(%run_scoped3A : memref<!tpu.dma_semaphore, #tpu.memory_space<semaphore_mem>>)
      %dma_wait3A = tpu.memref_slice %arg3[%add3A_190] : memref<640000xi32, #tpu.memory_space<hbm>> -> memref<2000xi32, #tpu.memory_space<hbm>>
      %dma_wait3A_227 = tpu.memref_slice %arg3[%add3A_190] : memref<640000xi32, #tpu.memory_space<hbm>> -> memref<2000xi32, #tpu.memory_space<hbm>>
      tpu.wait_dma2 semaphore(%run_scoped3A : memref<!tpu.dma_semaphore, #tpu.memory_space<semaphore_mem>>) src(%dma_wait3A_227 : memref<2000xi32, #tpu.memory_space<hbm>>) dst(%arg8 : memref<2000xi32, #tpu.memory_space<vmem>>)
      tpu.yield
    }) : () -> ()
    %parallel_loop3A_191 = arith.constant 0 : i32
    %parallel_loop3A_192 = arith.constant 125 : i32
    %parallel_loop3A_193 = arith.constant 1 : i32
    scf.for %parallel_loop3A_226 = %parallel_loop3A_191 to %parallel_loop3A_192 step %parallel_loop3A_193  : i32 {
      %parallel_loop3A_227 = arith.constant 16 : i32
      %parallel_loop3A_228 = arith.muli %parallel_loop3A_226, %parallel_loop3A_227 : i32
      %parallel_loop3A_229 = arith.index_cast %parallel_loop3A_228 : i32 to index
      %parallel_loop3A_230 = tpu.vector_load %arg7[%parallel_loop3A_229] {strides = array<i32>} : memref<2000xi32, #tpu.memory_space<vmem>>, vector<16xi32>,
      %parallel_loop3A_231 = arith.constant 16 : i32
      %parallel_loop3A_232 = arith.muli %parallel_loop3A_226, %parallel_loop3A_231 : i32
      %parallel_loop3A_233 = arith.index_cast %parallel_loop3A_232 : i32 to index
      %parallel_loop3A_234 = tpu.vector_load %arg8[%parallel_loop3A_233] {strides = array<i32>} : memref<2000xi32, #tpu.memory_space<vmem>>, vector<16xi32>,
      %parallel_loop3A_235 = arith.constant 8 : i32
      %parallel_loop3A_236 = vector.broadcast %parallel_loop3A_235 : i32 to vector<16xi32>
      %parallel_loop3A_237 = arith.muli %parallel_loop3A_230, %parallel_loop3A_236 : vector<16xi32>
      %parallel_loop3A_238 = arith.constant 8 : i32
      %parallel_loop3A_239 = vector.broadcast %parallel_loop3A_238 : i32 to vector<16xi32>
      %parallel_loop3A_240 = arith.muli %parallel_loop3A_234, %parallel_loop3A_239 : vector<16xi32>
      %parallel_loop3A_241 = arith.constant 16 : i32
      %parallel_loop3A_242 = arith.muli %parallel_loop3A_226, %parallel_loop3A_241 : i32
      %parallel_loop3A_243 = vector.broadcast %parallel_loop3A_242 : i32 to vector<16xi32>
      %parallel_loop3A_244 = arith.addi %parallel_loop3A_243, %iota3A : vector<16xi32>
      %parallel_loop3A_245 = arith.constant 0 : i32
      %parallel_loop3A_246 = vector.broadcast %parallel_loop3A_245 : i32 to vector<16xi32>
      %parallel_loop3A_247 = arith.addi %parallel_loop3A_237, %parallel_loop3A_246 : vector<16xi32>
      %parallel_loop3A_248 = tpu.vector_load_idx %arg6[%parallel_loop3A_247] : memref<80000xf32, #tpu.memory_space<vmem>>[vector<16xi32>], vector<16xf32>,
      %parallel_loop3A_249 = arith.constant 0 : i32
      %parallel_loop3A_250 = vector.broadcast %parallel_loop3A_249 : i32 to vector<16xi32>
      %parallel_loop3A_251 = arith.addi %parallel_loop3A_240, %parallel_loop3A_250 : vector<16xi32>
      %parallel_loop3A_252 = tpu.vector_load_idx %arg6[%parallel_loop3A_251] : memref<80000xf32, #tpu.memory_space<vmem>>[vector<16xi32>], vector<16xf32>,
      %parallel_loop3A_253 = arith.mulf %parallel_loop3A_248, %gather3A : vector<16xf32>
      %parallel_loop3A_254 = arith.mulf %parallel_loop3A_252, %gather3A_116 : vector<16xf32>
      %parallel_loop3A_255 = arith.addf %parallel_loop3A_253, %parallel_loop3A_254 : vector<16xf32>
      %parallel_loop3A_256 = arith.constant 2.000000e-01 : f32
      %parallel_loop3A_257 = vector.broadcast %parallel_loop3A_256 : f32 to vector<16xf32>
      %parallel_loop3A_258 = arith.mulf %parallel_loop3A_257, %parallel_loop3A_255 : vector<16xf32>
      %parallel_loop3A_259 = arith.maximumf %parallel_loop3A_255, %parallel_loop3A_258 : vector<16xf32>
      %parallel_loop3A_260 = arith.subf %parallel_loop3A_259, %gather3A_148 : vector<16xf32>
      %parallel_loop3A_261 = math.exp %parallel_loop3A_260 : vector<16xf32>
      tpu.vector_store_idx %arg9[%parallel_loop3A_244, %add3A_15], %parallel_loop3A_261 : memref<2000x16xf32, #tpu.memory_space<vmem>>[vector<16xi32>, vector<16xi32>], vector<16xf32>,
      %parallel_loop3A_262 = arith.mulf %parallel_loop3A_261, %parallel_loop3A_248 : vector<16xf32>
      tpu.vector_store_idx %arg9[%parallel_loop3A_244, %add3A_63], %parallel_loop3A_262 : memref<2000x16xf32, #tpu.memory_space<vmem>>[vector<16xi32>, vector<16xi32>], vector<16xf32>,
      %parallel_loop3A_263 = arith.constant 1 : i32
      %parallel_loop3A_264 = vector.broadcast %parallel_loop3A_263 : i32 to vector<16xi32>
      %parallel_loop3A_265 = arith.addi %parallel_loop3A_237, %parallel_loop3A_264 : vector<16xi32>
      %parallel_loop3A_266 = tpu.vector_load_idx %arg6[%parallel_loop3A_265] : memref<80000xf32, #tpu.memory_space<vmem>>[vector<16xi32>], vector<16xf32>,
      %parallel_loop3A_267 = arith.constant 1 : i32
      %parallel_loop3A_268 = vector.broadcast %parallel_loop3A_267 : i32 to vector<16xi32>
      %parallel_loop3A_269 = arith.addi %parallel_loop3A_240, %parallel_loop3A_268 : vector<16xi32>
      %parallel_loop3A_270 = tpu.vector_load_idx %arg6[%parallel_loop3A_269] : memref<80000xf32, #tpu.memory_space<vmem>>[vector<16xi32>], vector<16xf32>,
      %parallel_loop3A_271 = arith.mulf %parallel_loop3A_266, %gather3A_106 : vector<16xf32>
      %parallel_loop3A_272 = arith.mulf %parallel_loop3A_270, %gather3A_120 : vector<16xf32>
      %parallel_loop3A_273 = arith.addf %parallel_loop3A_271, %parallel_loop3A_272 : vector<16xf32>
      %parallel_loop3A_274 = arith.constant 2.000000e-01 : f32
      %parallel_loop3A_275 = vector.broadcast %parallel_loop3A_274 : f32 to vector<16xf32>
      %parallel_loop3A_276 = arith.mulf %parallel_loop3A_275, %parallel_loop3A_273 : vector<16xf32>
      %parallel_loop3A_277 = arith.maximumf %parallel_loop3A_273, %parallel_loop3A_276 : vector<16xf32>
      %parallel_loop3A_278 = arith.subf %parallel_loop3A_277, %gather3A_152 : vector<16xf32>
      %parallel_loop3A_279 = math.exp %parallel_loop3A_278 : vector<16xf32>
      tpu.vector_store_idx %arg9[%parallel_loop3A_244, %add3A_21], %parallel_loop3A_279 : memref<2000x16xf32, #tpu.memory_space<vmem>>[vector<16xi32>, vector<16xi32>], vector<16xf32>,
      %parallel_loop3A_280 = arith.mulf %parallel_loop3A_279, %parallel_loop3A_266 : vector<16xf32>
      tpu.vector_store_idx %arg9[%parallel_loop3A_244, %add3A_69], %parallel_loop3A_280 : memref<2000x16xf32, #tpu.memory_space<vmem>>[vector<16xi32>, vector<16xi32>], vector<16xf32>,
      %parallel_loop3A_281 = arith.constant 2 : i32
      %parallel_loop3A_282 = vector.broadcast %parallel_loop3A_281 : i32 to vector<16xi32>
      %parallel_loop3A_283 = arith.addi %parallel_loop3A_237, %parallel_loop3A_282 : vector<16xi32>
      %parallel_loop3A_284 = tpu.vector_load_idx %arg6[%parallel_loop3A_283] : memref<80000xf32, #tpu.memory_space<vmem>>[vector<16xi32>], vector<16xf32>,
      %parallel_loop3A_285 = arith.constant 2 : i32
      %parallel_loop3A_286 = vector.broadcast %parallel_loop3A_285 : i32 to vector<16xi32>
      %parallel_loop3A_287 = arith.addi %parallel_loop3A_240, %parallel_loop3A_286 : vector<16xi32>
      %parallel_loop3A_288 = tpu.vector_load_idx %arg6[%parallel_loop3A_287] : memref<80000xf32, #tpu.memory_space<vmem>>[vector<16xi32>], vector<16xf32>,
      %parallel_loop3A_289 = arith.mulf %parallel_loop3A_284, %gather3A_107 : vector<16xf32>
      %parallel_loop3A_290 = arith.mulf %parallel_loop3A_288, %gather3A_124 : vector<16xf32>
      %parallel_loop3A_291 = arith.addf %parallel_loop3A_289, %parallel_loop3A_290 : vector<16xf32>
      %parallel_loop3A_292 = arith.constant 2.000000e-01 : f32
      %parallel_loop3A_293 = vector.broadcast %parallel_loop3A_292 : f32 to vector<16xf32>
      %parallel_loop3A_294 = arith.mulf %parallel_loop3A_293, %parallel_loop3A_291 : vector<16xf32>
      %parallel_loop3A_295 = arith.maximumf %parallel_loop3A_291, %parallel_loop3A_294 : vector<16xf32>
      %parallel_loop3A_296 = arith.subf %parallel_loop3A_295, %gather3A_156 : vector<16xf32>
      %parallel_loop3A_297 = math.exp %parallel_loop3A_296 : vector<16xf32>
      tpu.vector_store_idx %arg9[%parallel_loop3A_244, %add3A_27], %parallel_loop3A_297 : memref<2000x16xf32, #tpu.memory_space<vmem>>[vector<16xi32>, vector<16xi32>], vector<16xf32>,
      %parallel_loop3A_298 = arith.mulf %parallel_loop3A_297, %parallel_loop3A_284 : vector<16xf32>
      tpu.vector_store_idx %arg9[%parallel_loop3A_244, %add3A_75], %parallel_loop3A_298 : memref<2000x16xf32, #tpu.memory_space<vmem>>[vector<16xi32>, vector<16xi32>], vector<16xf32>,
      %parallel_loop3A_299 = arith.constant 3 : i32
      %parallel_loop3A_300 = vector.broadcast %parallel_loop3A_299 : i32 to vector<16xi32>
      %parallel_loop3A_301 = arith.addi %parallel_loop3A_237, %parallel_loop3A_300 : vector<16xi32>
      %parallel_loop3A_302 = tpu.vector_load_idx %arg6[%parallel_loop3A_301] : memref<80000xf32, #tpu.memory_space<vmem>>[vector<16xi32>], vector<16xf32>,
      %parallel_loop3A_303 = arith.constant 3 : i32
      %parallel_loop3A_304 = vector.broadcast %parallel_loop3A_303 : i32 to vector<16xi32>
      %parallel_loop3A_305 = arith.addi %parallel_loop3A_240, %parallel_loop3A_304 : vector<16xi32>
      %parallel_loop3A_306 = tpu.vector_load_idx %arg6[%parallel_loop3A_305] : memref<80000xf32, #tpu.memory_space<vmem>>[vector<16xi32>], vector<16xf32>,
      %parallel_loop3A_307 = arith.mulf %parallel_loop3A_302, %gather3A_108 : vector<16xf32>
      %parallel_loop3A_308 = arith.mulf %parallel_loop3A_306, %gather3A_128 : vector<16xf32>
      %parallel_loop3A_309 = arith.addf %parallel_loop3A_307, %parallel_loop3A_308 : vector<16xf32>
      %parallel_loop3A_310 = arith.constant 2.000000e-01 : f32
      %parallel_loop3A_311 = vector.broadcast %parallel_loop3A_310 : f32 to vector<16xf32>
      %parallel_loop3A_312 = arith.mulf %parallel_loop3A_311, %parallel_loop3A_309 : vector<16xf32>
      %parallel_loop3A_313 = arith.maximumf %parallel_loop3A_309, %parallel_loop3A_312 : vector<16xf32>
      %parallel_loop3A_314 = arith.subf %parallel_loop3A_313, %gather3A_160 : vector<16xf32>
      %parallel_loop3A_315 = math.exp %parallel_loop3A_314 : vector<16xf32>
      tpu.vector_store_idx %arg9[%parallel_loop3A_244, %add3A_33], %parallel_loop3A_315 : memref<2000x16xf32, #tpu.memory_space<vmem>>[vector<16xi32>, vector<16xi32>], vector<16xf32>,
      %parallel_loop3A_316 = arith.mulf %parallel_loop3A_315, %parallel_loop3A_302 : vector<16xf32>
      tpu.vector_store_idx %arg9[%parallel_loop3A_244, %add3A_81], %parallel_loop3A_316 : memref<2000x16xf32, #tpu.memory_space<vmem>>[vector<16xi32>, vector<16xi32>], vector<16xf32>,
      %parallel_loop3A_317 = arith.constant 4 : i32
      %parallel_loop3A_318 = vector.broadcast %parallel_loop3A_317 : i32 to vector<16xi32>
      %parallel_loop3A_319 = arith.addi %parallel_loop3A_237, %parallel_loop3A_318 : vector<16xi32>
      %parallel_loop3A_320 = tpu.vector_load_idx %arg6[%parallel_loop3A_319] : memref<80000xf32, #tpu.memory_space<vmem>>[vector<16xi32>], vector<16xf32>,
      %parallel_loop3A_321 = arith.constant 4 : i32
      %parallel_loop3A_322 = vector.broadcast %parallel_loop3A_321 : i32 to vector<16xi32>
      %parallel_loop3A_323 = arith.addi %parallel_loop3A_240, %parallel_loop3A_322 : vector<16xi32>
      %parallel_loop3A_324 = tpu.vector_load_idx %arg6[%parallel_loop3A_323] : memref<80000xf32, #tpu.memory_space<vmem>>[vector<16xi32>], vector<16xf32>,
      %parallel_loop3A_325 = arith.mulf %parallel_loop3A_320, %gather3A_109 : vector<16xf32>
      %parallel_loop3A_326 = arith.mulf %parallel_loop3A_324, %gather3A_132 : vector<16xf32>
      %parallel_loop3A_327 = arith.addf %parallel_loop3A_325, %parallel_loop3A_326 : vector<16xf32>
      %parallel_loop3A_328 = arith.constant 2.000000e-01 : f32
      %parallel_loop3A_329 = vector.broadcast %parallel_loop3A_328 : f32 to vector<16xf32>
      %parallel_loop3A_330 = arith.mulf %parallel_loop3A_329, %parallel_loop3A_327 : vector<16xf32>
      %parallel_loop3A_331 = arith.maximumf %parallel_loop3A_327, %parallel_loop3A_330 : vector<16xf32>
      %parallel_loop3A_332 = arith.subf %parallel_loop3A_331, %gather3A_164 : vector<16xf32>
      %parallel_loop3A_333 = math.exp %parallel_loop3A_332 : vector<16xf32>
      tpu.vector_store_idx %arg9[%parallel_loop3A_244, %add3A_39], %parallel_loop3A_333 : memref<2000x16xf32, #tpu.memory_space<vmem>>[vector<16xi32>, vector<16xi32>], vector<16xf32>,
      %parallel_loop3A_334 = arith.mulf %parallel_loop3A_333, %parallel_loop3A_320 : vector<16xf32>
      tpu.vector_store_idx %arg9[%parallel_loop3A_244, %add3A_87], %parallel_loop3A_334 : memref<2000x16xf32, #tpu.memory_space<vmem>>[vector<16xi32>, vector<16xi32>], vector<16xf32>,
      %parallel_loop3A_335 = arith.constant 5 : i32
      %parallel_loop3A_336 = vector.broadcast %parallel_loop3A_335 : i32 to vector<16xi32>
      %parallel_loop3A_337 = arith.addi %parallel_loop3A_237, %parallel_loop3A_336 : vector<16xi32>
      %parallel_loop3A_338 = tpu.vector_load_idx %arg6[%parallel_loop3A_337] : memref<80000xf32, #tpu.memory_space<vmem>>[vector<16xi32>], vector<16xf32>,
      %parallel_loop3A_339 = arith.constant 5 : i32
      %parallel_loop3A_340 = vector.broadcast %parallel_loop3A_339 : i32 to vector<16xi32>
      %parallel_loop3A_341 = arith.addi %parallel_loop3A_240, %parallel_loop3A_340 : vector<16xi32>
      %parallel_loop3A_342 = tpu.vector_load_idx %arg6[%parallel_loop3A_341] : memref<80000xf32, #tpu.memory_space<vmem>>[vector<16xi32>], vector<16xf32>,
      %parallel_loop3A_343 = arith.mulf %parallel_loop3A_338, %gather3A_110 : vector<16xf32>
      %parallel_loop3A_344 = arith.mulf %parallel_loop3A_342, %gather3A_136 : vector<16xf32>
      %parallel_loop3A_345 = arith.addf %parallel_loop3A_343, %parallel_loop3A_344 : vector<16xf32>
      %parallel_loop3A_346 = arith.constant 2.000000e-01 : f32
      %parallel_loop3A_347 = vector.broadcast %parallel_loop3A_346 : f32 to vector<16xf32>
      %parallel_loop3A_348 = arith.mulf %parallel_loop3A_347, %parallel_loop3A_345 : vector<16xf32>
      %parallel_loop3A_349 = arith.maximumf %parallel_loop3A_345, %parallel_loop3A_348 : vector<16xf32>
      %parallel_loop3A_350 = arith.subf %parallel_loop3A_349, %gather3A_168 : vector<16xf32>
      %parallel_loop3A_351 = math.exp %parallel_loop3A_350 : vector<16xf32>
      tpu.vector_store_idx %arg9[%parallel_loop3A_244, %add3A_45], %parallel_loop3A_351 : memref<2000x16xf32, #tpu.memory_space<vmem>>[vector<16xi32>, vector<16xi32>], vector<16xf32>,
      %parallel_loop3A_352 = arith.mulf %parallel_loop3A_351, %parallel_loop3A_338 : vector<16xf32>
      tpu.vector_store_idx %arg9[%parallel_loop3A_244, %add3A_93], %parallel_loop3A_352 : memref<2000x16xf32, #tpu.memory_space<vmem>>[vector<16xi32>, vector<16xi32>], vector<16xf32>,
      %parallel_loop3A_353 = arith.constant 6 : i32
      %parallel_loop3A_354 = vector.broadcast %parallel_loop3A_353 : i32 to vector<16xi32>
      %parallel_loop3A_355 = arith.addi %parallel_loop3A_237, %parallel_loop3A_354 : vector<16xi32>
      %parallel_loop3A_356 = tpu.vector_load_idx %arg6[%parallel_loop3A_355] : memref<80000xf32, #tpu.memory_space<vmem>>[vector<16xi32>], vector<16xf32>,
      %parallel_loop3A_357 = arith.constant 6 : i32
      %parallel_loop3A_358 = vector.broadcast %parallel_loop3A_357 : i32 to vector<16xi32>
      %parallel_loop3A_359 = arith.addi %parallel_loop3A_240, %parallel_loop3A_358 : vector<16xi32>
      %parallel_loop3A_360 = tpu.vector_load_idx %arg6[%parallel_loop3A_359] : memref<80000xf32, #tpu.memory_space<vmem>>[vector<16xi32>], vector<16xf32>,
      %parallel_loop3A_361 = arith.mulf %parallel_loop3A_356, %gather3A_111 : vector<16xf32>
      %parallel_loop3A_362 = arith.mulf %parallel_loop3A_360, %gather3A_140 : vector<16xf32>
      %parallel_loop3A_363 = arith.addf %parallel_loop3A_361, %parallel_loop3A_362 : vector<16xf32>
      %parallel_loop3A_364 = arith.constant 2.000000e-01 : f32
      %parallel_loop3A_365 = vector.broadcast %parallel_loop3A_364 : f32 to vector<16xf32>
      %parallel_loop3A_366 = arith.mulf %parallel_loop3A_365, %parallel_loop3A_363 : vector<16xf32>
      %parallel_loop3A_367 = arith.maximumf %parallel_loop3A_363, %parallel_loop3A_366 : vector<16xf32>
      %parallel_loop3A_368 = arith.subf %parallel_loop3A_367, %gather3A_172 : vector<16xf32>
      %parallel_loop3A_369 = math.exp %parallel_loop3A_368 : vector<16xf32>
      tpu.vector_store_idx %arg9[%parallel_loop3A_244, %add3A_51], %parallel_loop3A_369 : memref<2000x16xf32, #tpu.memory_space<vmem>>[vector<16xi32>, vector<16xi32>], vector<16xf32>,
      %parallel_loop3A_370 = arith.mulf %parallel_loop3A_369, %parallel_loop3A_356 : vector<16xf32>
      tpu.vector_store_idx %arg9[%parallel_loop3A_244, %add3A_99], %parallel_loop3A_370 : memref<2000x16xf32, #tpu.memory_space<vmem>>[vector<16xi32>, vector<16xi32>], vector<16xf32>,
      %parallel_loop3A_371 = arith.constant 7 : i32
      %parallel_loop3A_372 = vector.broadcast %parallel_loop3A_371 : i32 to vector<16xi32>
      %parallel_loop3A_373 = arith.addi %parallel_loop3A_237, %parallel_loop3A_372 : vector<16xi32>
      %parallel_loop3A_374 = tpu.vector_load_idx %arg6[%parallel_loop3A_373] : memref<80000xf32, #tpu.memory_space<vmem>>[vector<16xi32>], vector<16xf32>,
      %parallel_loop3A_375 = arith.constant 7 : i32
      %parallel_loop3A_376 = vector.broadcast %parallel_loop3A_375 : i32 to vector<16xi32>
      %parallel_loop3A_377 = arith.addi %parallel_loop3A_240, %parallel_loop3A_376 : vector<16xi32>
      %parallel_loop3A_378 = tpu.vector_load_idx %arg6[%parallel_loop3A_377] : memref<80000xf32, #tpu.memory_space<vmem>>[vector<16xi32>], vector<16xf32>,
      %parallel_loop3A_379 = arith.mulf %parallel_loop3A_374, %gather3A_112 : vector<16xf32>
      %parallel_loop3A_380 = arith.mulf %parallel_loop3A_378, %gather3A_144 : vector<16xf32>
      %parallel_loop3A_381 = arith.addf %parallel_loop3A_379, %parallel_loop3A_380 : vector<16xf32>
      %parallel_loop3A_382 = arith.constant 2.000000e-01 : f32
      %parallel_loop3A_383 = vector.broadcast %parallel_loop3A_382 : f32 to vector<16xf32>
      %parallel_loop3A_384 = arith.mulf %parallel_loop3A_383, %parallel_loop3A_381 : vector<16xf32>
      %parallel_loop3A_385 = arith.maximumf %parallel_loop3A_381, %parallel_loop3A_384 : vector<16xf32>
      %parallel_loop3A_386 = arith.subf %parallel_loop3A_385, %gather3A_176 : vector<16xf32>
      %parallel_loop3A_387 = math.exp %parallel_loop3A_386 : vector<16xf32>
      tpu.vector_store_idx %arg9[%parallel_loop3A_244, %add3A_57], %parallel_loop3A_387 : memref<2000x16xf32, #tpu.memory_space<vmem>>[vector<16xi32>, vector<16xi32>], vector<16xf32>,
      %parallel_loop3A_388 = arith.mulf %parallel_loop3A_387, %parallel_loop3A_374 : vector<16xf32>
      tpu.vector_store_idx %arg9[%parallel_loop3A_244, %add3A_105], %parallel_loop3A_388 : memref<2000x16xf32, #tpu.memory_space<vmem>>[vector<16xi32>, vector<16xi32>], vector<16xf32>,
    } {sc.loop_unroll_factor = 1 : i64, sc.parallel_access}
    "tpu.region"() ({
      %run_scoped3A = tpu.sem_alloc : memref<!tpu.dma_semaphore, #tpu.memory_space<semaphore_mem>>
      %dma_start3A = arith.constant 0 : i32
      %dma_start3A_226 = arith.constant 0 : i32
      %dma_start3A_227 = tpu.memref_slice %arg11[%dma_start3A, %dma_start3A_226] : memref<10240x16xf32, #tpu.memory_space<vmem_shared>> -> memref<10240x16xf32, #tpu.memory_space<vmem_shared>>
      tpu.enqueue_indirect_dma source(%arg9 : memref<2000x16xf32, #tpu.memory_space<vmem>>) target(%dma_start3A_227 : memref<10240x16xf32, #tpu.memory_space<vmem_shared>>) offsets(%arg8 : memref<2000xi32, #tpu.memory_space<vmem>>) semaphore(%run_scoped3A : memref<!tpu.dma_semaphore, #tpu.memory_space<semaphore_mem>>) {add = true}
      %dma_wait3A = arith.constant 0 : i32
      %dma_wait3A_228 = arith.constant 0 : i32
      %dma_wait3A_229 = tpu.memref_slice %arg11[%dma_wait3A, %dma_wait3A_228] : memref<10240x16xf32, #tpu.memory_space<vmem_shared>> -> memref<10240x16xf32, #tpu.memory_space<vmem_shared>>
      tpu.wait_indirect_dma semaphore(%run_scoped3A : memref<!tpu.dma_semaphore, #tpu.memory_space<semaphore_mem>>) src(%arg9 : memref<2000x16xf32, #tpu.memory_space<vmem>>) dst(%dma_wait3A_229 : memref<10240x16xf32, #tpu.memory_space<vmem_shared>>)
      tpu.yield
    }) : () -> ()
    %mul3A_194 = arith.constant 10000 : i32
    %mul3A_195 = arith.muli %add3A, %mul3A_194 : i32
    %add3A_196 = arith.constant 4000 : i32
    %add3A_197 = arith.addi %mul3A_195, %add3A_196 : i32
    "tpu.region"() ({
      %run_scoped3A = tpu.sem_alloc : memref<!tpu.dma_semaphore, #tpu.memory_space<semaphore_mem>>
      %dma_start3A = tpu.memref_slice %arg3[%add3A_197] : memref<640000xi32, #tpu.memory_space<hbm>> -> memref<2000xi32, #tpu.memory_space<hbm>>
      %dma_start3A_226 = tpu.memref_slice %arg3[%add3A_197] : memref<640000xi32, #tpu.memory_space<hbm>> -> memref<2000xi32, #tpu.memory_space<hbm>>
      tpu.enqueue_dma source(%dma_start3A_226 : memref<2000xi32, #tpu.memory_space<hbm>>) target(%arg7 : memref<2000xi32, #tpu.memory_space<vmem>>) target_semaphore(%run_scoped3A : memref<!tpu.dma_semaphore, #tpu.memory_space<semaphore_mem>>)
      %dma_wait3A = tpu.memref_slice %arg3[%add3A_197] : memref<640000xi32, #tpu.memory_space<hbm>> -> memref<2000xi32, #tpu.memory_space<hbm>>
      %dma_wait3A_227 = tpu.memref_slice %arg3[%add3A_197] : memref<640000xi32, #tpu.memory_space<hbm>> -> memref<2000xi32, #tpu.memory_space<hbm>>
      tpu.wait_dma2 semaphore(%run_scoped3A : memref<!tpu.dma_semaphore, #tpu.memory_space<semaphore_mem>>) src(%dma_wait3A_227 : memref<2000xi32, #tpu.memory_space<hbm>>) dst(%arg7 : memref<2000xi32, #tpu.memory_space<vmem>>)
      tpu.yield
    }) : () -> ()
    %add3A_198 = arith.constant 320000 : i32
    %add3A_199 = arith.addi %add3A_198, %add3A_197 : i32
    "tpu.region"() ({
      %run_scoped3A = tpu.sem_alloc : memref<!tpu.dma_semaphore, #tpu.memory_space<semaphore_mem>>
      %dma_start3A = tpu.memref_slice %arg3[%add3A_199] : memref<640000xi32, #tpu.memory_space<hbm>> -> memref<2000xi32, #tpu.memory_space<hbm>>
      %dma_start3A_226 = tpu.memref_slice %arg3[%add3A_199] : memref<640000xi32, #tpu.memory_space<hbm>> -> memref<2000xi32, #tpu.memory_space<hbm>>
      tpu.enqueue_dma source(%dma_start3A_226 : memref<2000xi32, #tpu.memory_space<hbm>>) target(%arg8 : memref<2000xi32, #tpu.memory_space<vmem>>) target_semaphore(%run_scoped3A : memref<!tpu.dma_semaphore, #tpu.memory_space<semaphore_mem>>)
      %dma_wait3A = tpu.memref_slice %arg3[%add3A_199] : memref<640000xi32, #tpu.memory_space<hbm>> -> memref<2000xi32, #tpu.memory_space<hbm>>
      %dma_wait3A_227 = tpu.memref_slice %arg3[%add3A_199] : memref<640000xi32, #tpu.memory_space<hbm>> -> memref<2000xi32, #tpu.memory_space<hbm>>
      tpu.wait_dma2 semaphore(%run_scoped3A : memref<!tpu.dma_semaphore, #tpu.memory_space<semaphore_mem>>) src(%dma_wait3A_227 : memref<2000xi32, #tpu.memory_space<hbm>>) dst(%arg8 : memref<2000xi32, #tpu.memory_space<vmem>>)
      tpu.yield
    }) : () -> ()
    %parallel_loop3A_200 = arith.constant 0 : i32
    %parallel_loop3A_201 = arith.constant 125 : i32
    %parallel_loop3A_202 = arith.constant 1 : i32
    scf.for %parallel_loop3A_226 = %parallel_loop3A_200 to %parallel_loop3A_201 step %parallel_loop3A_202  : i32 {
      %parallel_loop3A_227 = arith.constant 16 : i32
      %parallel_loop3A_228 = arith.muli %parallel_loop3A_226, %parallel_loop3A_227 : i32
      %parallel_loop3A_229 = arith.index_cast %parallel_loop3A_228 : i32 to index
      %parallel_loop3A_230 = tpu.vector_load %arg7[%parallel_loop3A_229] {strides = array<i32>} : memref<2000xi32, #tpu.memory_space<vmem>>, vector<16xi32>,
      %parallel_loop3A_231 = arith.constant 16 : i32
      %parallel_loop3A_232 = arith.muli %parallel_loop3A_226, %parallel_loop3A_231 : i32
      %parallel_loop3A_233 = arith.index_cast %parallel_loop3A_232 : i32 to index
      %parallel_loop3A_234 = tpu.vector_load %arg8[%parallel_loop3A_233] {strides = array<i32>} : memref<2000xi32, #tpu.memory_space<vmem>>, vector<16xi32>,
      %parallel_loop3A_235 = arith.constant 8 : i32
      %parallel_loop3A_236 = vector.broadcast %parallel_loop3A_235 : i32 to vector<16xi32>
      %parallel_loop3A_237 = arith.muli %parallel_loop3A_230, %parallel_loop3A_236 : vector<16xi32>
      %parallel_loop3A_238 = arith.constant 8 : i32
      %parallel_loop3A_239 = vector.broadcast %parallel_loop3A_238 : i32 to vector<16xi32>
      %parallel_loop3A_240 = arith.muli %parallel_loop3A_234, %parallel_loop3A_239 : vector<16xi32>
      %parallel_loop3A_241 = arith.constant 16 : i32
      %parallel_loop3A_242 = arith.muli %parallel_loop3A_226, %parallel_loop3A_241 : i32
      %parallel_loop3A_243 = vector.broadcast %parallel_loop3A_242 : i32 to vector<16xi32>
      %parallel_loop3A_244 = arith.addi %parallel_loop3A_243, %iota3A : vector<16xi32>
      %parallel_loop3A_245 = arith.constant 0 : i32
      %parallel_loop3A_246 = vector.broadcast %parallel_loop3A_245 : i32 to vector<16xi32>
      %parallel_loop3A_247 = arith.addi %parallel_loop3A_237, %parallel_loop3A_246 : vector<16xi32>
      %parallel_loop3A_248 = tpu.vector_load_idx %arg6[%parallel_loop3A_247] : memref<80000xf32, #tpu.memory_space<vmem>>[vector<16xi32>], vector<16xf32>,
      %parallel_loop3A_249 = arith.constant 0 : i32
      %parallel_loop3A_250 = vector.broadcast %parallel_loop3A_249 : i32 to vector<16xi32>
      %parallel_loop3A_251 = arith.addi %parallel_loop3A_240, %parallel_loop3A_250 : vector<16xi32>
      %parallel_loop3A_252 = tpu.vector_load_idx %arg6[%parallel_loop3A_251] : memref<80000xf32, #tpu.memory_space<vmem>>[vector<16xi32>], vector<16xf32>,
      %parallel_loop3A_253 = arith.mulf %parallel_loop3A_248, %gather3A : vector<16xf32>
      %parallel_loop3A_254 = arith.mulf %parallel_loop3A_252, %gather3A_116 : vector<16xf32>
      %parallel_loop3A_255 = arith.addf %parallel_loop3A_253, %parallel_loop3A_254 : vector<16xf32>
      %parallel_loop3A_256 = arith.constant 2.000000e-01 : f32
      %parallel_loop3A_257 = vector.broadcast %parallel_loop3A_256 : f32 to vector<16xf32>
      %parallel_loop3A_258 = arith.mulf %parallel_loop3A_257, %parallel_loop3A_255 : vector<16xf32>
      %parallel_loop3A_259 = arith.maximumf %parallel_loop3A_255, %parallel_loop3A_258 : vector<16xf32>
      %parallel_loop3A_260 = arith.subf %parallel_loop3A_259, %gather3A_148 : vector<16xf32>
      %parallel_loop3A_261 = math.exp %parallel_loop3A_260 : vector<16xf32>
      tpu.vector_store_idx %arg9[%parallel_loop3A_244, %add3A_15], %parallel_loop3A_261 : memref<2000x16xf32, #tpu.memory_space<vmem>>[vector<16xi32>, vector<16xi32>], vector<16xf32>,
      %parallel_loop3A_262 = arith.mulf %parallel_loop3A_261, %parallel_loop3A_248 : vector<16xf32>
      tpu.vector_store_idx %arg9[%parallel_loop3A_244, %add3A_63], %parallel_loop3A_262 : memref<2000x16xf32, #tpu.memory_space<vmem>>[vector<16xi32>, vector<16xi32>], vector<16xf32>,
      %parallel_loop3A_263 = arith.constant 1 : i32
      %parallel_loop3A_264 = vector.broadcast %parallel_loop3A_263 : i32 to vector<16xi32>
      %parallel_loop3A_265 = arith.addi %parallel_loop3A_237, %parallel_loop3A_264 : vector<16xi32>
      %parallel_loop3A_266 = tpu.vector_load_idx %arg6[%parallel_loop3A_265] : memref<80000xf32, #tpu.memory_space<vmem>>[vector<16xi32>], vector<16xf32>,
      %parallel_loop3A_267 = arith.constant 1 : i32
      %parallel_loop3A_268 = vector.broadcast %parallel_loop3A_267 : i32 to vector<16xi32>
      %parallel_loop3A_269 = arith.addi %parallel_loop3A_240, %parallel_loop3A_268 : vector<16xi32>
      %parallel_loop3A_270 = tpu.vector_load_idx %arg6[%parallel_loop3A_269] : memref<80000xf32, #tpu.memory_space<vmem>>[vector<16xi32>], vector<16xf32>,
      %parallel_loop3A_271 = arith.mulf %parallel_loop3A_266, %gather3A_106 : vector<16xf32>
      %parallel_loop3A_272 = arith.mulf %parallel_loop3A_270, %gather3A_120 : vector<16xf32>
      %parallel_loop3A_273 = arith.addf %parallel_loop3A_271, %parallel_loop3A_272 : vector<16xf32>
      %parallel_loop3A_274 = arith.constant 2.000000e-01 : f32
      %parallel_loop3A_275 = vector.broadcast %parallel_loop3A_274 : f32 to vector<16xf32>
      %parallel_loop3A_276 = arith.mulf %parallel_loop3A_275, %parallel_loop3A_273 : vector<16xf32>
      %parallel_loop3A_277 = arith.maximumf %parallel_loop3A_273, %parallel_loop3A_276 : vector<16xf32>
      %parallel_loop3A_278 = arith.subf %parallel_loop3A_277, %gather3A_152 : vector<16xf32>
      %parallel_loop3A_279 = math.exp %parallel_loop3A_278 : vector<16xf32>
      tpu.vector_store_idx %arg9[%parallel_loop3A_244, %add3A_21], %parallel_loop3A_279 : memref<2000x16xf32, #tpu.memory_space<vmem>>[vector<16xi32>, vector<16xi32>], vector<16xf32>,
      %parallel_loop3A_280 = arith.mulf %parallel_loop3A_279, %parallel_loop3A_266 : vector<16xf32>
      tpu.vector_store_idx %arg9[%parallel_loop3A_244, %add3A_69], %parallel_loop3A_280 : memref<2000x16xf32, #tpu.memory_space<vmem>>[vector<16xi32>, vector<16xi32>], vector<16xf32>,
      %parallel_loop3A_281 = arith.constant 2 : i32
      %parallel_loop3A_282 = vector.broadcast %parallel_loop3A_281 : i32 to vector<16xi32>
      %parallel_loop3A_283 = arith.addi %parallel_loop3A_237, %parallel_loop3A_282 : vector<16xi32>
      %parallel_loop3A_284 = tpu.vector_load_idx %arg6[%parallel_loop3A_283] : memref<80000xf32, #tpu.memory_space<vmem>>[vector<16xi32>], vector<16xf32>,
      %parallel_loop3A_285 = arith.constant 2 : i32
      %parallel_loop3A_286 = vector.broadcast %parallel_loop3A_285 : i32 to vector<16xi32>
      %parallel_loop3A_287 = arith.addi %parallel_loop3A_240, %parallel_loop3A_286 : vector<16xi32>
      %parallel_loop3A_288 = tpu.vector_load_idx %arg6[%parallel_loop3A_287] : memref<80000xf32, #tpu.memory_space<vmem>>[vector<16xi32>], vector<16xf32>,
      %parallel_loop3A_289 = arith.mulf %parallel_loop3A_284, %gather3A_107 : vector<16xf32>
      %parallel_loop3A_290 = arith.mulf %parallel_loop3A_288, %gather3A_124 : vector<16xf32>
      %parallel_loop3A_291 = arith.addf %parallel_loop3A_289, %parallel_loop3A_290 : vector<16xf32>
      %parallel_loop3A_292 = arith.constant 2.000000e-01 : f32
      %parallel_loop3A_293 = vector.broadcast %parallel_loop3A_292 : f32 to vector<16xf32>
      %parallel_loop3A_294 = arith.mulf %parallel_loop3A_293, %parallel_loop3A_291 : vector<16xf32>
      %parallel_loop3A_295 = arith.maximumf %parallel_loop3A_291, %parallel_loop3A_294 : vector<16xf32>
      %parallel_loop3A_296 = arith.subf %parallel_loop3A_295, %gather3A_156 : vector<16xf32>
      %parallel_loop3A_297 = math.exp %parallel_loop3A_296 : vector<16xf32>
      tpu.vector_store_idx %arg9[%parallel_loop3A_244, %add3A_27], %parallel_loop3A_297 : memref<2000x16xf32, #tpu.memory_space<vmem>>[vector<16xi32>, vector<16xi32>], vector<16xf32>,
      %parallel_loop3A_298 = arith.mulf %parallel_loop3A_297, %parallel_loop3A_284 : vector<16xf32>
      tpu.vector_store_idx %arg9[%parallel_loop3A_244, %add3A_75], %parallel_loop3A_298 : memref<2000x16xf32, #tpu.memory_space<vmem>>[vector<16xi32>, vector<16xi32>], vector<16xf32>,
      %parallel_loop3A_299 = arith.constant 3 : i32
      %parallel_loop3A_300 = vector.broadcast %parallel_loop3A_299 : i32 to vector<16xi32>
      %parallel_loop3A_301 = arith.addi %parallel_loop3A_237, %parallel_loop3A_300 : vector<16xi32>
      %parallel_loop3A_302 = tpu.vector_load_idx %arg6[%parallel_loop3A_301] : memref<80000xf32, #tpu.memory_space<vmem>>[vector<16xi32>], vector<16xf32>,
      %parallel_loop3A_303 = arith.constant 3 : i32
      %parallel_loop3A_304 = vector.broadcast %parallel_loop3A_303 : i32 to vector<16xi32>
      %parallel_loop3A_305 = arith.addi %parallel_loop3A_240, %parallel_loop3A_304 : vector<16xi32>
      %parallel_loop3A_306 = tpu.vector_load_idx %arg6[%parallel_loop3A_305] : memref<80000xf32, #tpu.memory_space<vmem>>[vector<16xi32>], vector<16xf32>,
      %parallel_loop3A_307 = arith.mulf %parallel_loop3A_302, %gather3A_108 : vector<16xf32>
      %parallel_loop3A_308 = arith.mulf %parallel_loop3A_306, %gather3A_128 : vector<16xf32>
      %parallel_loop3A_309 = arith.addf %parallel_loop3A_307, %parallel_loop3A_308 : vector<16xf32>
      %parallel_loop3A_310 = arith.constant 2.000000e-01 : f32
      %parallel_loop3A_311 = vector.broadcast %parallel_loop3A_310 : f32 to vector<16xf32>
      %parallel_loop3A_312 = arith.mulf %parallel_loop3A_311, %parallel_loop3A_309 : vector<16xf32>
      %parallel_loop3A_313 = arith.maximumf %parallel_loop3A_309, %parallel_loop3A_312 : vector<16xf32>
      %parallel_loop3A_314 = arith.subf %parallel_loop3A_313, %gather3A_160 : vector<16xf32>
      %parallel_loop3A_315 = math.exp %parallel_loop3A_314 : vector<16xf32>
      tpu.vector_store_idx %arg9[%parallel_loop3A_244, %add3A_33], %parallel_loop3A_315 : memref<2000x16xf32, #tpu.memory_space<vmem>>[vector<16xi32>, vector<16xi32>], vector<16xf32>,
      %parallel_loop3A_316 = arith.mulf %parallel_loop3A_315, %parallel_loop3A_302 : vector<16xf32>
      tpu.vector_store_idx %arg9[%parallel_loop3A_244, %add3A_81], %parallel_loop3A_316 : memref<2000x16xf32, #tpu.memory_space<vmem>>[vector<16xi32>, vector<16xi32>], vector<16xf32>,
      %parallel_loop3A_317 = arith.constant 4 : i32
      %parallel_loop3A_318 = vector.broadcast %parallel_loop3A_317 : i32 to vector<16xi32>
      %parallel_loop3A_319 = arith.addi %parallel_loop3A_237, %parallel_loop3A_318 : vector<16xi32>
      %parallel_loop3A_320 = tpu.vector_load_idx %arg6[%parallel_loop3A_319] : memref<80000xf32, #tpu.memory_space<vmem>>[vector<16xi32>], vector<16xf32>,
      %parallel_loop3A_321 = arith.constant 4 : i32
      %parallel_loop3A_322 = vector.broadcast %parallel_loop3A_321 : i32 to vector<16xi32>
      %parallel_loop3A_323 = arith.addi %parallel_loop3A_240, %parallel_loop3A_322 : vector<16xi32>
      %parallel_loop3A_324 = tpu.vector_load_idx %arg6[%parallel_loop3A_323] : memref<80000xf32, #tpu.memory_space<vmem>>[vector<16xi32>], vector<16xf32>,
      %parallel_loop3A_325 = arith.mulf %parallel_loop3A_320, %gather3A_109 : vector<16xf32>
      %parallel_loop3A_326 = arith.mulf %parallel_loop3A_324, %gather3A_132 : vector<16xf32>
      %parallel_loop3A_327 = arith.addf %parallel_loop3A_325, %parallel_loop3A_326 : vector<16xf32>
      %parallel_loop3A_328 = arith.constant 2.000000e-01 : f32
      %parallel_loop3A_329 = vector.broadcast %parallel_loop3A_328 : f32 to vector<16xf32>
      %parallel_loop3A_330 = arith.mulf %parallel_loop3A_329, %parallel_loop3A_327 : vector<16xf32>
      %parallel_loop3A_331 = arith.maximumf %parallel_loop3A_327, %parallel_loop3A_330 : vector<16xf32>
      %parallel_loop3A_332 = arith.subf %parallel_loop3A_331, %gather3A_164 : vector<16xf32>
      %parallel_loop3A_333 = math.exp %parallel_loop3A_332 : vector<16xf32>
      tpu.vector_store_idx %arg9[%parallel_loop3A_244, %add3A_39], %parallel_loop3A_333 : memref<2000x16xf32, #tpu.memory_space<vmem>>[vector<16xi32>, vector<16xi32>], vector<16xf32>,
      %parallel_loop3A_334 = arith.mulf %parallel_loop3A_333, %parallel_loop3A_320 : vector<16xf32>
      tpu.vector_store_idx %arg9[%parallel_loop3A_244, %add3A_87], %parallel_loop3A_334 : memref<2000x16xf32, #tpu.memory_space<vmem>>[vector<16xi32>, vector<16xi32>], vector<16xf32>,
      %parallel_loop3A_335 = arith.constant 5 : i32
      %parallel_loop3A_336 = vector.broadcast %parallel_loop3A_335 : i32 to vector<16xi32>
      %parallel_loop3A_337 = arith.addi %parallel_loop3A_237, %parallel_loop3A_336 : vector<16xi32>
      %parallel_loop3A_338 = tpu.vector_load_idx %arg6[%parallel_loop3A_337] : memref<80000xf32, #tpu.memory_space<vmem>>[vector<16xi32>], vector<16xf32>,
      %parallel_loop3A_339 = arith.constant 5 : i32
      %parallel_loop3A_340 = vector.broadcast %parallel_loop3A_339 : i32 to vector<16xi32>
      %parallel_loop3A_341 = arith.addi %parallel_loop3A_240, %parallel_loop3A_340 : vector<16xi32>
      %parallel_loop3A_342 = tpu.vector_load_idx %arg6[%parallel_loop3A_341] : memref<80000xf32, #tpu.memory_space<vmem>>[vector<16xi32>], vector<16xf32>,
      %parallel_loop3A_343 = arith.mulf %parallel_loop3A_338, %gather3A_110 : vector<16xf32>
      %parallel_loop3A_344 = arith.mulf %parallel_loop3A_342, %gather3A_136 : vector<16xf32>
      %parallel_loop3A_345 = arith.addf %parallel_loop3A_343, %parallel_loop3A_344 : vector<16xf32>
      %parallel_loop3A_346 = arith.constant 2.000000e-01 : f32
      %parallel_loop3A_347 = vector.broadcast %parallel_loop3A_346 : f32 to vector<16xf32>
      %parallel_loop3A_348 = arith.mulf %parallel_loop3A_347, %parallel_loop3A_345 : vector<16xf32>
      %parallel_loop3A_349 = arith.maximumf %parallel_loop3A_345, %parallel_loop3A_348 : vector<16xf32>
      %parallel_loop3A_350 = arith.subf %parallel_loop3A_349, %gather3A_168 : vector<16xf32>
      %parallel_loop3A_351 = math.exp %parallel_loop3A_350 : vector<16xf32>
      tpu.vector_store_idx %arg9[%parallel_loop3A_244, %add3A_45], %parallel_loop3A_351 : memref<2000x16xf32, #tpu.memory_space<vmem>>[vector<16xi32>, vector<16xi32>], vector<16xf32>,
      %parallel_loop3A_352 = arith.mulf %parallel_loop3A_351, %parallel_loop3A_338 : vector<16xf32>
      tpu.vector_store_idx %arg9[%parallel_loop3A_244, %add3A_93], %parallel_loop3A_352 : memref<2000x16xf32, #tpu.memory_space<vmem>>[vector<16xi32>, vector<16xi32>], vector<16xf32>,
      %parallel_loop3A_353 = arith.constant 6 : i32
      %parallel_loop3A_354 = vector.broadcast %parallel_loop3A_353 : i32 to vector<16xi32>
      %parallel_loop3A_355 = arith.addi %parallel_loop3A_237, %parallel_loop3A_354 : vector<16xi32>
      %parallel_loop3A_356 = tpu.vector_load_idx %arg6[%parallel_loop3A_355] : memref<80000xf32, #tpu.memory_space<vmem>>[vector<16xi32>], vector<16xf32>,
      %parallel_loop3A_357 = arith.constant 6 : i32
      %parallel_loop3A_358 = vector.broadcast %parallel_loop3A_357 : i32 to vector<16xi32>
      %parallel_loop3A_359 = arith.addi %parallel_loop3A_240, %parallel_loop3A_358 : vector<16xi32>
      %parallel_loop3A_360 = tpu.vector_load_idx %arg6[%parallel_loop3A_359] : memref<80000xf32, #tpu.memory_space<vmem>>[vector<16xi32>], vector<16xf32>,
      %parallel_loop3A_361 = arith.mulf %parallel_loop3A_356, %gather3A_111 : vector<16xf32>
      %parallel_loop3A_362 = arith.mulf %parallel_loop3A_360, %gather3A_140 : vector<16xf32>
      %parallel_loop3A_363 = arith.addf %parallel_loop3A_361, %parallel_loop3A_362 : vector<16xf32>
      %parallel_loop3A_364 = arith.constant 2.000000e-01 : f32
      %parallel_loop3A_365 = vector.broadcast %parallel_loop3A_364 : f32 to vector<16xf32>
      %parallel_loop3A_366 = arith.mulf %parallel_loop3A_365, %parallel_loop3A_363 : vector<16xf32>
      %parallel_loop3A_367 = arith.maximumf %parallel_loop3A_363, %parallel_loop3A_366 : vector<16xf32>
      %parallel_loop3A_368 = arith.subf %parallel_loop3A_367, %gather3A_172 : vector<16xf32>
      %parallel_loop3A_369 = math.exp %parallel_loop3A_368 : vector<16xf32>
      tpu.vector_store_idx %arg9[%parallel_loop3A_244, %add3A_51], %parallel_loop3A_369 : memref<2000x16xf32, #tpu.memory_space<vmem>>[vector<16xi32>, vector<16xi32>], vector<16xf32>,
      %parallel_loop3A_370 = arith.mulf %parallel_loop3A_369, %parallel_loop3A_356 : vector<16xf32>
      tpu.vector_store_idx %arg9[%parallel_loop3A_244, %add3A_99], %parallel_loop3A_370 : memref<2000x16xf32, #tpu.memory_space<vmem>>[vector<16xi32>, vector<16xi32>], vector<16xf32>,
      %parallel_loop3A_371 = arith.constant 7 : i32
      %parallel_loop3A_372 = vector.broadcast %parallel_loop3A_371 : i32 to vector<16xi32>
      %parallel_loop3A_373 = arith.addi %parallel_loop3A_237, %parallel_loop3A_372 : vector<16xi32>
      %parallel_loop3A_374 = tpu.vector_load_idx %arg6[%parallel_loop3A_373] : memref<80000xf32, #tpu.memory_space<vmem>>[vector<16xi32>], vector<16xf32>,
      %parallel_loop3A_375 = arith.constant 7 : i32
      %parallel_loop3A_376 = vector.broadcast %parallel_loop3A_375 : i32 to vector<16xi32>
      %parallel_loop3A_377 = arith.addi %parallel_loop3A_240, %parallel_loop3A_376 : vector<16xi32>
      %parallel_loop3A_378 = tpu.vector_load_idx %arg6[%parallel_loop3A_377] : memref<80000xf32, #tpu.memory_space<vmem>>[vector<16xi32>], vector<16xf32>,
      %parallel_loop3A_379 = arith.mulf %parallel_loop3A_374, %gather3A_112 : vector<16xf32>
      %parallel_loop3A_380 = arith.mulf %parallel_loop3A_378, %gather3A_144 : vector<16xf32>
      %parallel_loop3A_381 = arith.addf %parallel_loop3A_379, %parallel_loop3A_380 : vector<16xf32>
      %parallel_loop3A_382 = arith.constant 2.000000e-01 : f32
      %parallel_loop3A_383 = vector.broadcast %parallel_loop3A_382 : f32 to vector<16xf32>
      %parallel_loop3A_384 = arith.mulf %parallel_loop3A_383, %parallel_loop3A_381 : vector<16xf32>
      %parallel_loop3A_385 = arith.maximumf %parallel_loop3A_381, %parallel_loop3A_384 : vector<16xf32>
      %parallel_loop3A_386 = arith.subf %parallel_loop3A_385, %gather3A_176 : vector<16xf32>
      %parallel_loop3A_387 = math.exp %parallel_loop3A_386 : vector<16xf32>
      tpu.vector_store_idx %arg9[%parallel_loop3A_244, %add3A_57], %parallel_loop3A_387 : memref<2000x16xf32, #tpu.memory_space<vmem>>[vector<16xi32>, vector<16xi32>], vector<16xf32>,
      %parallel_loop3A_388 = arith.mulf %parallel_loop3A_387, %parallel_loop3A_374 : vector<16xf32>
      tpu.vector_store_idx %arg9[%parallel_loop3A_244, %add3A_105], %parallel_loop3A_388 : memref<2000x16xf32, #tpu.memory_space<vmem>>[vector<16xi32>, vector<16xi32>], vector<16xf32>,
    } {sc.loop_unroll_factor = 1 : i64, sc.parallel_access}
    "tpu.region"() ({
      %run_scoped3A = tpu.sem_alloc : memref<!tpu.dma_semaphore, #tpu.memory_space<semaphore_mem>>
      %dma_start3A = arith.constant 0 : i32
      %dma_start3A_226 = arith.constant 0 : i32
      %dma_start3A_227 = tpu.memref_slice %arg11[%dma_start3A, %dma_start3A_226] : memref<10240x16xf32, #tpu.memory_space<vmem_shared>> -> memref<10240x16xf32, #tpu.memory_space<vmem_shared>>
      tpu.enqueue_indirect_dma source(%arg9 : memref<2000x16xf32, #tpu.memory_space<vmem>>) target(%dma_start3A_227 : memref<10240x16xf32, #tpu.memory_space<vmem_shared>>) offsets(%arg8 : memref<2000xi32, #tpu.memory_space<vmem>>) semaphore(%run_scoped3A : memref<!tpu.dma_semaphore, #tpu.memory_space<semaphore_mem>>) {add = true}
      %dma_wait3A = arith.constant 0 : i32
      %dma_wait3A_228 = arith.constant 0 : i32
      %dma_wait3A_229 = tpu.memref_slice %arg11[%dma_wait3A, %dma_wait3A_228] : memref<10240x16xf32, #tpu.memory_space<vmem_shared>> -> memref<10240x16xf32, #tpu.memory_space<vmem_shared>>
      tpu.wait_indirect_dma semaphore(%run_scoped3A : memref<!tpu.dma_semaphore, #tpu.memory_space<semaphore_mem>>) src(%arg9 : memref<2000x16xf32, #tpu.memory_space<vmem>>) dst(%dma_wait3A_229 : memref<10240x16xf32, #tpu.memory_space<vmem_shared>>)
      tpu.yield
    }) : () -> ()
    %mul3A_203 = arith.constant 10000 : i32
    %mul3A_204 = arith.muli %add3A, %mul3A_203 : i32
    %add3A_205 = arith.constant 6000 : i32
    %add3A_206 = arith.addi %mul3A_204, %add3A_205 : i32
    "tpu.region"() ({
      %run_scoped3A = tpu.sem_alloc : memref<!tpu.dma_semaphore, #tpu.memory_space<semaphore_mem>>
      %dma_start3A = tpu.memref_slice %arg3[%add3A_206] : memref<640000xi32, #tpu.memory_space<hbm>> -> memref<2000xi32, #tpu.memory_space<hbm>>
      %dma_start3A_226 = tpu.memref_slice %arg3[%add3A_206] : memref<640000xi32, #tpu.memory_space<hbm>> -> memref<2000xi32, #tpu.memory_space<hbm>>
      tpu.enqueue_dma source(%dma_start3A_226 : memref<2000xi32, #tpu.memory_space<hbm>>) target(%arg7 : memref<2000xi32, #tpu.memory_space<vmem>>) target_semaphore(%run_scoped3A : memref<!tpu.dma_semaphore, #tpu.memory_space<semaphore_mem>>)
      %dma_wait3A = tpu.memref_slice %arg3[%add3A_206] : memref<640000xi32, #tpu.memory_space<hbm>> -> memref<2000xi32, #tpu.memory_space<hbm>>
      %dma_wait3A_227 = tpu.memref_slice %arg3[%add3A_206] : memref<640000xi32, #tpu.memory_space<hbm>> -> memref<2000xi32, #tpu.memory_space<hbm>>
      tpu.wait_dma2 semaphore(%run_scoped3A : memref<!tpu.dma_semaphore, #tpu.memory_space<semaphore_mem>>) src(%dma_wait3A_227 : memref<2000xi32, #tpu.memory_space<hbm>>) dst(%arg7 : memref<2000xi32, #tpu.memory_space<vmem>>)
      tpu.yield
    }) : () -> ()
    %add3A_207 = arith.constant 320000 : i32
    %add3A_208 = arith.addi %add3A_207, %add3A_206 : i32
    "tpu.region"() ({
      %run_scoped3A = tpu.sem_alloc : memref<!tpu.dma_semaphore, #tpu.memory_space<semaphore_mem>>
      %dma_start3A = tpu.memref_slice %arg3[%add3A_208] : memref<640000xi32, #tpu.memory_space<hbm>> -> memref<2000xi32, #tpu.memory_space<hbm>>
      %dma_start3A_226 = tpu.memref_slice %arg3[%add3A_208] : memref<640000xi32, #tpu.memory_space<hbm>> -> memref<2000xi32, #tpu.memory_space<hbm>>
      tpu.enqueue_dma source(%dma_start3A_226 : memref<2000xi32, #tpu.memory_space<hbm>>) target(%arg8 : memref<2000xi32, #tpu.memory_space<vmem>>) target_semaphore(%run_scoped3A : memref<!tpu.dma_semaphore, #tpu.memory_space<semaphore_mem>>)
      %dma_wait3A = tpu.memref_slice %arg3[%add3A_208] : memref<640000xi32, #tpu.memory_space<hbm>> -> memref<2000xi32, #tpu.memory_space<hbm>>
      %dma_wait3A_227 = tpu.memref_slice %arg3[%add3A_208] : memref<640000xi32, #tpu.memory_space<hbm>> -> memref<2000xi32, #tpu.memory_space<hbm>>
      tpu.wait_dma2 semaphore(%run_scoped3A : memref<!tpu.dma_semaphore, #tpu.memory_space<semaphore_mem>>) src(%dma_wait3A_227 : memref<2000xi32, #tpu.memory_space<hbm>>) dst(%arg8 : memref<2000xi32, #tpu.memory_space<vmem>>)
      tpu.yield
    }) : () -> ()
    %parallel_loop3A_209 = arith.constant 0 : i32
    %parallel_loop3A_210 = arith.constant 125 : i32
    %parallel_loop3A_211 = arith.constant 1 : i32
    scf.for %parallel_loop3A_226 = %parallel_loop3A_209 to %parallel_loop3A_210 step %parallel_loop3A_211  : i32 {
      %parallel_loop3A_227 = arith.constant 16 : i32
      %parallel_loop3A_228 = arith.muli %parallel_loop3A_226, %parallel_loop3A_227 : i32
      %parallel_loop3A_229 = arith.index_cast %parallel_loop3A_228 : i32 to index
      %parallel_loop3A_230 = tpu.vector_load %arg7[%parallel_loop3A_229] {strides = array<i32>} : memref<2000xi32, #tpu.memory_space<vmem>>, vector<16xi32>,
      %parallel_loop3A_231 = arith.constant 16 : i32
      %parallel_loop3A_232 = arith.muli %parallel_loop3A_226, %parallel_loop3A_231 : i32
      %parallel_loop3A_233 = arith.index_cast %parallel_loop3A_232 : i32 to index
      %parallel_loop3A_234 = tpu.vector_load %arg8[%parallel_loop3A_233] {strides = array<i32>} : memref<2000xi32, #tpu.memory_space<vmem>>, vector<16xi32>,
      %parallel_loop3A_235 = arith.constant 8 : i32
      %parallel_loop3A_236 = vector.broadcast %parallel_loop3A_235 : i32 to vector<16xi32>
      %parallel_loop3A_237 = arith.muli %parallel_loop3A_230, %parallel_loop3A_236 : vector<16xi32>
      %parallel_loop3A_238 = arith.constant 8 : i32
      %parallel_loop3A_239 = vector.broadcast %parallel_loop3A_238 : i32 to vector<16xi32>
      %parallel_loop3A_240 = arith.muli %parallel_loop3A_234, %parallel_loop3A_239 : vector<16xi32>
      %parallel_loop3A_241 = arith.constant 16 : i32
      %parallel_loop3A_242 = arith.muli %parallel_loop3A_226, %parallel_loop3A_241 : i32
      %parallel_loop3A_243 = vector.broadcast %parallel_loop3A_242 : i32 to vector<16xi32>
      %parallel_loop3A_244 = arith.addi %parallel_loop3A_243, %iota3A : vector<16xi32>
      %parallel_loop3A_245 = arith.constant 0 : i32
      %parallel_loop3A_246 = vector.broadcast %parallel_loop3A_245 : i32 to vector<16xi32>
      %parallel_loop3A_247 = arith.addi %parallel_loop3A_237, %parallel_loop3A_246 : vector<16xi32>
      %parallel_loop3A_248 = tpu.vector_load_idx %arg6[%parallel_loop3A_247] : memref<80000xf32, #tpu.memory_space<vmem>>[vector<16xi32>], vector<16xf32>,
      %parallel_loop3A_249 = arith.constant 0 : i32
      %parallel_loop3A_250 = vector.broadcast %parallel_loop3A_249 : i32 to vector<16xi32>
      %parallel_loop3A_251 = arith.addi %parallel_loop3A_240, %parallel_loop3A_250 : vector<16xi32>
      %parallel_loop3A_252 = tpu.vector_load_idx %arg6[%parallel_loop3A_251] : memref<80000xf32, #tpu.memory_space<vmem>>[vector<16xi32>], vector<16xf32>,
      %parallel_loop3A_253 = arith.mulf %parallel_loop3A_248, %gather3A : vector<16xf32>
      %parallel_loop3A_254 = arith.mulf %parallel_loop3A_252, %gather3A_116 : vector<16xf32>
      %parallel_loop3A_255 = arith.addf %parallel_loop3A_253, %parallel_loop3A_254 : vector<16xf32>
      %parallel_loop3A_256 = arith.constant 2.000000e-01 : f32
      %parallel_loop3A_257 = vector.broadcast %parallel_loop3A_256 : f32 to vector<16xf32>
      %parallel_loop3A_258 = arith.mulf %parallel_loop3A_257, %parallel_loop3A_255 : vector<16xf32>
      %parallel_loop3A_259 = arith.maximumf %parallel_loop3A_255, %parallel_loop3A_258 : vector<16xf32>
      %parallel_loop3A_260 = arith.subf %parallel_loop3A_259, %gather3A_148 : vector<16xf32>
      %parallel_loop3A_261 = math.exp %parallel_loop3A_260 : vector<16xf32>
      tpu.vector_store_idx %arg9[%parallel_loop3A_244, %add3A_15], %parallel_loop3A_261 : memref<2000x16xf32, #tpu.memory_space<vmem>>[vector<16xi32>, vector<16xi32>], vector<16xf32>,
      %parallel_loop3A_262 = arith.mulf %parallel_loop3A_261, %parallel_loop3A_248 : vector<16xf32>
      tpu.vector_store_idx %arg9[%parallel_loop3A_244, %add3A_63], %parallel_loop3A_262 : memref<2000x16xf32, #tpu.memory_space<vmem>>[vector<16xi32>, vector<16xi32>], vector<16xf32>,
      %parallel_loop3A_263 = arith.constant 1 : i32
      %parallel_loop3A_264 = vector.broadcast %parallel_loop3A_263 : i32 to vector<16xi32>
      %parallel_loop3A_265 = arith.addi %parallel_loop3A_237, %parallel_loop3A_264 : vector<16xi32>
      %parallel_loop3A_266 = tpu.vector_load_idx %arg6[%parallel_loop3A_265] : memref<80000xf32, #tpu.memory_space<vmem>>[vector<16xi32>], vector<16xf32>,
      %parallel_loop3A_267 = arith.constant 1 : i32
      %parallel_loop3A_268 = vector.broadcast %parallel_loop3A_267 : i32 to vector<16xi32>
      %parallel_loop3A_269 = arith.addi %parallel_loop3A_240, %parallel_loop3A_268 : vector<16xi32>
      %parallel_loop3A_270 = tpu.vector_load_idx %arg6[%parallel_loop3A_269] : memref<80000xf32, #tpu.memory_space<vmem>>[vector<16xi32>], vector<16xf32>,
      %parallel_loop3A_271 = arith.mulf %parallel_loop3A_266, %gather3A_106 : vector<16xf32>
      %parallel_loop3A_272 = arith.mulf %parallel_loop3A_270, %gather3A_120 : vector<16xf32>
      %parallel_loop3A_273 = arith.addf %parallel_loop3A_271, %parallel_loop3A_272 : vector<16xf32>
      %parallel_loop3A_274 = arith.constant 2.000000e-01 : f32
      %parallel_loop3A_275 = vector.broadcast %parallel_loop3A_274 : f32 to vector<16xf32>
      %parallel_loop3A_276 = arith.mulf %parallel_loop3A_275, %parallel_loop3A_273 : vector<16xf32>
      %parallel_loop3A_277 = arith.maximumf %parallel_loop3A_273, %parallel_loop3A_276 : vector<16xf32>
      %parallel_loop3A_278 = arith.subf %parallel_loop3A_277, %gather3A_152 : vector<16xf32>
      %parallel_loop3A_279 = math.exp %parallel_loop3A_278 : vector<16xf32>
      tpu.vector_store_idx %arg9[%parallel_loop3A_244, %add3A_21], %parallel_loop3A_279 : memref<2000x16xf32, #tpu.memory_space<vmem>>[vector<16xi32>, vector<16xi32>], vector<16xf32>,
      %parallel_loop3A_280 = arith.mulf %parallel_loop3A_279, %parallel_loop3A_266 : vector<16xf32>
      tpu.vector_store_idx %arg9[%parallel_loop3A_244, %add3A_69], %parallel_loop3A_280 : memref<2000x16xf32, #tpu.memory_space<vmem>>[vector<16xi32>, vector<16xi32>], vector<16xf32>,
      %parallel_loop3A_281 = arith.constant 2 : i32
      %parallel_loop3A_282 = vector.broadcast %parallel_loop3A_281 : i32 to vector<16xi32>
      %parallel_loop3A_283 = arith.addi %parallel_loop3A_237, %parallel_loop3A_282 : vector<16xi32>
      %parallel_loop3A_284 = tpu.vector_load_idx %arg6[%parallel_loop3A_283] : memref<80000xf32, #tpu.memory_space<vmem>>[vector<16xi32>], vector<16xf32>,
      %parallel_loop3A_285 = arith.constant 2 : i32
      %parallel_loop3A_286 = vector.broadcast %parallel_loop3A_285 : i32 to vector<16xi32>
      %parallel_loop3A_287 = arith.addi %parallel_loop3A_240, %parallel_loop3A_286 : vector<16xi32>
      %parallel_loop3A_288 = tpu.vector_load_idx %arg6[%parallel_loop3A_287] : memref<80000xf32, #tpu.memory_space<vmem>>[vector<16xi32>], vector<16xf32>,
      %parallel_loop3A_289 = arith.mulf %parallel_loop3A_284, %gather3A_107 : vector<16xf32>
      %parallel_loop3A_290 = arith.mulf %parallel_loop3A_288, %gather3A_124 : vector<16xf32>
      %parallel_loop3A_291 = arith.addf %parallel_loop3A_289, %parallel_loop3A_290 : vector<16xf32>
      %parallel_loop3A_292 = arith.constant 2.000000e-01 : f32
      %parallel_loop3A_293 = vector.broadcast %parallel_loop3A_292 : f32 to vector<16xf32>
      %parallel_loop3A_294 = arith.mulf %parallel_loop3A_293, %parallel_loop3A_291 : vector<16xf32>
      %parallel_loop3A_295 = arith.maximumf %parallel_loop3A_291, %parallel_loop3A_294 : vector<16xf32>
      %parallel_loop3A_296 = arith.subf %parallel_loop3A_295, %gather3A_156 : vector<16xf32>
      %parallel_loop3A_297 = math.exp %parallel_loop3A_296 : vector<16xf32>
      tpu.vector_store_idx %arg9[%parallel_loop3A_244, %add3A_27], %parallel_loop3A_297 : memref<2000x16xf32, #tpu.memory_space<vmem>>[vector<16xi32>, vector<16xi32>], vector<16xf32>,
      %parallel_loop3A_298 = arith.mulf %parallel_loop3A_297, %parallel_loop3A_284 : vector<16xf32>
      tpu.vector_store_idx %arg9[%parallel_loop3A_244, %add3A_75], %parallel_loop3A_298 : memref<2000x16xf32, #tpu.memory_space<vmem>>[vector<16xi32>, vector<16xi32>], vector<16xf32>,
      %parallel_loop3A_299 = arith.constant 3 : i32
      %parallel_loop3A_300 = vector.broadcast %parallel_loop3A_299 : i32 to vector<16xi32>
      %parallel_loop3A_301 = arith.addi %parallel_loop3A_237, %parallel_loop3A_300 : vector<16xi32>
      %parallel_loop3A_302 = tpu.vector_load_idx %arg6[%parallel_loop3A_301] : memref<80000xf32, #tpu.memory_space<vmem>>[vector<16xi32>], vector<16xf32>,
      %parallel_loop3A_303 = arith.constant 3 : i32
      %parallel_loop3A_304 = vector.broadcast %parallel_loop3A_303 : i32 to vector<16xi32>
      %parallel_loop3A_305 = arith.addi %parallel_loop3A_240, %parallel_loop3A_304 : vector<16xi32>
      %parallel_loop3A_306 = tpu.vector_load_idx %arg6[%parallel_loop3A_305] : memref<80000xf32, #tpu.memory_space<vmem>>[vector<16xi32>], vector<16xf32>,
      %parallel_loop3A_307 = arith.mulf %parallel_loop3A_302, %gather3A_108 : vector<16xf32>
      %parallel_loop3A_308 = arith.mulf %parallel_loop3A_306, %gather3A_128 : vector<16xf32>
      %parallel_loop3A_309 = arith.addf %parallel_loop3A_307, %parallel_loop3A_308 : vector<16xf32>
      %parallel_loop3A_310 = arith.constant 2.000000e-01 : f32
      %parallel_loop3A_311 = vector.broadcast %parallel_loop3A_310 : f32 to vector<16xf32>
      %parallel_loop3A_312 = arith.mulf %parallel_loop3A_311, %parallel_loop3A_309 : vector<16xf32>
      %parallel_loop3A_313 = arith.maximumf %parallel_loop3A_309, %parallel_loop3A_312 : vector<16xf32>
      %parallel_loop3A_314 = arith.subf %parallel_loop3A_313, %gather3A_160 : vector<16xf32>
      %parallel_loop3A_315 = math.exp %parallel_loop3A_314 : vector<16xf32>
      tpu.vector_store_idx %arg9[%parallel_loop3A_244, %add3A_33], %parallel_loop3A_315 : memref<2000x16xf32, #tpu.memory_space<vmem>>[vector<16xi32>, vector<16xi32>], vector<16xf32>,
      %parallel_loop3A_316 = arith.mulf %parallel_loop3A_315, %parallel_loop3A_302 : vector<16xf32>
      tpu.vector_store_idx %arg9[%parallel_loop3A_244, %add3A_81], %parallel_loop3A_316 : memref<2000x16xf32, #tpu.memory_space<vmem>>[vector<16xi32>, vector<16xi32>], vector<16xf32>,
      %parallel_loop3A_317 = arith.constant 4 : i32
      %parallel_loop3A_318 = vector.broadcast %parallel_loop3A_317 : i32 to vector<16xi32>
      %parallel_loop3A_319 = arith.addi %parallel_loop3A_237, %parallel_loop3A_318 : vector<16xi32>
      %parallel_loop3A_320 = tpu.vector_load_idx %arg6[%parallel_loop3A_319] : memref<80000xf32, #tpu.memory_space<vmem>>[vector<16xi32>], vector<16xf32>,
      %parallel_loop3A_321 = arith.constant 4 : i32
      %parallel_loop3A_322 = vector.broadcast %parallel_loop3A_321 : i32 to vector<16xi32>
      %parallel_loop3A_323 = arith.addi %parallel_loop3A_240, %parallel_loop3A_322 : vector<16xi32>
      %parallel_loop3A_324 = tpu.vector_load_idx %arg6[%parallel_loop3A_323] : memref<80000xf32, #tpu.memory_space<vmem>>[vector<16xi32>], vector<16xf32>,
      %parallel_loop3A_325 = arith.mulf %parallel_loop3A_320, %gather3A_109 : vector<16xf32>
      %parallel_loop3A_326 = arith.mulf %parallel_loop3A_324, %gather3A_132 : vector<16xf32>
      %parallel_loop3A_327 = arith.addf %parallel_loop3A_325, %parallel_loop3A_326 : vector<16xf32>
      %parallel_loop3A_328 = arith.constant 2.000000e-01 : f32
      %parallel_loop3A_329 = vector.broadcast %parallel_loop3A_328 : f32 to vector<16xf32>
      %parallel_loop3A_330 = arith.mulf %parallel_loop3A_329, %parallel_loop3A_327 : vector<16xf32>
      %parallel_loop3A_331 = arith.maximumf %parallel_loop3A_327, %parallel_loop3A_330 : vector<16xf32>
      %parallel_loop3A_332 = arith.subf %parallel_loop3A_331, %gather3A_164 : vector<16xf32>
      %parallel_loop3A_333 = math.exp %parallel_loop3A_332 : vector<16xf32>
      tpu.vector_store_idx %arg9[%parallel_loop3A_244, %add3A_39], %parallel_loop3A_333 : memref<2000x16xf32, #tpu.memory_space<vmem>>[vector<16xi32>, vector<16xi32>], vector<16xf32>,
      %parallel_loop3A_334 = arith.mulf %parallel_loop3A_333, %parallel_loop3A_320 : vector<16xf32>
      tpu.vector_store_idx %arg9[%parallel_loop3A_244, %add3A_87], %parallel_loop3A_334 : memref<2000x16xf32, #tpu.memory_space<vmem>>[vector<16xi32>, vector<16xi32>], vector<16xf32>,
      %parallel_loop3A_335 = arith.constant 5 : i32
      %parallel_loop3A_336 = vector.broadcast %parallel_loop3A_335 : i32 to vector<16xi32>
      %parallel_loop3A_337 = arith.addi %parallel_loop3A_237, %parallel_loop3A_336 : vector<16xi32>
      %parallel_loop3A_338 = tpu.vector_load_idx %arg6[%parallel_loop3A_337] : memref<80000xf32, #tpu.memory_space<vmem>>[vector<16xi32>], vector<16xf32>,
      %parallel_loop3A_339 = arith.constant 5 : i32
      %parallel_loop3A_340 = vector.broadcast %parallel_loop3A_339 : i32 to vector<16xi32>
      %parallel_loop3A_341 = arith.addi %parallel_loop3A_240, %parallel_loop3A_340 : vector<16xi32>
      %parallel_loop3A_342 = tpu.vector_load_idx %arg6[%parallel_loop3A_341] : memref<80000xf32, #tpu.memory_space<vmem>>[vector<16xi32>], vector<16xf32>,
      %parallel_loop3A_343 = arith.mulf %parallel_loop3A_338, %gather3A_110 : vector<16xf32>
      %parallel_loop3A_344 = arith.mulf %parallel_loop3A_342, %gather3A_136 : vector<16xf32>
      %parallel_loop3A_345 = arith.addf %parallel_loop3A_343, %parallel_loop3A_344 : vector<16xf32>
      %parallel_loop3A_346 = arith.constant 2.000000e-01 : f32
      %parallel_loop3A_347 = vector.broadcast %parallel_loop3A_346 : f32 to vector<16xf32>
      %parallel_loop3A_348 = arith.mulf %parallel_loop3A_347, %parallel_loop3A_345 : vector<16xf32>
      %parallel_loop3A_349 = arith.maximumf %parallel_loop3A_345, %parallel_loop3A_348 : vector<16xf32>
      %parallel_loop3A_350 = arith.subf %parallel_loop3A_349, %gather3A_168 : vector<16xf32>
      %parallel_loop3A_351 = math.exp %parallel_loop3A_350 : vector<16xf32>
      tpu.vector_store_idx %arg9[%parallel_loop3A_244, %add3A_45], %parallel_loop3A_351 : memref<2000x16xf32, #tpu.memory_space<vmem>>[vector<16xi32>, vector<16xi32>], vector<16xf32>,
      %parallel_loop3A_352 = arith.mulf %parallel_loop3A_351, %parallel_loop3A_338 : vector<16xf32>
      tpu.vector_store_idx %arg9[%parallel_loop3A_244, %add3A_93], %parallel_loop3A_352 : memref<2000x16xf32, #tpu.memory_space<vmem>>[vector<16xi32>, vector<16xi32>], vector<16xf32>,
      %parallel_loop3A_353 = arith.constant 6 : i32
      %parallel_loop3A_354 = vector.broadcast %parallel_loop3A_353 : i32 to vector<16xi32>
      %parallel_loop3A_355 = arith.addi %parallel_loop3A_237, %parallel_loop3A_354 : vector<16xi32>
      %parallel_loop3A_356 = tpu.vector_load_idx %arg6[%parallel_loop3A_355] : memref<80000xf32, #tpu.memory_space<vmem>>[vector<16xi32>], vector<16xf32>,
      %parallel_loop3A_357 = arith.constant 6 : i32
      %parallel_loop3A_358 = vector.broadcast %parallel_loop3A_357 : i32 to vector<16xi32>
      %parallel_loop3A_359 = arith.addi %parallel_loop3A_240, %parallel_loop3A_358 : vector<16xi32>
      %parallel_loop3A_360 = tpu.vector_load_idx %arg6[%parallel_loop3A_359] : memref<80000xf32, #tpu.memory_space<vmem>>[vector<16xi32>], vector<16xf32>,
      %parallel_loop3A_361 = arith.mulf %parallel_loop3A_356, %gather3A_111 : vector<16xf32>
      %parallel_loop3A_362 = arith.mulf %parallel_loop3A_360, %gather3A_140 : vector<16xf32>
      %parallel_loop3A_363 = arith.addf %parallel_loop3A_361, %parallel_loop3A_362 : vector<16xf32>
      %parallel_loop3A_364 = arith.constant 2.000000e-01 : f32
      %parallel_loop3A_365 = vector.broadcast %parallel_loop3A_364 : f32 to vector<16xf32>
      %parallel_loop3A_366 = arith.mulf %parallel_loop3A_365, %parallel_loop3A_363 : vector<16xf32>
      %parallel_loop3A_367 = arith.maximumf %parallel_loop3A_363, %parallel_loop3A_366 : vector<16xf32>
      %parallel_loop3A_368 = arith.subf %parallel_loop3A_367, %gather3A_172 : vector<16xf32>
      %parallel_loop3A_369 = math.exp %parallel_loop3A_368 : vector<16xf32>
      tpu.vector_store_idx %arg9[%parallel_loop3A_244, %add3A_51], %parallel_loop3A_369 : memref<2000x16xf32, #tpu.memory_space<vmem>>[vector<16xi32>, vector<16xi32>], vector<16xf32>,
      %parallel_loop3A_370 = arith.mulf %parallel_loop3A_369, %parallel_loop3A_356 : vector<16xf32>
      tpu.vector_store_idx %arg9[%parallel_loop3A_244, %add3A_99], %parallel_loop3A_370 : memref<2000x16xf32, #tpu.memory_space<vmem>>[vector<16xi32>, vector<16xi32>], vector<16xf32>,
      %parallel_loop3A_371 = arith.constant 7 : i32
      %parallel_loop3A_372 = vector.broadcast %parallel_loop3A_371 : i32 to vector<16xi32>
      %parallel_loop3A_373 = arith.addi %parallel_loop3A_237, %parallel_loop3A_372 : vector<16xi32>
      %parallel_loop3A_374 = tpu.vector_load_idx %arg6[%parallel_loop3A_373] : memref<80000xf32, #tpu.memory_space<vmem>>[vector<16xi32>], vector<16xf32>,
      %parallel_loop3A_375 = arith.constant 7 : i32
      %parallel_loop3A_376 = vector.broadcast %parallel_loop3A_375 : i32 to vector<16xi32>
      %parallel_loop3A_377 = arith.addi %parallel_loop3A_240, %parallel_loop3A_376 : vector<16xi32>
      %parallel_loop3A_378 = tpu.vector_load_idx %arg6[%parallel_loop3A_377] : memref<80000xf32, #tpu.memory_space<vmem>>[vector<16xi32>], vector<16xf32>,
      %parallel_loop3A_379 = arith.mulf %parallel_loop3A_374, %gather3A_112 : vector<16xf32>
      %parallel_loop3A_380 = arith.mulf %parallel_loop3A_378, %gather3A_144 : vector<16xf32>
      %parallel_loop3A_381 = arith.addf %parallel_loop3A_379, %parallel_loop3A_380 : vector<16xf32>
      %parallel_loop3A_382 = arith.constant 2.000000e-01 : f32
      %parallel_loop3A_383 = vector.broadcast %parallel_loop3A_382 : f32 to vector<16xf32>
      %parallel_loop3A_384 = arith.mulf %parallel_loop3A_383, %parallel_loop3A_381 : vector<16xf32>
      %parallel_loop3A_385 = arith.maximumf %parallel_loop3A_381, %parallel_loop3A_384 : vector<16xf32>
      %parallel_loop3A_386 = arith.subf %parallel_loop3A_385, %gather3A_176 : vector<16xf32>
      %parallel_loop3A_387 = math.exp %parallel_loop3A_386 : vector<16xf32>
      tpu.vector_store_idx %arg9[%parallel_loop3A_244, %add3A_57], %parallel_loop3A_387 : memref<2000x16xf32, #tpu.memory_space<vmem>>[vector<16xi32>, vector<16xi32>], vector<16xf32>,
      %parallel_loop3A_388 = arith.mulf %parallel_loop3A_387, %parallel_loop3A_374 : vector<16xf32>
      tpu.vector_store_idx %arg9[%parallel_loop3A_244, %add3A_105], %parallel_loop3A_388 : memref<2000x16xf32, #tpu.memory_space<vmem>>[vector<16xi32>, vector<16xi32>], vector<16xf32>,
    } {sc.loop_unroll_factor = 1 : i64, sc.parallel_access}
    "tpu.region"() ({
      %run_scoped3A = tpu.sem_alloc : memref<!tpu.dma_semaphore, #tpu.memory_space<semaphore_mem>>
      %dma_start3A = arith.constant 0 : i32
      %dma_start3A_226 = arith.constant 0 : i32
      %dma_start3A_227 = tpu.memref_slice %arg11[%dma_start3A, %dma_start3A_226] : memref<10240x16xf32, #tpu.memory_space<vmem_shared>> -> memref<10240x16xf32, #tpu.memory_space<vmem_shared>>
      tpu.enqueue_indirect_dma source(%arg9 : memref<2000x16xf32, #tpu.memory_space<vmem>>) target(%dma_start3A_227 : memref<10240x16xf32, #tpu.memory_space<vmem_shared>>) offsets(%arg8 : memref<2000xi32, #tpu.memory_space<vmem>>) semaphore(%run_scoped3A : memref<!tpu.dma_semaphore, #tpu.memory_space<semaphore_mem>>) {add = true}
      %dma_wait3A = arith.constant 0 : i32
      %dma_wait3A_228 = arith.constant 0 : i32
      %dma_wait3A_229 = tpu.memref_slice %arg11[%dma_wait3A, %dma_wait3A_228] : memref<10240x16xf32, #tpu.memory_space<vmem_shared>> -> memref<10240x16xf32, #tpu.memory_space<vmem_shared>>
      tpu.wait_indirect_dma semaphore(%run_scoped3A : memref<!tpu.dma_semaphore, #tpu.memory_space<semaphore_mem>>) src(%arg9 : memref<2000x16xf32, #tpu.memory_space<vmem>>) dst(%dma_wait3A_229 : memref<10240x16xf32, #tpu.memory_space<vmem_shared>>)
      tpu.yield
    }) : () -> ()
    %mul3A_212 = arith.constant 10000 : i32
    %mul3A_213 = arith.muli %add3A, %mul3A_212 : i32
    %add3A_214 = arith.constant 8000 : i32
    %add3A_215 = arith.addi %mul3A_213, %add3A_214 : i32
    "tpu.region"() ({
      %run_scoped3A = tpu.sem_alloc : memref<!tpu.dma_semaphore, #tpu.memory_space<semaphore_mem>>
      %dma_start3A = tpu.memref_slice %arg3[%add3A_215] : memref<640000xi32, #tpu.memory_space<hbm>> -> memref<2000xi32, #tpu.memory_space<hbm>>
      %dma_start3A_226 = tpu.memref_slice %arg3[%add3A_215] : memref<640000xi32, #tpu.memory_space<hbm>> -> memref<2000xi32, #tpu.memory_space<hbm>>
      tpu.enqueue_dma source(%dma_start3A_226 : memref<2000xi32, #tpu.memory_space<hbm>>) target(%arg7 : memref<2000xi32, #tpu.memory_space<vmem>>) target_semaphore(%run_scoped3A : memref<!tpu.dma_semaphore, #tpu.memory_space<semaphore_mem>>)
      %dma_wait3A = tpu.memref_slice %arg3[%add3A_215] : memref<640000xi32, #tpu.memory_space<hbm>> -> memref<2000xi32, #tpu.memory_space<hbm>>
      %dma_wait3A_227 = tpu.memref_slice %arg3[%add3A_215] : memref<640000xi32, #tpu.memory_space<hbm>> -> memref<2000xi32, #tpu.memory_space<hbm>>
      tpu.wait_dma2 semaphore(%run_scoped3A : memref<!tpu.dma_semaphore, #tpu.memory_space<semaphore_mem>>) src(%dma_wait3A_227 : memref<2000xi32, #tpu.memory_space<hbm>>) dst(%arg7 : memref<2000xi32, #tpu.memory_space<vmem>>)
      tpu.yield
    }) : () -> ()
    %add3A_216 = arith.constant 320000 : i32
    %add3A_217 = arith.addi %add3A_216, %add3A_215 : i32
    "tpu.region"() ({
      %run_scoped3A = tpu.sem_alloc : memref<!tpu.dma_semaphore, #tpu.memory_space<semaphore_mem>>
      %dma_start3A = tpu.memref_slice %arg3[%add3A_217] : memref<640000xi32, #tpu.memory_space<hbm>> -> memref<2000xi32, #tpu.memory_space<hbm>>
      %dma_start3A_226 = tpu.memref_slice %arg3[%add3A_217] : memref<640000xi32, #tpu.memory_space<hbm>> -> memref<2000xi32, #tpu.memory_space<hbm>>
      tpu.enqueue_dma source(%dma_start3A_226 : memref<2000xi32, #tpu.memory_space<hbm>>) target(%arg8 : memref<2000xi32, #tpu.memory_space<vmem>>) target_semaphore(%run_scoped3A : memref<!tpu.dma_semaphore, #tpu.memory_space<semaphore_mem>>)
      %dma_wait3A = tpu.memref_slice %arg3[%add3A_217] : memref<640000xi32, #tpu.memory_space<hbm>> -> memref<2000xi32, #tpu.memory_space<hbm>>
      %dma_wait3A_227 = tpu.memref_slice %arg3[%add3A_217] : memref<640000xi32, #tpu.memory_space<hbm>> -> memref<2000xi32, #tpu.memory_space<hbm>>
      tpu.wait_dma2 semaphore(%run_scoped3A : memref<!tpu.dma_semaphore, #tpu.memory_space<semaphore_mem>>) src(%dma_wait3A_227 : memref<2000xi32, #tpu.memory_space<hbm>>) dst(%arg8 : memref<2000xi32, #tpu.memory_space<vmem>>)
      tpu.yield
    }) : () -> ()
    %parallel_loop3A_218 = arith.constant 0 : i32
    %parallel_loop3A_219 = arith.constant 125 : i32
    %parallel_loop3A_220 = arith.constant 1 : i32
    scf.for %parallel_loop3A_226 = %parallel_loop3A_218 to %parallel_loop3A_219 step %parallel_loop3A_220  : i32 {
      %parallel_loop3A_227 = arith.constant 16 : i32
      %parallel_loop3A_228 = arith.muli %parallel_loop3A_226, %parallel_loop3A_227 : i32
      %parallel_loop3A_229 = arith.index_cast %parallel_loop3A_228 : i32 to index
      %parallel_loop3A_230 = tpu.vector_load %arg7[%parallel_loop3A_229] {strides = array<i32>} : memref<2000xi32, #tpu.memory_space<vmem>>, vector<16xi32>,
      %parallel_loop3A_231 = arith.constant 16 : i32
      %parallel_loop3A_232 = arith.muli %parallel_loop3A_226, %parallel_loop3A_231 : i32
      %parallel_loop3A_233 = arith.index_cast %parallel_loop3A_232 : i32 to index
      %parallel_loop3A_234 = tpu.vector_load %arg8[%parallel_loop3A_233] {strides = array<i32>} : memref<2000xi32, #tpu.memory_space<vmem>>, vector<16xi32>,
      %parallel_loop3A_235 = arith.constant 8 : i32
      %parallel_loop3A_236 = vector.broadcast %parallel_loop3A_235 : i32 to vector<16xi32>
      %parallel_loop3A_237 = arith.muli %parallel_loop3A_230, %parallel_loop3A_236 : vector<16xi32>
      %parallel_loop3A_238 = arith.constant 8 : i32
      %parallel_loop3A_239 = vector.broadcast %parallel_loop3A_238 : i32 to vector<16xi32>
      %parallel_loop3A_240 = arith.muli %parallel_loop3A_234, %parallel_loop3A_239 : vector<16xi32>
      %parallel_loop3A_241 = arith.constant 16 : i32
      %parallel_loop3A_242 = arith.muli %parallel_loop3A_226, %parallel_loop3A_241 : i32
      %parallel_loop3A_243 = vector.broadcast %parallel_loop3A_242 : i32 to vector<16xi32>
      %parallel_loop3A_244 = arith.addi %parallel_loop3A_243, %iota3A : vector<16xi32>
      %parallel_loop3A_245 = arith.constant 0 : i32
      %parallel_loop3A_246 = vector.broadcast %parallel_loop3A_245 : i32 to vector<16xi32>
      %parallel_loop3A_247 = arith.addi %parallel_loop3A_237, %parallel_loop3A_246 : vector<16xi32>
      %parallel_loop3A_248 = tpu.vector_load_idx %arg6[%parallel_loop3A_247] : memref<80000xf32, #tpu.memory_space<vmem>>[vector<16xi32>], vector<16xf32>,
      %parallel_loop3A_249 = arith.constant 0 : i32
      %parallel_loop3A_250 = vector.broadcast %parallel_loop3A_249 : i32 to vector<16xi32>
      %parallel_loop3A_251 = arith.addi %parallel_loop3A_240, %parallel_loop3A_250 : vector<16xi32>
      %parallel_loop3A_252 = tpu.vector_load_idx %arg6[%parallel_loop3A_251] : memref<80000xf32, #tpu.memory_space<vmem>>[vector<16xi32>], vector<16xf32>,
      %parallel_loop3A_253 = arith.mulf %parallel_loop3A_248, %gather3A : vector<16xf32>
      %parallel_loop3A_254 = arith.mulf %parallel_loop3A_252, %gather3A_116 : vector<16xf32>
      %parallel_loop3A_255 = arith.addf %parallel_loop3A_253, %parallel_loop3A_254 : vector<16xf32>
      %parallel_loop3A_256 = arith.constant 2.000000e-01 : f32
      %parallel_loop3A_257 = vector.broadcast %parallel_loop3A_256 : f32 to vector<16xf32>
      %parallel_loop3A_258 = arith.mulf %parallel_loop3A_257, %parallel_loop3A_255 : vector<16xf32>
      %parallel_loop3A_259 = arith.maximumf %parallel_loop3A_255, %parallel_loop3A_258 : vector<16xf32>
      %parallel_loop3A_260 = arith.subf %parallel_loop3A_259, %gather3A_148 : vector<16xf32>
      %parallel_loop3A_261 = math.exp %parallel_loop3A_260 : vector<16xf32>
      tpu.vector_store_idx %arg9[%parallel_loop3A_244, %add3A_15], %parallel_loop3A_261 : memref<2000x16xf32, #tpu.memory_space<vmem>>[vector<16xi32>, vector<16xi32>], vector<16xf32>,
      %parallel_loop3A_262 = arith.mulf %parallel_loop3A_261, %parallel_loop3A_248 : vector<16xf32>
      tpu.vector_store_idx %arg9[%parallel_loop3A_244, %add3A_63], %parallel_loop3A_262 : memref<2000x16xf32, #tpu.memory_space<vmem>>[vector<16xi32>, vector<16xi32>], vector<16xf32>,
      %parallel_loop3A_263 = arith.constant 1 : i32
      %parallel_loop3A_264 = vector.broadcast %parallel_loop3A_263 : i32 to vector<16xi32>
      %parallel_loop3A_265 = arith.addi %parallel_loop3A_237, %parallel_loop3A_264 : vector<16xi32>
      %parallel_loop3A_266 = tpu.vector_load_idx %arg6[%parallel_loop3A_265] : memref<80000xf32, #tpu.memory_space<vmem>>[vector<16xi32>], vector<16xf32>,
      %parallel_loop3A_267 = arith.constant 1 : i32
      %parallel_loop3A_268 = vector.broadcast %parallel_loop3A_267 : i32 to vector<16xi32>
      %parallel_loop3A_269 = arith.addi %parallel_loop3A_240, %parallel_loop3A_268 : vector<16xi32>
      %parallel_loop3A_270 = tpu.vector_load_idx %arg6[%parallel_loop3A_269] : memref<80000xf32, #tpu.memory_space<vmem>>[vector<16xi32>], vector<16xf32>,
      %parallel_loop3A_271 = arith.mulf %parallel_loop3A_266, %gather3A_106 : vector<16xf32>
      %parallel_loop3A_272 = arith.mulf %parallel_loop3A_270, %gather3A_120 : vector<16xf32>
      %parallel_loop3A_273 = arith.addf %parallel_loop3A_271, %parallel_loop3A_272 : vector<16xf32>
      %parallel_loop3A_274 = arith.constant 2.000000e-01 : f32
      %parallel_loop3A_275 = vector.broadcast %parallel_loop3A_274 : f32 to vector<16xf32>
      %parallel_loop3A_276 = arith.mulf %parallel_loop3A_275, %parallel_loop3A_273 : vector<16xf32>
      %parallel_loop3A_277 = arith.maximumf %parallel_loop3A_273, %parallel_loop3A_276 : vector<16xf32>
      %parallel_loop3A_278 = arith.subf %parallel_loop3A_277, %gather3A_152 : vector<16xf32>
      %parallel_loop3A_279 = math.exp %parallel_loop3A_278 : vector<16xf32>
      tpu.vector_store_idx %arg9[%parallel_loop3A_244, %add3A_21], %parallel_loop3A_279 : memref<2000x16xf32, #tpu.memory_space<vmem>>[vector<16xi32>, vector<16xi32>], vector<16xf32>,
      %parallel_loop3A_280 = arith.mulf %parallel_loop3A_279, %parallel_loop3A_266 : vector<16xf32>
      tpu.vector_store_idx %arg9[%parallel_loop3A_244, %add3A_69], %parallel_loop3A_280 : memref<2000x16xf32, #tpu.memory_space<vmem>>[vector<16xi32>, vector<16xi32>], vector<16xf32>,
      %parallel_loop3A_281 = arith.constant 2 : i32
      %parallel_loop3A_282 = vector.broadcast %parallel_loop3A_281 : i32 to vector<16xi32>
      %parallel_loop3A_283 = arith.addi %parallel_loop3A_237, %parallel_loop3A_282 : vector<16xi32>
      %parallel_loop3A_284 = tpu.vector_load_idx %arg6[%parallel_loop3A_283] : memref<80000xf32, #tpu.memory_space<vmem>>[vector<16xi32>], vector<16xf32>,
      %parallel_loop3A_285 = arith.constant 2 : i32
      %parallel_loop3A_286 = vector.broadcast %parallel_loop3A_285 : i32 to vector<16xi32>
      %parallel_loop3A_287 = arith.addi %parallel_loop3A_240, %parallel_loop3A_286 : vector<16xi32>
      %parallel_loop3A_288 = tpu.vector_load_idx %arg6[%parallel_loop3A_287] : memref<80000xf32, #tpu.memory_space<vmem>>[vector<16xi32>], vector<16xf32>,
      %parallel_loop3A_289 = arith.mulf %parallel_loop3A_284, %gather3A_107 : vector<16xf32>
      %parallel_loop3A_290 = arith.mulf %parallel_loop3A_288, %gather3A_124 : vector<16xf32>
      %parallel_loop3A_291 = arith.addf %parallel_loop3A_289, %parallel_loop3A_290 : vector<16xf32>
      %parallel_loop3A_292 = arith.constant 2.000000e-01 : f32
      %parallel_loop3A_293 = vector.broadcast %parallel_loop3A_292 : f32 to vector<16xf32>
      %parallel_loop3A_294 = arith.mulf %parallel_loop3A_293, %parallel_loop3A_291 : vector<16xf32>
      %parallel_loop3A_295 = arith.maximumf %parallel_loop3A_291, %parallel_loop3A_294 : vector<16xf32>
      %parallel_loop3A_296 = arith.subf %parallel_loop3A_295, %gather3A_156 : vector<16xf32>
      %parallel_loop3A_297 = math.exp %parallel_loop3A_296 : vector<16xf32>
      tpu.vector_store_idx %arg9[%parallel_loop3A_244, %add3A_27], %parallel_loop3A_297 : memref<2000x16xf32, #tpu.memory_space<vmem>>[vector<16xi32>, vector<16xi32>], vector<16xf32>,
      %parallel_loop3A_298 = arith.mulf %parallel_loop3A_297, %parallel_loop3A_284 : vector<16xf32>
      tpu.vector_store_idx %arg9[%parallel_loop3A_244, %add3A_75], %parallel_loop3A_298 : memref<2000x16xf32, #tpu.memory_space<vmem>>[vector<16xi32>, vector<16xi32>], vector<16xf32>,
      %parallel_loop3A_299 = arith.constant 3 : i32
      %parallel_loop3A_300 = vector.broadcast %parallel_loop3A_299 : i32 to vector<16xi32>
      %parallel_loop3A_301 = arith.addi %parallel_loop3A_237, %parallel_loop3A_300 : vector<16xi32>
      %parallel_loop3A_302 = tpu.vector_load_idx %arg6[%parallel_loop3A_301] : memref<80000xf32, #tpu.memory_space<vmem>>[vector<16xi32>], vector<16xf32>,
      %parallel_loop3A_303 = arith.constant 3 : i32
      %parallel_loop3A_304 = vector.broadcast %parallel_loop3A_303 : i32 to vector<16xi32>
      %parallel_loop3A_305 = arith.addi %parallel_loop3A_240, %parallel_loop3A_304 : vector<16xi32>
      %parallel_loop3A_306 = tpu.vector_load_idx %arg6[%parallel_loop3A_305] : memref<80000xf32, #tpu.memory_space<vmem>>[vector<16xi32>], vector<16xf32>,
      %parallel_loop3A_307 = arith.mulf %parallel_loop3A_302, %gather3A_108 : vector<16xf32>
      %parallel_loop3A_308 = arith.mulf %parallel_loop3A_306, %gather3A_128 : vector<16xf32>
      %parallel_loop3A_309 = arith.addf %parallel_loop3A_307, %parallel_loop3A_308 : vector<16xf32>
      %parallel_loop3A_310 = arith.constant 2.000000e-01 : f32
      %parallel_loop3A_311 = vector.broadcast %parallel_loop3A_310 : f32 to vector<16xf32>
      %parallel_loop3A_312 = arith.mulf %parallel_loop3A_311, %parallel_loop3A_309 : vector<16xf32>
      %parallel_loop3A_313 = arith.maximumf %parallel_loop3A_309, %parallel_loop3A_312 : vector<16xf32>
      %parallel_loop3A_314 = arith.subf %parallel_loop3A_313, %gather3A_160 : vector<16xf32>
      %parallel_loop3A_315 = math.exp %parallel_loop3A_314 : vector<16xf32>
      tpu.vector_store_idx %arg9[%parallel_loop3A_244, %add3A_33], %parallel_loop3A_315 : memref<2000x16xf32, #tpu.memory_space<vmem>>[vector<16xi32>, vector<16xi32>], vector<16xf32>,
      %parallel_loop3A_316 = arith.mulf %parallel_loop3A_315, %parallel_loop3A_302 : vector<16xf32>
      tpu.vector_store_idx %arg9[%parallel_loop3A_244, %add3A_81], %parallel_loop3A_316 : memref<2000x16xf32, #tpu.memory_space<vmem>>[vector<16xi32>, vector<16xi32>], vector<16xf32>,
      %parallel_loop3A_317 = arith.constant 4 : i32
      %parallel_loop3A_318 = vector.broadcast %parallel_loop3A_317 : i32 to vector<16xi32>
      %parallel_loop3A_319 = arith.addi %parallel_loop3A_237, %parallel_loop3A_318 : vector<16xi32>
      %parallel_loop3A_320 = tpu.vector_load_idx %arg6[%parallel_loop3A_319] : memref<80000xf32, #tpu.memory_space<vmem>>[vector<16xi32>], vector<16xf32>,
      %parallel_loop3A_321 = arith.constant 4 : i32
      %parallel_loop3A_322 = vector.broadcast %parallel_loop3A_321 : i32 to vector<16xi32>
      %parallel_loop3A_323 = arith.addi %parallel_loop3A_240, %parallel_loop3A_322 : vector<16xi32>
      %parallel_loop3A_324 = tpu.vector_load_idx %arg6[%parallel_loop3A_323] : memref<80000xf32, #tpu.memory_space<vmem>>[vector<16xi32>], vector<16xf32>,
      %parallel_loop3A_325 = arith.mulf %parallel_loop3A_320, %gather3A_109 : vector<16xf32>
      %parallel_loop3A_326 = arith.mulf %parallel_loop3A_324, %gather3A_132 : vector<16xf32>
      %parallel_loop3A_327 = arith.addf %parallel_loop3A_325, %parallel_loop3A_326 : vector<16xf32>
      %parallel_loop3A_328 = arith.constant 2.000000e-01 : f32
      %parallel_loop3A_329 = vector.broadcast %parallel_loop3A_328 : f32 to vector<16xf32>
      %parallel_loop3A_330 = arith.mulf %parallel_loop3A_329, %parallel_loop3A_327 : vector<16xf32>
      %parallel_loop3A_331 = arith.maximumf %parallel_loop3A_327, %parallel_loop3A_330 : vector<16xf32>
      %parallel_loop3A_332 = arith.subf %parallel_loop3A_331, %gather3A_164 : vector<16xf32>
      %parallel_loop3A_333 = math.exp %parallel_loop3A_332 : vector<16xf32>
      tpu.vector_store_idx %arg9[%parallel_loop3A_244, %add3A_39], %parallel_loop3A_333 : memref<2000x16xf32, #tpu.memory_space<vmem>>[vector<16xi32>, vector<16xi32>], vector<16xf32>,
      %parallel_loop3A_334 = arith.mulf %parallel_loop3A_333, %parallel_loop3A_320 : vector<16xf32>
      tpu.vector_store_idx %arg9[%parallel_loop3A_244, %add3A_87], %parallel_loop3A_334 : memref<2000x16xf32, #tpu.memory_space<vmem>>[vector<16xi32>, vector<16xi32>], vector<16xf32>,
      %parallel_loop3A_335 = arith.constant 5 : i32
      %parallel_loop3A_336 = vector.broadcast %parallel_loop3A_335 : i32 to vector<16xi32>
      %parallel_loop3A_337 = arith.addi %parallel_loop3A_237, %parallel_loop3A_336 : vector<16xi32>
      %parallel_loop3A_338 = tpu.vector_load_idx %arg6[%parallel_loop3A_337] : memref<80000xf32, #tpu.memory_space<vmem>>[vector<16xi32>], vector<16xf32>,
      %parallel_loop3A_339 = arith.constant 5 : i32
      %parallel_loop3A_340 = vector.broadcast %parallel_loop3A_339 : i32 to vector<16xi32>
      %parallel_loop3A_341 = arith.addi %parallel_loop3A_240, %parallel_loop3A_340 : vector<16xi32>
      %parallel_loop3A_342 = tpu.vector_load_idx %arg6[%parallel_loop3A_341] : memref<80000xf32, #tpu.memory_space<vmem>>[vector<16xi32>], vector<16xf32>,
      %parallel_loop3A_343 = arith.mulf %parallel_loop3A_338, %gather3A_110 : vector<16xf32>
      %parallel_loop3A_344 = arith.mulf %parallel_loop3A_342, %gather3A_136 : vector<16xf32>
      %parallel_loop3A_345 = arith.addf %parallel_loop3A_343, %parallel_loop3A_344 : vector<16xf32>
      %parallel_loop3A_346 = arith.constant 2.000000e-01 : f32
      %parallel_loop3A_347 = vector.broadcast %parallel_loop3A_346 : f32 to vector<16xf32>
      %parallel_loop3A_348 = arith.mulf %parallel_loop3A_347, %parallel_loop3A_345 : vector<16xf32>
      %parallel_loop3A_349 = arith.maximumf %parallel_loop3A_345, %parallel_loop3A_348 : vector<16xf32>
      %parallel_loop3A_350 = arith.subf %parallel_loop3A_349, %gather3A_168 : vector<16xf32>
      %parallel_loop3A_351 = math.exp %parallel_loop3A_350 : vector<16xf32>
      tpu.vector_store_idx %arg9[%parallel_loop3A_244, %add3A_45], %parallel_loop3A_351 : memref<2000x16xf32, #tpu.memory_space<vmem>>[vector<16xi32>, vector<16xi32>], vector<16xf32>,
      %parallel_loop3A_352 = arith.mulf %parallel_loop3A_351, %parallel_loop3A_338 : vector<16xf32>
      tpu.vector_store_idx %arg9[%parallel_loop3A_244, %add3A_93], %parallel_loop3A_352 : memref<2000x16xf32, #tpu.memory_space<vmem>>[vector<16xi32>, vector<16xi32>], vector<16xf32>,
      %parallel_loop3A_353 = arith.constant 6 : i32
      %parallel_loop3A_354 = vector.broadcast %parallel_loop3A_353 : i32 to vector<16xi32>
      %parallel_loop3A_355 = arith.addi %parallel_loop3A_237, %parallel_loop3A_354 : vector<16xi32>
      %parallel_loop3A_356 = tpu.vector_load_idx %arg6[%parallel_loop3A_355] : memref<80000xf32, #tpu.memory_space<vmem>>[vector<16xi32>], vector<16xf32>,
      %parallel_loop3A_357 = arith.constant 6 : i32
      %parallel_loop3A_358 = vector.broadcast %parallel_loop3A_357 : i32 to vector<16xi32>
      %parallel_loop3A_359 = arith.addi %parallel_loop3A_240, %parallel_loop3A_358 : vector<16xi32>
      %parallel_loop3A_360 = tpu.vector_load_idx %arg6[%parallel_loop3A_359] : memref<80000xf32, #tpu.memory_space<vmem>>[vector<16xi32>], vector<16xf32>,
      %parallel_loop3A_361 = arith.mulf %parallel_loop3A_356, %gather3A_111 : vector<16xf32>
      %parallel_loop3A_362 = arith.mulf %parallel_loop3A_360, %gather3A_140 : vector<16xf32>
      %parallel_loop3A_363 = arith.addf %parallel_loop3A_361, %parallel_loop3A_362 : vector<16xf32>
      %parallel_loop3A_364 = arith.constant 2.000000e-01 : f32
      %parallel_loop3A_365 = vector.broadcast %parallel_loop3A_364 : f32 to vector<16xf32>
      %parallel_loop3A_366 = arith.mulf %parallel_loop3A_365, %parallel_loop3A_363 : vector<16xf32>
      %parallel_loop3A_367 = arith.maximumf %parallel_loop3A_363, %parallel_loop3A_366 : vector<16xf32>
      %parallel_loop3A_368 = arith.subf %parallel_loop3A_367, %gather3A_172 : vector<16xf32>
      %parallel_loop3A_369 = math.exp %parallel_loop3A_368 : vector<16xf32>
      tpu.vector_store_idx %arg9[%parallel_loop3A_244, %add3A_51], %parallel_loop3A_369 : memref<2000x16xf32, #tpu.memory_space<vmem>>[vector<16xi32>, vector<16xi32>], vector<16xf32>,
      %parallel_loop3A_370 = arith.mulf %parallel_loop3A_369, %parallel_loop3A_356 : vector<16xf32>
      tpu.vector_store_idx %arg9[%parallel_loop3A_244, %add3A_99], %parallel_loop3A_370 : memref<2000x16xf32, #tpu.memory_space<vmem>>[vector<16xi32>, vector<16xi32>], vector<16xf32>,
      %parallel_loop3A_371 = arith.constant 7 : i32
      %parallel_loop3A_372 = vector.broadcast %parallel_loop3A_371 : i32 to vector<16xi32>
      %parallel_loop3A_373 = arith.addi %parallel_loop3A_237, %parallel_loop3A_372 : vector<16xi32>
      %parallel_loop3A_374 = tpu.vector_load_idx %arg6[%parallel_loop3A_373] : memref<80000xf32, #tpu.memory_space<vmem>>[vector<16xi32>], vector<16xf32>,
      %parallel_loop3A_375 = arith.constant 7 : i32
      %parallel_loop3A_376 = vector.broadcast %parallel_loop3A_375 : i32 to vector<16xi32>
      %parallel_loop3A_377 = arith.addi %parallel_loop3A_240, %parallel_loop3A_376 : vector<16xi32>
      %parallel_loop3A_378 = tpu.vector_load_idx %arg6[%parallel_loop3A_377] : memref<80000xf32, #tpu.memory_space<vmem>>[vector<16xi32>], vector<16xf32>,
      %parallel_loop3A_379 = arith.mulf %parallel_loop3A_374, %gather3A_112 : vector<16xf32>
      %parallel_loop3A_380 = arith.mulf %parallel_loop3A_378, %gather3A_144 : vector<16xf32>
      %parallel_loop3A_381 = arith.addf %parallel_loop3A_379, %parallel_loop3A_380 : vector<16xf32>
      %parallel_loop3A_382 = arith.constant 2.000000e-01 : f32
      %parallel_loop3A_383 = vector.broadcast %parallel_loop3A_382 : f32 to vector<16xf32>
      %parallel_loop3A_384 = arith.mulf %parallel_loop3A_383, %parallel_loop3A_381 : vector<16xf32>
      %parallel_loop3A_385 = arith.maximumf %parallel_loop3A_381, %parallel_loop3A_384 : vector<16xf32>
      %parallel_loop3A_386 = arith.subf %parallel_loop3A_385, %gather3A_176 : vector<16xf32>
      %parallel_loop3A_387 = math.exp %parallel_loop3A_386 : vector<16xf32>
      tpu.vector_store_idx %arg9[%parallel_loop3A_244, %add3A_57], %parallel_loop3A_387 : memref<2000x16xf32, #tpu.memory_space<vmem>>[vector<16xi32>, vector<16xi32>], vector<16xf32>,
      %parallel_loop3A_388 = arith.mulf %parallel_loop3A_387, %parallel_loop3A_374 : vector<16xf32>
      tpu.vector_store_idx %arg9[%parallel_loop3A_244, %add3A_105], %parallel_loop3A_388 : memref<2000x16xf32, #tpu.memory_space<vmem>>[vector<16xi32>, vector<16xi32>], vector<16xf32>,
    } {sc.loop_unroll_factor = 1 : i64, sc.parallel_access}
    "tpu.region"() ({
      %run_scoped3A = tpu.sem_alloc : memref<!tpu.dma_semaphore, #tpu.memory_space<semaphore_mem>>
      %dma_start3A = arith.constant 0 : i32
      %dma_start3A_226 = arith.constant 0 : i32
      %dma_start3A_227 = tpu.memref_slice %arg11[%dma_start3A, %dma_start3A_226] : memref<10240x16xf32, #tpu.memory_space<vmem_shared>> -> memref<10240x16xf32, #tpu.memory_space<vmem_shared>>
      tpu.enqueue_indirect_dma source(%arg9 : memref<2000x16xf32, #tpu.memory_space<vmem>>) target(%dma_start3A_227 : memref<10240x16xf32, #tpu.memory_space<vmem_shared>>) offsets(%arg8 : memref<2000xi32, #tpu.memory_space<vmem>>) semaphore(%run_scoped3A : memref<!tpu.dma_semaphore, #tpu.memory_space<semaphore_mem>>) {add = true}
      %dma_wait3A = arith.constant 0 : i32
      %dma_wait3A_228 = arith.constant 0 : i32
      %dma_wait3A_229 = tpu.memref_slice %arg11[%dma_wait3A, %dma_wait3A_228] : memref<10240x16xf32, #tpu.memory_space<vmem_shared>> -> memref<10240x16xf32, #tpu.memory_space<vmem_shared>>
      tpu.wait_indirect_dma semaphore(%run_scoped3A : memref<!tpu.dma_semaphore, #tpu.memory_space<semaphore_mem>>) src(%arg9 : memref<2000x16xf32, #tpu.memory_space<vmem>>) dst(%dma_wait3A_229 : memref<10240x16xf32, #tpu.memory_space<vmem_shared>>)
      tpu.yield
    }) : () -> ()
    %barrier3A_221 = arith.constant 0 : index
    tpu.barrier barrier_id(%barrier3A_221)
    %mul3A_222 = arith.constant 640 : i32
    %mul3A_223 = arith.muli %arg1, %mul3A_222 : i32
    %mul3A_224 = arith.constant 640 : i32
    %mul3A_225 = arith.muli %arg1, %mul3A_224 : i32
    "tpu.region"() ({
      %run_scoped3A = tpu.sem_alloc : memref<!tpu.dma_semaphore, #tpu.memory_space<semaphore_mem>>
      %dma_start3A = arith.constant 0 : i32
      %dma_start3A_226 = tpu.memref_slice %arg5[%arg0, %mul3A_225, %dma_start3A] : memref<2x10240x16xf32, #tpu.memory_space<hbm>> -> memref<1x640x16xf32, #tpu.memory_space<hbm>>
      %dma_start3A_227 = tpu.memref_squeeze %dma_start3A_226 : memref<1x640x16xf32, #tpu.memory_space<hbm>> -> memref<640x16xf32, #tpu.memory_space<hbm>>
      %dma_start3A_228 = arith.constant 0 : i32
      %dma_start3A_229 = tpu.memref_slice %arg11[%mul3A_223, %dma_start3A_228] : memref<10240x16xf32, #tpu.memory_space<vmem_shared>> -> memref<640x16xf32, #tpu.memory_space<vmem_shared>>
      tpu.enqueue_dma source(%dma_start3A_229 : memref<640x16xf32, #tpu.memory_space<vmem_shared>>) target(%dma_start3A_227 : memref<640x16xf32, #tpu.memory_space<hbm>>) target_semaphore(%run_scoped3A : memref<!tpu.dma_semaphore, #tpu.memory_space<semaphore_mem>>)
      %dma_wait3A = arith.constant 0 : i32
      %dma_wait3A_230 = tpu.memref_slice %arg5[%arg0, %mul3A_225, %dma_wait3A] : memref<2x10240x16xf32, #tpu.memory_space<hbm>> -> memref<1x640x16xf32, #tpu.memory_space<hbm>>
      %dma_wait3A_231 = tpu.memref_squeeze %dma_wait3A_230 : memref<1x640x16xf32, #tpu.memory_space<hbm>> -> memref<640x16xf32, #tpu.memory_space<hbm>>
      %dma_wait3A_232 = arith.constant 0 : i32
      %dma_wait3A_233 = tpu.memref_slice %arg11[%mul3A_223, %dma_wait3A_232] : memref<10240x16xf32, #tpu.memory_space<vmem_shared>> -> memref<640x16xf32, #tpu.memory_space<vmem_shared>>
      tpu.wait_dma2 semaphore(%run_scoped3A : memref<!tpu.dma_semaphore, #tpu.memory_space<semaphore_mem>>) src(%dma_wait3A_233 : memref<640x16xf32, #tpu.memory_space<vmem_shared>>) dst(%dma_wait3A_231 : memref<640x16xf32, #tpu.memory_space<hbm>>)
      tpu.yield
    }) : () -> ()
    return
  }
}

module attributes {stable_mosaic.version = 14 : i64} {
  func.func @_prep_body(%arg0: i32, %arg1: memref<1000x128xf32, #tpu.memory_space<vmem>>, %arg2: memref<128x8xf32, #tpu.memory_space<vmem>>, %arg3: memref<1x8xf32, #tpu.memory_space<vmem>>, %arg4: memref<1x8xf32, #tpu.memory_space<vmem>>, %arg5: memref<1000x8xf32, #tpu.memory_space<vmem>>, %arg6: memref<2x8xf32, #tpu.memory_space<vmem>>, %arg7: memref<3x16xf32, #tpu.memory_space<vmem>>) attributes {dimension_semantics = [#tpu.dimension_semantics<arbitrary>], iteration_bounds = array<i64: 10>, scalar_prefetch = 0 : i64, scratch_operands = 0 : i64, tpu.core_type = #tpu.core_type<tc>, window_params = [{transform_indices = @transform_0, window_bounds = array<i64: 1000, 128>}, {pipeline_mode = #tpu.pipeline_mode<synchronous>, transform_indices = @transform_1, window_bounds = array<i64: 128, 8>}, {pipeline_mode = #tpu.pipeline_mode<synchronous>, transform_indices = @transform_2, window_bounds = array<i64: 1, 8>}, {pipeline_mode = #tpu.pipeline_mode<synchronous>, transform_indices = @transform_3, window_bounds = array<i64: 1, 8>}, {transform_indices = @transform_4, window_bounds = array<i64: 1000, 8>}, {pipeline_mode = #tpu.pipeline_mode<synchronous>, transform_indices = @transform_5, window_bounds = array<i64: 2, 8>}, {pipeline_mode = #tpu.pipeline_mode<synchronous>, transform_indices = @transform_6, window_bounds = array<i64: 3, 16>}]} {
    %get3A = arith.constant 0 : index
    %get3A_0 = arith.constant 0 : index
    %get3A_1 = vector.load %arg1[%get3A, %get3A_0] : memref<1000x128xf32, #tpu.memory_space<vmem>>, vector<1000x128xf32>
    %get3A_2 = arith.constant 0 : index
    %get3A_3 = arith.constant 0 : index
    %get3A_4 = vector.load %arg2[%get3A_2, %get3A_3] : memref<128x8xf32, #tpu.memory_space<vmem>>, vector<128x8xf32>
    %dot_general3A = arith.constant dense<0.000000e+00> : vector<1000x8xf32>
    %dot_general3A_5 = tpu.matmul %get3A_1, %get3A_4, %dot_general3A {dimension_numbers = #tpu.dot_dimension_numbers<[1], [0], [0], [1], [0, 0, 1, 1], [], []>, transpose_lhs_hint = false} : vector<1000x128xf32>, vector<128x8xf32>, vector<1000x8xf32> -> vector<1000x8xf32>
    %swap3A = arith.constant 0 : index
    %swap3A_6 = arith.constant 0 : index
    %swap3A_7 = vector.load %arg5[%swap3A, %swap3A_6] : memref<1000x8xf32, #tpu.memory_space<vmem>>, vector<1000x8xf32>
    tpu.vector_store %arg5[%swap3A, %swap3A_6], %dot_general3A_5 {strides = array<i32>} : memref<1000x8xf32, #tpu.memory_space<vmem>>, vector<1000x8xf32>,
    %get3A_8 = arith.constant 0 : index
    %get3A_9 = arith.constant 0 : index
    %get3A_10 = vector.load %arg3[%get3A_8, %get3A_9] : memref<1x8xf32, #tpu.memory_space<vmem>>, vector<1x8xf32>
    %mul3A = vector.broadcast %get3A_10 : vector<1x8xf32> to vector<1000x8xf32>
    %mul3A_11 = arith.mulf %dot_general3A_5, %mul3A : vector<1000x8xf32>
    %reduce_max3A = arith.constant dense<0xFF800000> : vector<8xf32>
    %reduce_max3A_12 = vector.multi_reduction <maximumf>, %mul3A_11, %reduce_max3A [0] : vector<1000x8xf32> to vector<8xf32>
    %get3A_13 = arith.constant 0 : index
    %get3A_14 = arith.constant 0 : index
    %get3A_15 = vector.load %arg4[%get3A_13, %get3A_14] : memref<1x8xf32, #tpu.memory_space<vmem>>, vector<1x8xf32>
    %mul3A_16 = vector.broadcast %get3A_15 : vector<1x8xf32> to vector<1000x8xf32>
    %mul3A_17 = arith.mulf %dot_general3A_5, %mul3A_16 : vector<1000x8xf32>
    %reduce_max3A_18 = arith.constant dense<0xFF800000> : vector<8xf32>
    %reduce_max3A_19 = vector.multi_reduction <maximumf>, %mul3A_17, %reduce_max3A_18 [0] : vector<1000x8xf32> to vector<8xf32>
    %stack3A = vector.shape_cast %reduce_max3A_12 : vector<8xf32> to vector<1x8xf32>
    %stack3A_20 = vector.shape_cast %reduce_max3A_19 : vector<8xf32> to vector<1x8xf32>
    %stack3A_21 = tpu.concatenate %stack3A, %stack3A_20 in 0 : vector<1x8xf32>, vector<1x8xf32> -> vector<2x8xf32>
    %eq3A = arith.constant 0 : i32
    %eq3A_22 = arith.cmpi eq, %arg0, %eq3A : i32
    %convert_element_type3A = arith.extui %eq3A_22 : i1 to i32
    %cond3A = arith.constant 0 : i32
    %cond3A_23 = arith.cmpi ne, %convert_element_type3A, %cond3A : i32
    scf.if %cond3A_23 {
      %swap3A_33 = arith.constant 0 : index
      %swap3A_34 = arith.constant 0 : index
      %swap3A_35 = vector.load %arg6[%swap3A_33, %swap3A_34] : memref<2x8xf32, #tpu.memory_space<vmem>>, vector<2x8xf32>
      tpu.vector_store %arg6[%swap3A_33, %swap3A_34], %stack3A_21 {strides = array<i32>} : memref<2x8xf32, #tpu.memory_space<vmem>>, vector<2x8xf32>,
    } else {
    }
    %gt3A = arith.constant 0 : i32
    %gt3A_24 = arith.cmpi sgt, %arg0, %gt3A : i32
    %convert_element_type3A_25 = arith.extui %gt3A_24 : i1 to i32
    %cond3A_26 = arith.constant 0 : i32
    %cond3A_27 = arith.cmpi ne, %convert_element_type3A_25, %cond3A_26 : i32
    scf.if %cond3A_27 {
      %get3A_33 = arith.constant 0 : index
      %get3A_34 = arith.constant 0 : index
      %get3A_35 = vector.load %arg6[%get3A_33, %get3A_34] : memref<2x8xf32, #tpu.memory_space<vmem>>, vector<2x8xf32>
      %max3A = arith.maximumf %get3A_35, %stack3A_21 : vector<2x8xf32>
      %swap3A_36 = arith.constant 0 : index
      %swap3A_37 = arith.constant 0 : index
      %swap3A_38 = vector.load %arg6[%swap3A_36, %swap3A_37] : memref<2x8xf32, #tpu.memory_space<vmem>>, vector<2x8xf32>
      tpu.vector_store %arg6[%swap3A_36, %swap3A_37], %max3A {strides = array<i32>} : memref<2x8xf32, #tpu.memory_space<vmem>>, vector<2x8xf32>,
    } else {
    }
    %eq3A_28 = arith.constant 9 : i32
    %eq3A_29 = arith.cmpi eq, %arg0, %eq3A_28 : i32
    %convert_element_type3A_30 = arith.extui %eq3A_29 : i1 to i32
    %cond3A_31 = arith.constant 0 : i32
    %cond3A_32 = arith.cmpi ne, %convert_element_type3A_30, %cond3A_31 : i32
    scf.if %cond3A_32 {
      %get3A_33 = arith.constant 0 : index
      %get3A_34 = arith.constant 0 : index
      %get3A_35 = vector.load %arg6[%get3A_33, %get3A_34] : memref<2x8xf32, #tpu.memory_space<vmem>>, vector<2x8xf32>
      %slice3A = vector.extract_strided_slice %get3A_35 {offsets = [0, 0], sizes = [1, 8], strides = [1, 1]} : vector<2x8xf32> to vector<1x8xf32>
      %slice3A_36 = vector.extract_strided_slice %get3A_35 {offsets = [1, 0], sizes = [1, 8], strides = [1, 1]} : vector<2x8xf32> to vector<1x8xf32>
      %add3A = arith.addf %slice3A, %slice3A_36 : vector<1x8xf32>
      %mul3A_37 = arith.constant 2.000000e-01 : f32
      %mul3A_38 = vector.broadcast %mul3A_37 : f32 to vector<1x8xf32>
      %mul3A_39 = arith.mulf %mul3A_38, %add3A : vector<1x8xf32>
      %max3A = arith.maximumf %add3A, %mul3A_39 : vector<1x8xf32>
      %broadcast_in_dim3A = arith.constant 0.000000e+00 : f32
      %broadcast_in_dim3A_40 = vector.broadcast %broadcast_in_dim3A : f32 to vector<1x8xf32>
      %get3A_41 = arith.constant 0 : index
      %get3A_42 = arith.constant 0 : index
      %get3A_43 = vector.load %arg3[%get3A_41, %get3A_42] : memref<1x8xf32, #tpu.memory_space<vmem>>, vector<1x8xf32>
      %concatenate3A = tpu.concatenate %get3A_43, %broadcast_in_dim3A_40 in 1 : vector<1x8xf32>, vector<1x8xf32> -> vector<1x16xf32>
      %get3A_44 = arith.constant 0 : index
      %get3A_45 = arith.constant 0 : index
      %get3A_46 = vector.load %arg4[%get3A_44, %get3A_45] : memref<1x8xf32, #tpu.memory_space<vmem>>, vector<1x8xf32>
      %concatenate3A_47 = tpu.concatenate %get3A_46, %broadcast_in_dim3A_40 in 1 : vector<1x8xf32>, vector<1x8xf32> -> vector<1x16xf32>
      %concatenate3A_48 = tpu.concatenate %max3A, %broadcast_in_dim3A_40 in 1 : vector<1x8xf32>, vector<1x8xf32> -> vector<1x16xf32>
      %concatenate3A_49 = tpu.concatenate %concatenate3A, %concatenate3A_47, %concatenate3A_48 in 0 : vector<1x16xf32>, vector<1x16xf32>, vector<1x16xf32> -> vector<3x16xf32>
      %swap3A_50 = arith.constant 0 : index
      %swap3A_51 = arith.constant 0 : index
      %swap3A_52 = vector.load %arg7[%swap3A_50, %swap3A_51] : memref<3x16xf32, #tpu.memory_space<vmem>>, vector<3x16xf32>
      tpu.vector_store %arg7[%swap3A_50, %swap3A_51], %concatenate3A_49 {strides = array<i32>} : memref<3x16xf32, #tpu.memory_space<vmem>>, vector<3x16xf32>,
    } else {
    }
    return
  }
  func.func @transform_0(%arg0: i32) -> (i32, i32) {
    %c0_i32 = arith.constant 0 : i32
    %c0_i32_0 = arith.constant 0 : i32
    return %arg0, %c0_i32 : i32, i32
  }
  func.func @transform_1(%arg0: i32) -> (i32, i32) {
    %c0_i32 = arith.constant 0 : i32
    %c0_i32_0 = arith.constant 0 : i32
    %c0_i32_1 = arith.constant 0 : i32
    return %c0_i32, %c0_i32_0 : i32, i32
  }
  func.func @transform_2(%arg0: i32) -> (i32, i32) {
    %c0_i32 = arith.constant 0 : i32
    %c0_i32_0 = arith.constant 0 : i32
    %c0_i32_1 = arith.constant 0 : i32
    return %c0_i32, %c0_i32_0 : i32, i32
  }
  func.func @transform_3(%arg0: i32) -> (i32, i32) {
    %c0_i32 = arith.constant 0 : i32
    %c0_i32_0 = arith.constant 0 : i32
    %c0_i32_1 = arith.constant 0 : i32
    return %c0_i32, %c0_i32_0 : i32, i32
  }
  func.func @transform_4(%arg0: i32) -> (i32, i32) {
    %c0_i32 = arith.constant 0 : i32
    %c0_i32_0 = arith.constant 0 : i32
    return %arg0, %c0_i32 : i32, i32
  }
  func.func @transform_5(%arg0: i32) -> (i32, i32) {
    %c0_i32 = arith.constant 0 : i32
    %c0_i32_0 = arith.constant 0 : i32
    %c0_i32_1 = arith.constant 0 : i32
    return %c0_i32, %c0_i32_0 : i32, i32
  }
  func.func @transform_6(%arg0: i32) -> (i32, i32) {
    %c0_i32 = arith.constant 0 : i32
    %c0_i32_0 = arith.constant 0 : i32
    %c0_i32_1 = arith.constant 0 : i32
    return %c0_i32, %c0_i32_0 : i32, i32
  }
}

module attributes {stable_mosaic.version = 14 : i64} {
  func.func @_final_body(%arg0: i32, %arg1: memref<2x1000x16xf32, #tpu.memory_space<vmem>>, %arg2: memref<1x8xf32, #tpu.memory_space<vmem>>, %arg3: memref<1x8xf32, #tpu.memory_space<vmem>>, %arg4: memref<1x1xf32, #tpu.memory_space<vmem>>, %arg5: memref<1x1xf32, #tpu.memory_space<vmem>>, %arg6: memref<1000x1xf32, #tpu.memory_space<vmem>>) attributes {dimension_semantics = [#tpu.dimension_semantics<arbitrary>], iteration_bounds = array<i64: 10>, scalar_prefetch = 0 : i64, scratch_operands = 0 : i64, tpu.core_type = #tpu.core_type<tc>, window_params = [{transform_indices = @transform_0, window_bounds = array<i64: 2, 1000, 16>}, {pipeline_mode = #tpu.pipeline_mode<synchronous>, transform_indices = @transform_1, window_bounds = array<i64: 1, 8>}, {pipeline_mode = #tpu.pipeline_mode<synchronous>, transform_indices = @transform_2, window_bounds = array<i64: 1, 8>}, {pipeline_mode = #tpu.pipeline_mode<synchronous>, transform_indices = @transform_3, window_bounds = array<i64: 1, 1>}, {pipeline_mode = #tpu.pipeline_mode<synchronous>, transform_indices = @transform_4, window_bounds = array<i64: 1, 1>}, {transform_indices = @transform_5, window_bounds = array<i64: 1000, 1>}]} {
    %get3A = arith.constant 0 : index
    %get3A_0 = arith.constant 0 : index
    %get3A_1 = arith.constant 0 : index
    %get3A_2 = vector.load %arg1[%get3A, %get3A_0, %get3A_1] : memref<2x1000x16xf32, #tpu.memory_space<vmem>>, vector<1x1000x16xf32>
    %get3A_3 = vector.shape_cast %get3A_2 : vector<1x1000x16xf32> to vector<1000x16xf32>
    %get3A_4 = arith.constant 1 : index
    %get3A_5 = arith.constant 0 : index
    %get3A_6 = arith.constant 0 : index
    %get3A_7 = vector.load %arg1[%get3A_4, %get3A_5, %get3A_6] : memref<2x1000x16xf32, #tpu.memory_space<vmem>>, vector<1x1000x16xf32>
    %get3A_8 = vector.shape_cast %get3A_7 : vector<1x1000x16xf32> to vector<1000x16xf32>
    %add3A = arith.addf %get3A_3, %get3A_8 : vector<1000x16xf32>
    %slice3A = vector.extract_strided_slice %add3A {offsets = [0, 0], sizes = [1000, 8], strides = [1, 1]} : vector<1000x16xf32> to vector<1000x8xf32>
    %slice3A_9 = vector.extract_strided_slice %add3A {offsets = [0, 8], sizes = [1000, 8], strides = [1, 1]} : vector<1000x16xf32> to vector<1000x8xf32>
    %add3A_10 = arith.constant 1.000000e-16 : f32
    %add3A_11 = vector.broadcast %add3A_10 : f32 to vector<1000x8xf32>
    %add3A_12 = arith.addf %slice3A, %add3A_11 : vector<1000x8xf32>
    %div3A = arith.divf %slice3A_9, %add3A_12 : vector<1000x8xf32>
    %get3A_13 = arith.constant 0 : index
    %get3A_14 = arith.constant 0 : index
    %get3A_15 = vector.load %arg2[%get3A_13, %get3A_14] : memref<1x8xf32, #tpu.memory_space<vmem>>, vector<1x8xf32>
    %add3A_16 = vector.broadcast %get3A_15 : vector<1x8xf32> to vector<1000x8xf32>
    %add3A_17 = arith.addf %div3A, %add3A_16 : vector<1000x8xf32>
    %get3A_18 = arith.constant 0 : index
    %get3A_19 = arith.constant 0 : index
    %get3A_20 = vector.load %arg3[%get3A_18, %get3A_19] : memref<1x8xf32, #tpu.memory_space<vmem>>, vector<1x8xf32>
    %mul3A = vector.broadcast %get3A_20 : vector<1x8xf32> to vector<1000x8xf32>
    %mul3A_21 = arith.mulf %add3A_17, %mul3A : vector<1000x8xf32>
    %reduce_sum3A = arith.constant dense<0.000000e+00> : vector<1000xf32>
    %reduce_sum3A_22 = vector.multi_reduction <add>, %mul3A_21, %reduce_sum3A [1] : vector<1000x8xf32> to vector<1000xf32>
    %broadcast_in_dim3A = vector.shape_cast %reduce_sum3A_22 : vector<1000xf32> to vector<1000x1xf32>
    %get3A_23 = arith.constant 0 : index
    %get3A_24 = arith.constant 0 : index
    %get3A_25 = vector.load %arg4[%get3A_23, %get3A_24] : memref<1x1xf32, #tpu.memory_space<vmem>>, vector<1x1xf32>
    %add3A_26 = vector.broadcast %get3A_25 : vector<1x1xf32> to vector<1000x1xf32>
    %add3A_27 = arith.addf %broadcast_in_dim3A, %add3A_26 : vector<1000x1xf32>
    %max3A = arith.constant 0.000000e+00 : f32
    %max3A_28 = vector.broadcast %max3A : f32 to vector<1000x1xf32>
    %max3A_29 = arith.maximumf %add3A_27, %max3A_28 : vector<1000x1xf32>
    %get3A_30 = arith.constant 0 : index
    %get3A_31 = arith.constant 0 : index
    %get3A_32 = vector.load %arg5[%get3A_30, %get3A_31] : memref<1x1xf32, #tpu.memory_space<vmem>>, vector<1x1xf32>
    %add3A_33 = vector.broadcast %get3A_32 : vector<1x1xf32> to vector<1000x1xf32>
    %add3A_34 = arith.addf %max3A_29, %add3A_33 : vector<1000x1xf32>
    %swap3A = arith.constant 0 : index
    %swap3A_35 = arith.constant 0 : index
    %swap3A_36 = vector.load %arg6[%swap3A, %swap3A_35] : memref<1000x1xf32, #tpu.memory_space<vmem>>, vector<1000x1xf32>
    tpu.vector_store %arg6[%swap3A, %swap3A_35], %add3A_34 {strides = array<i32>} : memref<1000x1xf32, #tpu.memory_space<vmem>>, vector<1000x1xf32>,
    return
  }
  func.func @transform_0(%arg0: i32) -> (i32, i32, i32) {
    %c0_i32 = arith.constant 0 : i32
    %c0_i32_0 = arith.constant 0 : i32
    %c0_i32_1 = arith.constant 0 : i32
    return %c0_i32, %arg0, %c0_i32_0 : i32, i32, i32
  }
  func.func @transform_1(%arg0: i32) -> (i32, i32) {
    %c0_i32 = arith.constant 0 : i32
    %c0_i32_0 = arith.constant 0 : i32
    %c0_i32_1 = arith.constant 0 : i32
    return %c0_i32, %c0_i32_0 : i32, i32
  }
  func.func @transform_2(%arg0: i32) -> (i32, i32) {
    %c0_i32 = arith.constant 0 : i32
    %c0_i32_0 = arith.constant 0 : i32
    %c0_i32_1 = arith.constant 0 : i32
    return %c0_i32, %c0_i32_0 : i32, i32
  }
  func.func @transform_3(%arg0: i32) -> (i32, i32) {
    %c0_i32 = arith.constant 0 : i32
    %c0_i32_0 = arith.constant 0 : i32
    %c0_i32_1 = arith.constant 0 : i32
    return %c0_i32, %c0_i32_0 : i32, i32
  }
  func.func @transform_4(%arg0: i32) -> (i32, i32) {
    %c0_i32 = arith.constant 0 : i32
    %c0_i32_0 = arith.constant 0 : i32
    %c0_i32_1 = arith.constant 0 : i32
    return %c0_i32, %c0_i32_0 : i32, i32
  }
  func.func @transform_5(%arg0: i32) -> (i32, i32) {
    %c0_i32 = arith.constant 0 : i32
    %c0_i32_0 = arith.constant 0 : i32
    return %arg0, %c0_i32 : i32, i32
  }
}

</mosaic_0001>

<sc_bundles>
// kernel: kernel.5.cloned.1.call-start
scs
__scs_entry_jumppad:
0x0: {  	(pc) =	sbr.rel $0x88, $3  }
0x1: {  	(tag) =	ssettag $0x0;
	lr =	simm.s32 $0x1  }
0x2: {  	[smem:$0x3F98] =	sst lr;
	_ =	strace $0xD0000000  }
0x3: {  	_ = 	snop  }
0x4: {  	_ = 	snop  }
0x5: {  	_ = 	snop  }
0x6: {  	_ = 	snop  }
0x7: {  	_ = 	snop  }
__scs_overlays_trampoline_lowered:
0x8: {  	[smem:$0x3FA7] =	sst s0  }
0x9: {  	[smem:$0x3FA8] =	sst s1  }
0xa: {  	[smem:$0x3FA9] =	sst s2  }
0xb: {  	[smem:$0x3FAA] =	sst s3  }
0xc: {  	[smem:$0x3FAB] =	sst s4  }
0xd: {  	[smem:$0x3FAC] =	sst s5  }
0xe: {  	[smem:$0x3FAD] =	sst s6  }
0xf: {  	[smem:$0x3FAE] =	sst s7  }
0x10: {  	[smem:$0x3FAF] =	sst s8  }
0x11: {  	[smem:$0x3FB0] =	sst s9;
	s0 =	simm.s32 @!p0 $0x0  }
0x12: {  	s1 =	sld [smem:$0x3F96];
	s0 =	simm.s32 @p0 $0x1  }
0x13: {  	[smem:$0x3FB1] =	sst s0;
	s0 =	simm.s32 @!p1 $0x0  }
0x14: {  	s2 =	sld [smem:$0x3F95];
	s0 =	simm.s32 @p1 $0x1  }
0x15: {  	[smem:$0x3FB2] =	sst s0;
	s0 =	simm.s32 @!p2 $0x0  }
0x16: {  	s3 =	sld [smem:$0x3FDB];
	s0 =	simm.s32 @p2 $0x1  }
0x17: {  	s4 =	simm.s32 $0x1BF5;
	[smem:$0x3FB4] =	sst s0  }
0x18: {  	s0 =	sld [smem:$0x3F97];
	_ =	swait.ge [sflag:s4], $0x0  }
0x19: {  	s7 =	sld [smem:$0x3F98]  }
0x1a: {  	s8 =	sadd.s32 $0xFFFFE003, lr  }
0x1b: {  	s9 =	sadd.s32 $0xFFFFFEF7, lr;
	s5 =	simm.s32 $0xFFFFFFFF;
	p2 =	slt.u32 s8, $0xFFFFF086  }
0x1c: {  	p1 =	slt.u32 s9, $0xF7A;
	s5 =	simm.s32 @!p2 $0x0  }
0x1d: {  	s5 =	simm.s32 @p1 $0x1;
	p0 =	seq.s32 s7, s2  }
0x1e: {  	s7 =	smul.u32 @!p0 $0xF7A, s2;
	p2 =	seq.s32 @!p0 s5, $0x0  }
0x1f: {  	s9 =	smul.u32 $0xF7A, s1;
	s8 =	simm.s32 @!p0 $0x1BF5;
	p2 =	por !p2, p0  }
0x20: {  	[sflag:s8] =	ssyncset.s32 @!p0 $0xFFFFF086;
	s6 =	sadd.s32 @!p0 s3, s7;
	s7 =	simm.s32 @!p0 $0x108  }
0x21: {  	s3 =	sadd.s32 s3, s9;
	s6 =	sadd.s32 @!p0 $0x88, s6;
	s7 =	simm.s32 @p2 $0x1082  }
0x22: {  	[simem:s7], [sflag:s8] =	dma.local @!p0 [hbm:s6], $0xF7A  }
0x23: {  	s9 =	sor.u32 $0xD0000000, s2;
	s6 =	simm.s32 $0x108;
	_ =	swait.ge @!p0 [sflag:s8], $0x0  }
0x24: {  	s3 =	sadd.s32 $0x88, s3;
	s6 =	simm.s32 @!p1 $0x1082;
	[sflag:s4] =	ssyncset.s32 $0xFFFFF086  }
0x25: {  	[simem:s6], [sflag:s4] =	dma.local [hbm:s3], $0xF7A  }
0x26: {  	[smem:$0x3F98] =	sst s1;
	(tag) =	ssettag s2;
	_ =	strace s9  }
0x27: {  	s1 =	sld [smem:$0x3FA8]  }
0x28: {  	s2 =	sld [smem:$0x3FA9]  }
0x29: {  	s4 =	sld [smem:$0x3FAB]  }
0x2a: {  	p0 =	seq.s32 s5, $0x0;
	s5 =	sld [smem:$0x3FAC]  }
0x2b: {  	s6 =	sld [smem:$0x3FAD]  }
0x2c: {  	s7 =	sld [smem:$0x3FAE]  }
0x2d: {  	s3 =	simm.s32 $0x108;
	s8 =	sld [smem:$0x3FAF]  }
0x2e: {  	s3 =	simm.s32 @!p0 $0x1082;
	s9 =	sld [smem:$0x3FB0]  }
0x2f: {  	lr =	sadd.s32 s0, s3;
	s0 =	sld [smem:$0x3FA7]  }
0x30: {  	s3 =	sld [smem:$0x3FAA]  }
0x31: {  	[smem:$0x3FB3] =	sst s10  }
0x32: {  	s10 =	sld [smem:$0x3FB1];
	_ =	sdelay $0x3  }
0x33: {  	p0 =	seq.s32 s10, $0x1;
	s10 =	sld [smem:$0x3FB3];
	_ =	sdelay $0x3  }
0x34: {  	[smem:$0x3FB3] =	sst s10  }
0x35: {  	s10 =	sld [smem:$0x3FB2];
	_ =	sdelay $0x3  }
0x36: {  	p1 =	seq.s32 s10, $0x1;
	s10 =	sld [smem:$0x3FB3];
	_ =	sdelay $0x3  }
0x37: {  	[smem:$0x3FB3] =	sst s10  }
0x38: {  	s10 =	sld [smem:$0x3FB4]  }
0x39: {  	_ = 	snop;
	(pc) =	sbr.ind lr, $3  }
0x3a: {  	_ = 	snop  }
0x3b: {  	_ = 	snop  }
0x3c: {  	p2 =	seq.s32 s10, $0x1;
	s10 =	sld [smem:$0x3FB3]  }
0x3d: {  	_ =	shalt  }
0x3e: {  	_ =	shalt  }
0x3f: {  	_ =	shalt  }
0x40: {  	_ =	shalt  }
0x41: {  	_ =	shalt  }
0x42: {  	_ =	shalt  }
0x43: {  	_ =	shalt  }
0x44: {  	_ =	shalt  }
0x45: {  	_ =	shalt  }
0x46: {  	_ =	shalt  }
0x47: {  	_ =	shalt  }
0x48: {  	_ =	shalt  }
0x49: {  	_ =	shalt  }
0x4a: {  	_ =	shalt  }
0x4b: {  	_ =	shalt  }
0x4c: {  	_ =	shalt  }
0x4d: {  	_ =	shalt  }
0x4e: {  	_ =	shalt  }
0x4f: {  	_ =	shalt  }
0x50: {  	_ =	shalt  }
0x51: {  	_ =	shalt  }
0x52: {  	_ =	shalt  }
0x53: {  	_ =	shalt  }
0x54: {  	_ =	shalt  }
0x55: {  	_ =	shalt  }
0x56: {  	_ =	shalt  }
0x57: {  	_ =	shalt  }
0x58: {  	_ =	shalt  }
0x59: {  	_ =	shalt  }
0x5a: {  	_ =	shalt  }
0x5b: {  	_ =	shalt  }
0x5c: {  	_ =	shalt  }
0x5d: {  	_ =	shalt  }
0x5e: {  	_ =	shalt  }
0x5f: {  	_ =	shalt  }
0x60: {  	_ =	shalt  }
0x61: {  	_ =	shalt  }
0x62: {  	_ =	shalt  }
0x63: {  	_ =	shalt  }
0x64: {  	_ =	shalt  }
0x65: {  	_ =	shalt  }
0x66: {  	_ =	shalt  }
0x67: {  	_ =	shalt  }
0x68: {  	_ =	shalt  }
0x69: {  	_ =	shalt  }
0x6a: {  	_ =	shalt  }
0x6b: {  	_ =	shalt  }
0x6c: {  	_ =	shalt  }
0x6d: {  	_ =	shalt  }
0x6e: {  	_ =	shalt  }
0x6f: {  	_ =	shalt  }
0x70: {  	_ =	shalt  }
0x71: {  	_ =	shalt  }
0x72: {  	_ =	shalt  }
0x73: {  	_ =	shalt  }
0x74: {  	_ =	shalt  }
0x75: {  	_ =	shalt  }
0x76: {  	_ =	shalt  }
0x77: {  	_ =	shalt  }
0x78: {  	_ =	shalt  }
0x79: {  	_ =	shalt  }
0x7a: {  	_ =	shalt  }
0x7b: {  	_ =	shalt  }
0x7c: {  	_ =	shalt  }
0x7d: {  	_ =	shalt  }
0x7e: {  	_ =	shalt  }
0x7f: {  	_ =	shalt  }
0x80: {  	_ =	shalt  }
0x81: {  	_ =	shalt  }
0x82: {  	_ =	shalt  }
0x83: {  	_ =	shalt  }
0x84: {  	_ =	shalt  }
0x85: {  	_ =	shalt  }
0x86: {  	_ =	shalt  }
0x87: {  	_ =	shalt  }
.Lfunc_end0:
.L_simem_size_0:
called_computation_lowered:
.L_overlay_start_0:
0x88: {  	s2 =	sld [smem:$0x3FD9]  }
0x89: {  	s3 =	sld [smem:$0x3FFE];
	_ =	sdelay $0x1  }
0x8a: {  	s1 =	srdreg.scid  }
0x8b: {  	s0 =	sand.u32 $0x1, s1  }
0x8c: {  	s17 =	sshll.u32 s0, $0xA;
	s2 =	sadd.s32 s3, s2  }
0x8d: {  	s2 =	sadd.s32 s2, s17  }
0x8e: {  	[smem:$0x3FBF] =	sst s2  }
0x8f: {  	_ = 	snop  }
0x90: {  	s2 =	sld [smem:$0x3FD0];
	(tm) =	ssettm $0x1  }
0x91: {  	s18 =	sld [smem:$0x3FFB];
	_ =	sdelay $0x3  }
0x92: {  	_ =	strace s18  }
0x93: {  	s3 =	sld [smem:$0x3FFC];
	_ =	sdelay $0x3  }
0x94: {  	_ =	strace s3  }
0x95: {  	s3 =	sld [smem:$0x3FFD];
	_ =	sdelay $0x3  }
0x96: {  	_ =	strace s3  }
0x97: {  	_ =	strace $0x8FFFFFFF  }
0x98: {  	s19 =	sld [smem:$0x3FDB];
	_ =	sdelay $0x1  }
0x99: {  	s4 =	simm.s32 $_scs_section_size  }
0x9a: {  	s5 =	simm.s32 $_size__tile_overlayer_lowered;
	s6 =	simm.s32 $_tile_overlayer_lowered  }
0x9b: {  	s22 =	simm.s32 $0x1BFF;
	s21 =	sshll.u32 s6, $0x1;
	s3 =	sadd.s32 s4, s19  }
0x9c: {  	s7 =	simm.s32 $0x0;
	s20 =	sshll.u32 s5, $0x1;
	s5 =	sadd.s32 s21, s3  }
0x9d: {  	[timem:s7], [sflag:s22] =	dma.local [hbm:s5], s20  }
0x9e: {  	_ =	swait.ge [sflag:s22], s20  }
0x9f: {  	s4 =	ssub.s32 $0x0, s20;
	[sflag:s22] =	ssyncset.done $0x0  }
0xa0: {  	[sflag:s22] =	ssyncadd.s32 s4;
	_ =	sdelay $0x1  }
0xa1: {  	s23 =	simm.s32 $0x1B8B  }
0xa2: {  	_ =	swait.ge [sflag:s23], $0x1  }
0xa3: {  	[sflag:s23] =	ssyncset.done $0x0  }
0xa4: {  	s25 =	simm.s32 $0x1B8E;
	s24 =	sld [smem:$0x3FFE];
	[sflag:s23] =	ssyncadd.s32 $0xFFFFFFFF  }
0xa5: {  	s26 =	simm.s32 $execute0_lowered;
	[smem:$0x3FD2] =	sst s25  }
0xa6: {  	s5 =	sshll.u32 s26, $0x1;
	_ =	strace $0x80000046;
	[dreg:$0x1] =	wrdreg $0xFFFFFFFF  }
0xa7: {  	s28 =	simm.s32 $_size_execute0_lowered;
	s3 =	sadd.s32 s3, s5;
	[dreg:$0x0] =	wrdreg $0x0  }
0xa8: {  	s5 =	sshll.u32 s28, $0x1;
	[dreg:$0x2] =	wrdreg s3  }
0xa9: {  	[dreg:$0x3] =	wrdreg s5  }
0xaa: {  	[dreg:$0x4] =	wrdreg $0xC0  }
0xab: {  	_ =	task [dreg:s7], $0x5FFFF  }
0xac: {  	[dreg:$0x1] =	wrdreg $0xFFFFFFFF  }
0xad: {  	[dreg:$0x0] =	wrdreg $0x60  }
0xae: {  	[dreg:$0x2] =	wrdreg s24  }
0xaf: {  	[dreg:$0x3] =	wrdreg s2  }
0xb0: {  	[dreg:$0x4] =	wrdreg $0x1C5500  }
0xb1: {  	[dreg:$0x5] =	wrdreg $0x9  }
0xb2: {  	_ =	task.clear_ibuf [dreg:s7], $0x6FFFF;
	_ =	strace $0x90000046  }
0xb3: {  	s29 =	simm.s32 $0x9;
	_ =	strace $0x80000048  }
0xb4: {  	_ =	swait.ge [sflag:s29], $0x1  }
0xb5: {  	[sflag:s29] =	ssyncadd.s32 $0xFFFFFFFF  }
0xb6: {  	_ =	strace $0x90000048  }
0xb7: {  	_ =	sfence  }
0xb8: {  	s30 =	sld [smem:$0x0];
	_ =	sdelay $0x2  }
0xb9: {  	s31 =	sshll.u32 s1, $0xD;
	s1 =	sshrl.u32 s1, $0x2  }
0xba: {  	s3 =	sand.u32 $0x4000, s31;
	s1 =	sadd.s32 s1, s30  }
0xbb: {  	s0 =	sor.u32 s3, s0;
	s1 =	sshll.u32 s1, $0x11  }
0xbc: {  	s0 =	sor.u32 s1, s0  }
0xbd: {  	s0 =	sadd.s32 $0x8F2B, s0  }
0xbe: {  	[sflag:s0] =	ssyncadd.remote.s32 $0x1  }
0xbf: {  	_ =	sfence.sel $0xFFFF  }
0xc0: {  	[dreg:$0x0] =	wrdreg $0xFFFFFFFF;
	(pc) =	sbr.abs _section_cstart, $3  }
0xc1: {  	[dreg:$0x1] =	wrdreg $0xFFFFFFFF  }
0xc2: {  	_ =	task.clear_ibuf [dreg:s7], $0x2FFFF;
	_ =	strace $0x9FFFFFFF  }
0xc3: {  	(tm) =	ssettm $0x7FFFFFFF  }
tec
execute0_lowered:
.L_overlay_start_1:
0x0: {  	(tag) =	ssettag $0x1  }
0x1: {  	s7 =	rddreg [dreg:$0x0]  }
0x2: {  	s2 =	rddreg [dreg:$0x1]  }
0x3: {  	s0 =	srdreg.scid;
	s3 =	rddreg [dreg:$0x2]  }
0x4: {  	s4 =	simm.s32 $0x0;
	s19 =	simm.s32 $0x1;
	s20 =	simm.s32 $0x1C520  }
0x5: {  	s21 =	simm.s32 $0x14820;
	s22 =	simm.s32 $0x7D0;
	s23 =	simm.s32 $0x14050  }
0x6: {  	s24 =	simm.s32 $0x0;
	s6 =	sand.u32 $0x1, s0;
	s0 =	stileid.u32  }
0x7: {  	[smem:$0x7FF] =	sst s4;
	s1 =	sshll.u32 s6, $0x4;
	s9 =	smul.u32 $0x2800, s0  }
0x8: {  	s10 =	smul.u32 $0x28000, s6;
	s6 =	ssub.s32 $0x2, s6;
	s1 =	sor.u32 s0, s1  }
0x9: {  	s5 =	sadd.s32 $0x14A00, s7;
	s31 =	sshrl.u32 s6, $0x1;
	s8 =	smul.u32 $0x2710, s1  }
0xa: {  	s1 =	rddreg [dreg:$0x3];
	_ =	strace $0x80000047;
	s10 =	sadd.s32 s9, s10  }
0xb: {  	s18 =	ssub.s32 s6, s31;
	s30 =	sshrl.u32 s10, $0x3;
	s8 =	sshrl.u32 s8, $0x3  }
0xc: {  	s6 =	sadd.s32 s9, s3;
	s17 =	sadd.s32 s30, s7;
	s16 =	sadd.s32 s8, s7  }
0xd: {  	s18 =	smax.u32 s18, $0x1;
	s17 =	sadd.s32 $0x17200, s17;
	s7 =	sadd.s32 $0x1000, s16  }
0xe: {  	s8 =	sadd.s32 $0xAC40, s16;
	s9 =	sadd.s32 $0x10FA, s16;
	s10 =	sadd.s32 $0xAD3A, s16  }
0xf: {  	v1 =	vlaneseq.u32;
	s11 =	sadd.s32 $0x11F4, s16;
	s12 =	sadd.s32 $0xAE34, s16;
	s13 =	sadd.s32 $0x12EE, s16  }
0x10: {  	v0 =	vimm.f32 $0.0e+00;
	v25 =	vmul.u32 $0x10, v1;
	s14 =	sadd.s32 $0xAF2E, s16;
	s15 =	sadd.s32 $0x13E8, s16;
	s16 =	sadd.s32 $0xB028, s16  }
.LBB2_1:
0x11: {  	[tilespmem:s4], [sflag:$0x1] =	stream.linear.gather [hbm4b:s5+s4], $0x13880, $0x38;
	[tilespmem:$0x1ED50] =	vst v63  }
0x12: {  	_ =	swait.ge [sflag:s19], $0x13880  }
0x13: {  	[sflag:s19] =	ssyncset.done $0x0  }
0x14: {  	[sflag:s19] =	ssyncadd.s32 $0xFFFEC780  }
0x15: {  	[tilespmem:s20], [sflag:$0x1] =	stream.linear.gather [hbm4b:s2+s4], $0x30, $0x38;
	[tilespmem:$0x1ED50] =	vst v63  }
0x16: {  	_ =	swait.ge [sflag:s19], $0x30  }
0x17: {  	[sflag:s19] =	ssyncset.done $0x0  }
0x18: {  	s25 =	simm.s32 $0x40;
	s26 =	simm.s32 $0x0;
	[sflag:s19] =	ssyncadd.s32 $0xFFFFFFD0  }
.LBB2_2:
0x19: {  	p0 =	sne.s32 s25, $0x9FC0;
	[tilespmem:s26+$0x14820] =	vst v0;
	s26 =	smov.u32 s25;
	s25 =	sadd.s32 $0x40, s25  }
.Ltmp0:
0x1a: {  	(pc) =	sbr.rel @p0 .LBB2_2-.Ltmp0, $2  }
0x1b: {  	_ =	sdelay $0x2  }
0x1c: {  	s26 =	sshra.s32 s26, $0x2  }
0x1d: {  	[tilespmem:s26+$0x14820] =	vst v0  }
0x1e: {  	v0 =	vimm.s32 $0x1;
	[spmem:s6] =	stream.linear.scatter [tilespmem:s21], [sflag:$0x1], $0x2800, $0x38;
	[tilespmem:$0x1ED50] =	vst v63  }
0x1f: {  	_ =	swait.ge [sflag:s19], $0x2800  }
0x20: {  	[sflag:s19] =	ssyncset.done $0x0  }
0x21: {  	[sflag:s19] =	ssyncadd.s32 $0xFFFFD800  }
0x22: {  	[bflag:$0x0] =	sbarrier.arrive $0xFFFF  }
0x23: {  	v26 =	vld.idx.msk [tilespmem:v0+s20+$0x0], $0xffff;
	v0 =	vimm.s32 $0x2;
	_ =	sdelay $0x4  }
0x24: {  	v48 =	vld.idx.msk [tilespmem:v0+s20+$0x0], $0xffff;
	v0 =	vimm.s32 $0x3;
	_ =	sdelay $0x4  }
0x25: {  	v46 =	vld.idx.msk [tilespmem:v0+s20+$0x0], $0xffff;
	v0 =	vimm.s32 $0x4;
	_ =	sdelay $0x4  }
0x26: {  	v36 =	vld.idx.msk [tilespmem:v0+s20+$0x0], $0xffff;
	v0 =	vimm.s32 $0x5;
	_ =	sdelay $0x4  }
0x27: {  	v37 =	vld.idx.msk [tilespmem:v0+s20+$0x0], $0xffff;
	v0 =	vimm.s32 $0x6;
	_ =	sdelay $0x4  }
0x28: {  	v4 =	vld.idx.msk [tilespmem:v0+s20+$0x0], $0xffff;
	v0 =	vimm.s32 $0x7;
	_ =	sdelay $0x4  }
0x29: {  	v0 =	vld.idx.msk [tilespmem:v0+s20+$0x0], $0xffff;
	_ =	sdelay $0x4  }
0x2a: {  	[tilespmem:$0x1FFC0] =	vst v0;
	v0 =	vimm.s32 $0x10;
	_ =	sdelay $0x4  }
0x2b: {  	v30 =	vld.idx.msk [tilespmem:v0+s20+$0x0], $0xffff;
	v0 =	vimm.s32 $0x11;
	_ =	sdelay $0x4  }
0x2c: {  	v27 =	vld.idx.msk [tilespmem:v0+s20+$0x0], $0xffff;
	v0 =	vimm.s32 $0x12;
	_ =	sdelay $0x4  }
0x2d: {  	v24 =	vld.idx.msk [tilespmem:v0+s20+$0x0], $0xffff;
	v0 =	vimm.s32 $0x13;
	_ =	sdelay $0x4  }
0x2e: {  	v42 =	vld.idx.msk [tilespmem:v0+s20+$0x0], $0xffff;
	v0 =	vimm.s32 $0x14;
	_ =	sdelay $0x4  }
0x2f: {  	v39 =	vld.idx.msk [tilespmem:v0+s20+$0x0], $0xffff;
	v0 =	vimm.s32 $0x15;
	_ =	sdelay $0x4  }
0x30: {  	v40 =	vld.idx.msk [tilespmem:v0+s20+$0x0], $0xffff;
	v0 =	vimm.s32 $0x16;
	_ =	sdelay $0x4  }
0x31: {  	v5 =	vld.idx.msk [tilespmem:v0+s20+$0x0], $0xffff;
	v0 =	vimm.s32 $0x17;
	_ =	sdelay $0x4  }
0x32: {  	v0 =	vld.idx.msk [tilespmem:v0+s20+$0x0], $0xffff;
	_ =	sdelay $0x4  }
0x33: {  	[tilespmem:$0x1FFD0] =	vst v0;
	v0 =	vimm.s32 $0x20;
	_ =	sdelay $0x4  }
0x34: {  	v35 =	vld.idx.msk [tilespmem:v0+s20+$0x0], $0xffff;
	v0 =	vimm.s32 $0x21;
	_ =	sdelay $0x4  }
0x35: {  	v33 =	vld.idx.msk [tilespmem:v0+s20+$0x0], $0xffff;
	v0 =	vimm.s32 $0x22;
	_ =	sdelay $0x4  }
0x36: {  	v32 =	vld.idx.msk [tilespmem:v0+s20+$0x0], $0xffff;
	v0 =	vimm.s32 $0x23;
	_ =	sdelay $0x4  }
0x37: {  	v29 =	vld.idx.msk [tilespmem:v0+s20+$0x0], $0xffff;
	v0 =	vimm.s32 $0x24;
	_ =	sdelay $0x4  }
0x38: {  	v45 =	vld.idx.msk [tilespmem:v0+s20+$0x0], $0xffff;
	v0 =	vimm.s32 $0x25;
	_ =	sdelay $0x4  }
0x39: {  	v43 =	vld.idx.msk [tilespmem:v0+s20+$0x0], $0xffff;
	v0 =	vimm.s32 $0x26;
	_ =	sdelay $0x4  }
0x3a: {  	v38 =	vld.idx.msk [tilespmem:v0+s20+$0x0], $0xffff;
	v0 =	vimm.s32 $0x27;
	_ =	sdelay $0x4  }
0x3b: {  	v0 =	vld.idx.msk [tilespmem:v0+s20+$0x0], $0xffff;
	_ =	sdelay $0x2  }
0x3c: {  	s25 =	simm.s32 $0x0;
	s30 =	simm.s32 $0x13880  }
0x3d: {  	v47 =	vld.msk [tilespmem:s20+$0x0], $0xffff;
	[tilespmem:s30], [sflag:$0x1] =	stream.linear.gather [hbm4b:s7+s25], $0x7D0, $0x38  }
0x3e: {  	[tilespmem:$0x1FFE0] =	vst v0  }
0x3f: {  	_ =	swait.ge [sflag:s19], $0x7D0  }
0x40: {  	[sflag:s19] =	ssyncset.done $0x0  }
0x41: {  	s28 =	simm.s32 $0x14050;
	[sflag:s19] =	ssyncadd.s32 $0xFFFFF830  }
0x42: {  	[tilespmem:s28], [sflag:$0x1] =	stream.linear.gather [hbm4b:s8+s25], $0x7D0, $0x38;
	[tilespmem:$0x1ED50] =	vst v63  }
0x43: {  	_ =	swait.ge [sflag:s19], $0x7D0  }
0x44: {  	[sflag:s19] =	ssyncset.done $0x0  }
0x45: {  	[sflag:s19] =	ssyncadd.s32 $0xFFFFF830  }
0x46: {  	v1 =	vld [tilespmem:s30+$0x0]  }
0x47: {  	v2 =	vld [tilespmem:s28+$0x0];
	_ =	sdelay $0x3  }
0x48: {  	v23 =	vshll.u32 v1, $0x3  }
0x49: {  	v0 =	vshll.u32 v2, $0x3;
	_ =	sdelay $0x3  }
0x4a: {  	v1 =	vld.idx.msk [tilespmem:v23+s4+$0x0], $0xffff  }
0x4b: {  	v2 =	vld.idx.msk [tilespmem:v0+s4+$0x0], $0xffff;
	_ =	sdelay $0x4  }
0x4c: {  	v3 =	vmul.f32 v1, v47;
	v2 =	vmul.f32 v2, v30;
	_ =	sdelay $0x1  }
0x4d: {  	v2 =	vadd.f32 v2, v3;
	_ =	sdelay $0x1  }
0x4e: {  	v3 =	vmul.f32 $2.000000030e-01, v2;
	_ =	sdelay $0x1  }
0x4f: {  	v2 =	vmax.f32 v2, v3  }
0x50: {  	v2 =	vsub.f32 v2, v35;
	_ =	sdelay $0x1  }
0x51: {  	v2 =	vmul.f32 $1.442695020e+00, v2;
	_ =	sdelay $0x1  }
0x52: {  	(erf) = vpow2.f32 v2;
	_ =	sdelay $0x3  }
0x53: {  	v2 =	vmov s25  }
0x54: {  	v2 =	vshll.u32 v2, $0x4  }
0x55: {  	s26 =	simm.s32 $0x14060;
	v49 =	vor.u32 v25, v2  }
0x56: {  	s31 =	simm.s32 $0x13890;
	v6 =	vld [tilespmem:s26+$0x0];
	v3 =	vor.u32 $0x8, v49  }
0x57: {  	v7 =	vor.u32 $0x1, v23;
	v2 =	vld [tilespmem:s31+$0x0]  }
0x58: {  	v9 =	vor.u32 $0x1, v0;
	v8 =	vpop (erf)  }
0x59: {  	v10 =	vmul.f32 v8, v1  }
0x5a: {  	[tilespmem:v49+s21+$0x0] =	vst.idx.msk $0xffff, v8  }
0x5b: {  	[tilespmem:v3+s21+$0x0] =	vst.idx.msk $0xffff, v10  }
0x5c: {  	v63 =	vshll.u32 v6, $0x3;
	v1 =	vshll.u32 v2, $0x3;
	v2 =	vld.idx.msk [tilespmem:v7+s4+$0x0], $0xffff  }
0x5d: {  	v3 =	vld.idx.msk [tilespmem:v9+s4+$0x0], $0xffff;
	_ =	sdelay $0x3  }
0x5e: {  	v7 =	vld.idx.msk [tilespmem:v63+s4+$0x0], $0xffff  }
0x5f: {  	v6 =	vld.idx.msk [tilespmem:v1+s4+$0x0], $0xffff;
	v8 =	vmul.f32 v2, v26;
	v3 =	vmul.f32 v3, v27;
	_ =	sdelay $0x1  }
0x60: {  	v3 =	vadd.f32 v3, v8;
	_ =	sdelay $0x1  }
0x61: {  	v9 =	vmul.f32 $2.000000030e-01, v3  }
0x62: {  	v7 =	vmul.f32 v7, v30;
	v8 =	vmul.f32 v6, v47  }
0x63: {  	v3 =	vmax.f32 v3, v9  }
0x64: {  	v7 =	vadd.f32 v7, v8;
	v3 =	vsub.f32 v3, v33;
	_ =	sdelay $0x1  }
0x65: {  	v8 =	vmul.f32 $2.000000030e-01, v7;
	v3 =	vmul.f32 $1.442695020e+00, v3;
	_ =	sdelay $0x1  }
0x66: {  	v7 =	vmax.f32 v7, v8;
	(erf) = vpow2.f32 v3  }
0x67: {  	v7 =	vsub.f32 v7, v35;
	_ =	sdelay $0x1  }
0x68: {  	v3 =	vmul.f32 $1.442695020e+00, v7;
	_ =	sdelay $0x1  }
0x69: {  	(erf) = vpow2.f32 v3  }
0x6a: {  	v3 =	vor.u32 $0x1, v49  }
0x6b: {  	v7 =	vor.u32 $0x9, v49  }
0x6c: {  	s30 =	simm.s32 $0x10;
	v9 =	vor.u32 $0x2, v23  }
0x6d: {  	v10 =	vor.u32 $0x2, v0;
	v8 =	vmov s30;
	v11 =	vpop (erf)  }
0x6e: {  	s31 =	simm.s32 $0x138A0;
	v8 =	vshll.u32 v8, $0x4;
	v2 =	vmul.f32 v11, v2  }
0x6f: {  	s26 =	simm.s32 $0x14070;
	v50 =	vor.u32 v25, v8;
	v8 =	vld [tilespmem:s31+$0x0];
	[tilespmem:v3+s21+$0x0] =	vst.idx.msk $0xffff, v11  }
0x70: {  	v12 =	vor.u32 $0x8, v50;
	v3 =	vld [tilespmem:s26+$0x0];
	[tilespmem:v7+s21+$0x0] =	vst.idx.msk $0xffff, v2  }
0x71: {  	v11 =	vor.u32 $0x1, v1;
	v9 =	vld.idx.msk [tilespmem:v9+s4+$0x0], $0xffff  }
0x72: {  	v7 =	vor.u32 $0x1, v63;
	v10 =	vld.idx.msk [tilespmem:v10+s4+$0x0], $0xffff;
	v2 =	vpop (erf)  }
0x73: {  	v6 =	vmul.f32 v2, v6  }
0x74: {  	[tilespmem:v50+s21+$0x0] =	vst.idx.msk $0xffff, v2  }
0x75: {  	[tilespmem:v12+s21+$0x0] =	vst.idx.msk $0xffff, v6  }
0x76: {  	v58 =	vshll.u32 v8, $0x3;
	v2 =	vld.idx.msk [tilespmem:v11+s4+$0x0], $0xffff  }
0x77: {  	v59 =	vshll.u32 v3, $0x3;
	v3 =	vld.idx.msk [tilespmem:v7+s4+$0x0], $0xffff;
	v6 =	vmul.f32 v9, v48;
	v7 =	vmul.f32 v10, v24;
	_ =	sdelay $0x1  }
0x78: {  	v6 =	vadd.f32 v7, v6;
	_ =	sdelay $0x1  }
0x79: {  	v8 =	vld.idx.msk [tilespmem:v58+s4+$0x0], $0xffff;
	v11 =	vmul.f32 $2.000000030e-01, v6  }
0x7a: {  	v7 =	vld.idx.msk [tilespmem:v59+s4+$0x0], $0xffff;
	v10 =	vmul.f32 v2, v26;
	v3 =	vmul.f32 v3, v27  }
0x7b: {  	v6 =	vmax.f32 v6, v11  }
0x7c: {  	v3 =	vadd.f32 v3, v10;
	v6 =	vsub.f32 v6, v32;
	_ =	sdelay $0x1  }
0x7d: {  	v11 =	vmul.f32 $2.000000030e-01, v3;
	v6 =	vmul.f32 $1.442695020e+00, v6  }
0x7e: {  	v10 =	vmul.f32 v8, v47;
	v7 =	vmul.f32 v7, v30  }
0x7f: {  	v3 =	vmax.f32 v3, v11;
	(erf) = vpow2.f32 v6  }
0x80: {  	v7 =	vadd.f32 v7, v10;
	v3 =	vsub.f32 v3, v33;
	_ =	sdelay $0x1  }
0x81: {  	v6 =	vmul.f32 $2.000000030e-01, v7;
	v3 =	vmul.f32 $1.442695020e+00, v3;
	_ =	sdelay $0x1  }
0x82: {  	v6 =	vmax.f32 v7, v6;
	(erf) = vpow2.f32 v3  }
0x83: {  	v6 =	vsub.f32 v6, v35;
	_ =	sdelay $0x1  }
0x84: {  	v3 =	vmul.f32 $1.442695020e+00, v6;
	v6 =	vor.u32 $0x2, v49  }
0x85: {  	v7 =	vor.u32 $0xA, v49;
	v11 =	vpop (erf)  }
0x86: {  	(erf) = vpow2.f32 v3;
	v3 =	vor.u32 $0x3, v23;
	v9 =	vmul.f32 v11, v9  }
0x87: {  	v12 =	vor.u32 $0x1, v50;
	v10 =	vor.u32 $0x3, v0  }
0x88: {  	v13 =	vor.u32 $0x9, v50  }
0x89: {  	v14 =	vor.u32 $0x2, v1;
	s30 =	simm.s32 $0x20;
	s31 =	simm.s32 $0x138B0;
	[tilespmem:v6+s21+$0x0] =	vst.idx.msk $0xffff, v11  }
0x8a: {  	v6 =	vmov s30;
	v11 =	vld [tilespmem:s31+$0x0];
	[tilespmem:v7+s21+$0x0] =	vst.idx.msk $0xffff, v9;
	v7 =	vor.u32 $0x2, v63;
	v9 =	vpop (erf)  }
0x8b: {  	v6 =	vshll.u32 v6, $0x4;
	v3 =	vld.idx.msk [tilespmem:v3+s4+$0x0], $0xffff;
	v2 =	vmul.f32 v9, v2  }
0x8c: {  	s26 =	simm.s32 $0x14080;
	v51 =	vor.u32 v25, v6;
	v6 =	vld.idx.msk [tilespmem:v10+s4+$0x0], $0xffff;
	[tilespmem:v12+s21+$0x0] =	vst.idx.msk $0xffff, v9  }
0x8d: {  	v15 =	vld [tilespmem:s26+$0x0];
	v10 =	vor.u32 $0x8, v51;
	[tilespmem:v13+s21+$0x0] =	vst.idx.msk $0xffff, v2  }
0x8e: {  	v9 =	vor.u32 $0x1, v58;
	v13 =	vld.idx.msk [tilespmem:v14+s4+$0x0], $0xffff  }
0x8f: {  	v12 =	vor.u32 $0x1, v59;
	v7 =	vld.idx.msk [tilespmem:v7+s4+$0x0], $0xffff;
	v2 =	vpop (erf)  }
0x90: {  	v8 =	vmul.f32 v2, v8  }
0x91: {  	v56 =	vshll.u32 v11, $0x3;
	v6 =	vmul.f32 v6, v42;
	[tilespmem:v51+s21+$0x0] =	vst.idx.msk $0xffff, v2;
	v2 =	vmul.f32 v3, v46  }
0x92: {  	v54 =	vshll.u32 v15, $0x3;
	[tilespmem:v10+s21+$0x0] =	vst.idx.msk $0xffff, v8  }
0x93: {  	v2 =	vadd.f32 v6, v2;
	v8 =	vld.idx.msk [tilespmem:v9+s4+$0x0], $0xffff  }
0x94: {  	v6 =	vld.idx.msk [tilespmem:v12+s4+$0x0], $0xffff;
	v9 =	vmul.f32 v13, v48;
	v7 =	vmul.f32 v7, v24  }
0x95: {  	v10 =	vmul.f32 $2.000000030e-01, v2  }
0x96: {  	v11 =	vld.idx.msk [tilespmem:v56+s4+$0x0], $0xffff;
	v7 =	vadd.f32 v7, v9  }
0x97: {  	v12 =	vld.idx.msk [tilespmem:v54+s4+$0x0], $0xffff;
	v2 =	vmax.f32 v2, v10  }
0x98: {  	v2 =	vsub.f32 v2, v29;
	v10 =	vmul.f32 $2.000000030e-01, v7  }
0x99: {  	v9 =	vmul.f32 v8, v26;
	v6 =	vmul.f32 v6, v27  }
0x9a: {  	v2 =	vmul.f32 $1.442695020e+00, v2  }
0x9b: {  	v14 =	vmul.f32 v11, v47;
	v7 =	vmax.f32 v7, v10;
	v6 =	vadd.f32 v6, v9  }
0x9c: {  	v9 =	vmul.f32 v12, v30;
	(erf) = vpow2.f32 v2;
	v2 =	vsub.f32 v7, v32  }
0x9d: {  	v7 =	vmul.f32 $2.000000030e-01, v6  }
0x9e: {  	v9 =	vadd.f32 v9, v14;
	v2 =	vmul.f32 $1.442695020e+00, v2  }
0x9f: {  	v6 =	vmax.f32 v6, v7  }
0xa0: {  	v7 =	vmul.f32 $2.000000030e-01, v9;
	v6 =	vsub.f32 v6, v33;
	(erf) = vpow2.f32 v2;
	_ =	sdelay $0x1  }
0xa1: {  	v2 =	vor.u32 $0x3, v49;
	v7 =	vmax.f32 v9, v7;
	v6 =	vmul.f32 $1.442695020e+00, v6  }
0xa2: {  	v9 =	vor.u32 $0xB, v49;
	v7 =	vsub.f32 v7, v35  }
0xa3: {  	v10 =	vor.u32 $0x4, v23;
	(erf) = vpow2.f32 v6  }
0xa4: {  	v14 =	vor.u32 $0x2, v50;
	v6 =	vmul.f32 $1.442695020e+00, v7;
	v7 =	vor.u32 $0x4, v0;
	v12 =	vpop (erf)  }
0xa5: {  	v3 =	vmul.f32 v12, v3  }
0xa6: {  	(erf) = vpow2.f32 v6;
	[tilespmem:v2+s21+$0x0] =	vst.idx.msk $0xffff, v12  }
0xa7: {  	s30 =	simm.s32 $0x30;
	[tilespmem:v9+s21+$0x0] =	vst.idx.msk $0xffff, v3  }
0xa8: {  	v15 =	vmov s30;
	v2 =	vor.u32 $0xA, v50;
	v6 =	vld.idx.msk [tilespmem:v10+s4+$0x0], $0xffff;
	v10 =	vpop (erf)  }
0xa9: {  	v3 =	vor.u32 $0x3, v1;
	v7 =	vld.idx.msk [tilespmem:v7+s4+$0x0], $0xffff;
	v13 =	vmul.f32 v10, v13;
	[tilespmem:v14+s21+$0x0] =	vst.idx.msk $0xffff, v10;
	v10 =	vshll.u32 v15, $0x4  }
0xaa: {  	s31 =	simm.s32 $0x138C0;
	v12 =	vor.u32 $0x1, v51;
	v9 =	vor.u32 $0x3, v63  }
0xab: {  	v16 =	vld [tilespmem:s31+$0x0];
	s30 =	simm.s32 $0x14090;
	v17 =	vor.u32 $0x9, v51  }
0xac: {  	v14 =	vld [tilespmem:s30+$0x0];
	v15 =	vor.u32 $0x2, v58;
	v52 =	vor.u32 v25, v10;
	v10 =	vpop (erf)  }
0xad: {  	[tilespmem:v2+s21+$0x0] =	vst.idx.msk $0xffff, v13;
	v2 =	vor.u32 $0x2, v59;
	v13 =	vor.u32 $0x8, v52;
	v8 =	vmul.f32 v10, v8  }
0xae: {  	v18 =	vor.u32 $0x1, v56;
	v3 =	vld.idx.msk [tilespmem:v3+s4+$0x0], $0xffff;
	v19 =	vmul.f32 v6, v36;
	v7 =	vmul.f32 v7, v39  }
0xaf: {  	v9 =	vld.idx.msk [tilespmem:v9+s4+$0x0], $0xffff;
	[tilespmem:v12+s21+$0x0] =	vst.idx.msk $0xffff, v10;
	v12 =	vor.u32 $0x1, v54;
	v10 =	vpop (erf)  }
0xb0: {  	v55 =	vshll.u32 v16, $0x3;
	[tilespmem:v17+s21+$0x0] =	vst.idx.msk $0xffff, v8;
	v8 =	vmul.f32 v10, v11;
	v7 =	vadd.f32 v7, v19  }
0xb1: {  	v57 =	vshll.u32 v14, $0x3;
	[tilespmem:v52+s21+$0x0] =	vst.idx.msk $0xffff, v10;
	v11 =	vld.idx.msk [tilespmem:v15+s4+$0x0], $0xffff  }
0xb2: {  	v2 =	vld.idx.msk [tilespmem:v2+s4+$0x0], $0xffff;
	[tilespmem:v13+s21+$0x0] =	vst.idx.msk $0xffff, v8;
	v8 =	vmul.f32 $2.000000030e-01, v7  }
0xb3: {  	v13 =	vld.idx.msk [tilespmem:v18+s4+$0x0], $0xffff  }
0xb4: {  	v10 =	vmul.f32 v3, v46;
	v9 =	vmul.f32 v9, v42;
	v12 =	vld.idx.msk [tilespmem:v12+s4+$0x0], $0xffff;
	v7 =	vmax.f32 v7, v8  }
0xb5: {  	v8 =	vld.idx.msk [tilespmem:v55+s4+$0x0], $0xffff;
	v7 =	vsub.f32 v7, v45  }
0xb6: {  	v9 =	vadd.f32 v9, v10;
	v10 =	vld.idx.msk [tilespmem:v57+s4+$0x0], $0xffff;
	v14 =	vmul.f32 v11, v48  }
0xb7: {  	v2 =	vmul.f32 v2, v24;
	v7 =	vmul.f32 $1.442695020e+00, v7  }
0xb8: {  	v15 =	vmul.f32 $2.000000030e-01, v9  }
0xb9: {  	v16 =	vmul.f32 v13, v26;
	v2 =	vadd.f32 v2, v14;
	(erf) = vpow2.f32 v7  }
0xba: {  	v9 =	vmax.f32 v9, v15;
	v7 =	vmul.f32 v12, v27;
	v14 =	vmul.f32 v8, v47  }
0xbb: {  	v9 =	vsub.f32 v9, v29;
	v10 =	vmul.f32 v10, v30;
	v12 =	vmul.f32 $2.000000030e-01, v2  }
0xbc: {  	v7 =	vadd.f32 v7, v16  }
0xbd: {  	v9 =	vmul.f32 $1.442695020e+00, v9;
	v10 =	vadd.f32 v10, v14;
	v2 =	vmax.f32 v2, v12  }
0xbe: {  	v12 =	vmul.f32 $2.000000030e-01, v7;
	v2 =	vsub.f32 v2, v32  }
0xbf: {  	(erf) = vpow2.f32 v9;
	v14 =	vmul.f32 $2.000000030e-01, v10  }
0xc0: {  	v9 =	vor.u32 $0x4, v49;
	v2 =	vmul.f32 $1.442695020e+00, v2  }
0xc1: {  	v7 =	vmax.f32 v7, v12;
	v12 =	vor.u32 $0xC, v49;
	v10 =	vmax.f32 v10, v14  }
0xc2: {  	v15 =	vor.u32 $0x5, v23;
	v10 =	vsub.f32 v10, v35;
	(erf) = vpow2.f32 v2  }
0xc3: {  	v7 =	vsub.f32 v7, v33;
	v2 =	vor.u32 $0x5, v0;
	v14 =	vpop (erf)  }
0xc4: {  	v10 =	vmul.f32 $1.442695020e+00, v10;
	v6 =	vmul.f32 v14, v6  }
0xc5: {  	v16 =	vor.u32 $0x3, v50;
	v7 =	vmul.f32 $1.442695020e+00, v7;
	[tilespmem:v9+s21+$0x0] =	vst.idx.msk $0xffff, v14  }
0xc6: {  	v9 =	vor.u32 $0xB, v50;
	[tilespmem:v12+s21+$0x0] =	vst.idx.msk $0xffff, v6  }
0xc7: {  	(erf) = vpow2.f32 v7;
	v6 =	vor.u32 $0x4, v1;
	v7 =	vld.idx.msk [tilespmem:v15+s4+$0x0], $0xffff  }
0xc8: {  	v14 =	vor.u32 $0x2, v51;
	(erf) = vpow2.f32 v10;
	v12 =	vor.u32 $0x4, v63;
	v10 =	vpop (erf);
	v2 =	vld.idx.msk [tilespmem:v2+s4+$0x0], $0xffff  }
0xc9: {  	s31 =	simm.s32 $0x40;
	v15 =	vor.u32 $0xA, v51;
	v3 =	vmul.f32 v10, v3  }
0xca: {  	s26 =	simm.s32 $0x138D0;
	v17 =	vmov s31;
	[tilespmem:v16+s21+$0x0] =	vst.idx.msk $0xffff, v10;
	v10 =	vor.u32 $0x3, v58  }
0xcb: {  	v17 =	vshll.u32 v17, $0x4;
	v16 =	vld [tilespmem:s26+$0x0];
	[tilespmem:v9+s21+$0x0] =	vst.idx.msk $0xffff, v3;
	v3 =	vor.u32 $0x3, v59;
	v9 =	vpop (erf)  }
0xcc: {  	v53 =	vor.u32 v25, v17;
	v17 =	vor.u32 $0x1, v52;
	v6 =	vld.idx.msk [tilespmem:v6+s4+$0x0], $0xffff;
	v11 =	vmul.f32 v9, v11  }
0xcd: {  	v12 =	vld.idx.msk [tilespmem:v12+s4+$0x0], $0xffff;
	[tilespmem:v14+s21+$0x0] =	vst.idx.msk $0xffff, v9;
	v9 =	vmul.f32 v7, v37;
	v2 =	vmul.f32 v2, v40  }
0xce: {  	v14 =	vor.u32 $0x9, v52;
	[tilespmem:v15+s21+$0x0] =	vst.idx.msk $0xffff, v11  }
0xcf: {  	v11 =	vor.u32 $0x2, v56;
	v2 =	vadd.f32 v2, v9;
	v10 =	vld.idx.msk [tilespmem:v10+s4+$0x0], $0xffff  }
0xd0: {  	s30 =	simm.s32 $0x140A0;
	v19 =	vor.u32 $0x2, v54;
	v60 =	vshll.u32 v16, $0x3;
	v15 =	vpop (erf);
	v3 =	vld.idx.msk [tilespmem:v3+s4+$0x0], $0xffff  }
0xd1: {  	v18 =	vld [tilespmem:s30+$0x0];
	v9 =	vor.u32 $0x8, v53;
	v20 =	vpop (erf);
	v13 =	vmul.f32 v15, v13;
	[tilespmem:v17+s21+$0x0] =	vst.idx.msk $0xffff, v15;
	v16 =	vmul.f32 $2.000000030e-01, v2  }
0xd2: {  	[tilespmem:v53+s21+$0x0] =	vst.idx.msk $0xffff, v20;
	v22 =	vmul.f32 v6, v36;
	v12 =	vmul.f32 v12, v39  }
0xd3: {  	v21 =	vor.u32 $0x1, v55;
	v15 =	vor.u32 $0x1, v57;
	[tilespmem:v14+s21+$0x0] =	vst.idx.msk $0xffff, v13  }
0xd4: {  	v8 =	vmul.f32 v20, v8;
	v2 =	vmax.f32 v2, v16;
	v13 =	vld.idx.msk [tilespmem:v11+s4+$0x0], $0xffff;
	v11 =	vadd.f32 v12, v22  }
0xd5: {  	v2 =	vsub.f32 v2, v43;
	v12 =	vld.idx.msk [tilespmem:v19+s4+$0x0], $0xffff;
	v14 =	vmul.f32 v10, v46;
	v3 =	vmul.f32 v3, v42  }
0xd6: {  	v61 =	vshll.u32 v18, $0x3;
	[tilespmem:v9+s21+$0x0] =	vst.idx.msk $0xffff, v8;
	v8 =	vmul.f32 $2.000000030e-01, v11  }
0xd7: {  	v16 =	vld.idx.msk [tilespmem:v60+s4+$0x0], $0xffff;
	v2 =	vmul.f32 $1.442695020e+00, v2;
	v3 =	vadd.f32 v3, v14  }
0xd8: {  	v17 =	vld.idx.msk [tilespmem:v21+s4+$0x0], $0xffff;
	v8 =	vmax.f32 v11, v8  }
0xd9: {  	v9 =	vld.idx.msk [tilespmem:v15+s4+$0x0], $0xffff;
	(erf) = vpow2.f32 v2;
	v2 =	vsub.f32 v8, v45;
	v8 =	vmul.f32 $2.000000030e-01, v3  }
0xda: {  	v14 =	vmul.f32 v13, v48;
	v12 =	vmul.f32 v12, v24  }
0xdb: {  	v11 =	vld.idx.msk [tilespmem:v61+s4+$0x0], $0xffff;
	v2 =	vmul.f32 $1.442695020e+00, v2  }
0xdc: {  	v15 =	vmul.f32 v16, v47;
	v3 =	vmax.f32 v3, v8;
	v12 =	vadd.f32 v12, v14  }
0xdd: {  	v8 =	vmul.f32 v17, v26;
	v3 =	vsub.f32 v3, v29;
	(erf) = vpow2.f32 v2  }
0xde: {  	v2 =	vmul.f32 v9, v27;
	v14 =	vmul.f32 $2.000000030e-01, v12  }
0xdf: {  	v18 =	vor.u32 $0xD, v49;
	v9 =	vor.u32 $0x5, v49;
	v3 =	vmul.f32 $1.442695020e+00, v3  }
0xe0: {  	v11 =	vmul.f32 v11, v30;
	v2 =	vadd.f32 v2, v8;
	v12 =	vmax.f32 v12, v14  }
0xe1: {  	v8 =	vor.u32 $0x6, v23;
	(erf) = vpow2.f32 v3;
	v12 =	vsub.f32 v12, v32  }
0xe2: {  	v11 =	vadd.f32 v11, v15;
	v3 =	vor.u32 $0x6, v0;
	v14 =	vmul.f32 $2.000000030e-01, v2;
	v15 =	vpop (erf)  }
0xe3: {  	v7 =	vmul.f32 v15, v7;
	v12 =	vmul.f32 $1.442695020e+00, v12  }
0xe4: {  	v19 =	vor.u32 $0x4, v50;
	v20 =	vmul.f32 $2.000000030e-01, v11;
	[tilespmem:v9+s21+$0x0] =	vst.idx.msk $0xffff, v15  }
0xe5: {  	v9 =	vor.u32 $0xC, v50;
	v2 =	vmax.f32 v2, v14;
	[tilespmem:v18+s21+$0x0] =	vst.idx.msk $0xffff, v7;
	(erf) = vpow2.f32 v12  }
0xe6: {  	v11 =	vmax.f32 v11, v20;
	v2 =	vsub.f32 v2, v33;
	v7 =	vor.u32 $0x5, v1;
	v28 =	vld.idx.msk [tilespmem:v8+s4+$0x0], $0xffff  }
0xe7: {  	v14 =	vor.u32 $0x3, v51;
	v11 =	vsub.f32 v11, v35;
	v8 =	vor.u32 $0x5, v63;
	v3 =	vld.idx.msk [tilespmem:v3+s4+$0x0], $0xffff;
	v12 =	vpop (erf)  }
0xe8: {  	v15 =	vor.u32 $0xB, v51;
	v2 =	vmul.f32 $1.442695020e+00, v2;
	v6 =	vmul.f32 v12, v6  }
0xe9: {  	v18 =	vor.u32 $0x4, v58;
	v11 =	vmul.f32 $1.442695020e+00, v11;
	[tilespmem:v19+s21+$0x0] =	vst.idx.msk $0xffff, v12  }
0xea: {  	(erf) = vpow2.f32 v2;
	v2 =	vor.u32 $0x4, v59;
	v12 =	vpop (erf);
	[tilespmem:v9+s21+$0x0] =	vst.idx.msk $0xffff, v6  }
0xeb: {  	(erf) = vpow2.f32 v11;
	v6 =	vmul.f32 v12, v10;
	v11 =	vld.idx.msk [tilespmem:v7+s4+$0x0], $0xffff;
	v7 =	vor.u32 $0x2, v52  }
0xec: {  	s25 =	simm.s32 $0x138E0;
	s31 =	simm.s32 $0x50;
	[tilespmem:v14+s21+$0x0] =	vst.idx.msk $0xffff, v12;
	v9 =	vld.idx.msk [tilespmem:v8+s4+$0x0], $0xffff;
	v10 =	vmul.f32 v28, v4;
	v3 =	vmul.f32 v3, v5  }
0xed: {  	v8 =	vmov s31;
	v12 =	vld [tilespmem:s25+$0x0];
	v14 =	vor.u32 $0xA, v52;
	[tilespmem:v15+s21+$0x0] =	vst.idx.msk $0xffff, v6  }
0xee: {  	v6 =	vshll.u32 v8, $0x4;
	v15 =	vor.u32 $0x3, v56;
	v3 =	vadd.f32 v3, v10;
	v8 =	vld.idx.msk [tilespmem:v18+s4+$0x0], $0xffff;
	v18 =	vpop (erf)  }
0xef: {  	v10 =	vor.u32 $0x3, v54;
	v13 =	vmul.f32 v18, v13  }
0xf0: {  	v62 =	vor.u32 v25, v6;
	v19 =	vld.idx.msk [tilespmem:v2+s4+$0x0], $0xffff;
	v21 =	vmul.f32 $2.000000030e-01, v3  }
0xf1: {  	v6 =	vor.u32 $0x1, v53;
	[tilespmem:v7+s21+$0x0] =	vst.idx.msk $0xffff, v18;
	v7 =	vmul.f32 v11, v37;
	v18 =	vmul.f32 v9, v40  }
0xf2: {  	v44 =	vmov v32;
	v22 =	vor.u32 $0x9, v53;
	v20 =	vor.u32 $0x8, v62;
	[tilespmem:v14+s21+$0x0] =	vst.idx.msk $0xffff, v13  }
0xf3: {  	v2 =	vshll.u32 v12, $0x3;
	v3 =	vmax.f32 v3, v21;
	v9 =	vld.idx.msk [tilespmem:v15+s4+$0x0], $0xffff;
	v7 =	vadd.f32 v18, v7;
	[tilespmem:$0x1FFF0] =	vst v38;
	v13 =	vpop (erf)  }
0xf4: {  	s26 =	simm.s32 $0x140B0;
	v32 =	vmovc v4;
	v4 =	vsub.f32 v3, v38;
	v15 =	vor.u32 $0x2, v57;
	v14 =	vmul.f32 v13, v17;
	v17 =	vld.idx.msk [tilespmem:v10+s4+$0x0], $0xffff  }
0xf5: {  	v31 =	vmovc v33;
	v12 =	vor.u32 $0x2, v55;
	v18 =	vmul.f32 v19, v39;
	v19 =	vld [tilespmem:s26+$0x0];
	v10 =	vmul.f32 v8, v36  }
0xf6: {  	v33 =	vmov v5;
	v21 =	vpop (erf);
	v3 =	vmul.f32 $2.000000030e-01, v7;
	v4 =	vmul.f32 $1.442695020e+00, v4;
	[tilespmem:v6+s21+$0x0] =	vst.idx.msk $0xffff, v13  }
0xf7: {  	v5 =	vor.u32 $0x1, v60;
	v16 =	vmul.f32 v21, v16;
	[tilespmem:v62+s21+$0x0] =	vst.idx.msk $0xffff, v21;
	v13 =	vadd.f32 v18, v10  }
0xf8: {  	v6 =	vld.idx.msk [tilespmem:v2+s4+$0x0], $0xffff;
	[tilespmem:v22+s21+$0x0] =	vst.idx.msk $0xffff, v14;
	v18 =	vor.u32 $0x1, v61;
	v3 =	vmax.f32 v7, v3;
	(erf) = vpow2.f32 v4  }
0xf9: {  	v4 =	vmul.f32 v9, v46;
	[tilespmem:v20+s21+$0x0] =	vst.idx.msk $0xffff, v16;
	v16 =	vld.idx.msk [tilespmem:v15+s4+$0x0], $0xffff;
	v15 =	vmul.f32 v17, v42  }
0xfa: {  	v10 =	vld.idx.msk [tilespmem:v12+s4+$0x0], $0xffff;
	v12 =	vsub.f32 v3, v43;
	v3 =	vshll.u32 v19, $0x3  }
0xfb: {  	v41 =	vmov v46;
	v17 =	vmul.f32 $2.000000030e-01, v13;
	v4 =	vadd.f32 v15, v4  }
0xfc: {  	v34 =	vmovc v30;
	v30 =	vmovc v35;
	v35 =	vmov v37;
	v37 =	vmov v40;
	v7 =	vld.idx.msk [tilespmem:v5+s4+$0x0], $0xffff;
	v5 =	vmul.f32 $1.442695020e+00, v12  }
0xfd: {  	v40 =	vmovc v39;
	v38 =	vmovc v36;
	v39 =	vmov v45;
	v12 =	vmax.f32 v13, v17;
	v19 =	vmul.f32 $2.000000030e-01, v4  }
0xfe: {  	v36 =	vmovc v43;
	v14 =	vor.u32 $0x6, v49;
	v43 =	vmovc v42;
	v13 =	vld.idx.msk [tilespmem:v18+s4+$0x0], $0xffff;
	(erf) = vpow2.f32 v5;
	v17 =	vsub.f32 v12, v45  }
0xff: {  	v18 =	vmul.f32 v6, v47;
	v5 =	vmul.f32 v10, v48;
	v4 =	vmax.f32 v4, v19;
	v19 =	vld.idx.msk [tilespmem:v3+s4+$0x0], $0xffff  }
0x100: {  	v46 =	vmovc v24;
	v42 =	vmovc v29;
	v15 =	vor.u32 $0xE, v49;
	v21 =	vmul.f32 v16, v24;
	v17 =	vmul.f32 $1.442695020e+00, v17  }
0x101: {  	v45 =	vmovc v48;
	v12 =	vor.u32 $0x7, v23;
	v16 =	vor.u32 $0x7, v0;
	v48 =	vmovc v47;
	v20 =	vmul.f32 v7, v26  }
0x102: {  	v5 =	vadd.f32 v21, v5;
	v22 =	vpop (erf);
	v21 =	vsub.f32 v4, v29;
	(erf) = vpow2.f32 v17  }
0x103: {  	s29 =	simm.s32 $0x70;
	s28 =	simm.s32 $0x60;
	v47 =	vmovc v26;
	v29 =	vmovc v27;
	v23 =	vmul.f32 v13, v27;
	v17 =	vor.u32 $0x5, v50;
	v13 =	vmul.f32 v22, v28  }
.LBB2_4:
0x104: {  	v24 =	vor.u32 $0xD, v50;
	v4 =	vmovc v60;
	v60 =	vmov v2;
	v2 =	vmul.f32 v19, v34  }
0x105: {  	[tilespmem:v14+s21+$0x0] =	vst.idx.msk $0xffff, v22;
	v0 =	vmul.f32 $2.000000030e-01, v5;
	v21 =	vmul.f32 $1.442695020e+00, v21;
	v14 =	vadd.f32 v23, v20  }
0x106: {  	[tilespmem:v15+s21+$0x0] =	vst.idx.msk $0xffff, v13;
	v15 =	vor.u32 $0x6, v63;
	v19 =	vor.u32 $0x6, v1;
	v2 =	vadd.f32 v2, v18  }
0x107: {  	v0 =	vmax.f32 v5, v0;
	(erf) = vpow2.f32 v21;
	v13 =	vmul.f32 $2.000000030e-01, v14;
	v18 =	vpop (erf)  }
0x108: {  	v12 =	vld.idx.msk [tilespmem:v12+s4+$0x0], $0xffff;
	v0 =	vsub.f32 v0, v44;
	v11 =	vmul.f32 v18, v11;
	v22 =	vmul.f32 $2.000000030e-01, v2  }
0x109: {  	v20 =	vor.u32 $0x4, v51;
	v16 =	vld.idx.msk [tilespmem:v16+s4+$0x0], $0xffff;
	v5 =	vmov v63;
	[tilespmem:v17+s21+$0x0] =	vst.idx.msk $0xffff, v18  }
0x10a: {  	v13 =	vmax.f32 v14, v13;
	v0 =	vmul.f32 $1.442695020e+00, v0;
	[tilespmem:v24+s21+$0x0] =	vst.idx.msk $0xffff, v11;
	v2 =	vmax.f32 v2, v22;
	v22 =	vld [tilespmem:$0x1FFD0]  }
0x10b: {  	v63 =	vmovc v59;
	v21 =	vor.u32 $0xC, v51;
	v59 =	vmovc v54;
	v14 =	vsub.f32 v13, v31;
	v17 =	vor.u32 $0x3, v52;
	v13 =	vld.idx.msk [tilespmem:v19+s4+$0x0], $0xffff  }
0x10c: {  	v54 =	vmovc v57;
	v57 =	vmovc v61;
	v18 =	vor.u32 $0x5, v58;
	(erf) = vpow2.f32 v0;
	v2 =	vsub.f32 v2, v30;
	v19 =	vld [tilespmem:$0x1FFC0]  }
0x10d: {  	v61 =	vmov v3;
	v0 =	vor.u32 $0x5, v63;
	v3 =	vpop (erf);
	v11 =	vmul.f32 $1.442695020e+00, v14;
	v14 =	vld.idx.msk [tilespmem:v15+s4+$0x0], $0xffff  }
0x10e: {  	v8 =	vmul.f32 v3, v8;
	v15 =	vor.u32 $0xB, v52;
	v2 =	vmul.f32 $1.442695020e+00, v2  }
0x10f: {  	s25 =	sadd.s32 $0x10, s25;
	v23 =	vor.u32 $0x4, v56;
	[tilespmem:v20+s21+$0x0] =	vst.idx.msk $0xffff, v3;
	(erf) = vpow2.f32 v11  }
0x110: {  	v20 =	vor.u32 $0x4, v59;
	v3 =	vld [tilespmem:s25+$0x0];
	[tilespmem:v21+s21+$0x0] =	vst.idx.msk $0xffff, v8;
	v24 =	vpop (erf);
	v16 =	vmul.f32 v16, v22;
	(erf) = vpow2.f32 v2  }
0x111: {  	v11 =	vld.idx.msk [tilespmem:v18+s4+$0x0], $0xffff;
	v2 =	vmul.f32 v24, v9;
	[tilespmem:v17+s21+$0x0] =	vst.idx.msk $0xffff, v24;
	v19 =	vmul.f32 v12, v19  }
0x112: {  	v22 =	vmov s28;
	v9 =	vor.u32 $0x2, v53;
	v0 =	vld.idx.msk [tilespmem:v0+s4+$0x0], $0xffff;
	v14 =	vmul.f32 v14, v33  }
0x113: {  	[tilespmem:v15+s21+$0x0] =	vst.idx.msk $0xffff, v2;
	v2 =	vmul.f32 v13, v32;
	v16 =	vadd.f32 v16, v19;
	v19 =	vor.u32 $0xA, v53;
	_ =	sdelay $0x1  }
0x114: {  	v8 =	vshll.u32 v22, $0x4;
	v22 =	vpop (erf);
	v14 =	vadd.f32 v14, v2;
	v2 =	vld [tilespmem:$0x1FFE0]  }
0x115: {  	v18 =	vor.u32 v25, v8;
	v8 =	vld.idx.msk [tilespmem:v23+s4+$0x0], $0xffff;
	v10 =	vmul.f32 v22, v10  }
0x116: {  	s26 =	sadd.s32 $0x10, s26;
	v20 =	vld.idx.msk [tilespmem:v20+s4+$0x0], $0xffff;
	v17 =	vmul.f32 $2.000000030e-01, v16;
	[tilespmem:v9+s21+$0x0] =	vst.idx.msk $0xffff, v22  }
0x117: {  	v21 =	vor.u32 $0x3, v55;
	v22 =	vld [tilespmem:s26+$0x0];
	v0 =	vmul.f32 v0, v37;
	[tilespmem:v19+s21+$0x0] =	vst.idx.msk $0xffff, v10;
	v10 =	vmul.f32 v11, v35  }
0x118: {  	v16 =	vmax.f32 v16, v17;
	v17 =	vor.u32 $0x3, v54  }
0x119: {  	v15 =	vor.u32 $0x1, v62;
	v16 =	vsub.f32 v16, v2;
	v0 =	vadd.f32 v0, v10;
	v10 =	vld [tilespmem:$0x1FFF0]  }
0x11a: {  	v24 =	vor.u32 $0x9, v62;
	v2 =	vshll.u32 v3, $0x3;
	v3 =	vmul.f32 $2.000000030e-01, v14  }
0x11b: {  	v28 =	vmov v25;
	v25 =	vor.u32 $0x2, v4;
	v26 =	vpop (erf);
	v16 =	vmul.f32 $1.442695020e+00, v16  }
0x11c: {  	v23 =	vor.u32 $0x8, v18;
	v7 =	vmul.f32 v26, v7;
	v9 =	vld.idx.msk [tilespmem:v21+s4+$0x0], $0xffff;
	v3 =	vmax.f32 v14, v3;
	v14 =	vpop (erf)  }
0x11d: {  	v19 =	vor.u32 $0x2, v57;
	v20 =	vmul.f32 v20, v40;
	(erf) = vpow2.f32 v16;
	v16 =	vld.idx.msk [tilespmem:v17+s4+$0x0], $0xffff;
	[tilespmem:v18+s21+$0x0] =	vst.idx.msk $0xffff, v14  }
0x11e: {  	v21 =	vmul.f32 v8, v38;
	v17 =	vor.u32 $0x1, v60;
	[tilespmem:v15+s21+$0x0] =	vst.idx.msk $0xffff, v26;
	v3 =	vsub.f32 v3, v10  }
0x11f: {  	v14 =	vmul.f32 v14, v6;
	v15 =	vmul.f32 $2.000000030e-01, v0;
	v6 =	vld.idx.msk [tilespmem:v2+s4+$0x0], $0xffff;
	[tilespmem:v24+s21+$0x0] =	vst.idx.msk $0xffff, v7  }
0x120: {  	v20 =	vadd.f32 v20, v21;
	v10 =	vld.idx.msk [tilespmem:v25+s4+$0x0], $0xffff;
	v26 =	vmul.f32 $1.442695020e+00, v3  }
0x121: {  	v0 =	vmax.f32 v0, v15;
	[tilespmem:v23+s21+$0x0] =	vst.idx.msk $0xffff, v14;
	v3 =	vshll.u32 v22, $0x3;
	v22 =	vor.u32 $0x1, v61  }
0x122: {  	v27 =	vor.u32 $0x7, v49;
	v21 =	vld.idx.msk [tilespmem:v19+s4+$0x0], $0xffff;
	v0 =	vsub.f32 v0, v36;
	(erf) = vpow2.f32 v26  }
0x123: {  	v15 =	vmul.f32 v9, v41;
	v23 =	vor.u32 $0xF, v49;
	v49 =	vmovc v50;
	v19 =	vmul.f32 $2.000000030e-01, v20;
	v7 =	vld.idx.msk [tilespmem:v17+s4+$0x0], $0xffff  }
0x124: {  	v50 =	vmovc v51;
	v51 =	vmovc v52;
	v52 =	vmov v53;
	v16 =	vmul.f32 v16, v43;
	v0 =	vmul.f32 $1.442695020e+00, v0  }
0x125: {  	v53 =	vmovc v62;
	v62 =	vmovc v18;
	v14 =	vor.u32 $0x6, v49;
	v18 =	vmul.f32 v6, v48;
	v25 =	vmul.f32 v10, v45  }
0x126: {  	v24 =	vld.idx.msk [tilespmem:v22+s4+$0x0], $0xffff;
	v22 =	vadd.f32 v16, v15;
	v16 =	vmax.f32 v20, v19;
	v15 =	vor.u32 $0xE, v49;
	v17 =	vpop (erf)  }
0x127: {  	p0 =	sne.s32 s29, $0x7C0;
	(erf) = vpow2.f32 v0;
	v16 =	vsub.f32 v16, v39;
	v0 =	vmul.f32 v17, v12  }
.Ltmp1:
0x128: {  	v19 =	vld.idx.msk [tilespmem:v3+s4+$0x0], $0xffff;
	[tilespmem:v27+s21+$0x0] =	vst.idx.msk $0xffff, v17;
	v17 =	vmul.f32 v21, v46;
	v20 =	vmul.f32 v7, v47;
	(pc) =	sbr.rel @p0 .LBB2_4-.Ltmp1, $4  }
0x129: {  	v12 =	vor.u32 $0x7, v1;
	v1 =	vmovc v58;
	v26 =	vmul.f32 $2.000000030e-01, v22;
	v27 =	vmul.f32 $1.442695020e+00, v16  }
0x12a: {  	v58 =	vmovc v56;
	v56 =	vmovc v55;
	v55 =	vmov v4;
	v16 =	vor.u32 $0x7, v5;
	v5 =	vadd.f32 v17, v25  }
0x12b: {  	[tilespmem:v23+s21+$0x0] =	vst.idx.msk $0xffff, v0;
	v17 =	vor.u32 $0x5, v50;
	v0 =	vmax.f32 v22, v26;
	(erf) = vpow2.f32 v27;
	v22 =	vpop (erf)  }
0x12c: {  	s28 =	smov.u32 s29;
	s29 =	sadd.s32 $0x10, s29;
	v25 =	vmovc v28;
	v21 =	vsub.f32 v0, v42;
	v23 =	vmul.f32 v24, v29;
	v13 =	vmul.f32 v22, v13  }
0x12d: {  	_ =	sdelay $0x3  }
0x12e: {  	[tilespmem:v14+s21+$0x0] =	vst.idx.msk $0xffff, v22  }
0x12f: {  	[tilespmem:$0x1FEA0] =	vst v34  }
0x130: {  	[tilespmem:v15+s21+$0x0] =	vst.idx.msk $0xffff, v13  }
0x131: {  	v22 =	vld.idx.msk [tilespmem:v12+s4+$0x0], $0xffff;
	_ =	sdelay $0x2  }
0x132: {  	v4 =	vmul.f32 $1.442695020e+00, v21;
	v21 =	vor.u32 $0xD, v50  }
0x133: {  	[tilespmem:$0x1FEC0] =	vst v44  }
0x134: {  	v0 =	vmul.f32 $2.000000030e-01, v5;
	v13 =	vpop (erf);
	[tilespmem:$0x1FE10] =	vst v22  }
0x135: {  	v14 =	vmul.f32 v19, v34;
	v11 =	vmul.f32 v13, v11;
	[tilespmem:v17+s21+$0x0] =	vst.idx.msk $0xffff, v13  }
0x136: {  	v19 =	vadd.f32 v23, v20;
	v0 =	vmax.f32 v5, v0;
	(erf) = vpow2.f32 v4;
	v15 =	vld.idx.msk [tilespmem:v16+s4+$0x0], $0xffff;
	[tilespmem:$0x1FED0] =	vst v31  }
0x137: {  	v20 =	vor.u32 $0x6, v1;
	v0 =	vsub.f32 v0, v44;
	[tilespmem:v21+s21+$0x0] =	vst.idx.msk $0xffff, v11  }
0x138: {  	v5 =	vadd.f32 v14, v18;
	v12 =	vmul.f32 $2.000000030e-01, v19;
	v4 =	vld [tilespmem:$0x1FFC0]  }
0x139: {  	v14 =	vor.u32 $0x6, v63;
	v18 =	vor.u32 $0x4, v51;
	v0 =	vmul.f32 $1.442695020e+00, v0  }
0x13a: {  	v12 =	vmax.f32 v19, v12;
	v19 =	vor.u32 $0xC, v51;
	v16 =	vmul.f32 $2.000000030e-01, v5  }
0x13b: {  	(erf) = vpow2.f32 v0;
	v0 =	vor.u32 $0x5, v58;
	v13 =	vor.u32 $0x3, v52  }
0x13c: {  	v12 =	vsub.f32 v12, v31;
	v17 =	vpop (erf);
	v5 =	vmax.f32 v5, v16;
	v16 =	vor.u32 $0x5, v59;
	v11 =	vld.idx.msk [tilespmem:v20+s4+$0x0], $0xffff  }
0x13d: {  	v8 =	vmul.f32 v17, v8;
	[tilespmem:$0x1FE60] =	vst v30;
	v5 =	vsub.f32 v5, v30;
	v20 =	vmul.f32 v22, v4;
	v4 =	vld [tilespmem:$0x1FFD0]  }
0x13e: {  	v12 =	vmul.f32 $1.442695020e+00, v12;
	v21 =	vor.u32 $0xB, v52;
	[tilespmem:v18+s21+$0x0] =	vst.idx.msk $0xffff, v17  }
0x13f: {  	v14 =	vld.idx.msk [tilespmem:v14+s4+$0x0], $0xffff;
	v5 =	vmul.f32 $1.442695020e+00, v5;
	v18 =	vpop (erf);
	[tilespmem:v19+s21+$0x0] =	vst.idx.msk $0xffff, v8  }
0x140: {  	(erf) = vpow2.f32 v12;
	[tilespmem:v13+s21+$0x0] =	vst.idx.msk $0xffff, v18;
	v26 =	vld.idx.msk [tilespmem:v0+s4+$0x0], $0xffff  }
0x141: {  	(erf) = vpow2.f32 v5;
	v5 =	vmul.f32 v18, v9;
	v13 =	vld.idx.msk [tilespmem:v16+s4+$0x0], $0xffff;
	[tilespmem:$0x1FEE0] =	vst v32  }
0x142: {  	[tilespmem:$0x1FEF0] =	vst v33;
	v15 =	vmul.f32 v15, v4  }
0x143: {  	v8 =	vor.u32 $0x2, v53;
	[tilespmem:v21+s21+$0x0] =	vst.idx.msk $0xffff, v5  }
0x144: {  	v17 =	vor.u32 $0x4, v54;
	v16 =	vor.u32 $0xA, v53;
	v0 =	vld [tilespmem:$0x1FFE0];
	v12 =	vadd.f32 v15, v20  }
0x145: {  	v18 =	vmul.f32 v11, v32  }
0x146: {  	v22 =	vor.u32 $0x4, v56;
	v14 =	vmul.f32 v14, v33;
	v20 =	vpop (erf);
	v9 =	vmul.f32 $2.000000030e-01, v12  }
0x147: {  	v19 =	vor.u32 $0x3, v55;
	v15 =	vmov s28;
	v10 =	vmul.f32 v20, v10  }
0x148: {  	v14 =	vadd.f32 v14, v18;
	v15 =	vshll.u32 v15, $0x4;
	[tilespmem:v8+s21+$0x0] =	vst.idx.msk $0xffff, v20;
	v5 =	vmax.f32 v12, v9  }
0x149: {  	v17 =	vld.idx.msk [tilespmem:v17+s4+$0x0], $0xffff;
	[tilespmem:v16+s21+$0x0] =	vst.idx.msk $0xffff, v10;
	v18 =	vsub.f32 v5, v0;
	v5 =	vor.u32 v25, v15  }
0x14a: {  	v12 =	vor.u32 $0x3, v57;
	v0 =	vld [tilespmem:$0x1FFF0]  }
0x14b: {  	v8 =	vmul.f32 $2.000000030e-01, v14;
	v9 =	vld.idx.msk [tilespmem:v22+s4+$0x0], $0xffff  }
0x14c: {  	v13 =	vmul.f32 v13, v37;
	v20 =	vor.u32 $0x9, v62;
	v23 =	vpop (erf);
	[tilespmem:$0x1FE70] =	vst v35;
	v15 =	vor.u32 $0x1, v62  }
0x14d: {  	v7 =	vmul.f32 v23, v7;
	v10 =	vmul.f32 v26, v35;
	v8 =	vmax.f32 v14, v8;
	v14 =	vpop (erf);
	[tilespmem:$0x1FF00] =	vst v37  }
0x14e: {  	v16 =	vor.u32 $0x2, v60;
	v17 =	vmul.f32 v17, v40;
	v19 =	vld.idx.msk [tilespmem:v19+s4+$0x0], $0xffff;
	v21 =	vor.u32 $0x8, v5;
	[tilespmem:v5+s21+$0x0] =	vst.idx.msk $0xffff, v14  }
0x14f: {  	v22 =	vor.u32 $0x2, v61;
	v10 =	vadd.f32 v13, v10;
	v12 =	vld.idx.msk [tilespmem:v12+s4+$0x0], $0xffff;
	v8 =	vsub.f32 v8, v0;
	[tilespmem:$0x1FF10] =	vst v38  }
0x150: {  	v13 =	vor.u32 $0x1, v2;
	v18 =	vmul.f32 $1.442695020e+00, v18;
	v24 =	vmul.f32 v9, v38;
	[tilespmem:$0x1FF20] =	vst v40  }
0x151: {  	v6 =	vmul.f32 v14, v6;
	[tilespmem:v15+s21+$0x0] =	vst.idx.msk $0xffff, v23;
	v8 =	vmul.f32 $1.442695020e+00, v8;
	v23 =	vor.u32 $0x1, v3  }
0x152: {  	(erf) = vpow2.f32 v18;
	v14 =	vadd.f32 v17, v24;
	v15 =	vmul.f32 $2.000000030e-01, v10;
	[tilespmem:v20+s21+$0x0] =	vst.idx.msk $0xffff, v7  }
0x153: {  	[tilespmem:v21+s21+$0x0] =	vst.idx.msk $0xffff, v6;
	v7 =	vld.idx.msk [tilespmem:v16+s4+$0x0], $0xffff;
	(erf) = vpow2.f32 v8;
	v8 =	vmul.f32 v19, v41  }
0x154: {  	v10 =	vmax.f32 v10, v15;
	v6 =	vld.idx.msk [tilespmem:v22+s4+$0x0], $0xffff;
	[tilespmem:$0x1FF40] =	vst v36;
	v12 =	vmul.f32 v12, v43;
	v15 =	vmul.f32 $2.000000030e-01, v14  }
0x155: {  	v13 =	vld.idx.msk [tilespmem:v13+s4+$0x0], $0xffff;
	[tilespmem:$0x1FF50] =	vst v43  }
0x156: {  	v8 =	vadd.f32 v12, v8;
	v12 =	vmax.f32 v14, v15;
	v16 =	vld.idx.msk [tilespmem:v23+s4+$0x0], $0xffff  }
0x157: {  	v12 =	vsub.f32 v12, v39  }
0x158: {  	v10 =	vsub.f32 v10, v36  }
0x159: {  	[tilespmem:$0x1FF60] =	vst v39;
	v14 =	vmul.f32 $2.000000030e-01, v8;
	v12 =	vmul.f32 $1.442695020e+00, v12  }
0x15a: {  	v15 =	vor.u32 $0x6, v50;
	v10 =	vmul.f32 $1.442695020e+00, v10;
	[tilespmem:$0x1FE80] =	vst v45  }
0x15b: {  	[tilespmem:$0x1FF70] =	vst v46;
	v8 =	vmax.f32 v8, v14;
	v14 =	vmul.f32 v16, v29;
	v16 =	vor.u32 $0xE, v50  }
0x15c: {  	v1 =	vor.u32 $0x7, v1;
	[tilespmem:$0x1FFA0] =	vst v47;
	v0 =	vpop (erf);
	(erf) = vpow2.f32 v10;
	v10 =	vmul.f32 v7, v45  }
0x15d: {  	[tilespmem:$0x1FFB0] =	vst v29;
	v6 =	vmul.f32 v6, v46;
	(erf) = vpow2.f32 v12;
	v12 =	vpop (erf)  }
0x15e: {  	[tilespmem:$0x1FE20] =	vst v0;
	v17 =	vmul.f32 v13, v47;
	v11 =	vmul.f32 v12, v11  }
0x15f: {  	[tilespmem:v15+s21+$0x0] =	vst.idx.msk $0xffff, v12  }
0x160: {  	v10 =	vadd.f32 v6, v10;
	v14 =	vadd.f32 v14, v17;
	v17 =	vor.u32 $0x7, v63;
	v63 =	vld [tilespmem:$0x1FEC0];
	[tilespmem:v16+s21+$0x0] =	vst.idx.msk $0xffff, v11  }
0x161: {  	v1 =	vld.idx.msk [tilespmem:v1+s4+$0x0], $0xffff  }
0x162: {  	v8 =	vsub.f32 v8, v42;
	v18 =	vmul.f32 $2.000000030e-01, v10;
	v0 =	vld [tilespmem:$0x1FED0]  }
0x163: {  	v21 =	vor.u32 $0xD, v51;
	v20 =	vor.u32 $0x5, v51  }
0x164: {  	v8 =	vmul.f32 $1.442695020e+00, v8;
	v10 =	vmax.f32 v10, v18;
	v18 =	vmul.f32 $2.000000030e-01, v14;
	_ =	sdelay $0x1  }
0x165: {  	(erf) = vpow2.f32 v8;
	v8 =	vmax.f32 v14, v18;
	v14 =	vpop (erf)  }
0x166: {  	[tilespmem:$0x1FE30] =	vst v1;
	v8 =	vsub.f32 v8, v0;
	v0 =	vmul.f32 v14, v26  }
0x167: {  	[tilespmem:v20+s21+$0x0] =	vst.idx.msk $0xffff, v14  }
0x168: {  	[tilespmem:v21+s21+$0x0] =	vst.idx.msk $0xffff, v0  }
0x169: {  	v10 =	vsub.f32 v10, v63;
	v20 =	vld [tilespmem:$0x1FFC0];
	_ =	sdelay $0x1  }
0x16a: {  	v10 =	vmul.f32 $1.442695020e+00, v10  }
0x16b: {  	v16 =	vor.u32 $0x4, v52  }
0x16c: {  	v12 =	vor.u32 $0x6, v58;
	v15 =	vld.idx.msk [tilespmem:v17+s4+$0x0], $0xffff;
	(erf) = vpow2.f32 v10;
	v10 =	vor.u32 $0xC, v52  }
0x16d: {  	v20 =	vmul.f32 v1, v20;
	v1 =	vld [tilespmem:$0x1FFD0]  }
0x16e: {  	v14 =	vpop (erf)  }
0x16f: {  	v8 =	vmul.f32 $1.442695020e+00, v8;
	v9 =	vmul.f32 v14, v9  }
0x170: {  	[tilespmem:v16+s21+$0x0] =	vst.idx.msk $0xffff, v14  }
0x171: {  	v11 =	vor.u32 $0x6, v59;
	v12 =	vld.idx.msk [tilespmem:v12+s4+$0x0], $0xffff;
	(erf) = vpow2.f32 v8;
	v8 =	vor.u32 $0x3, v53;
	[tilespmem:v10+s21+$0x0] =	vst.idx.msk $0xffff, v9  }
0x172: {  	v15 =	vmul.f32 v15, v1;
	v1 =	vld [tilespmem:$0x1FEE0];
	_ =	sdelay $0x2  }
0x173: {  	v18 =	vor.u32 $0xB, v53;
	v16 =	vpop (erf)  }
0x174: {  	v11 =	vld.idx.msk [tilespmem:v11+s4+$0x0], $0xffff;
	v10 =	vor.u32 $0x2, v62;
	[tilespmem:v8+s21+$0x0] =	vst.idx.msk $0xffff, v16  }
0x175: {  	v9 =	vadd.f32 v15, v20;
	v20 =	vmul.f32 v12, v1;
	v1 =	vld [tilespmem:$0x1FEF0]  }
0x176: {  	v15 =	vmul.f32 v16, v19;
	_ =	sdelay $0x1  }
0x177: {  	[tilespmem:v18+s21+$0x0] =	vst.idx.msk $0xffff, v15;
	v18 =	vpop (erf)  }
0x178: {  	v0 =	vor.u32 $0x5, v56;
	v19 =	vor.u32 $0xA, v62;
	[tilespmem:v10+s21+$0x0] =	vst.idx.msk $0xffff, v18  }
0x179: {  	v11 =	vmul.f32 v11, v1;
	v1 =	vld [tilespmem:$0x1FFE0];
	_ =	sdelay $0x1  }
0x17a: {  	v22 =	vmul.f32 $2.000000030e-01, v9;
	v7 =	vmul.f32 v18, v7;
	_ =	sdelay $0x1  }
0x17b: {  	v17 =	vor.u32 $0x5, v54;
	v0 =	vld.idx.msk [tilespmem:v0+s4+$0x0], $0xffff;
	v9 =	vmax.f32 v9, v22;
	[tilespmem:v19+s21+$0x0] =	vst.idx.msk $0xffff, v7  }
0x17c: {  	v9 =	vsub.f32 v9, v1;
	v1 =	vld [tilespmem:$0x1FE70];
	_ =	sdelay $0x2  }
0x17d: {  	v16 =	vor.u32 $0x1, v5  }
0x17e: {  	v23 =	vor.u32 $0x9, v5;
	v8 =	vld.idx.msk [tilespmem:v17+s4+$0x0], $0xffff;
	v18 =	vpop (erf)  }
0x17f: {  	v7 =	vmul.f32 v18, v13;
	v13 =	vmul.f32 v0, v1;
	v1 =	vld [tilespmem:$0x1FF00];
	_ =	sdelay $0x2  }
0x180: {  	[tilespmem:v16+s21+$0x0] =	vst.idx.msk $0xffff, v18  }
0x181: {  	v21 =	vor.u32 $0x4, v55;
	[tilespmem:v23+s21+$0x0] =	vst.idx.msk $0xffff, v7  }
0x182: {  	v11 =	vadd.f32 v11, v20;
	v8 =	vmul.f32 v8, v1;
	v1 =	vld [tilespmem:$0x1FFF0];
	_ =	sdelay $0x1  }
0x183: {  	v22 =	vmul.f32 $2.000000030e-01, v11;
	_ =	sdelay $0x1  }
0x184: {  	v14 =	vor.u32 $0x4, v57;
	v21 =	vld.idx.msk [tilespmem:v21+s4+$0x0], $0xffff;
	v7 =	vmul.f32 $1.442695020e+00, v9;
	v9 =	vmax.f32 v11, v22  }
0x185: {  	v9 =	vsub.f32 v9, v1;
	v1 =	vld [tilespmem:$0x1FF10];
	_ =	sdelay $0x1  }
0x186: {  	v17 =	vor.u32 $0x3, v60  }
0x187: {  	v15 =	vor.u32 $0x3, v61  }
0x188: {  	v14 =	vld.idx.msk [tilespmem:v14+s4+$0x0], $0xffff  }
0x189: {  	v8 =	vadd.f32 v8, v13;
	v13 =	vmul.f32 v21, v1;
	v1 =	vld [tilespmem:$0x1FF20]  }
0x18a: {  	v20 =	vor.u32 $0x2, v2  }
0x18b: {  	v10 =	vor.u32 $0x2, v3;
	v17 =	vld.idx.msk [tilespmem:v17+s4+$0x0], $0xffff  }
0x18c: {  	v15 =	vld.idx.msk [tilespmem:v15+s4+$0x0], $0xffff  }
0x18d: {  	v26 =	vld [tilespmem:$0x1FF50]  }
0x18e: {  	v14 =	vmul.f32 v14, v1;
	v1 =	vld [tilespmem:$0x1FF40]  }
0x18f: {  	v11 =	vld.idx.msk [tilespmem:v20+s4+$0x0], $0xffff  }
0x190: {  	v10 =	vld.idx.msk [tilespmem:v10+s4+$0x0], $0xffff;
	v16 =	vmul.f32 $2.000000030e-01, v8  }
0x191: {  	v4 =	vld [tilespmem:$0x1FF60];
	(erf) = vpow2.f32 v7;
	v7 =	vmul.f32 $1.442695020e+00, v9;
	v9 =	vadd.f32 v14, v13  }
0x192: {  	v8 =	vmax.f32 v8, v16;
	v13 =	vmul.f32 v17, v41;
	v14 =	vmul.f32 v15, v26  }
0x193: {  	(erf) = vpow2.f32 v7;
	v7 =	vsub.f32 v8, v1;
	v8 =	vmul.f32 $2.000000030e-01, v9  }
0x194: {  	v13 =	vadd.f32 v14, v13  }
0x195: {  	v10 =	vmul.f32 v10, v46;
	v14 =	vmul.f32 v11, v45;
	v8 =	vmax.f32 v9, v8  }
0x196: {  	v7 =	vmul.f32 $1.442695020e+00, v7;
	v9 =	vmul.f32 $2.000000030e-01, v13;
	v8 =	vsub.f32 v8, v4  }
0x197: {  	v10 =	vadd.f32 v10, v14  }
0x198: {  	(erf) = vpow2.f32 v7;
	v7 =	vmul.f32 $1.442695020e+00, v8;
	v8 =	vmax.f32 v13, v9  }
0x199: {  	v9 =	vmul.f32 $2.000000030e-01, v10;
	v8 =	vsub.f32 v8, v42  }
0x19a: {  	v13 =	vor.u32 $0x6, v51;
	(erf) = vpow2.f32 v7  }
0x19b: {  	v7 =	vmax.f32 v10, v9;
	v9 =	vor.u32 $0xE, v51;
	v8 =	vmul.f32 $1.442695020e+00, v8  }
0x19c: {  	[tilespmem:$0x1FF30] =	vst v41;
	v14 =	vor.u32 $0x7, v58;
	v4 =	vpop (erf);
	v10 =	vsub.f32 v7, v63  }
0x19d: {  	[tilespmem:$0x1FE90] =	vst v42;
	v16 =	vpop (erf);
	(erf) = vpow2.f32 v8  }
0x19e: {  	[tilespmem:$0x1FE40] =	vst v4;
	v8 =	vmul.f32 $1.442695020e+00, v10;
	v10 =	vmul.f32 v16, v12  }
0x19f: {  	[tilespmem:v13+s21+$0x0] =	vst.idx.msk $0xffff, v16  }
0x1a0: {  	[tilespmem:v9+s21+$0x0] =	vst.idx.msk $0xffff, v10  }
0x1a1: {  	v7 =	vld.idx.msk [tilespmem:v14+s4+$0x0], $0xffff  }
0x1a2: {  	v18 =	vor.u32 $0x5, v52  }
0x1a3: {  	v15 =	vor.u32 $0x7, v59;
	v12 =	vor.u32 $0xD, v52  }
0x1a4: {  	v13 =	vor.u32 $0x6, v56;
	(erf) = vpow2.f32 v8  }
0x1a5: {  	v16 =	vor.u32 $0x4, v53;
	v9 =	vor.u32 $0x6, v54;
	v10 =	vpop (erf)  }
0x1a6: {  	v14 =	vor.u32 $0xC, v53;
	v0 =	vmul.f32 v10, v0;
	[tilespmem:$0x1FE50] =	vst v7  }
0x1a7: {  	[tilespmem:v18+s21+$0x0] =	vst.idx.msk $0xffff, v10;
	v18 =	vor.u32 $0x3, v62  }
0x1a8: {  	v20 =	vor.u32 $0xB, v62;
	v15 =	vld.idx.msk [tilespmem:v15+s4+$0x0], $0xffff;
	v10 =	vor.u32 $0x5, v55;
	[tilespmem:v12+s21+$0x0] =	vst.idx.msk $0xffff, v0;
	v12 =	vpop (erf)  }
0x1a9: {  	v13 =	vld.idx.msk [tilespmem:v13+s4+$0x0], $0xffff;
	v19 =	vmul.f32 v12, v21  }
0x1aa: {  	v9 =	vld.idx.msk [tilespmem:v9+s4+$0x0], $0xffff;
	[tilespmem:v16+s21+$0x0] =	vst.idx.msk $0xffff, v12;
	v12 =	vor.u32 $0x2, v5;
	v23 =	vpop (erf)  }
0x1ab: {  	v0 =	vor.u32 $0x5, v57;
	v4 =	vld [tilespmem:$0x1FFC0];
	v17 =	vmul.f32 v23, v17;
	[tilespmem:v14+s21+$0x0] =	vst.idx.msk $0xffff, v19;
	v14 =	vor.u32 $0xA, v5  }
0x1ac: {  	v27 =	vld [tilespmem:$0x1FFD0];
	[tilespmem:v18+s21+$0x0] =	vst.idx.msk $0xffff, v23  }
0x1ad: {  	v10 =	vld.idx.msk [tilespmem:v10+s4+$0x0], $0xffff;
	v23 =	vpop (erf);
	[tilespmem:v20+s21+$0x0] =	vst.idx.msk $0xffff, v17  }
0x1ae: {  	v21 =	vor.u32 $0x4, v60;
	v11 =	vmul.f32 v23, v11;
	v59 =	vld [tilespmem:$0x1FEE0]  }
0x1af: {  	v22 =	vor.u32 $0x4, v61;
	v63 =	vld [tilespmem:$0x1FEF0];
	[tilespmem:v12+s21+$0x0] =	vst.idx.msk $0xffff, v23  }
0x1b0: {  	v19 =	vor.u32 $0x3, v2;
	v0 =	vld.idx.msk [tilespmem:v0+s4+$0x0], $0xffff;
	[tilespmem:v14+s21+$0x0] =	vst.idx.msk $0xffff, v11  }
0x1b1: {  	v16 =	vmul.f32 v7, v4;
	v7 =	vld [tilespmem:$0x1FE70]  }
0x1b2: {  	v8 =	vld [tilespmem:$0x1FF00]  }
0x1b3: {  	v17 =	vld.idx.msk [tilespmem:v21+s4+$0x0], $0xffff;
	v15 =	vmul.f32 v15, v27  }
0x1b4: {  	v18 =	vor.u32 $0x3, v3;
	v12 =	vld.idx.msk [tilespmem:v22+s4+$0x0], $0xffff  }
0x1b5: {  	v14 =	vld.idx.msk [tilespmem:v19+s4+$0x0], $0xffff;
	v15 =	vadd.f32 v15, v16;
	v16 =	vmul.f32 v13, v59;
	v9 =	vmul.f32 v9, v63  }
0x1b6: {  	v19 =	vld [tilespmem:$0x1FFE0]  }
0x1b7: {  	v23 =	vld [tilespmem:$0x1FF10];
	v9 =	vadd.f32 v9, v16;
	v16 =	vmul.f32 v10, v7;
	v0 =	vmul.f32 v0, v8  }
0x1b8: {  	v58 =	vld [tilespmem:$0x1FF20]  }
0x1b9: {  	v11 =	vmul.f32 $2.000000030e-01, v15;
	v0 =	vadd.f32 v0, v16;
	v16 =	vld [tilespmem:$0x1FFF0]  }
0x1ba: {  	v18 =	vld.idx.msk [tilespmem:v18+s4+$0x0], $0xffff  }
0x1bb: {  	v11 =	vmax.f32 v15, v11;
	v15 =	vmul.f32 $2.000000030e-01, v9  }
0x1bc: {  	v11 =	vsub.f32 v11, v19  }
0x1bd: {  	v12 =	vmul.f32 v12, v58;
	v9 =	vmax.f32 v9, v15;
	v15 =	vmul.f32 v17, v23  }
0x1be: {  	v11 =	vmul.f32 $1.442695020e+00, v11;
	v9 =	vsub.f32 v9, v16;
	v16 =	vmul.f32 $2.000000030e-01, v0  }
0x1bf: {  	v24 =	vld [tilespmem:$0x1FF60];
	v18 =	vmul.f32 v18, v26;
	v12 =	vadd.f32 v12, v15;
	v15 =	vmul.f32 v14, v41  }
0x1c0: {  	(erf) = vpow2.f32 v11;
	v9 =	vmul.f32 $1.442695020e+00, v9;
	v0 =	vmax.f32 v0, v16  }
0x1c1: {  	v11 =	vmul.f32 $2.000000030e-01, v12;
	v15 =	vadd.f32 v18, v15;
	v0 =	vsub.f32 v0, v1  }
0x1c2: {  	(erf) = vpow2.f32 v9  }
0x1c3: {  	v9 =	vmax.f32 v12, v11;
	v11 =	vmul.f32 $2.000000030e-01, v15;
	v0 =	vmul.f32 $1.442695020e+00, v0  }
0x1c4: {  	v9 =	vsub.f32 v9, v24  }
0x1c5: {  	(erf) = vpow2.f32 v0;
	v0 =	vmax.f32 v15, v11  }
0x1c6: {  	v9 =	vmul.f32 $1.442695020e+00, v9;
	v0 =	vsub.f32 v0, v42;
	_ =	sdelay $0x1  }
0x1c7: {  	(erf) = vpow2.f32 v9;
	v0 =	vmul.f32 $1.442695020e+00, v0  }
0x1c8: {  	v11 =	vor.u32 $0x6, v52  }
0x1c9: {  	v12 =	vor.u32 $0xE, v52;
	(erf) = vpow2.f32 v0  }
0x1ca: {  	v15 =	vor.u32 $0x5, v53;
	v9 =	vpop (erf);
	v0 =	vor.u32 $0x7, v56  }
0x1cb: {  	v19 =	vor.u32 $0xD, v53;
	v16 =	vor.u32 $0x7, v54;
	v18 =	vpop (erf)  }
0x1cc: {  	v20 =	vor.u32 $0x6, v55;
	v13 =	vmul.f32 v18, v13  }
0x1cd: {  	v21 =	vor.u32 $0x4, v62;
	[tilespmem:v11+s21+$0x0] =	vst.idx.msk $0xffff, v18;
	v11 =	vor.u32 $0x6, v57;
	v18 =	vpop (erf)  }
0x1ce: {  	[tilespmem:v12+s21+$0x0] =	vst.idx.msk $0xffff, v13;
	v12 =	vor.u32 $0xC, v62;
	v13 =	vmul.f32 v18, v10  }
0x1cf: {  	v10 =	vld.idx.msk [tilespmem:v0+s4+$0x0], $0xffff;
	[tilespmem:v15+s21+$0x0] =	vst.idx.msk $0xffff, v18;
	v0 =	vor.u32 $0x3, v5;
	v15 =	vor.u32 $0x5, v60  }
0x1d0: {  	v16 =	vld.idx.msk [tilespmem:v16+s4+$0x0], $0xffff;
	v18 =	vpop (erf);
	[tilespmem:v19+s21+$0x0] =	vst.idx.msk $0xffff, v13;
	v13 =	vor.u32 $0x5, v61;
	v19 =	vor.u32 $0xB, v5  }
0x1d1: {  	v22 =	vor.u32 $0x4, v2;
	v17 =	vmul.f32 v18, v17;
	v20 =	vld.idx.msk [tilespmem:v20+s4+$0x0], $0xffff  }
0x1d2: {  	[tilespmem:v21+s21+$0x0] =	vst.idx.msk $0xffff, v18;
	v18 =	vor.u32 $0x4, v3;
	v11 =	vld.idx.msk [tilespmem:v11+s4+$0x0], $0xffff;
	v21 =	vpop (erf)  }
0x1d3: {  	[tilespmem:v12+s21+$0x0] =	vst.idx.msk $0xffff, v17;
	v12 =	vmul.f32 v21, v14  }
0x1d4: {  	v14 =	vld.idx.msk [tilespmem:v15+s4+$0x0], $0xffff;
	[tilespmem:v0+s21+$0x0] =	vst.idx.msk $0xffff, v21  }
0x1d5: {  	v0 =	vmul.f32 v10, v4;
	v15 =	vmul.f32 v16, v27;
	v13 =	vld.idx.msk [tilespmem:v13+s4+$0x0], $0xffff;
	[tilespmem:v19+s21+$0x0] =	vst.idx.msk $0xffff, v12  }
0x1d6: {  	v12 =	vld.idx.msk [tilespmem:v22+s4+$0x0], $0xffff  }
0x1d7: {  	v0 =	vadd.f32 v15, v0;
	v15 =	vmul.f32 v20, v59;
	v11 =	vmul.f32 v11, v63;
	v16 =	vld.idx.msk [tilespmem:v18+s4+$0x0], $0xffff  }
0x1d8: {  	v26 =	vld [tilespmem:$0x1FFE0]  }
0x1d9: {  	v17 =	vmul.f32 $2.000000030e-01, v0;
	v11 =	vadd.f32 v11, v15  }
0x1da: {  	v54 =	vld [tilespmem:$0x1FFF0];
	v15 =	vmul.f32 v14, v7;
	v13 =	vmul.f32 v13, v8  }
0x1db: {  	v0 =	vmax.f32 v0, v17;
	v17 =	vmul.f32 $2.000000030e-01, v11  }
0x1dc: {  	v16 =	vmul.f32 v16, v58;
	v13 =	vadd.f32 v13, v15;
	v15 =	vmul.f32 v12, v23  }
0x1dd: {  	v0 =	vsub.f32 v0, v26  }
0x1de: {  	v11 =	vmax.f32 v11, v17;
	v17 =	vmul.f32 $2.000000030e-01, v13;
	v15 =	vadd.f32 v16, v15  }
0x1df: {  	v11 =	vsub.f32 v11, v54  }
0x1e0: {  	v0 =	vmul.f32 $1.442695020e+00, v0;
	v13 =	vmax.f32 v13, v17;
	v16 =	vmul.f32 $2.000000030e-01, v15  }
0x1e1: {  	v11 =	vmul.f32 $1.442695020e+00, v11;
	v13 =	vsub.f32 v13, v1  }
0x1e2: {  	(erf) = vpow2.f32 v0;
	v0 =	vmax.f32 v15, v16  }
0x1e3: {  	(erf) = vpow2.f32 v11;
	v11 =	vmul.f32 $1.442695020e+00, v13;
	v0 =	vsub.f32 v0, v24;
	_ =	sdelay $0x1  }
0x1e4: {  	(erf) = vpow2.f32 v11;
	v0 =	vmul.f32 $1.442695020e+00, v0;
	_ =	sdelay $0x1  }
0x1e5: {  	(erf) = vpow2.f32 v0;
	_ =	sdelay $0x1  }
0x1e6: {  	v0 =	vor.u32 $0x6, v53  }
0x1e7: {  	v13 =	vor.u32 $0xE, v53  }
0x1e8: {  	v15 =	vor.u32 $0x7, v55;
	v16 =	vor.u32 $0x5, v62;
	v11 =	vpop (erf)  }
0x1e9: {  	v19 =	vor.u32 $0xD, v62;
	v17 =	vor.u32 $0x7, v57;
	v18 =	vpop (erf)  }
0x1ea: {  	v21 =	vor.u32 $0x6, v60;
	v22 =	vor.u32 $0x4, v5;
	v20 =	vmul.f32 v18, v20  }
0x1eb: {  	v23 =	vor.u32 $0xC, v5;
	[tilespmem:v0+s21+$0x0] =	vst.idx.msk $0xffff, v18;
	v0 =	vor.u32 $0x6, v61;
	v18 =	vpop (erf)  }
0x1ec: {  	[tilespmem:v13+s21+$0x0] =	vst.idx.msk $0xffff, v20;
	v13 =	vmul.f32 v18, v14;
	v14 =	vor.u32 $0x5, v2  }
0x1ed: {  	v15 =	vld.idx.msk [tilespmem:v15+s4+$0x0], $0xffff;
	[tilespmem:v16+s21+$0x0] =	vst.idx.msk $0xffff, v18;
	v16 =	vor.u32 $0x5, v3;
	v18 =	vpop (erf)  }
0x1ee: {  	v17 =	vld.idx.msk [tilespmem:v17+s4+$0x0], $0xffff;
	[tilespmem:v19+s21+$0x0] =	vst.idx.msk $0xffff, v13;
	v12 =	vmul.f32 v18, v12  }
0x1ef: {  	[tilespmem:v22+s21+$0x0] =	vst.idx.msk $0xffff, v18;
	v13 =	vld.idx.msk [tilespmem:v21+s4+$0x0], $0xffff  }
0x1f0: {  	v0 =	vld.idx.msk [tilespmem:v0+s4+$0x0], $0xffff;
	[tilespmem:v23+s21+$0x0] =	vst.idx.msk $0xffff, v12  }
0x1f1: {  	v12 =	vld.idx.msk [tilespmem:v14+s4+$0x0], $0xffff  }
0x1f2: {  	v14 =	vld.idx.msk [tilespmem:v16+s4+$0x0], $0xffff;
	_ =	sdelay $0x1  }
0x1f3: {  	v17 =	vmul.f32 v17, v27;
	v16 =	vmul.f32 v15, v4  }
0x1f4: {  	v18 =	vmul.f32 v13, v59;
	v0 =	vmul.f32 v0, v63  }
0x1f5: {  	v16 =	vadd.f32 v17, v16  }
0x1f6: {  	v0 =	vadd.f32 v0, v18;
	v17 =	vmul.f32 v12, v7;
	v14 =	vmul.f32 v14, v8  }
0x1f7: {  	v18 =	vmul.f32 $2.000000030e-01, v16  }
0x1f8: {  	v19 =	vmul.f32 $2.000000030e-01, v0;
	v14 =	vadd.f32 v14, v17  }
0x1f9: {  	v16 =	vmax.f32 v16, v18  }
0x1fa: {  	v16 =	vsub.f32 v16, v26;
	v0 =	vmax.f32 v0, v19;
	v17 =	vmul.f32 $2.000000030e-01, v14  }
0x1fb: {  	v0 =	vsub.f32 v0, v54  }
0x1fc: {  	v16 =	vmul.f32 $1.442695020e+00, v16;
	v14 =	vmax.f32 v14, v17  }
0x1fd: {  	v0 =	vmul.f32 $1.442695020e+00, v0;
	v14 =	vsub.f32 v14, v1  }
0x1fe: {  	(erf) = vpow2.f32 v16  }
0x1ff: {  	(erf) = vpow2.f32 v0;
	v0 =	vmul.f32 $1.442695020e+00, v14;
	_ =	sdelay $0x1  }
0x200: {  	(erf) = vpow2.f32 v0;
	_ =	sdelay $0x3  }
0x201: {  	v0 =	vor.u32 $0x6, v62  }
0x202: {  	v14 =	vor.u32 $0xE, v62  }
0x203: {  	v18 =	vor.u32 $0x5, v5;
	v17 =	vor.u32 $0x7, v60;
	v16 =	vpop (erf)  }
0x204: {  	v21 =	vor.u32 $0xD, v5;
	v19 =	vor.u32 $0x7, v61;
	v20 =	vpop (erf)  }
0x205: {  	v22 =	vor.u32 $0x6, v2;
	v13 =	vmul.f32 v20, v13  }
0x206: {  	[tilespmem:v0+s21+$0x0] =	vst.idx.msk $0xffff, v20;
	v0 =	vor.u32 $0x6, v3;
	v20 =	vpop (erf)  }
0x207: {  	[tilespmem:v14+s21+$0x0] =	vst.idx.msk $0xffff, v13;
	v12 =	vmul.f32 v20, v12  }
0x208: {  	[tilespmem:v18+s21+$0x0] =	vst.idx.msk $0xffff, v20;
	v13 =	vld.idx.msk [tilespmem:v17+s4+$0x0], $0xffff  }
0x209: {  	v14 =	vld.idx.msk [tilespmem:v19+s4+$0x0], $0xffff;
	[tilespmem:v21+s21+$0x0] =	vst.idx.msk $0xffff, v12  }
0x20a: {  	v12 =	vld.idx.msk [tilespmem:v22+s4+$0x0], $0xffff  }
0x20b: {  	v0 =	vld.idx.msk [tilespmem:v0+s4+$0x0], $0xffff;
	_ =	sdelay $0x2  }
0x20c: {  	v24 =	vmov v4  }
0x20d: {  	v17 =	vmul.f32 v13, v24;
	v14 =	vmul.f32 v14, v27  }
0x20e: {  	v18 =	vmul.f32 v12, v59;
	v0 =	vmul.f32 v0, v63  }
0x20f: {  	v14 =	vadd.f32 v14, v17  }
0x210: {  	v0 =	vadd.f32 v0, v18  }
0x211: {  	v17 =	vmul.f32 $2.000000030e-01, v14  }
0x212: {  	v18 =	vmul.f32 $2.000000030e-01, v0  }
0x213: {  	v14 =	vmax.f32 v14, v17  }
0x214: {  	v14 =	vsub.f32 v14, v26;
	v0 =	vmax.f32 v0, v18  }
0x215: {  	v0 =	vsub.f32 v0, v54  }
0x216: {  	v14 =	vmul.f32 $1.442695020e+00, v14  }
0x217: {  	v0 =	vmul.f32 $1.442695020e+00, v0  }
0x218: {  	(erf) = vpow2.f32 v14  }
0x219: {  	(erf) = vpow2.f32 v0;
	_ =	sdelay $0x5  }
0x21a: {  	v0 =	vor.u32 $0x6, v5  }
0x21b: {  	v14 =	vor.u32 $0xE, v5  }
0x21c: {  	v2 =	vor.u32 $0x7, v2;
	v17 =	vpop (erf)  }
0x21d: {  	v3 =	vor.u32 $0x7, v3;
	v18 =	vpop (erf)  }
0x21e: {  	v12 =	vmul.f32 v18, v12  }
0x21f: {  	[tilespmem:v0+s21+$0x0] =	vst.idx.msk $0xffff, v18  }
0x220: {  	[tilespmem:v14+s21+$0x0] =	vst.idx.msk $0xffff, v12  }
0x221: {  	v0 =	vld.idx.msk [tilespmem:v2+s4+$0x0], $0xffff  }
0x222: {  	v2 =	vld.idx.msk [tilespmem:v3+s4+$0x0], $0xffff  }
0x223: {  	v4 =	vld [tilespmem:$0x1FE10]  }
0x224: {  	v6 =	vld [tilespmem:$0x1FE20]  }
0x225: {  	v12 =	vor.u32 $0x7, v49  }
0x226: {  	v14 =	vor.u32 $0xF, v49;
	_ =	sdelay $0x1  }
0x227: {  	v3 =	vmul.f32 v0, v24;
	v2 =	vmul.f32 v2, v27  }
0x228: {  	v4 =	vmul.f32 v6, v4  }
0x229: {  	[tilespmem:v12+s21+$0x0] =	vst.idx.msk $0xffff, v6;
	v2 =	vadd.f32 v2, v3  }
0x22a: {  	[tilespmem:v14+s21+$0x0] =	vst.idx.msk $0xffff, v4  }
0x22b: {  	v1 =	vld [tilespmem:$0x1FE30];
	v3 =	vmul.f32 $2.000000030e-01, v2  }
0x22c: {  	v7 =	vld [tilespmem:$0x1FE40]  }
0x22d: {  	v2 =	vmax.f32 v2, v3;
	v3 =	vor.u32 $0x7, v50  }
0x22e: {  	v18 =	vor.u32 $0xF, v50;
	_ =	sdelay $0x2  }
0x22f: {  	v1 =	vmul.f32 v7, v1  }
0x230: {  	[tilespmem:v3+s21+$0x0] =	vst.idx.msk $0xffff, v7  }
0x231: {  	v2 =	vsub.f32 v2, v26;
	[tilespmem:v18+s21+$0x0] =	vst.idx.msk $0xffff, v1  }
0x232: {  	v1 =	vld [tilespmem:$0x1FE50]  }
0x233: {  	v19 =	vor.u32 $0x7, v51;
	v2 =	vmul.f32 $1.442695020e+00, v2  }
0x234: {  	v6 =	vor.u32 $0xF, v51  }
0x235: {  	v4 =	vor.u32 $0x7, v52;
	(erf) = vpow2.f32 v2  }
0x236: {  	v2 =	vor.u32 $0xF, v52  }
0x237: {  	v3 =	vor.u32 $0x7, v53;
	v1 =	vmul.f32 v9, v1  }
0x238: {  	v7 =	vor.u32 $0xF, v53;
	[tilespmem:v19+s21+$0x0] =	vst.idx.msk $0xffff, v9  }
0x239: {  	[tilespmem:v6+s21+$0x0] =	vst.idx.msk $0xffff, v1;
	v1 =	vmul.f32 v11, v10;
	v6 =	vor.u32 $0x7, v62  }
0x23a: {  	[tilespmem:v4+s21+$0x0] =	vst.idx.msk $0xffff, v11;
	v4 =	vor.u32 $0xF, v62  }
0x23b: {  	[tilespmem:v2+s21+$0x0] =	vst.idx.msk $0xffff, v1;
	v1 =	vmul.f32 v16, v15;
	v2 =	vor.u32 $0x7, v5  }
0x23c: {  	[tilespmem:v3+s21+$0x0] =	vst.idx.msk $0xffff, v16;
	v3 =	vor.u32 $0xF, v5  }
0x23d: {  	[tilespmem:v7+s21+$0x0] =	vst.idx.msk $0xffff, v1;
	v1 =	vmul.f32 v17, v13  }
0x23e: {  	v5 =	vpop (erf);
	[tilespmem:v6+s21+$0x0] =	vst.idx.msk $0xffff, v17  }
0x23f: {  	v0 =	vmul.f32 v5, v0;
	[tilespmem:v4+s21+$0x0] =	vst.idx.msk $0xffff, v1  }
0x240: {  	[tilespmem:v2+s21+$0x0] =	vst.idx.msk $0xffff, v5  }
0x241: {  	s25 =	simm.s32 $0x14050;
	[tilespmem:v3+s21+$0x0] =	vst.idx.msk $0xffff, v0  }
0x242: {  	[spmem:s3] =	stream.indirect.scatter.add.f32 [tilespmem:s21], [sflag:$0x1], $0x10, s25, s22, $0xb8;
	[tilespmem:$0x1ED50] =	vst v63  }
0x243: {  	_ =	swait.ge [sflag:s19], $0x7D00  }
0x244: {  	[sflag:s19] =	ssyncset.done $0x0  }
0x245: {  	s26 =	simm.s32 $0x0;
	s28 =	simm.s32 $0x13880;
	[sflag:s19] =	ssyncadd.s32 $0xFFFF8300  }
0x246: {  	[tilespmem:s28], [sflag:$0x1] =	stream.linear.gather [hbm4b:s9+s26], $0x7D0, $0x38;
	[tilespmem:$0x1ED50] =	vst v63  }
0x247: {  	_ =	swait.ge [sflag:s19], $0x7D0  }
0x248: {  	[sflag:s19] =	ssyncset.done $0x0  }
0x249: {  	[sflag:s19] =	ssyncadd.s32 $0xFFFFF830  }
0x24a: {  	[tilespmem:s25], [sflag:$0x1] =	stream.linear.gather [hbm4b:s10+s26], $0x7D0, $0x38;
	[tilespmem:$0x1ED50] =	vst v63  }
0x24b: {  	_ =	swait.ge [sflag:s19], $0x7D0  }
0x24c: {  	[sflag:s19] =	ssyncset.done $0x0  }
0x24d: {  	[sflag:s19] =	ssyncadd.s32 $0xFFFFF830  }
0x24e: {  	v0 =	vld [tilespmem:s28+$0x0]  }
0x24f: {  	v1 =	vld [tilespmem:s25+$0x0];
	_ =	sdelay $0x3  }
0x250: {  	v9 =	vshll.u32 v0, $0x3  }
0x251: {  	v4 =	vshll.u32 v1, $0x3;
	_ =	sdelay $0x2  }
0x252: {  	v18 =	vld [tilespmem:$0x1FEA0]  }
0x253: {  	v0 =	vld.idx.msk [tilespmem:v9+s4+$0x0], $0xffff  }
0x254: {  	v1 =	vld.idx.msk [tilespmem:v4+s4+$0x0], $0xffff;
	_ =	sdelay $0x4  }
0x255: {  	v2 =	vmul.f32 v0, v48;
	v1 =	vmul.f32 v1, v18;
	_ =	sdelay $0x1  }
0x256: {  	v62 =	vld [tilespmem:$0x1FE60];
	v1 =	vadd.f32 v1, v2;
	_ =	sdelay $0x1  }
0x257: {  	v2 =	vmul.f32 $2.000000030e-01, v1;
	_ =	sdelay $0x1  }
0x258: {  	v1 =	vmax.f32 v1, v2  }
0x259: {  	v1 =	vsub.f32 v1, v62;
	_ =	sdelay $0x1  }
0x25a: {  	v1 =	vmul.f32 $1.442695020e+00, v1;
	_ =	sdelay $0x1  }
0x25b: {  	(erf) = vpow2.f32 v1;
	_ =	sdelay $0x3  }
0x25c: {  	v1 =	vmov s26  }
0x25d: {  	v1 =	vshll.u32 v1, $0x4  }
0x25e: {  	v49 =	vor.u32 v25, v1  }
0x25f: {  	v2 =	vor.u32 $0x8, v49  }
0x260: {  	v6 =	vor.u32 $0x1, v9  }
0x261: {  	s31 =	simm.s32 $0x13890;
	v8 =	vor.u32 $0x1, v4;
	v7 =	vpop (erf)  }
0x262: {  	s26 =	simm.s32 $0x14060;
	v1 =	vld [tilespmem:s31+$0x0];
	v0 =	vmul.f32 v7, v0  }
0x263: {  	v3 =	vld [tilespmem:s26+$0x0];
	[tilespmem:v49+s21+$0x0] =	vst.idx.msk $0xffff, v7  }
0x264: {  	[tilespmem:v2+s21+$0x0] =	vst.idx.msk $0xffff, v0  }
0x265: {  	v0 =	vld.idx.msk [tilespmem:v6+s4+$0x0], $0xffff  }
0x266: {  	v2 =	vld.idx.msk [tilespmem:v8+s4+$0x0], $0xffff  }
0x267: {  	v1 =	vshll.u32 v1, $0x3;
	v27 =	vld [tilespmem:$0x1FFA0]  }
0x268: {  	v63 =	vshll.u32 v3, $0x3;
	v22 =	vld [tilespmem:$0x1FFB0];
	_ =	sdelay $0x3  }
0x269: {  	v3 =	vld.idx.msk [tilespmem:v1+s4+$0x0], $0xffff  }
0x26a: {  	v6 =	vld.idx.msk [tilespmem:v63+s4+$0x0], $0xffff;
	v7 =	vmul.f32 v0, v27;
	v2 =	vmul.f32 v2, v22;
	_ =	sdelay $0x1  }
0x26b: {  	v17 =	vld [tilespmem:$0x1FED0];
	v2 =	vadd.f32 v2, v7;
	_ =	sdelay $0x1  }
0x26c: {  	v8 =	vmul.f32 $2.000000030e-01, v2  }
0x26d: {  	v6 =	vmul.f32 v6, v18;
	v7 =	vmul.f32 v3, v48  }
0x26e: {  	v2 =	vmax.f32 v2, v8  }
0x26f: {  	v6 =	vadd.f32 v6, v7;
	v2 =	vsub.f32 v2, v17;
	_ =	sdelay $0x1  }
0x270: {  	v7 =	vmul.f32 $2.000000030e-01, v6;
	v2 =	vmul.f32 $1.442695020e+00, v2;
	_ =	sdelay $0x1  }
0x271: {  	v6 =	vmax.f32 v6, v7;
	(erf) = vpow2.f32 v2  }
0x272: {  	v6 =	vsub.f32 v6, v62;
	_ =	sdelay $0x1  }
0x273: {  	v2 =	vmul.f32 $1.442695020e+00, v6;
	_ =	sdelay $0x1  }
0x274: {  	(erf) = vpow2.f32 v2;
	_ =	sdelay $0x2  }
0x275: {  	s30 =	simm.s32 $0x10;
	v2 =	vor.u32 $0x1, v49  }
0x276: {  	v7 =	vmov s30;
	v6 =	vor.u32 $0x9, v49;
	v10 =	vpop (erf)  }
0x277: {  	v7 =	vshll.u32 v7, $0x4;
	v0 =	vmul.f32 v10, v0  }
0x278: {  	v8 =	vor.u32 $0x2, v9;
	v50 =	vor.u32 v25, v7  }
0x279: {  	v13 =	vmov v9;
	v9 =	vor.u32 $0x2, v4;
	v11 =	vor.u32 $0x8, v50  }
0x27a: {  	s31 =	simm.s32 $0x138A0;
	[tilespmem:v2+s21+$0x0] =	vst.idx.msk $0xffff, v10  }
0x27b: {  	s26 =	simm.s32 $0x14070;
	v7 =	vld [tilespmem:s31+$0x0];
	[tilespmem:v6+s21+$0x0] =	vst.idx.msk $0xffff, v0;
	v0 =	vpop (erf)  }
0x27c: {  	v2 =	vld [tilespmem:s26+$0x0];
	v3 =	vmul.f32 v0, v3  }
0x27d: {  	v8 =	vld.idx.msk [tilespmem:v8+s4+$0x0], $0xffff;
	[tilespmem:v50+s21+$0x0] =	vst.idx.msk $0xffff, v0  }
0x27e: {  	v9 =	vld.idx.msk [tilespmem:v9+s4+$0x0], $0xffff;
	[tilespmem:v11+s21+$0x0] =	vst.idx.msk $0xffff, v3  }
0x27f: {  	v10 =	vor.u32 $0x1, v1;
	v60 =	vld [tilespmem:$0x1FE80]  }
0x280: {  	v6 =	vor.u32 $0x1, v63;
	v53 =	vld [tilespmem:$0x1FF70];
	_ =	sdelay $0x3  }
0x281: {  	v58 =	vshll.u32 v7, $0x3;
	v0 =	vld.idx.msk [tilespmem:v10+s4+$0x0], $0xffff  }
0x282: {  	v59 =	vshll.u32 v2, $0x3;
	v2 =	vld.idx.msk [tilespmem:v6+s4+$0x0], $0xffff;
	v3 =	vmul.f32 v8, v60;
	v6 =	vmul.f32 v9, v53;
	_ =	sdelay $0x1  }
0x283: {  	v23 =	vld [tilespmem:$0x1FEC0];
	v3 =	vadd.f32 v6, v3;
	_ =	sdelay $0x1  }
0x284: {  	v7 =	vld.idx.msk [tilespmem:v58+s4+$0x0], $0xffff;
	v10 =	vmul.f32 $2.000000030e-01, v3  }
0x285: {  	v9 =	vmul.f32 v0, v27;
	v2 =	vmul.f32 v2, v22;
	v6 =	vld.idx.msk [tilespmem:v59+s4+$0x0], $0xffff  }
0x286: {  	v3 =	vmax.f32 v3, v10  }
0x287: {  	v2 =	vadd.f32 v2, v9;
	v3 =	vsub.f32 v3, v23;
	_ =	sdelay $0x1  }
0x288: {  	v10 =	vmul.f32 $2.000000030e-01, v2;
	v3 =	vmul.f32 $1.442695020e+00, v3  }
0x289: {  	v9 =	vmul.f32 v7, v48;
	v6 =	vmul.f32 v6, v18  }
0x28a: {  	v2 =	vmax.f32 v2, v10;
	(erf) = vpow2.f32 v3  }
0x28b: {  	v6 =	vadd.f32 v6, v9;
	v2 =	vsub.f32 v2, v17;
	_ =	sdelay $0x1  }
0x28c: {  	v3 =	vmul.f32 $2.000000030e-01, v6;
	v2 =	vmul.f32 $1.442695020e+00, v2;
	_ =	sdelay $0x1  }
0x28d: {  	v3 =	vmax.f32 v6, v3;
	(erf) = vpow2.f32 v2  }
0x28e: {  	v3 =	vsub.f32 v3, v62;
	_ =	sdelay $0x1  }
0x28f: {  	v2 =	vmul.f32 $1.442695020e+00, v3;
	v3 =	vor.u32 $0x2, v49  }
0x290: {  	v6 =	vor.u32 $0xA, v49;
	v10 =	vpop (erf)  }
0x291: {  	(erf) = vpow2.f32 v2;
	v8 =	vmul.f32 v10, v8;
	_ =	sdelay $0x1  }
0x292: {  	s30 =	simm.s32 $0x20  }
0x293: {  	v11 =	vor.u32 $0x1, v50;
	[tilespmem:v3+s21+$0x0] =	vst.idx.msk $0xffff, v10;
	v3 =	vmov s30  }
0x294: {  	v12 =	vor.u32 $0x9, v50;
	v2 =	vor.u32 $0x3, v13;
	v3 =	vshll.u32 v3, $0x4;
	[tilespmem:v6+s21+$0x0] =	vst.idx.msk $0xffff, v8;
	v8 =	vpop (erf)  }
0x295: {  	v9 =	vor.u32 $0x3, v4;
	v51 =	vor.u32 v25, v3;
	v0 =	vmul.f32 v8, v0;
	_ =	sdelay $0x2  }
0x296: {  	[tilespmem:v11+s21+$0x0] =	vst.idx.msk $0xffff, v8  }
0x297: {  	v2 =	vld.idx.msk [tilespmem:v2+s4+$0x0], $0xffff;
	[tilespmem:v12+s21+$0x0] =	vst.idx.msk $0xffff, v0;
	v0 =	vpop (erf)  }
0x298: {  	v26 =	vmov v13;
	v13 =	vor.u32 $0x2, v1;
	v3 =	vld.idx.msk [tilespmem:v9+s4+$0x0], $0xffff;
	[tilespmem:v51+s21+$0x0] =	vst.idx.msk $0xffff, v0  }
0x299: {  	v6 =	vor.u32 $0x2, v63;
	v21 =	vld [tilespmem:$0x1FF30]  }
0x29a: {  	s31 =	simm.s32 $0x138B0;
	v20 =	vld [tilespmem:$0x1FF50]  }
0x29b: {  	s26 =	simm.s32 $0x14080;
	v10 =	vld [tilespmem:s31+$0x0];
	v9 =	vor.u32 $0x8, v51  }
0x29c: {  	v14 =	vld [tilespmem:s26+$0x0]  }
0x29d: {  	v8 =	vor.u32 $0x1, v58;
	v12 =	vld.idx.msk [tilespmem:v13+s4+$0x0], $0xffff  }
0x29e: {  	v11 =	vor.u32 $0x1, v59;
	v6 =	vld.idx.msk [tilespmem:v6+s4+$0x0], $0xffff;
	v7 =	vmul.f32 v0, v7  }
0x29f: {  	v0 =	vmul.f32 v2, v21;
	v3 =	vmul.f32 v3, v20  }
0x2a0: {  	v56 =	vshll.u32 v10, $0x3;
	[tilespmem:v9+s21+$0x0] =	vst.idx.msk $0xffff, v7  }
0x2a1: {  	v54 =	vshll.u32 v14, $0x3;
	v19 =	vld [tilespmem:$0x1FE90];
	v0 =	vadd.f32 v3, v0  }
0x2a2: {  	v7 =	vld.idx.msk [tilespmem:v8+s4+$0x0], $0xffff;
	v8 =	vmul.f32 v12, v60  }
0x2a3: {  	v6 =	vmul.f32 v6, v53;
	v3 =	vld.idx.msk [tilespmem:v11+s4+$0x0], $0xffff;
	v9 =	vmul.f32 $2.000000030e-01, v0;
	_ =	sdelay $0x1  }
0x2a4: {  	v10 =	vld.idx.msk [tilespmem:v56+s4+$0x0], $0xffff;
	v6 =	vadd.f32 v6, v8;
	v0 =	vmax.f32 v0, v9  }
0x2a5: {  	v11 =	vld.idx.msk [tilespmem:v54+s4+$0x0], $0xffff;
	v0 =	vsub.f32 v0, v19  }
0x2a6: {  	v8 =	vmul.f32 v7, v27;
	v9 =	vmul.f32 $2.000000030e-01, v6  }
0x2a7: {  	v3 =	vmul.f32 v3, v22;
	v0 =	vmul.f32 $1.442695020e+00, v0  }
0x2a8: {  	v6 =	vmax.f32 v6, v9  }
0x2a9: {  	v3 =	vadd.f32 v3, v8;
	(erf) = vpow2.f32 v0;
	v0 =	vsub.f32 v6, v23  }
0x2aa: {  	v13 =	vmul.f32 v10, v48;
	v8 =	vmul.f32 v11, v18  }
0x2ab: {  	v6 =	vmul.f32 $2.000000030e-01, v3;
	v0 =	vmul.f32 $1.442695020e+00, v0  }
0x2ac: {  	v8 =	vadd.f32 v8, v13  }
0x2ad: {  	v3 =	vmax.f32 v3, v6;
	(erf) = vpow2.f32 v0  }
0x2ae: {  	v6 =	vmul.f32 $2.000000030e-01, v8;
	v3 =	vsub.f32 v3, v17  }
0x2af: {  	v0 =	vor.u32 $0x3, v49  }
0x2b0: {  	v6 =	vmax.f32 v8, v6;
	v8 =	vor.u32 $0xB, v49;
	v3 =	vmul.f32 $1.442695020e+00, v3  }
0x2b1: {  	v9 =	vor.u32 $0x4, v26;
	v6 =	vsub.f32 v6, v62  }
0x2b2: {  	v13 =	vor.u32 $0x2, v50;
	(erf) = vpow2.f32 v3;
	v11 =	vpop (erf)  }
0x2b3: {  	[tilespmem:$0x1FEB0] =	vst v26;
	v3 =	vmul.f32 $1.442695020e+00, v6;
	v6 =	vor.u32 $0x4, v4;
	v2 =	vmul.f32 v11, v2  }
0x2b4: {  	[tilespmem:v0+s21+$0x0] =	vst.idx.msk $0xffff, v11;
	v0 =	vor.u32 $0xA, v50  }
0x2b5: {  	[tilespmem:v8+s21+$0x0] =	vst.idx.msk $0xffff, v2;
	v2 =	vor.u32 $0x3, v1  }
0x2b6: {  	s31 =	simm.s32 $0x138C0;
	(erf) = vpow2.f32 v3;
	v3 =	vld.idx.msk [tilespmem:v9+s4+$0x0], $0xffff;
	v9 =	vpop (erf)  }
0x2b7: {  	s30 =	simm.s32 $0x30;
	v15 =	vld [tilespmem:s31+$0x0];
	v12 =	vmul.f32 v9, v12  }
0x2b8: {  	v14 =	vmov s30;
	s30 =	simm.s32 $0x14090;
	v8 =	vor.u32 $0x3, v63;
	v6 =	vld.idx.msk [tilespmem:v6+s4+$0x0], $0xffff;
	[tilespmem:v13+s21+$0x0] =	vst.idx.msk $0xffff, v9  }
0x2b9: {  	v13 =	vld [tilespmem:s30+$0x0];
	[tilespmem:v0+s21+$0x0] =	vst.idx.msk $0xffff, v12  }
0x2ba: {  	v11 =	vor.u32 $0x1, v51;
	v9 =	vshll.u32 v14, $0x4;
	v2 =	vld.idx.msk [tilespmem:v2+s4+$0x0], $0xffff  }
0x2bb: {  	v16 =	vor.u32 $0x9, v51;
	v61 =	vld [tilespmem:$0x1FF10]  }
0x2bc: {  	v23 =	vmov v4;
	v4 =	vld [tilespmem:$0x1FF20]  }
0x2bd: {  	v52 =	vor.u32 v25, v9;
	v9 =	vpop (erf);
	v8 =	vld.idx.msk [tilespmem:v8+s4+$0x0], $0xffff  }
0x2be: {  	v14 =	vor.u32 $0x2, v58;
	v7 =	vmul.f32 v9, v7  }
0x2bf: {  	v0 =	vor.u32 $0x2, v59;
	v12 =	vor.u32 $0x8, v52;
	[tilespmem:v11+s21+$0x0] =	vst.idx.msk $0xffff, v9;
	v9 =	vpop (erf)  }
0x2c0: {  	[tilespmem:v16+s21+$0x0] =	vst.idx.msk $0xffff, v7;
	v7 =	vmul.f32 v9, v10  }
0x2c1: {  	v57 =	vshll.u32 v13, $0x3;
	v18 =	vmul.f32 v3, v61;
	v6 =	vmul.f32 v6, v4  }
0x2c2: {  	v55 =	vshll.u32 v15, $0x3;
	[tilespmem:v52+s21+$0x0] =	vst.idx.msk $0xffff, v9;
	v9 =	vmul.f32 v2, v21;
	v8 =	vmul.f32 v8, v20  }
0x2c3: {  	v10 =	vld.idx.msk [tilespmem:v14+s4+$0x0], $0xffff;
	v6 =	vadd.f32 v6, v18  }
0x2c4: {  	v0 =	vld.idx.msk [tilespmem:v0+s4+$0x0], $0xffff;
	[tilespmem:v12+s21+$0x0] =	vst.idx.msk $0xffff, v7;
	v8 =	vadd.f32 v8, v9  }
0x2c5: {  	v5 =	vld [tilespmem:$0x1FF60];
	v7 =	vmul.f32 $2.000000030e-01, v6  }
0x2c6: {  	v9 =	vld.idx.msk [tilespmem:v57+s4+$0x0], $0xffff;
	v14 =	vmul.f32 $2.000000030e-01, v8  }
0x2c7: {  	v11 =	vor.u32 $0x1, v54;
	v6 =	vmax.f32 v6, v7;
	v7 =	vld.idx.msk [tilespmem:v55+s4+$0x0], $0xffff  }
0x2c8: {  	v17 =	vor.u32 $0x1, v56;
	v8 =	vmax.f32 v8, v14;
	v14 =	vld [tilespmem:$0x1FEA0];
	_ =	sdelay $0x2  }
0x2c9: {  	v13 =	vmul.f32 v10, v60;
	v0 =	vmul.f32 v0, v53  }
0x2ca: {  	v11 =	vld.idx.msk [tilespmem:v11+s4+$0x0], $0xffff;
	v6 =	vsub.f32 v6, v5  }
0x2cb: {  	v12 =	vld.idx.msk [tilespmem:v17+s4+$0x0], $0xffff;
	v0 =	vadd.f32 v0, v13;
	v13 =	vmul.f32 v7, v48;
	v9 =	vmul.f32 v9, v14  }
0x2cc: {  	v6 =	vmul.f32 $1.442695020e+00, v6  }
0x2cd: {  	v9 =	vadd.f32 v9, v13;
	v13 =	vld [tilespmem:$0x1FEC0]  }
0x2ce: {  	(erf) = vpow2.f32 v6  }
0x2cf: {  	v8 =	vsub.f32 v8, v19;
	v6 =	vmul.f32 v11, v22;
	v11 =	vmul.f32 $2.000000030e-01, v0  }
0x2d0: {  	v15 =	vmul.f32 v12, v27  }
0x2d1: {  	v8 =	vmul.f32 $1.442695020e+00, v8;
	v0 =	vmax.f32 v0, v11  }
0x2d2: {  	v14 =	vld [tilespmem:$0x1FED0];
	v6 =	vadd.f32 v6, v15;
	v0 =	vsub.f32 v0, v13  }
0x2d3: {  	(erf) = vpow2.f32 v8;
	v13 =	vmul.f32 $2.000000030e-01, v9  }
0x2d4: {  	v11 =	vmul.f32 $2.000000030e-01, v6;
	v0 =	vmul.f32 $1.442695020e+00, v0  }
0x2d5: {  	v8 =	vor.u32 $0x4, v49;
	v9 =	vmax.f32 v9, v13  }
0x2d6: {  	v6 =	vmax.f32 v6, v11;
	v9 =	vsub.f32 v9, v62;
	(erf) = vpow2.f32 v0  }
0x2d7: {  	v6 =	vsub.f32 v6, v14  }
0x2d8: {  	[tilespmem:$0x1FF90] =	vst v48;
	v11 =	vor.u32 $0xC, v49;
	v9 =	vmul.f32 $1.442695020e+00, v9  }
0x2d9: {  	[tilespmem:$0x1FF80] =	vst v23;
	v15 =	vor.u32 $0x3, v50;
	v6 =	vmul.f32 $1.442695020e+00, v6;
	v13 =	vpop (erf)  }
0x2da: {  	v0 =	vor.u32 $0x5, v23;
	[tilespmem:v8+s21+$0x0] =	vst.idx.msk $0xffff, v13;
	v8 =	vor.u32 $0xB, v50  }
0x2db: {  	v3 =	vmul.f32 v13, v3;
	(erf) = vpow2.f32 v6;
	v13 =	vor.u32 $0x2, v51  }
0x2dc: {  	(erf) = vpow2.f32 v9;
	v9 =	vpop (erf)  }
0x2dd: {  	[tilespmem:v11+s21+$0x0] =	vst.idx.msk $0xffff, v3;
	v2 =	vmul.f32 v9, v2  }
0x2de: {  	v14 =	vor.u32 $0x5, v26;
	[tilespmem:v15+s21+$0x0] =	vst.idx.msk $0xffff, v9  }
0x2df: {  	[tilespmem:v8+s21+$0x0] =	vst.idx.msk $0xffff, v2;
	v8 =	vpop (erf)  }
0x2e0: {  	v0 =	vld.idx.msk [tilespmem:v0+s4+$0x0], $0xffff;
	[tilespmem:v13+s21+$0x0] =	vst.idx.msk $0xffff, v8  }
0x2e1: {  	s31 =	simm.s32 $0x40;
	v13 =	vld [tilespmem:$0x1FF00]  }
0x2e2: {  	v16 =	vmov s31;
	v11 =	vor.u32 $0x4, v63  }
0x2e3: {  	v16 =	vshll.u32 v16, $0x4;
	v6 =	vld.idx.msk [tilespmem:v14+s4+$0x0], $0xffff;
	v14 =	vor.u32 $0xA, v51  }
0x2e4: {  	v53 =	vor.u32 v25, v16;
	v16 =	vor.u32 $0x1, v52  }
0x2e5: {  	v26 =	vld [tilespmem:$0x1FE70]  }
0x2e6: {  	v10 =	vmul.f32 v8, v10;
	v0 =	vmul.f32 v0, v13;
	v13 =	vor.u32 $0x9, v52  }
0x2e7: {  	v11 =	vld.idx.msk [tilespmem:v11+s4+$0x0], $0xffff  }
0x2e8: {  	s26 =	simm.s32 $0x138D0;
	[tilespmem:v14+s21+$0x0] =	vst.idx.msk $0xffff, v10;
	v14 =	vpop (erf)  }
0x2e9: {  	v15 =	vld [tilespmem:s26+$0x0];
	v19 =	vpop (erf);
	v12 =	vmul.f32 v14, v12;
	[tilespmem:v16+s21+$0x0] =	vst.idx.msk $0xffff, v14  }
0x2ea: {  	v3 =	vor.u32 $0x4, v1;
	[tilespmem:v53+s21+$0x0] =	vst.idx.msk $0xffff, v19;
	v8 =	vmul.f32 v6, v26  }
0x2eb: {  	v9 =	vor.u32 $0x3, v58;
	[tilespmem:v13+s21+$0x0] =	vst.idx.msk $0xffff, v12  }
0x2ec: {  	v11 =	vmul.f32 v11, v4;
	v0 =	vadd.f32 v0, v8;
	v4 =	vld [tilespmem:$0x1FF40]  }
0x2ed: {  	s30 =	simm.s32 $0x140A0;
	v2 =	vor.u32 $0x3, v59  }
0x2ee: {  	v17 =	vld [tilespmem:s30+$0x0];
	v60 =	vshll.u32 v15, $0x3;
	v10 =	vor.u32 $0x2, v56;
	v15 =	vmul.f32 $2.000000030e-01, v0  }
0x2ef: {  	v18 =	vor.u32 $0x2, v54;
	v3 =	vld.idx.msk [tilespmem:v3+s4+$0x0], $0xffff  }
0x2f0: {  	v9 =	vld.idx.msk [tilespmem:v9+s4+$0x0], $0xffff;
	v0 =	vmax.f32 v0, v15  }
0x2f1: {  	v8 =	vor.u32 $0x8, v53;
	v0 =	vsub.f32 v0, v4;
	v4 =	vld [tilespmem:$0x1FF30]  }
0x2f2: {  	v20 =	vor.u32 $0x1, v55;
	v2 =	vld.idx.msk [tilespmem:v2+s4+$0x0], $0xffff  }
0x2f3: {  	v14 =	vor.u32 $0x1, v57;
	v10 =	vld.idx.msk [tilespmem:v10+s4+$0x0], $0xffff  }
0x2f4: {  	v21 =	vmul.f32 v3, v61;
	v7 =	vmul.f32 v19, v7;
	v12 =	vld.idx.msk [tilespmem:v18+s4+$0x0], $0xffff  }
0x2f5: {  	v61 =	vshll.u32 v17, $0x3;
	v15 =	vld.idx.msk [tilespmem:v60+s4+$0x0], $0xffff  }
0x2f6: {  	v11 =	vadd.f32 v11, v21;
	v13 =	vmul.f32 v9, v4;
	v4 =	vld [tilespmem:$0x1FF50];
	[tilespmem:v8+s21+$0x0] =	vst.idx.msk $0xffff, v7  }
0x2f7: {  	v16 =	vld.idx.msk [tilespmem:v20+s4+$0x0], $0xffff  }
0x2f8: {  	v7 =	vmul.f32 $2.000000030e-01, v11;
	v8 =	vld.idx.msk [tilespmem:v14+s4+$0x0], $0xffff  }
0x2f9: {  	v0 =	vmul.f32 $1.442695020e+00, v0;
	v14 =	vld [tilespmem:$0x1FF70]  }
0x2fa: {  	v7 =	vmax.f32 v11, v7;
	v11 =	vld.idx.msk [tilespmem:v61+s4+$0x0], $0xffff  }
0x2fb: {  	(erf) = vpow2.f32 v0;
	v0 =	vsub.f32 v7, v5;
	v5 =	vld [tilespmem:$0x1FE80];
	v2 =	vmul.f32 v2, v4  }
0x2fc: {  	v4 =	vld [tilespmem:$0x1FEA0]  }
0x2fd: {  	v2 =	vadd.f32 v2, v13;
	_ =	sdelay $0x1  }
0x2fe: {  	v12 =	vmul.f32 v12, v14;
	v7 =	vmul.f32 $2.000000030e-01, v2  }
0x2ff: {  	v14 =	vmul.f32 v15, v48;
	v13 =	vmul.f32 v10, v5  }
0x300: {  	v11 =	vmul.f32 v11, v4;
	v2 =	vmax.f32 v2, v7;
	v7 =	vmul.f32 v16, v27;
	v27 =	vld [tilespmem:$0x1FE90]  }
0x301: {  	v0 =	vmul.f32 $1.442695020e+00, v0  }
0x302: {  	v12 =	vadd.f32 v12, v13;
	v11 =	vadd.f32 v11, v14;
	v14 =	vld [tilespmem:$0x1FEC0]  }
0x303: {  	(erf) = vpow2.f32 v0;
	v0 =	vmul.f32 v8, v22;
	v8 =	vor.u32 $0x5, v49  }
0x304: {  	v13 =	vmul.f32 $2.000000030e-01, v12  }
0x305: {  	v0 =	vadd.f32 v0, v7;
	v2 =	vsub.f32 v2, v27  }
0x306: {  	v12 =	vmax.f32 v12, v13  }
0x307: {  	v13 =	vmul.f32 $2.000000030e-01, v0;
	v12 =	vsub.f32 v12, v14;
	v14 =	vpop (erf);
	v2 =	vmul.f32 $1.442695020e+00, v2  }
0x308: {  	v4 =	vld [tilespmem:$0x1FEB0];
	[tilespmem:v8+s21+$0x0] =	vst.idx.msk $0xffff, v14  }
0x309: {  	v0 =	vmax.f32 v0, v13;
	v13 =	vld [tilespmem:$0x1FED0];
	(erf) = vpow2.f32 v2;
	_ =	sdelay $0x1  }
0x30a: {  	v17 =	vor.u32 $0xD, v49;
	v12 =	vmul.f32 $1.442695020e+00, v12  }
0x30b: {  	v18 =	vor.u32 $0x4, v50  }
0x30c: {  	v7 =	vor.u32 $0x6, v4;
	v8 =	vor.u32 $0xC, v50  }
0x30d: {  	v6 =	vmul.f32 v14, v6;
	v0 =	vsub.f32 v0, v13;
	v13 =	vor.u32 $0x3, v51  }
0x30e: {  	(erf) = vpow2.f32 v12;
	v12 =	vpop (erf)  }
0x30f: {  	[tilespmem:v17+s21+$0x0] =	vst.idx.msk $0xffff, v6;
	v3 =	vmul.f32 v12, v3  }
0x310: {  	[tilespmem:v18+s21+$0x0] =	vst.idx.msk $0xffff, v12  }
0x311: {  	[tilespmem:v8+s21+$0x0] =	vst.idx.msk $0xffff, v3;
	v12 =	vpop (erf)  }
0x312: {  	v2 =	vor.u32 $0x6, v23;
	v24 =	vld.idx.msk [tilespmem:v7+s4+$0x0], $0xffff;
	[tilespmem:v13+s21+$0x0] =	vst.idx.msk $0xffff, v12  }
0x313: {  	v8 =	vld [tilespmem:$0x1FEE0];
	_ =	sdelay $0x1  }
0x314: {  	v19 =	vmul.f32 $2.000000030e-01, v11;
	_ =	sdelay $0x1  }
0x315: {  	v11 =	vmax.f32 v11, v19;
	v2 =	vld.idx.msk [tilespmem:v2+s4+$0x0], $0xffff  }
0x316: {  	v6 =	vor.u32 $0x5, v1;
	v3 =	vmul.f32 v12, v9;
	v9 =	vmul.f32 v24, v8;
	v8 =	vld [tilespmem:$0x1FEF0]  }
0x317: {  	v11 =	vsub.f32 v11, v62  }
0x318: {  	v0 =	vmul.f32 $1.442695020e+00, v0  }
0x319: {  	v11 =	vmul.f32 $1.442695020e+00, v11  }
0x31a: {  	v14 =	vor.u32 $0xB, v51;
	v7 =	vor.u32 $0x5, v63;
	(erf) = vpow2.f32 v0  }
0x31b: {  	(erf) = vpow2.f32 v11;
	v11 =	vld.idx.msk [tilespmem:v6+s4+$0x0], $0xffff;
	v6 =	vor.u32 $0x2, v52;
	v2 =	vmul.f32 v2, v8;
	_ =	sdelay $0x3  }
0x31c: {  	v17 =	vor.u32 $0x4, v58;
	[tilespmem:v14+s21+$0x0] =	vst.idx.msk $0xffff, v3;
	v9 =	vadd.f32 v2, v9;
	v2 =	vpop (erf)  }
0x31d: {  	v7 =	vld.idx.msk [tilespmem:v7+s4+$0x0], $0xffff;
	v13 =	vor.u32 $0xA, v52;
	[tilespmem:v6+s21+$0x0] =	vst.idx.msk $0xffff, v2  }
0x31e: {  	v14 =	vor.u32 $0x3, v56;
	v10 =	vmul.f32 v2, v10;
	v2 =	vld [tilespmem:$0x1FF00]  }
0x31f: {  	s31 =	simm.s32 $0x50  }
0x320: {  	v8 =	vmov s31  }
0x321: {  	s25 =	simm.s32 $0x138E0;
	v3 =	vshll.u32 v8, $0x4;
	v8 =	vld.idx.msk [tilespmem:v17+s4+$0x0], $0xffff;
	v17 =	vor.u32 $0x3, v54;
	v19 =	vmul.f32 $2.000000030e-01, v9  }
0x322: {  	v12 =	vld [tilespmem:s25+$0x0];
	v62 =	vor.u32 v25, v3;
	v3 =	vor.u32 $0x1, v53;
	[tilespmem:v13+s21+$0x0] =	vst.idx.msk $0xffff, v10  }
0x323: {  	v6 =	vmul.f32 v11, v26;
	v13 =	vmax.f32 v9, v19;
	v9 =	vld.idx.msk [tilespmem:v14+s4+$0x0], $0xffff;
	v7 =	vmul.f32 v7, v2  }
0x324: {  	v20 =	vor.u32 $0x9, v53;
	v19 =	vld [tilespmem:$0x1FF20]  }
0x325: {  	v10 =	vpop (erf);
	v7 =	vadd.f32 v7, v6;
	v6 =	vld [tilespmem:$0x1FFF0]  }
0x326: {  	v14 =	vmul.f32 v10, v16;
	v16 =	vld.idx.msk [tilespmem:v17+s4+$0x0], $0xffff  }
0x327: {  	v17 =	vld [tilespmem:$0x1FF10];
	v21 =	vpop (erf);
	[tilespmem:v3+s21+$0x0] =	vst.idx.msk $0xffff, v10  }
0x328: {  	[tilespmem:v62+s21+$0x0] =	vst.idx.msk $0xffff, v21;
	v3 =	vmul.f32 $2.000000030e-01, v7  }
0x329: {  	v2 =	vshll.u32 v12, $0x3;
	v12 =	vor.u32 $0x2, v55;
	[tilespmem:v20+s21+$0x0] =	vst.idx.msk $0xffff, v14  }
0x32a: {  	v3 =	vmax.f32 v7, v3;
	v7 =	vld [tilespmem:$0x1FF30];
	v6 =	vsub.f32 v13, v6;
	_ =	sdelay $0x1  }
0x32b: {  	v0 =	vor.u32 $0x4, v59;
	v10 =	vmul.f32 $1.442695020e+00, v6;
	_ =	sdelay $0x1  }
0x32c: {  	v18 =	vor.u32 $0x8, v62;
	(erf) = vpow2.f32 v10;
	v10 =	vld.idx.msk [tilespmem:v12+s4+$0x0], $0xffff  }
0x32d: {  	v12 =	vmul.f32 v9, v7;
	v7 =	vld [tilespmem:$0x1FF40];
	_ =	sdelay $0x1  }
0x32e: {  	v0 =	vld.idx.msk [tilespmem:v0+s4+$0x0], $0xffff;
	v15 =	vmul.f32 v21, v15;
	_ =	sdelay $0x1  }
0x32f: {  	[tilespmem:v18+s21+$0x0] =	vst.idx.msk $0xffff, v15  }
0x330: {  	v14 =	vsub.f32 v3, v7;
	v3 =	vld [tilespmem:$0x1FF50]  }
0x331: {  	s26 =	simm.s32 $0x140B0  }
0x332: {  	v0 =	vmul.f32 v0, v19;
	v19 =	vld [tilespmem:s26+$0x0];
	_ =	sdelay $0x2  }
0x333: {  	v17 =	vmul.f32 v8, v17;
	v15 =	vmul.f32 v16, v3  }
0x334: {  	v13 =	vor.u32 $0x2, v57  }
0x335: {  	v0 =	vadd.f32 v0, v17;
	v3 =	vshll.u32 v19, $0x3;
	v19 =	vadd.f32 v15, v12;
	v12 =	vld [tilespmem:$0x1FF60];
	_ =	sdelay $0x1  }
0x336: {  	v16 =	vmul.f32 $2.000000030e-01, v0;
	_ =	sdelay $0x1  }
0x337: {  	v13 =	vld.idx.msk [tilespmem:v13+s4+$0x0], $0xffff;
	v0 =	vmax.f32 v0, v16  }
0x338: {  	v0 =	vsub.f32 v0, v12;
	v12 =	vor.u32 $0x7, v4;
	v4 =	vld [tilespmem:$0x1FF70];
	_ =	sdelay $0x1  }
0x339: {  	v17 =	vmul.f32 $1.442695020e+00, v14;
	_ =	sdelay $0x1  }
0x33a: {  	(erf) = vpow2.f32 v17  }
0x33b: {  	v17 =	vmul.f32 v10, v5;
	v5 =	vmul.f32 v13, v4;
	v4 =	vld [tilespmem:$0x1FF80];
	_ =	sdelay $0x3  }
0x33c: {  	v22 =	vor.u32 $0x1, v60;
	v6 =	vld.idx.msk [tilespmem:v2+s4+$0x0], $0xffff  }
0x33d: {  	v16 =	vor.u32 $0x7, v4;
	v4 =	vld [tilespmem:$0x1FF90];
	_ =	sdelay $0x2  }
0x33e: {  	v23 =	vor.u32 $0x1, v61  }
0x33f: {  	v7 =	vld.idx.msk [tilespmem:v22+s4+$0x0], $0xffff  }
0x340: {  	v18 =	vmul.f32 v6, v4;
	v4 =	vld [tilespmem:$0x1FFA0];
	_ =	sdelay $0x1  }
0x341: {  	v0 =	vmul.f32 $1.442695020e+00, v0  }
0x342: {  	v23 =	vld.idx.msk [tilespmem:v23+s4+$0x0], $0xffff;
	v21 =	vmul.f32 $2.000000030e-01, v19  }
0x343: {  	(erf) = vpow2.f32 v0;
	v0 =	vld [tilespmem:$0x1FFB0]  }
0x344: {  	v20 =	vmul.f32 v7, v4;
	v4 =	vmax.f32 v19, v21;
	v19 =	vld.idx.msk [tilespmem:v3+s4+$0x0], $0xffff  }
0x345: {  	v14 =	vor.u32 $0x6, v49  }
0x346: {  	v22 =	vpop (erf);
	v15 =	vor.u32 $0xE, v49  }
0x347: {  	v13 =	vmul.f32 v22, v24;
	v5 =	vadd.f32 v5, v17  }
0x348: {  	s29 =	simm.s32 $0x70;
	s28 =	simm.s32 $0x60;
	v17 =	vor.u32 $0x5, v50;
	v23 =	vmul.f32 v23, v0;
	v21 =	vsub.f32 v4, v27  }
.LBB2_6:
0x349: {  	v24 =	vor.u32 $0xD, v50;
	v4 =	vmovc v60;
	v60 =	vmov v2;
	v2 =	vmul.f32 v19, v34  }
0x34a: {  	[tilespmem:v14+s21+$0x0] =	vst.idx.msk $0xffff, v22;
	v0 =	vmul.f32 $2.000000030e-01, v5;
	v21 =	vmul.f32 $1.442695020e+00, v21;
	v14 =	vadd.f32 v23, v20  }
0x34b: {  	[tilespmem:v15+s21+$0x0] =	vst.idx.msk $0xffff, v13;
	v15 =	vor.u32 $0x6, v63;
	v19 =	vor.u32 $0x6, v1;
	v2 =	vadd.f32 v2, v18  }
0x34c: {  	v0 =	vmax.f32 v5, v0;
	(erf) = vpow2.f32 v21;
	v13 =	vmul.f32 $2.000000030e-01, v14;
	v18 =	vpop (erf)  }
0x34d: {  	v12 =	vld.idx.msk [tilespmem:v12+s4+$0x0], $0xffff;
	v0 =	vsub.f32 v0, v44;
	v11 =	vmul.f32 v18, v11;
	v22 =	vmul.f32 $2.000000030e-01, v2  }
0x34e: {  	v20 =	vor.u32 $0x4, v51;
	v16 =	vld.idx.msk [tilespmem:v16+s4+$0x0], $0xffff;
	v5 =	vmov v63;
	[tilespmem:v17+s21+$0x0] =	vst.idx.msk $0xffff, v18  }
0x34f: {  	v13 =	vmax.f32 v14, v13;
	v0 =	vmul.f32 $1.442695020e+00, v0;
	[tilespmem:v24+s21+$0x0] =	vst.idx.msk $0xffff, v11;
	v2 =	vmax.f32 v2, v22;
	v22 =	vld [tilespmem:$0x1FFD0]  }
0x350: {  	v63 =	vmovc v59;
	v21 =	vor.u32 $0xC, v51;
	v59 =	vmovc v54;
	v14 =	vsub.f32 v13, v31;
	v17 =	vor.u32 $0x3, v52;
	v13 =	vld.idx.msk [tilespmem:v19+s4+$0x0], $0xffff  }
0x351: {  	v54 =	vmovc v57;
	v57 =	vmovc v61;
	v18 =	vor.u32 $0x5, v58;
	(erf) = vpow2.f32 v0;
	v2 =	vsub.f32 v2, v30;
	v19 =	vld [tilespmem:$0x1FFC0]  }
0x352: {  	v61 =	vmov v3;
	v0 =	vor.u32 $0x5, v63;
	v3 =	vpop (erf);
	v11 =	vmul.f32 $1.442695020e+00, v14;
	v14 =	vld.idx.msk [tilespmem:v15+s4+$0x0], $0xffff  }
0x353: {  	v8 =	vmul.f32 v3, v8;
	v15 =	vor.u32 $0xB, v52;
	v2 =	vmul.f32 $1.442695020e+00, v2  }
0x354: {  	s25 =	sadd.s32 $0x10, s25;
	v23 =	vor.u32 $0x4, v56;
	[tilespmem:v20+s21+$0x0] =	vst.idx.msk $0xffff, v3;
	(erf) = vpow2.f32 v11  }
0x355: {  	v20 =	vor.u32 $0x4, v59;
	v3 =	vld [tilespmem:s25+$0x0];
	[tilespmem:v21+s21+$0x0] =	vst.idx.msk $0xffff, v8;
	v24 =	vpop (erf);
	v16 =	vmul.f32 v16, v22;
	(erf) = vpow2.f32 v2  }
0x356: {  	v11 =	vld.idx.msk [tilespmem:v18+s4+$0x0], $0xffff;
	v2 =	vmul.f32 v24, v9;
	[tilespmem:v17+s21+$0x0] =	vst.idx.msk $0xffff, v24;
	v19 =	vmul.f32 v12, v19  }
0x357: {  	v22 =	vmov s28;
	v9 =	vor.u32 $0x2, v53;
	v0 =	vld.idx.msk [tilespmem:v0+s4+$0x0], $0xffff;
	v14 =	vmul.f32 v14, v33  }
0x358: {  	[tilespmem:v15+s21+$0x0] =	vst.idx.msk $0xffff, v2;
	v2 =	vmul.f32 v13, v32;
	v16 =	vadd.f32 v16, v19;
	v19 =	vor.u32 $0xA, v53;
	_ =	sdelay $0x1  }
0x359: {  	v8 =	vshll.u32 v22, $0x4;
	v22 =	vpop (erf);
	v14 =	vadd.f32 v14, v2;
	v2 =	vld [tilespmem:$0x1FFE0]  }
0x35a: {  	v18 =	vor.u32 v25, v8;
	v8 =	vld.idx.msk [tilespmem:v23+s4+$0x0], $0xffff;
	v10 =	vmul.f32 v22, v10  }
0x35b: {  	s26 =	sadd.s32 $0x10, s26;
	v20 =	vld.idx.msk [tilespmem:v20+s4+$0x0], $0xffff;
	v17 =	vmul.f32 $2.000000030e-01, v16;
	[tilespmem:v9+s21+$0x0] =	vst.idx.msk $0xffff, v22  }
0x35c: {  	v21 =	vor.u32 $0x3, v55;
	v22 =	vld [tilespmem:s26+$0x0];
	v0 =	vmul.f32 v0, v37;
	[tilespmem:v19+s21+$0x0] =	vst.idx.msk $0xffff, v10;
	v10 =	vmul.f32 v11, v35  }
0x35d: {  	v16 =	vmax.f32 v16, v17;
	v17 =	vor.u32 $0x3, v54  }
0x35e: {  	v15 =	vor.u32 $0x1, v62;
	v16 =	vsub.f32 v16, v2;
	v0 =	vadd.f32 v0, v10;
	v10 =	vld [tilespmem:$0x1FFF0]  }
0x35f: {  	v24 =	vor.u32 $0x9, v62;
	v2 =	vshll.u32 v3, $0x3;
	v3 =	vmul.f32 $2.000000030e-01, v14  }
0x360: {  	v25 =	vor.u32 $0x2, v4;
	v26 =	vpop (erf);
	v16 =	vmul.f32 $1.442695020e+00, v16  }
0x361: {  	v23 =	vor.u32 $0x8, v18;
	v7 =	vmul.f32 v26, v7;
	v9 =	vld.idx.msk [tilespmem:v21+s4+$0x0], $0xffff;
	v3 =	vmax.f32 v14, v3;
	v14 =	vpop (erf)  }
0x362: {  	v19 =	vor.u32 $0x2, v57;
	v20 =	vmul.f32 v20, v40;
	(erf) = vpow2.f32 v16;
	v16 =	vld.idx.msk [tilespmem:v17+s4+$0x0], $0xffff;
	[tilespmem:v18+s21+$0x0] =	vst.idx.msk $0xffff, v14  }
0x363: {  	v21 =	vmul.f32 v8, v38;
	v17 =	vor.u32 $0x1, v60;
	[tilespmem:v15+s21+$0x0] =	vst.idx.msk $0xffff, v26;
	v3 =	vsub.f32 v3, v10  }
0x364: {  	v14 =	vmul.f32 v14, v6;
	v15 =	vmul.f32 $2.000000030e-01, v0;
	v6 =	vld.idx.msk [tilespmem:v2+s4+$0x0], $0xffff;
	[tilespmem:v24+s21+$0x0] =	vst.idx.msk $0xffff, v7  }
0x365: {  	v20 =	vadd.f32 v20, v21;
	v10 =	vld.idx.msk [tilespmem:v25+s4+$0x0], $0xffff;
	v26 =	vmul.f32 $1.442695020e+00, v3  }
0x366: {  	v0 =	vmax.f32 v0, v15;
	[tilespmem:v23+s21+$0x0] =	vst.idx.msk $0xffff, v14;
	v3 =	vshll.u32 v22, $0x3;
	v22 =	vor.u32 $0x1, v61  }
0x367: {  	v27 =	vor.u32 $0x7, v49;
	v21 =	vld.idx.msk [tilespmem:v19+s4+$0x0], $0xffff;
	v0 =	vsub.f32 v0, v36;
	(erf) = vpow2.f32 v26  }
0x368: {  	v15 =	vmul.f32 v9, v41;
	v23 =	vor.u32 $0xF, v49;
	v49 =	vmovc v50;
	v19 =	vmul.f32 $2.000000030e-01, v20;
	v7 =	vld.idx.msk [tilespmem:v17+s4+$0x0], $0xffff  }
0x369: {  	v50 =	vmovc v51;
	v51 =	vmovc v52;
	v52 =	vmov v53;
	v16 =	vmul.f32 v16, v43;
	v0 =	vmul.f32 $1.442695020e+00, v0  }
0x36a: {  	v53 =	vmovc v62;
	v62 =	vmovc v18;
	v14 =	vor.u32 $0x6, v49;
	v18 =	vmul.f32 v6, v48;
	v25 =	vmul.f32 v10, v45  }
0x36b: {  	v24 =	vld.idx.msk [tilespmem:v22+s4+$0x0], $0xffff;
	v22 =	vadd.f32 v16, v15;
	v16 =	vmax.f32 v20, v19;
	v15 =	vor.u32 $0xE, v49;
	v17 =	vpop (erf)  }
0x36c: {  	p0 =	sne.s32 s29, $0x7C0;
	(erf) = vpow2.f32 v0;
	v16 =	vsub.f32 v16, v39;
	v0 =	vmul.f32 v17, v12  }
.Ltmp2:
0x36d: {  	v19 =	vld.idx.msk [tilespmem:v3+s4+$0x0], $0xffff;
	[tilespmem:v27+s21+$0x0] =	vst.idx.msk $0xffff, v17;
	v17 =	vmul.f32 v21, v46;
	v20 =	vmul.f32 v7, v47;
	(pc) =	sbr.rel @p0 .LBB2_6-.Ltmp2, $4  }
0x36e: {  	v12 =	vor.u32 $0x7, v1;
	v1 =	vmovc v58;
	v26 =	vmul.f32 $2.000000030e-01, v22;
	v27 =	vmul.f32 $1.442695020e+00, v16  }
0x36f: {  	v58 =	vmovc v56;
	v56 =	vmovc v55;
	v55 =	vmov v4;
	v16 =	vor.u32 $0x7, v5;
	v5 =	vadd.f32 v17, v25  }
0x370: {  	[tilespmem:v23+s21+$0x0] =	vst.idx.msk $0xffff, v0;
	v17 =	vor.u32 $0x5, v50;
	v0 =	vmax.f32 v22, v26;
	(erf) = vpow2.f32 v27;
	v22 =	vpop (erf)  }
0x371: {  	s28 =	smov.u32 s29;
	s29 =	sadd.s32 $0x10, s29;
	v25 =	vmovc v28;
	v21 =	vsub.f32 v0, v42;
	v23 =	vmul.f32 v24, v29;
	v13 =	vmul.f32 v22, v13  }
0x372: {  	_ =	sdelay $0x3  }
0x373: {  	[tilespmem:v14+s21+$0x0] =	vst.idx.msk $0xffff, v22  }
0x374: {  	[tilespmem:v15+s21+$0x0] =	vst.idx.msk $0xffff, v13  }
0x375: {  	v22 =	vld.idx.msk [tilespmem:v12+s4+$0x0], $0xffff;
	_ =	sdelay $0x1  }
0x376: {  	v4 =	vmul.f32 $1.442695020e+00, v21;
	v21 =	vor.u32 $0xD, v50;
	_ =	sdelay $0x1  }
0x377: {  	v13 =	vpop (erf)  }
0x378: {  	v0 =	vmul.f32 $2.000000030e-01, v5;
	v11 =	vmul.f32 v13, v11;
	[tilespmem:$0x1FDA0] =	vst v22  }
0x379: {  	v14 =	vmul.f32 v19, v34;
	v19 =	vadd.f32 v23, v20;
	[tilespmem:v17+s21+$0x0] =	vst.idx.msk $0xffff, v13  }
0x37a: {  	v20 =	vor.u32 $0x6, v1;
	v0 =	vmax.f32 v5, v0;
	(erf) = vpow2.f32 v4;
	[tilespmem:v21+s21+$0x0] =	vst.idx.msk $0xffff, v11  }
0x37b: {  	v5 =	vadd.f32 v14, v18;
	v12 =	vmul.f32 $2.000000030e-01, v19;
	v0 =	vsub.f32 v0, v44;
	v4 =	vld [tilespmem:$0x1FFC0]  }
0x37c: {  	v14 =	vor.u32 $0x6, v63  }
0x37d: {  	v12 =	vmax.f32 v19, v12;
	v0 =	vmul.f32 $1.442695020e+00, v0;
	v15 =	vld.idx.msk [tilespmem:v16+s4+$0x0], $0xffff;
	v16 =	vmul.f32 $2.000000030e-01, v5  }
0x37e: {  	v18 =	vor.u32 $0x4, v51;
	v19 =	vor.u32 $0xC, v51;
	v12 =	vsub.f32 v12, v31  }
0x37f: {  	(erf) = vpow2.f32 v0;
	v0 =	vor.u32 $0x5, v58;
	v5 =	vmax.f32 v5, v16;
	v11 =	vld.idx.msk [tilespmem:v20+s4+$0x0], $0xffff  }
0x380: {  	v13 =	vor.u32 $0x3, v52;
	v5 =	vsub.f32 v5, v30;
	v20 =	vmul.f32 v22, v4;
	v4 =	vld [tilespmem:$0x1FFD0]  }
0x381: {  	v12 =	vmul.f32 $1.442695020e+00, v12;
	v17 =	vpop (erf);
	v21 =	vor.u32 $0xB, v52;
	v16 =	vor.u32 $0x5, v59  }
0x382: {  	v8 =	vmul.f32 v17, v8;
	v5 =	vmul.f32 $1.442695020e+00, v5  }
0x383: {  	v14 =	vld.idx.msk [tilespmem:v14+s4+$0x0], $0xffff;
	(erf) = vpow2.f32 v12;
	[tilespmem:v18+s21+$0x0] =	vst.idx.msk $0xffff, v17;
	v18 =	vpop (erf)  }
0x384: {  	(erf) = vpow2.f32 v5;
	[tilespmem:v19+s21+$0x0] =	vst.idx.msk $0xffff, v8;
	v5 =	vmul.f32 v18, v9  }
0x385: {  	v17 =	vor.u32 $0x4, v54;
	v8 =	vor.u32 $0x2, v53;
	[tilespmem:v13+s21+$0x0] =	vst.idx.msk $0xffff, v18;
	v26 =	vld.idx.msk [tilespmem:v0+s4+$0x0], $0xffff;
	v15 =	vmul.f32 v15, v4  }
0x386: {  	v22 =	vor.u32 $0x4, v56;
	v13 =	vld.idx.msk [tilespmem:v16+s4+$0x0], $0xffff;
	v16 =	vor.u32 $0xA, v53;
	[tilespmem:v21+s21+$0x0] =	vst.idx.msk $0xffff, v5  }
0x387: {  	v0 =	vld [tilespmem:$0x1FFE0];
	v12 =	vadd.f32 v15, v20  }
0x388: {  	v14 =	vmul.f32 v14, v33;
	v18 =	vmul.f32 v11, v32;
	v20 =	vpop (erf)  }
0x389: {  	v10 =	vmul.f32 v20, v10;
	v9 =	vmul.f32 $2.000000030e-01, v12  }
0x38a: {  	v19 =	vor.u32 $0x3, v55;
	v17 =	vld.idx.msk [tilespmem:v17+s4+$0x0], $0xffff;
	[tilespmem:v8+s21+$0x0] =	vst.idx.msk $0xffff, v20  }
0x38b: {  	v14 =	vadd.f32 v14, v18;
	v15 =	vmov s28;
	[tilespmem:v16+s21+$0x0] =	vst.idx.msk $0xffff, v10;
	v5 =	vmax.f32 v12, v9;
	v9 =	vld.idx.msk [tilespmem:v22+s4+$0x0], $0xffff  }
0x38c: {  	v15 =	vshll.u32 v15, $0x4;
	v12 =	vor.u32 $0x3, v57;
	v18 =	vsub.f32 v5, v0;
	v0 =	vld [tilespmem:$0x1FFF0]  }
0x38d: {  	v13 =	vmul.f32 v13, v37;
	v5 =	vor.u32 v25, v15;
	v15 =	vor.u32 $0x1, v62  }
0x38e: {  	v8 =	vmul.f32 $2.000000030e-01, v14;
	v23 =	vpop (erf);
	v10 =	vmul.f32 v26, v35  }
0x38f: {  	v20 =	vor.u32 $0x9, v62;
	v7 =	vmul.f32 v23, v7;
	v16 =	vor.u32 $0x2, v60  }
0x390: {  	v8 =	vmax.f32 v14, v8;
	v14 =	vpop (erf);
	v17 =	vmul.f32 v17, v40;
	v19 =	vld.idx.msk [tilespmem:v19+s4+$0x0], $0xffff;
	v10 =	vadd.f32 v13, v10  }
0x391: {  	v6 =	vmul.f32 v14, v6;
	v12 =	vld.idx.msk [tilespmem:v12+s4+$0x0], $0xffff;
	v24 =	vmul.f32 v9, v38;
	v8 =	vsub.f32 v8, v0  }
0x392: {  	v21 =	vor.u32 $0x8, v5;
	v18 =	vmul.f32 $1.442695020e+00, v18;
	[tilespmem:v15+s21+$0x0] =	vst.idx.msk $0xffff, v23;
	v15 =	vmul.f32 $2.000000030e-01, v10  }
0x393: {  	[tilespmem:v5+s21+$0x0] =	vst.idx.msk $0xffff, v14;
	v23 =	vor.u32 $0x1, v3;
	v14 =	vadd.f32 v17, v24;
	v8 =	vmul.f32 $1.442695020e+00, v8  }
0x394: {  	v22 =	vor.u32 $0x2, v61;
	(erf) = vpow2.f32 v18  }
0x395: {  	v10 =	vmax.f32 v10, v15;
	v15 =	vmul.f32 $2.000000030e-01, v14;
	(erf) = vpow2.f32 v8  }
0x396: {  	v13 =	vor.u32 $0x1, v2;
	[tilespmem:v20+s21+$0x0] =	vst.idx.msk $0xffff, v7;
	v8 =	vmul.f32 v19, v41;
	v12 =	vmul.f32 v12, v43  }
0x397: {  	[tilespmem:v21+s21+$0x0] =	vst.idx.msk $0xffff, v6;
	v7 =	vld.idx.msk [tilespmem:v16+s4+$0x0], $0xffff  }
0x398: {  	v16 =	vld.idx.msk [tilespmem:v23+s4+$0x0], $0xffff;
	v8 =	vadd.f32 v12, v8;
	v12 =	vmax.f32 v14, v15  }
0x399: {  	v12 =	vsub.f32 v12, v39  }
0x39a: {  	v6 =	vld.idx.msk [tilespmem:v22+s4+$0x0], $0xffff;
	v10 =	vsub.f32 v10, v36  }
0x39b: {  	v13 =	vld.idx.msk [tilespmem:v13+s4+$0x0], $0xffff;
	v14 =	vmul.f32 $2.000000030e-01, v8;
	v12 =	vmul.f32 $1.442695020e+00, v12  }
0x39c: {  	v10 =	vmul.f32 $1.442695020e+00, v10;
	v15 =	vor.u32 $0x6, v50  }
0x39d: {  	v8 =	vmax.f32 v8, v14;
	v14 =	vmul.f32 v16, v29;
	v16 =	vor.u32 $0xE, v50  }
0x39e: {  	v1 =	vor.u32 $0x7, v1;
	(erf) = vpow2.f32 v10;
	v10 =	vmul.f32 v7, v45;
	v0 =	vpop (erf)  }
0x39f: {  	v6 =	vmul.f32 v6, v46;
	(erf) = vpow2.f32 v12;
	v12 =	vpop (erf)  }
0x3a0: {  	v17 =	vmul.f32 v13, v47;
	[tilespmem:$0x1FDB0] =	vst v0;
	v11 =	vmul.f32 v12, v11  }
0x3a1: {  	[tilespmem:v15+s21+$0x0] =	vst.idx.msk $0xffff, v12  }
0x3a2: {  	v10 =	vadd.f32 v6, v10;
	v14 =	vadd.f32 v14, v17;
	v17 =	vor.u32 $0x7, v63;
	v63 =	vld [tilespmem:$0x1FEC0];
	[tilespmem:v16+s21+$0x0] =	vst.idx.msk $0xffff, v11  }
0x3a3: {  	v1 =	vld.idx.msk [tilespmem:v1+s4+$0x0], $0xffff  }
0x3a4: {  	v8 =	vsub.f32 v8, v42;
	v18 =	vmul.f32 $2.000000030e-01, v10;
	v0 =	vld [tilespmem:$0x1FED0]  }
0x3a5: {  	v20 =	vor.u32 $0x5, v51;
	v21 =	vor.u32 $0xD, v51  }
0x3a6: {  	v8 =	vmul.f32 $1.442695020e+00, v8;
	v10 =	vmax.f32 v10, v18;
	v18 =	vmul.f32 $2.000000030e-01, v14;
	_ =	sdelay $0x1  }
0x3a7: {  	(erf) = vpow2.f32 v8;
	v8 =	vmax.f32 v14, v18;
	v14 =	vpop (erf)  }
0x3a8: {  	[tilespmem:$0x1FDC0] =	vst v1;
	v8 =	vsub.f32 v8, v0;
	v0 =	vmul.f32 v14, v26  }
0x3a9: {  	[tilespmem:v20+s21+$0x0] =	vst.idx.msk $0xffff, v14  }
0x3aa: {  	[tilespmem:v21+s21+$0x0] =	vst.idx.msk $0xffff, v0  }
0x3ab: {  	v10 =	vsub.f32 v10, v63;
	v20 =	vld [tilespmem:$0x1FFC0];
	_ =	sdelay $0x1  }
0x3ac: {  	v10 =	vmul.f32 $1.442695020e+00, v10  }
0x3ad: {  	v16 =	vor.u32 $0x4, v52  }
0x3ae: {  	v12 =	vor.u32 $0x6, v58;
	v15 =	vld.idx.msk [tilespmem:v17+s4+$0x0], $0xffff;
	(erf) = vpow2.f32 v10;
	v10 =	vor.u32 $0xC, v52  }
0x3af: {  	v20 =	vmul.f32 v1, v20;
	v1 =	vld [tilespmem:$0x1FFD0]  }
0x3b0: {  	v14 =	vpop (erf)  }
0x3b1: {  	v8 =	vmul.f32 $1.442695020e+00, v8;
	v9 =	vmul.f32 v14, v9  }
0x3b2: {  	[tilespmem:v16+s21+$0x0] =	vst.idx.msk $0xffff, v14  }
0x3b3: {  	v11 =	vor.u32 $0x6, v59;
	v12 =	vld.idx.msk [tilespmem:v12+s4+$0x0], $0xffff;
	(erf) = vpow2.f32 v8;
	v8 =	vor.u32 $0x3, v53;
	[tilespmem:v10+s21+$0x0] =	vst.idx.msk $0xffff, v9  }
0x3b4: {  	v15 =	vmul.f32 v15, v1;
	v1 =	vld [tilespmem:$0x1FEE0];
	_ =	sdelay $0x2  }
0x3b5: {  	v18 =	vor.u32 $0xB, v53;
	v16 =	vpop (erf)  }
0x3b6: {  	v11 =	vld.idx.msk [tilespmem:v11+s4+$0x0], $0xffff;
	v10 =	vor.u32 $0x2, v62;
	[tilespmem:v8+s21+$0x0] =	vst.idx.msk $0xffff, v16  }
0x3b7: {  	v9 =	vadd.f32 v15, v20;
	v20 =	vmul.f32 v12, v1;
	v1 =	vld [tilespmem:$0x1FEF0]  }
0x3b8: {  	v15 =	vmul.f32 v16, v19;
	_ =	sdelay $0x1  }
0x3b9: {  	[tilespmem:v18+s21+$0x0] =	vst.idx.msk $0xffff, v15;
	v18 =	vpop (erf)  }
0x3ba: {  	v0 =	vor.u32 $0x5, v56;
	v19 =	vor.u32 $0xA, v62;
	[tilespmem:v10+s21+$0x0] =	vst.idx.msk $0xffff, v18  }
0x3bb: {  	v11 =	vmul.f32 v11, v1;
	v1 =	vld [tilespmem:$0x1FFE0];
	_ =	sdelay $0x1  }
0x3bc: {  	v22 =	vmul.f32 $2.000000030e-01, v9;
	v7 =	vmul.f32 v18, v7;
	_ =	sdelay $0x1  }
0x3bd: {  	v17 =	vor.u32 $0x5, v54;
	v0 =	vld.idx.msk [tilespmem:v0+s4+$0x0], $0xffff;
	v9 =	vmax.f32 v9, v22;
	[tilespmem:v19+s21+$0x0] =	vst.idx.msk $0xffff, v7  }
0x3be: {  	v9 =	vsub.f32 v9, v1;
	v1 =	vld [tilespmem:$0x1FE70];
	_ =	sdelay $0x2  }
0x3bf: {  	v16 =	vor.u32 $0x1, v5  }
0x3c0: {  	v23 =	vor.u32 $0x9, v5;
	v8 =	vld.idx.msk [tilespmem:v17+s4+$0x0], $0xffff;
	v18 =	vpop (erf)  }
0x3c1: {  	v7 =	vmul.f32 v18, v13;
	v13 =	vmul.f32 v0, v1;
	v1 =	vld [tilespmem:$0x1FF00];
	_ =	sdelay $0x2  }
0x3c2: {  	[tilespmem:v16+s21+$0x0] =	vst.idx.msk $0xffff, v18  }
0x3c3: {  	v21 =	vor.u32 $0x4, v55;
	[tilespmem:v23+s21+$0x0] =	vst.idx.msk $0xffff, v7  }
0x3c4: {  	v11 =	vadd.f32 v11, v20;
	v8 =	vmul.f32 v8, v1;
	v1 =	vld [tilespmem:$0x1FFF0];
	_ =	sdelay $0x1  }
0x3c5: {  	v22 =	vmul.f32 $2.000000030e-01, v11;
	_ =	sdelay $0x1  }
0x3c6: {  	v14 =	vor.u32 $0x4, v57;
	v21 =	vld.idx.msk [tilespmem:v21+s4+$0x0], $0xffff;
	v7 =	vmul.f32 $1.442695020e+00, v9;
	v9 =	vmax.f32 v11, v22  }
0x3c7: {  	v9 =	vsub.f32 v9, v1;
	v1 =	vld [tilespmem:$0x1FF10];
	_ =	sdelay $0x1  }
0x3c8: {  	v17 =	vor.u32 $0x3, v60  }
0x3c9: {  	v15 =	vor.u32 $0x3, v61  }
0x3ca: {  	v14 =	vld.idx.msk [tilespmem:v14+s4+$0x0], $0xffff  }
0x3cb: {  	v8 =	vadd.f32 v8, v13;
	v13 =	vmul.f32 v21, v1;
	v1 =	vld [tilespmem:$0x1FF20]  }
0x3cc: {  	v20 =	vor.u32 $0x2, v2  }
0x3cd: {  	v10 =	vor.u32 $0x2, v3;
	v17 =	vld.idx.msk [tilespmem:v17+s4+$0x0], $0xffff  }
0x3ce: {  	v15 =	vld.idx.msk [tilespmem:v15+s4+$0x0], $0xffff  }
0x3cf: {  	v26 =	vld [tilespmem:$0x1FF50]  }
0x3d0: {  	v14 =	vmul.f32 v14, v1;
	v1 =	vld [tilespmem:$0x1FF40]  }
0x3d1: {  	v11 =	vld.idx.msk [tilespmem:v20+s4+$0x0], $0xffff  }
0x3d2: {  	v10 =	vld.idx.msk [tilespmem:v10+s4+$0x0], $0xffff;
	v16 =	vmul.f32 $2.000000030e-01, v8  }
0x3d3: {  	v4 =	vld [tilespmem:$0x1FF60];
	(erf) = vpow2.f32 v7;
	v7 =	vmul.f32 $1.442695020e+00, v9;
	v9 =	vadd.f32 v14, v13  }
0x3d4: {  	v8 =	vmax.f32 v8, v16;
	v13 =	vmul.f32 v17, v41;
	v14 =	vmul.f32 v15, v26  }
0x3d5: {  	(erf) = vpow2.f32 v7;
	v7 =	vsub.f32 v8, v1;
	v8 =	vmul.f32 $2.000000030e-01, v9  }
0x3d6: {  	v13 =	vadd.f32 v14, v13  }
0x3d7: {  	v10 =	vmul.f32 v10, v46;
	v14 =	vmul.f32 v11, v45;
	v8 =	vmax.f32 v9, v8  }
0x3d8: {  	v7 =	vmul.f32 $1.442695020e+00, v7;
	v9 =	vmul.f32 $2.000000030e-01, v13;
	v8 =	vsub.f32 v8, v4  }
0x3d9: {  	v10 =	vadd.f32 v10, v14  }
0x3da: {  	(erf) = vpow2.f32 v7;
	v7 =	vmul.f32 $1.442695020e+00, v8;
	v8 =	vmax.f32 v13, v9  }
0x3db: {  	v9 =	vmul.f32 $2.000000030e-01, v10;
	v8 =	vsub.f32 v8, v42  }
0x3dc: {  	v13 =	vor.u32 $0x6, v51;
	(erf) = vpow2.f32 v7  }
0x3dd: {  	v7 =	vmax.f32 v10, v9;
	v9 =	vor.u32 $0xE, v51;
	v8 =	vmul.f32 $1.442695020e+00, v8  }
0x3de: {  	v14 =	vor.u32 $0x7, v58;
	v4 =	vpop (erf);
	v10 =	vsub.f32 v7, v63  }
0x3df: {  	v16 =	vpop (erf);
	(erf) = vpow2.f32 v8  }
0x3e0: {  	[tilespmem:$0x1FDD0] =	vst v4;
	v8 =	vmul.f32 $1.442695020e+00, v10;
	v10 =	vmul.f32 v16, v12  }
0x3e1: {  	[tilespmem:v13+s21+$0x0] =	vst.idx.msk $0xffff, v16  }
0x3e2: {  	[tilespmem:v9+s21+$0x0] =	vst.idx.msk $0xffff, v10  }
0x3e3: {  	v7 =	vld.idx.msk [tilespmem:v14+s4+$0x0], $0xffff  }
0x3e4: {  	v18 =	vor.u32 $0x5, v52  }
0x3e5: {  	v15 =	vor.u32 $0x7, v59;
	v12 =	vor.u32 $0xD, v52  }
0x3e6: {  	v13 =	vor.u32 $0x6, v56;
	(erf) = vpow2.f32 v8  }
0x3e7: {  	v16 =	vor.u32 $0x4, v53;
	v9 =	vor.u32 $0x6, v54;
	v10 =	vpop (erf)  }
0x3e8: {  	v14 =	vor.u32 $0xC, v53;
	v0 =	vmul.f32 v10, v0;
	[tilespmem:$0x1FDE0] =	vst v7  }
0x3e9: {  	[tilespmem:v18+s21+$0x0] =	vst.idx.msk $0xffff, v10;
	v18 =	vor.u32 $0x3, v62  }
0x3ea: {  	v20 =	vor.u32 $0xB, v62;
	v15 =	vld.idx.msk [tilespmem:v15+s4+$0x0], $0xffff;
	v10 =	vor.u32 $0x5, v55;
	[tilespmem:v12+s21+$0x0] =	vst.idx.msk $0xffff, v0;
	v12 =	vpop (erf)  }
0x3eb: {  	v13 =	vld.idx.msk [tilespmem:v13+s4+$0x0], $0xffff;
	v19 =	vmul.f32 v12, v21  }
0x3ec: {  	v9 =	vld.idx.msk [tilespmem:v9+s4+$0x0], $0xffff;
	[tilespmem:v16+s21+$0x0] =	vst.idx.msk $0xffff, v12;
	v12 =	vor.u32 $0x2, v5;
	v23 =	vpop (erf)  }
0x3ed: {  	v0 =	vor.u32 $0x5, v57;
	v4 =	vld [tilespmem:$0x1FFC0];
	v17 =	vmul.f32 v23, v17;
	[tilespmem:v14+s21+$0x0] =	vst.idx.msk $0xffff, v19;
	v14 =	vor.u32 $0xA, v5  }
0x3ee: {  	v27 =	vld [tilespmem:$0x1FFD0];
	[tilespmem:v18+s21+$0x0] =	vst.idx.msk $0xffff, v23  }
0x3ef: {  	v10 =	vld.idx.msk [tilespmem:v10+s4+$0x0], $0xffff;
	v23 =	vpop (erf);
	[tilespmem:v20+s21+$0x0] =	vst.idx.msk $0xffff, v17  }
0x3f0: {  	v21 =	vor.u32 $0x4, v60;
	v11 =	vmul.f32 v23, v11;
	v59 =	vld [tilespmem:$0x1FEE0]  }
0x3f1: {  	v22 =	vor.u32 $0x4, v61;
	v63 =	vld [tilespmem:$0x1FEF0];
	[tilespmem:v12+s21+$0x0] =	vst.idx.msk $0xffff, v23  }
0x3f2: {  	v19 =	vor.u32 $0x3, v2;
	v0 =	vld.idx.msk [tilespmem:v0+s4+$0x0], $0xffff;
	[tilespmem:v14+s21+$0x0] =	vst.idx.msk $0xffff, v11  }
0x3f3: {  	v16 =	vmul.f32 v7, v4;
	v7 =	vld [tilespmem:$0x1FE70]  }
0x3f4: {  	v8 =	vld [tilespmem:$0x1FF00]  }
0x3f5: {  	v17 =	vld.idx.msk [tilespmem:v21+s4+$0x0], $0xffff;
	v15 =	vmul.f32 v15, v27  }
0x3f6: {  	v18 =	vor.u32 $0x3, v3;
	v12 =	vld.idx.msk [tilespmem:v22+s4+$0x0], $0xffff  }
0x3f7: {  	v14 =	vld.idx.msk [tilespmem:v19+s4+$0x0], $0xffff;
	v15 =	vadd.f32 v15, v16;
	v16 =	vmul.f32 v13, v59;
	v9 =	vmul.f32 v9, v63  }
0x3f8: {  	v19 =	vld [tilespmem:$0x1FFE0]  }
0x3f9: {  	v23 =	vld [tilespmem:$0x1FF10];
	v9 =	vadd.f32 v9, v16;
	v16 =	vmul.f32 v10, v7;
	v0 =	vmul.f32 v0, v8  }
0x3fa: {  	v58 =	vld [tilespmem:$0x1FF20]  }
0x3fb: {  	v11 =	vmul.f32 $2.000000030e-01, v15;
	v0 =	vadd.f32 v0, v16;
	v16 =	vld [tilespmem:$0x1FFF0]  }
0x3fc: {  	v18 =	vld.idx.msk [tilespmem:v18+s4+$0x0], $0xffff  }
0x3fd: {  	v11 =	vmax.f32 v15, v11;
	v15 =	vmul.f32 $2.000000030e-01, v9  }
0x3fe: {  	v11 =	vsub.f32 v11, v19  }
0x3ff: {  	v12 =	vmul.f32 v12, v58;
	v9 =	vmax.f32 v9, v15;
	v15 =	vmul.f32 v17, v23  }
0x400: {  	v11 =	vmul.f32 $1.442695020e+00, v11;
	v9 =	vsub.f32 v9, v16;
	v16 =	vmul.f32 $2.000000030e-01, v0  }
0x401: {  	v24 =	vld [tilespmem:$0x1FF60];
	v18 =	vmul.f32 v18, v26;
	v12 =	vadd.f32 v12, v15;
	v15 =	vmul.f32 v14, v41  }
0x402: {  	(erf) = vpow2.f32 v11;
	v9 =	vmul.f32 $1.442695020e+00, v9;
	v0 =	vmax.f32 v0, v16  }
0x403: {  	v11 =	vmul.f32 $2.000000030e-01, v12;
	v15 =	vadd.f32 v18, v15;
	v0 =	vsub.f32 v0, v1  }
0x404: {  	(erf) = vpow2.f32 v9  }
0x405: {  	v9 =	vmax.f32 v12, v11;
	v11 =	vmul.f32 $2.000000030e-01, v15;
	v0 =	vmul.f32 $1.442695020e+00, v0  }
0x406: {  	v9 =	vsub.f32 v9, v24  }
0x407: {  	(erf) = vpow2.f32 v0;
	v0 =	vmax.f32 v15, v11  }
0x408: {  	v9 =	vmul.f32 $1.442695020e+00, v9;
	v0 =	vsub.f32 v0, v42;
	_ =	sdelay $0x1  }
0x409: {  	(erf) = vpow2.f32 v9;
	v0 =	vmul.f32 $1.442695020e+00, v0  }
0x40a: {  	v11 =	vor.u32 $0x6, v52  }
0x40b: {  	v12 =	vor.u32 $0xE, v52;
	(erf) = vpow2.f32 v0  }
0x40c: {  	v15 =	vor.u32 $0x5, v53;
	v9 =	vpop (erf);
	v0 =	vor.u32 $0x7, v56  }
0x40d: {  	v19 =	vor.u32 $0xD, v53;
	v16 =	vor.u32 $0x7, v54;
	v18 =	vpop (erf)  }
0x40e: {  	v20 =	vor.u32 $0x6, v55;
	v13 =	vmul.f32 v18, v13  }
0x40f: {  	v21 =	vor.u32 $0x4, v62;
	[tilespmem:v11+s21+$0x0] =	vst.idx.msk $0xffff, v18;
	v11 =	vor.u32 $0x6, v57;
	v18 =	vpop (erf)  }
0x410: {  	[tilespmem:v12+s21+$0x0] =	vst.idx.msk $0xffff, v13;
	v12 =	vor.u32 $0xC, v62;
	v13 =	vmul.f32 v18, v10  }
0x411: {  	v10 =	vld.idx.msk [tilespmem:v0+s4+$0x0], $0xffff;
	[tilespmem:v15+s21+$0x0] =	vst.idx.msk $0xffff, v18;
	v0 =	vor.u32 $0x3, v5;
	v15 =	vor.u32 $0x5, v60  }
0x412: {  	v16 =	vld.idx.msk [tilespmem:v16+s4+$0x0], $0xffff;
	v18 =	vpop (erf);
	[tilespmem:v19+s21+$0x0] =	vst.idx.msk $0xffff, v13;
	v13 =	vor.u32 $0x5, v61;
	v19 =	vor.u32 $0xB, v5  }
0x413: {  	v22 =	vor.u32 $0x4, v2;
	v17 =	vmul.f32 v18, v17;
	v20 =	vld.idx.msk [tilespmem:v20+s4+$0x0], $0xffff  }
0x414: {  	[tilespmem:v21+s21+$0x0] =	vst.idx.msk $0xffff, v18;
	v18 =	vor.u32 $0x4, v3;
	v11 =	vld.idx.msk [tilespmem:v11+s4+$0x0], $0xffff;
	v21 =	vpop (erf)  }
0x415: {  	[tilespmem:v12+s21+$0x0] =	vst.idx.msk $0xffff, v17;
	v12 =	vmul.f32 v21, v14  }
0x416: {  	v14 =	vld.idx.msk [tilespmem:v15+s4+$0x0], $0xffff;
	[tilespmem:v0+s21+$0x0] =	vst.idx.msk $0xffff, v21  }
0x417: {  	v0 =	vmul.f32 v10, v4;
	v15 =	vmul.f32 v16, v27;
	v13 =	vld.idx.msk [tilespmem:v13+s4+$0x0], $0xffff;
	[tilespmem:v19+s21+$0x0] =	vst.idx.msk $0xffff, v12  }
0x418: {  	v12 =	vld.idx.msk [tilespmem:v22+s4+$0x0], $0xffff  }
0x419: {  	v0 =	vadd.f32 v15, v0;
	v15 =	vmul.f32 v20, v59;
	v11 =	vmul.f32 v11, v63;
	v16 =	vld.idx.msk [tilespmem:v18+s4+$0x0], $0xffff  }
0x41a: {  	v26 =	vld [tilespmem:$0x1FFE0]  }
0x41b: {  	v17 =	vmul.f32 $2.000000030e-01, v0;
	v11 =	vadd.f32 v11, v15  }
0x41c: {  	v54 =	vld [tilespmem:$0x1FFF0];
	v15 =	vmul.f32 v14, v7;
	v13 =	vmul.f32 v13, v8  }
0x41d: {  	v0 =	vmax.f32 v0, v17;
	v17 =	vmul.f32 $2.000000030e-01, v11  }
0x41e: {  	v16 =	vmul.f32 v16, v58;
	v13 =	vadd.f32 v13, v15;
	v15 =	vmul.f32 v12, v23  }
0x41f: {  	v0 =	vsub.f32 v0, v26  }
0x420: {  	v11 =	vmax.f32 v11, v17;
	v17 =	vmul.f32 $2.000000030e-01, v13;
	v15 =	vadd.f32 v16, v15  }
0x421: {  	v11 =	vsub.f32 v11, v54  }
0x422: {  	v0 =	vmul.f32 $1.442695020e+00, v0;
	v13 =	vmax.f32 v13, v17;
	v16 =	vmul.f32 $2.000000030e-01, v15  }
0x423: {  	v11 =	vmul.f32 $1.442695020e+00, v11;
	v13 =	vsub.f32 v13, v1  }
0x424: {  	(erf) = vpow2.f32 v0;
	v0 =	vmax.f32 v15, v16  }
0x425: {  	(erf) = vpow2.f32 v11;
	v11 =	vmul.f32 $1.442695020e+00, v13;
	v0 =	vsub.f32 v0, v24;
	_ =	sdelay $0x1  }
0x426: {  	(erf) = vpow2.f32 v11;
	v0 =	vmul.f32 $1.442695020e+00, v0;
	_ =	sdelay $0x1  }
0x427: {  	(erf) = vpow2.f32 v0;
	_ =	sdelay $0x1  }
0x428: {  	v0 =	vor.u32 $0x6, v53  }
0x429: {  	v13 =	vor.u32 $0xE, v53  }
0x42a: {  	v15 =	vor.u32 $0x7, v55;
	v16 =	vor.u32 $0x5, v62;
	v11 =	vpop (erf)  }
0x42b: {  	v19 =	vor.u32 $0xD, v62;
	v17 =	vor.u32 $0x7, v57;
	v18 =	vpop (erf)  }
0x42c: {  	v21 =	vor.u32 $0x6, v60;
	v22 =	vor.u32 $0x4, v5;
	v20 =	vmul.f32 v18, v20  }
0x42d: {  	v23 =	vor.u32 $0xC, v5;
	[tilespmem:v0+s21+$0x0] =	vst.idx.msk $0xffff, v18;
	v0 =	vor.u32 $0x6, v61;
	v18 =	vpop (erf)  }
0x42e: {  	[tilespmem:v13+s21+$0x0] =	vst.idx.msk $0xffff, v20;
	v13 =	vmul.f32 v18, v14;
	v14 =	vor.u32 $0x5, v2  }
0x42f: {  	v15 =	vld.idx.msk [tilespmem:v15+s4+$0x0], $0xffff;
	[tilespmem:v16+s21+$0x0] =	vst.idx.msk $0xffff, v18;
	v16 =	vor.u32 $0x5, v3;
	v18 =	vpop (erf)  }
0x430: {  	v17 =	vld.idx.msk [tilespmem:v17+s4+$0x0], $0xffff;
	[tilespmem:v19+s21+$0x0] =	vst.idx.msk $0xffff, v13;
	v12 =	vmul.f32 v18, v12  }
0x431: {  	[tilespmem:v22+s21+$0x0] =	vst.idx.msk $0xffff, v18;
	v13 =	vld.idx.msk [tilespmem:v21+s4+$0x0], $0xffff  }
0x432: {  	v0 =	vld.idx.msk [tilespmem:v0+s4+$0x0], $0xffff;
	[tilespmem:v23+s21+$0x0] =	vst.idx.msk $0xffff, v12  }
0x433: {  	v12 =	vld.idx.msk [tilespmem:v14+s4+$0x0], $0xffff  }
0x434: {  	v14 =	vld.idx.msk [tilespmem:v16+s4+$0x0], $0xffff;
	_ =	sdelay $0x1  }
0x435: {  	v17 =	vmul.f32 v17, v27;
	v16 =	vmul.f32 v15, v4  }
0x436: {  	v18 =	vmul.f32 v13, v59;
	v0 =	vmul.f32 v0, v63  }
0x437: {  	v16 =	vadd.f32 v17, v16  }
0x438: {  	v0 =	vadd.f32 v0, v18;
	v17 =	vmul.f32 v12, v7;
	v14 =	vmul.f32 v14, v8  }
0x439: {  	v18 =	vmul.f32 $2.000000030e-01, v16  }
0x43a: {  	v19 =	vmul.f32 $2.000000030e-01, v0;
	v14 =	vadd.f32 v14, v17  }
0x43b: {  	v16 =	vmax.f32 v16, v18  }
0x43c: {  	v16 =	vsub.f32 v16, v26;
	v0 =	vmax.f32 v0, v19;
	v17 =	vmul.f32 $2.000000030e-01, v14  }
0x43d: {  	v0 =	vsub.f32 v0, v54  }
0x43e: {  	v16 =	vmul.f32 $1.442695020e+00, v16;
	v14 =	vmax.f32 v14, v17  }
0x43f: {  	v0 =	vmul.f32 $1.442695020e+00, v0;
	v14 =	vsub.f32 v14, v1  }
0x440: {  	(erf) = vpow2.f32 v16  }
0x441: {  	(erf) = vpow2.f32 v0;
	v0 =	vmul.f32 $1.442695020e+00, v14;
	_ =	sdelay $0x1  }
0x442: {  	(erf) = vpow2.f32 v0;
	_ =	sdelay $0x3  }
0x443: {  	v0 =	vor.u32 $0x6, v62  }
0x444: {  	v14 =	vor.u32 $0xE, v62  }
0x445: {  	v18 =	vor.u32 $0x5, v5;
	v17 =	vor.u32 $0x7, v60;
	v16 =	vpop (erf)  }
0x446: {  	v21 =	vor.u32 $0xD, v5;
	v19 =	vor.u32 $0x7, v61;
	v20 =	vpop (erf)  }
0x447: {  	v22 =	vor.u32 $0x6, v2;
	v13 =	vmul.f32 v20, v13  }
0x448: {  	[tilespmem:v0+s21+$0x0] =	vst.idx.msk $0xffff, v20;
	v0 =	vor.u32 $0x6, v3;
	v20 =	vpop (erf)  }
0x449: {  	[tilespmem:v14+s21+$0x0] =	vst.idx.msk $0xffff, v13;
	v12 =	vmul.f32 v20, v12  }
0x44a: {  	[tilespmem:v18+s21+$0x0] =	vst.idx.msk $0xffff, v20;
	v13 =	vld.idx.msk [tilespmem:v17+s4+$0x0], $0xffff  }
0x44b: {  	v14 =	vld.idx.msk [tilespmem:v19+s4+$0x0], $0xffff;
	[tilespmem:v21+s21+$0x0] =	vst.idx.msk $0xffff, v12  }
0x44c: {  	v12 =	vld.idx.msk [tilespmem:v22+s4+$0x0], $0xffff  }
0x44d: {  	v0 =	vld.idx.msk [tilespmem:v0+s4+$0x0], $0xffff;
	_ =	sdelay $0x2  }
0x44e: {  	v24 =	vmov v4  }
0x44f: {  	v17 =	vmul.f32 v13, v24;
	v14 =	vmul.f32 v14, v27  }
0x450: {  	v18 =	vmul.f32 v12, v59;
	v0 =	vmul.f32 v0, v63  }
0x451: {  	v14 =	vadd.f32 v14, v17  }
0x452: {  	v0 =	vadd.f32 v0, v18  }
0x453: {  	v17 =	vmul.f32 $2.000000030e-01, v14  }
0x454: {  	v18 =	vmul.f32 $2.000000030e-01, v0  }
0x455: {  	v14 =	vmax.f32 v14, v17  }
0x456: {  	v14 =	vsub.f32 v14, v26;
	v0 =	vmax.f32 v0, v18  }
0x457: {  	v0 =	vsub.f32 v0, v54  }
0x458: {  	v14 =	vmul.f32 $1.442695020e+00, v14  }
0x459: {  	v0 =	vmul.f32 $1.442695020e+00, v0  }
0x45a: {  	(erf) = vpow2.f32 v14  }
0x45b: {  	(erf) = vpow2.f32 v0;
	_ =	sdelay $0x5  }
0x45c: {  	v0 =	vor.u32 $0x6, v5  }
0x45d: {  	v14 =	vor.u32 $0xE, v5  }
0x45e: {  	v2 =	vor.u32 $0x7, v2;
	v17 =	vpop (erf)  }
0x45f: {  	v3 =	vor.u32 $0x7, v3;
	v18 =	vpop (erf)  }
0x460: {  	v12 =	vmul.f32 v18, v12  }
0x461: {  	[tilespmem:v0+s21+$0x0] =	vst.idx.msk $0xffff, v18  }
0x462: {  	[tilespmem:v14+s21+$0x0] =	vst.idx.msk $0xffff, v12  }
0x463: {  	v0 =	vld.idx.msk [tilespmem:v2+s4+$0x0], $0xffff  }
0x464: {  	v2 =	vld.idx.msk [tilespmem:v3+s4+$0x0], $0xffff  }
0x465: {  	v4 =	vld [tilespmem:$0x1FDA0]  }
0x466: {  	v6 =	vld [tilespmem:$0x1FDB0]  }
0x467: {  	v12 =	vor.u32 $0x7, v49  }
0x468: {  	v14 =	vor.u32 $0xF, v49;
	_ =	sdelay $0x1  }
0x469: {  	v3 =	vmul.f32 v0, v24;
	v2 =	vmul.f32 v2, v27  }
0x46a: {  	v4 =	vmul.f32 v6, v4  }
0x46b: {  	[tilespmem:v12+s21+$0x0] =	vst.idx.msk $0xffff, v6;
	v2 =	vadd.f32 v2, v3  }
0x46c: {  	[tilespmem:v14+s21+$0x0] =	vst.idx.msk $0xffff, v4  }
0x46d: {  	v1 =	vld [tilespmem:$0x1FDC0];
	v3 =	vmul.f32 $2.000000030e-01, v2  }
0x46e: {  	v7 =	vld [tilespmem:$0x1FDD0]  }
0x46f: {  	v2 =	vmax.f32 v2, v3;
	v3 =	vor.u32 $0x7, v50  }
0x470: {  	v18 =	vor.u32 $0xF, v50;
	_ =	sdelay $0x2  }
0x471: {  	v1 =	vmul.f32 v7, v1  }
0x472: {  	[tilespmem:v3+s21+$0x0] =	vst.idx.msk $0xffff, v7  }
0x473: {  	v2 =	vsub.f32 v2, v26;
	[tilespmem:v18+s21+$0x0] =	vst.idx.msk $0xffff, v1  }
0x474: {  	v1 =	vld [tilespmem:$0x1FDE0]  }
0x475: {  	v19 =	vor.u32 $0x7, v51;
	v2 =	vmul.f32 $1.442695020e+00, v2  }
0x476: {  	v6 =	vor.u32 $0xF, v51  }
0x477: {  	v4 =	vor.u32 $0x7, v52;
	(erf) = vpow2.f32 v2  }
0x478: {  	v2 =	vor.u32 $0xF, v52  }
0x479: {  	v3 =	vor.u32 $0x7, v53;
	v1 =	vmul.f32 v9, v1  }
0x47a: {  	v7 =	vor.u32 $0xF, v53;
	[tilespmem:v19+s21+$0x0] =	vst.idx.msk $0xffff, v9  }
0x47b: {  	[tilespmem:v6+s21+$0x0] =	vst.idx.msk $0xffff, v1;
	v1 =	vmul.f32 v11, v10;
	v6 =	vor.u32 $0x7, v62  }
0x47c: {  	[tilespmem:v4+s21+$0x0] =	vst.idx.msk $0xffff, v11;
	v4 =	vor.u32 $0xF, v62  }
0x47d: {  	[tilespmem:v2+s21+$0x0] =	vst.idx.msk $0xffff, v1;
	v1 =	vmul.f32 v16, v15;
	v2 =	vor.u32 $0x7, v5  }
0x47e: {  	[tilespmem:v3+s21+$0x0] =	vst.idx.msk $0xffff, v16;
	v3 =	vor.u32 $0xF, v5  }
0x47f: {  	[tilespmem:v7+s21+$0x0] =	vst.idx.msk $0xffff, v1;
	v1 =	vmul.f32 v17, v13  }
0x480: {  	v5 =	vpop (erf);
	[tilespmem:v6+s21+$0x0] =	vst.idx.msk $0xffff, v17  }
0x481: {  	v0 =	vmul.f32 v5, v0;
	[tilespmem:v4+s21+$0x0] =	vst.idx.msk $0xffff, v1  }
0x482: {  	[tilespmem:v2+s21+$0x0] =	vst.idx.msk $0xffff, v5  }
0x483: {  	s25 =	simm.s32 $0x14050;
	[tilespmem:v3+s21+$0x0] =	vst.idx.msk $0xffff, v0  }
0x484: {  	[spmem:s3] =	stream.indirect.scatter.add.f32 [tilespmem:s21], [sflag:$0x1], $0x10, s25, s22, $0xb8;
	[tilespmem:$0x1ED50] =	vst v63  }
0x485: {  	_ =	swait.ge [sflag:s19], $0x7D00  }
0x486: {  	[sflag:s19] =	ssyncset.done $0x0  }
0x487: {  	s26 =	simm.s32 $0x0;
	s28 =	simm.s32 $0x13880;
	[sflag:s19] =	ssyncadd.s32 $0xFFFF8300  }
0x488: {  	[tilespmem:s28], [sflag:$0x1] =	stream.linear.gather [hbm4b:s11+s26], $0x7D0, $0x38;
	[tilespmem:$0x1ED50] =	vst v63  }
0x489: {  	_ =	swait.ge [sflag:s19], $0x7D0  }
0x48a: {  	[sflag:s19] =	ssyncset.done $0x0  }
0x48b: {  	[sflag:s19] =	ssyncadd.s32 $0xFFFFF830  }
0x48c: {  	[tilespmem:s25], [sflag:$0x1] =	stream.linear.gather [hbm4b:s12+s26], $0x7D0, $0x38;
	[tilespmem:$0x1ED50] =	vst v63  }
0x48d: {  	_ =	swait.ge [sflag:s19], $0x7D0  }
0x48e: {  	[sflag:s19] =	ssyncset.done $0x0  }
0x48f: {  	[sflag:s19] =	ssyncadd.s32 $0xFFFFF830  }
0x490: {  	v0 =	vld [tilespmem:s28+$0x0]  }
0x491: {  	v1 =	vld [tilespmem:s25+$0x0];
	_ =	sdelay $0x3  }
0x492: {  	v9 =	vshll.u32 v0, $0x3  }
0x493: {  	v4 =	vshll.u32 v1, $0x3;
	_ =	sdelay $0x2  }
0x494: {  	v18 =	vld [tilespmem:$0x1FEA0]  }
0x495: {  	v0 =	vld.idx.msk [tilespmem:v9+s4+$0x0], $0xffff  }
0x496: {  	v1 =	vld.idx.msk [tilespmem:v4+s4+$0x0], $0xffff;
	_ =	sdelay $0x4  }
0x497: {  	v2 =	vmul.f32 v0, v48;
	v1 =	vmul.f32 v1, v18;
	_ =	sdelay $0x1  }
0x498: {  	v62 =	vld [tilespmem:$0x1FE60];
	v1 =	vadd.f32 v1, v2;
	_ =	sdelay $0x1  }
0x499: {  	v2 =	vmul.f32 $2.000000030e-01, v1;
	_ =	sdelay $0x1  }
0x49a: {  	v1 =	vmax.f32 v1, v2  }
0x49b: {  	v1 =	vsub.f32 v1, v62;
	_ =	sdelay $0x1  }
0x49c: {  	v1 =	vmul.f32 $1.442695020e+00, v1;
	_ =	sdelay $0x1  }
0x49d: {  	(erf) = vpow2.f32 v1;
	_ =	sdelay $0x3  }
0x49e: {  	v1 =	vmov s26  }
0x49f: {  	v1 =	vshll.u32 v1, $0x4  }
0x4a0: {  	v49 =	vor.u32 v25, v1  }
0x4a1: {  	v2 =	vor.u32 $0x8, v49  }
0x4a2: {  	v6 =	vor.u32 $0x1, v9  }
0x4a3: {  	s31 =	simm.s32 $0x13890;
	v8 =	vor.u32 $0x1, v4;
	v7 =	vpop (erf)  }
0x4a4: {  	s26 =	simm.s32 $0x14060;
	v1 =	vld [tilespmem:s31+$0x0];
	v0 =	vmul.f32 v7, v0  }
0x4a5: {  	v3 =	vld [tilespmem:s26+$0x0];
	[tilespmem:v49+s21+$0x0] =	vst.idx.msk $0xffff, v7  }
0x4a6: {  	[tilespmem:v2+s21+$0x0] =	vst.idx.msk $0xffff, v0  }
0x4a7: {  	v0 =	vld.idx.msk [tilespmem:v6+s4+$0x0], $0xffff  }
0x4a8: {  	v2 =	vld.idx.msk [tilespmem:v8+s4+$0x0], $0xffff  }
0x4a9: {  	v1 =	vshll.u32 v1, $0x3;
	v27 =	vld [tilespmem:$0x1FFA0]  }
0x4aa: {  	v63 =	vshll.u32 v3, $0x3;
	v22 =	vld [tilespmem:$0x1FFB0];
	_ =	sdelay $0x3  }
0x4ab: {  	v3 =	vld.idx.msk [tilespmem:v1+s4+$0x0], $0xffff  }
0x4ac: {  	v6 =	vld.idx.msk [tilespmem:v63+s4+$0x0], $0xffff;
	v7 =	vmul.f32 v0, v27;
	v2 =	vmul.f32 v2, v22;
	_ =	sdelay $0x1  }
0x4ad: {  	v17 =	vld [tilespmem:$0x1FED0];
	v2 =	vadd.f32 v2, v7;
	_ =	sdelay $0x1  }
0x4ae: {  	v8 =	vmul.f32 $2.000000030e-01, v2  }
0x4af: {  	v6 =	vmul.f32 v6, v18;
	v7 =	vmul.f32 v3, v48  }
0x4b0: {  	v2 =	vmax.f32 v2, v8  }
0x4b1: {  	v6 =	vadd.f32 v6, v7;
	v2 =	vsub.f32 v2, v17;
	_ =	sdelay $0x1  }
0x4b2: {  	v7 =	vmul.f32 $2.000000030e-01, v6;
	v2 =	vmul.f32 $1.442695020e+00, v2;
	_ =	sdelay $0x1  }
0x4b3: {  	v6 =	vmax.f32 v6, v7;
	(erf) = vpow2.f32 v2  }
0x4b4: {  	v6 =	vsub.f32 v6, v62;
	_ =	sdelay $0x1  }
0x4b5: {  	v2 =	vmul.f32 $1.442695020e+00, v6;
	_ =	sdelay $0x1  }
0x4b6: {  	(erf) = vpow2.f32 v2;
	_ =	sdelay $0x2  }
0x4b7: {  	s30 =	simm.s32 $0x10;
	v2 =	vor.u32 $0x1, v49  }
0x4b8: {  	v7 =	vmov s30;
	v6 =	vor.u32 $0x9, v49;
	v10 =	vpop (erf)  }
0x4b9: {  	v7 =	vshll.u32 v7, $0x4;
	v0 =	vmul.f32 v10, v0  }
0x4ba: {  	v8 =	vor.u32 $0x2, v9;
	v50 =	vor.u32 v25, v7  }
0x4bb: {  	v13 =	vmov v9;
	v9 =	vor.u32 $0x2, v4;
	v11 =	vor.u32 $0x8, v50  }
0x4bc: {  	s31 =	simm.s32 $0x138A0;
	[tilespmem:v2+s21+$0x0] =	vst.idx.msk $0xffff, v10  }
0x4bd: {  	s26 =	simm.s32 $0x14070;
	v7 =	vld [tilespmem:s31+$0x0];
	[tilespmem:v6+s21+$0x0] =	vst.idx.msk $0xffff, v0;
	v0 =	vpop (erf)  }
0x4be: {  	v2 =	vld [tilespmem:s26+$0x0];
	v3 =	vmul.f32 v0, v3  }
0x4bf: {  	v8 =	vld.idx.msk [tilespmem:v8+s4+$0x0], $0xffff;
	[tilespmem:v50+s21+$0x0] =	vst.idx.msk $0xffff, v0  }
0x4c0: {  	v9 =	vld.idx.msk [tilespmem:v9+s4+$0x0], $0xffff;
	[tilespmem:v11+s21+$0x0] =	vst.idx.msk $0xffff, v3  }
0x4c1: {  	v10 =	vor.u32 $0x1, v1;
	v60 =	vld [tilespmem:$0x1FE80]  }
0x4c2: {  	v6 =	vor.u32 $0x1, v63;
	v53 =	vld [tilespmem:$0x1FF70];
	_ =	sdelay $0x3  }
0x4c3: {  	v58 =	vshll.u32 v7, $0x3;
	v0 =	vld.idx.msk [tilespmem:v10+s4+$0x0], $0xffff  }
0x4c4: {  	v59 =	vshll.u32 v2, $0x3;
	v2 =	vld.idx.msk [tilespmem:v6+s4+$0x0], $0xffff;
	v3 =	vmul.f32 v8, v60;
	v6 =	vmul.f32 v9, v53;
	_ =	sdelay $0x1  }
0x4c5: {  	v23 =	vld [tilespmem:$0x1FEC0];
	v3 =	vadd.f32 v6, v3;
	_ =	sdelay $0x1  }
0x4c6: {  	v7 =	vld.idx.msk [tilespmem:v58+s4+$0x0], $0xffff;
	v10 =	vmul.f32 $2.000000030e-01, v3  }
0x4c7: {  	v9 =	vmul.f32 v0, v27;
	v2 =	vmul.f32 v2, v22;
	v6 =	vld.idx.msk [tilespmem:v59+s4+$0x0], $0xffff  }
0x4c8: {  	v3 =	vmax.f32 v3, v10  }
0x4c9: {  	v2 =	vadd.f32 v2, v9;
	v3 =	vsub.f32 v3, v23;
	_ =	sdelay $0x1  }
0x4ca: {  	v10 =	vmul.f32 $2.000000030e-01, v2;
	v3 =	vmul.f32 $1.442695020e+00, v3  }
0x4cb: {  	v9 =	vmul.f32 v7, v48;
	v6 =	vmul.f32 v6, v18  }
0x4cc: {  	v2 =	vmax.f32 v2, v10;
	(erf) = vpow2.f32 v3  }
0x4cd: {  	v6 =	vadd.f32 v6, v9;
	v2 =	vsub.f32 v2, v17;
	_ =	sdelay $0x1  }
0x4ce: {  	v3 =	vmul.f32 $2.000000030e-01, v6;
	v2 =	vmul.f32 $1.442695020e+00, v2;
	_ =	sdelay $0x1  }
0x4cf: {  	v3 =	vmax.f32 v6, v3;
	(erf) = vpow2.f32 v2  }
0x4d0: {  	v3 =	vsub.f32 v3, v62;
	_ =	sdelay $0x1  }
0x4d1: {  	v2 =	vmul.f32 $1.442695020e+00, v3;
	v3 =	vor.u32 $0x2, v49  }
0x4d2: {  	v6 =	vor.u32 $0xA, v49;
	v10 =	vpop (erf)  }
0x4d3: {  	(erf) = vpow2.f32 v2;
	v8 =	vmul.f32 v10, v8;
	_ =	sdelay $0x1  }
0x4d4: {  	s30 =	simm.s32 $0x20  }
0x4d5: {  	v11 =	vor.u32 $0x1, v50;
	[tilespmem:v3+s21+$0x0] =	vst.idx.msk $0xffff, v10;
	v3 =	vmov s30  }
0x4d6: {  	v12 =	vor.u32 $0x9, v50;
	v2 =	vor.u32 $0x3, v13;
	v3 =	vshll.u32 v3, $0x4;
	[tilespmem:v6+s21+$0x0] =	vst.idx.msk $0xffff, v8;
	v8 =	vpop (erf)  }
0x4d7: {  	v9 =	vor.u32 $0x3, v4;
	v51 =	vor.u32 v25, v3;
	v0 =	vmul.f32 v8, v0;
	_ =	sdelay $0x2  }
0x4d8: {  	[tilespmem:v11+s21+$0x0] =	vst.idx.msk $0xffff, v8  }
0x4d9: {  	v2 =	vld.idx.msk [tilespmem:v2+s4+$0x0], $0xffff;
	[tilespmem:v12+s21+$0x0] =	vst.idx.msk $0xffff, v0;
	v0 =	vpop (erf)  }
0x4da: {  	v26 =	vmov v13;
	v13 =	vor.u32 $0x2, v1;
	v3 =	vld.idx.msk [tilespmem:v9+s4+$0x0], $0xffff;
	[tilespmem:v51+s21+$0x0] =	vst.idx.msk $0xffff, v0  }
0x4db: {  	v6 =	vor.u32 $0x2, v63;
	v21 =	vld [tilespmem:$0x1FF30]  }
0x4dc: {  	s31 =	simm.s32 $0x138B0;
	v20 =	vld [tilespmem:$0x1FF50]  }
0x4dd: {  	s26 =	simm.s32 $0x14080;
	v10 =	vld [tilespmem:s31+$0x0];
	v9 =	vor.u32 $0x8, v51  }
0x4de: {  	v14 =	vld [tilespmem:s26+$0x0]  }
0x4df: {  	v8 =	vor.u32 $0x1, v58;
	v12 =	vld.idx.msk [tilespmem:v13+s4+$0x0], $0xffff  }
0x4e0: {  	v11 =	vor.u32 $0x1, v59;
	v6 =	vld.idx.msk [tilespmem:v6+s4+$0x0], $0xffff;
	v7 =	vmul.f32 v0, v7  }
0x4e1: {  	v0 =	vmul.f32 v2, v21;
	v3 =	vmul.f32 v3, v20  }
0x4e2: {  	v56 =	vshll.u32 v10, $0x3;
	[tilespmem:v9+s21+$0x0] =	vst.idx.msk $0xffff, v7  }
0x4e3: {  	v54 =	vshll.u32 v14, $0x3;
	v19 =	vld [tilespmem:$0x1FE90];
	v0 =	vadd.f32 v3, v0  }
0x4e4: {  	v7 =	vld.idx.msk [tilespmem:v8+s4+$0x0], $0xffff;
	v8 =	vmul.f32 v12, v60  }
0x4e5: {  	v6 =	vmul.f32 v6, v53;
	v3 =	vld.idx.msk [tilespmem:v11+s4+$0x0], $0xffff;
	v9 =	vmul.f32 $2.000000030e-01, v0;
	_ =	sdelay $0x1  }
0x4e6: {  	v10 =	vld.idx.msk [tilespmem:v56+s4+$0x0], $0xffff;
	v6 =	vadd.f32 v6, v8;
	v0 =	vmax.f32 v0, v9  }
0x4e7: {  	v11 =	vld.idx.msk [tilespmem:v54+s4+$0x0], $0xffff;
	v0 =	vsub.f32 v0, v19  }
0x4e8: {  	v8 =	vmul.f32 v7, v27;
	v9 =	vmul.f32 $2.000000030e-01, v6  }
0x4e9: {  	v3 =	vmul.f32 v3, v22;
	v0 =	vmul.f32 $1.442695020e+00, v0  }
0x4ea: {  	v6 =	vmax.f32 v6, v9  }
0x4eb: {  	v3 =	vadd.f32 v3, v8;
	(erf) = vpow2.f32 v0;
	v0 =	vsub.f32 v6, v23  }
0x4ec: {  	v13 =	vmul.f32 v10, v48;
	v8 =	vmul.f32 v11, v18  }
0x4ed: {  	v6 =	vmul.f32 $2.000000030e-01, v3;
	v0 =	vmul.f32 $1.442695020e+00, v0  }
0x4ee: {  	v8 =	vadd.f32 v8, v13  }
0x4ef: {  	v3 =	vmax.f32 v3, v6;
	(erf) = vpow2.f32 v0  }
0x4f0: {  	v6 =	vmul.f32 $2.000000030e-01, v8;
	v3 =	vsub.f32 v3, v17  }
0x4f1: {  	v0 =	vor.u32 $0x3, v49  }
0x4f2: {  	v6 =	vmax.f32 v8, v6;
	v8 =	vor.u32 $0xB, v49;
	v3 =	vmul.f32 $1.442695020e+00, v3  }
0x4f3: {  	v9 =	vor.u32 $0x4, v26;
	v6 =	vsub.f32 v6, v62  }
0x4f4: {  	v13 =	vor.u32 $0x2, v50;
	(erf) = vpow2.f32 v3;
	v11 =	vpop (erf)  }
0x4f5: {  	[tilespmem:$0x1FDF0] =	vst v26;
	v3 =	vmul.f32 $1.442695020e+00, v6;
	v6 =	vor.u32 $0x4, v4;
	v2 =	vmul.f32 v11, v2  }
0x4f6: {  	[tilespmem:v0+s21+$0x0] =	vst.idx.msk $0xffff, v11;
	v0 =	vor.u32 $0xA, v50  }
0x4f7: {  	[tilespmem:v8+s21+$0x0] =	vst.idx.msk $0xffff, v2;
	v2 =	vor.u32 $0x3, v1  }
0x4f8: {  	s31 =	simm.s32 $0x138C0;
	(erf) = vpow2.f32 v3;
	v3 =	vld.idx.msk [tilespmem:v9+s4+$0x0], $0xffff;
	v9 =	vpop (erf)  }
0x4f9: {  	s30 =	simm.s32 $0x30;
	v15 =	vld [tilespmem:s31+$0x0];
	v12 =	vmul.f32 v9, v12  }
0x4fa: {  	v14 =	vmov s30;
	s30 =	simm.s32 $0x14090;
	v8 =	vor.u32 $0x3, v63;
	v6 =	vld.idx.msk [tilespmem:v6+s4+$0x0], $0xffff;
	[tilespmem:v13+s21+$0x0] =	vst.idx.msk $0xffff, v9  }
0x4fb: {  	v13 =	vld [tilespmem:s30+$0x0];
	[tilespmem:v0+s21+$0x0] =	vst.idx.msk $0xffff, v12  }
0x4fc: {  	v11 =	vor.u32 $0x1, v51;
	v9 =	vshll.u32 v14, $0x4;
	v2 =	vld.idx.msk [tilespmem:v2+s4+$0x0], $0xffff  }
0x4fd: {  	v16 =	vor.u32 $0x9, v51;
	v61 =	vld [tilespmem:$0x1FF10]  }
0x4fe: {  	v23 =	vmov v4;
	v4 =	vld [tilespmem:$0x1FF20]  }
0x4ff: {  	v52 =	vor.u32 v25, v9;
	v9 =	vpop (erf);
	v8 =	vld.idx.msk [tilespmem:v8+s4+$0x0], $0xffff  }
0x500: {  	v14 =	vor.u32 $0x2, v58;
	v7 =	vmul.f32 v9, v7  }
0x501: {  	v0 =	vor.u32 $0x2, v59;
	v12 =	vor.u32 $0x8, v52;
	[tilespmem:v11+s21+$0x0] =	vst.idx.msk $0xffff, v9;
	v9 =	vpop (erf)  }
0x502: {  	[tilespmem:v16+s21+$0x0] =	vst.idx.msk $0xffff, v7;
	v7 =	vmul.f32 v9, v10  }
0x503: {  	v57 =	vshll.u32 v13, $0x3;
	v18 =	vmul.f32 v3, v61;
	v6 =	vmul.f32 v6, v4  }
0x504: {  	v55 =	vshll.u32 v15, $0x3;
	[tilespmem:v52+s21+$0x0] =	vst.idx.msk $0xffff, v9;
	v9 =	vmul.f32 v2, v21;
	v8 =	vmul.f32 v8, v20  }
0x505: {  	v10 =	vld.idx.msk [tilespmem:v14+s4+$0x0], $0xffff;
	v6 =	vadd.f32 v6, v18  }
0x506: {  	v0 =	vld.idx.msk [tilespmem:v0+s4+$0x0], $0xffff;
	[tilespmem:v12+s21+$0x0] =	vst.idx.msk $0xffff, v7;
	v8 =	vadd.f32 v8, v9  }
0x507: {  	v5 =	vld [tilespmem:$0x1FF60];
	v7 =	vmul.f32 $2.000000030e-01, v6  }
0x508: {  	v9 =	vld.idx.msk [tilespmem:v57+s4+$0x0], $0xffff;
	v14 =	vmul.f32 $2.000000030e-01, v8  }
0x509: {  	v11 =	vor.u32 $0x1, v54;
	v6 =	vmax.f32 v6, v7;
	v7 =	vld.idx.msk [tilespmem:v55+s4+$0x0], $0xffff  }
0x50a: {  	v17 =	vor.u32 $0x1, v56;
	v8 =	vmax.f32 v8, v14;
	v14 =	vld [tilespmem:$0x1FEA0];
	_ =	sdelay $0x2  }
0x50b: {  	v13 =	vmul.f32 v10, v60;
	v0 =	vmul.f32 v0, v53  }
0x50c: {  	v11 =	vld.idx.msk [tilespmem:v11+s4+$0x0], $0xffff;
	v6 =	vsub.f32 v6, v5  }
0x50d: {  	v12 =	vld.idx.msk [tilespmem:v17+s4+$0x0], $0xffff;
	v0 =	vadd.f32 v0, v13;
	v13 =	vmul.f32 v7, v48;
	v9 =	vmul.f32 v9, v14  }
0x50e: {  	v6 =	vmul.f32 $1.442695020e+00, v6  }
0x50f: {  	v9 =	vadd.f32 v9, v13;
	v13 =	vld [tilespmem:$0x1FEC0]  }
0x510: {  	(erf) = vpow2.f32 v6  }
0x511: {  	v8 =	vsub.f32 v8, v19;
	v6 =	vmul.f32 v11, v22;
	v11 =	vmul.f32 $2.000000030e-01, v0  }
0x512: {  	v15 =	vmul.f32 v12, v27  }
0x513: {  	v8 =	vmul.f32 $1.442695020e+00, v8;
	v0 =	vmax.f32 v0, v11  }
0x514: {  	v14 =	vld [tilespmem:$0x1FED0];
	v6 =	vadd.f32 v6, v15;
	v0 =	vsub.f32 v0, v13  }
0x515: {  	(erf) = vpow2.f32 v8;
	v13 =	vmul.f32 $2.000000030e-01, v9  }
0x516: {  	v11 =	vmul.f32 $2.000000030e-01, v6;
	v0 =	vmul.f32 $1.442695020e+00, v0  }
0x517: {  	v8 =	vor.u32 $0x4, v49;
	v9 =	vmax.f32 v9, v13  }
0x518: {  	v6 =	vmax.f32 v6, v11;
	v9 =	vsub.f32 v9, v62;
	(erf) = vpow2.f32 v0  }
0x519: {  	v6 =	vsub.f32 v6, v14  }
0x51a: {  	v11 =	vor.u32 $0xC, v49;
	v9 =	vmul.f32 $1.442695020e+00, v9  }
0x51b: {  	[tilespmem:$0x1FE00] =	vst v23;
	v15 =	vor.u32 $0x3, v50;
	v6 =	vmul.f32 $1.442695020e+00, v6;
	v13 =	vpop (erf)  }
0x51c: {  	v0 =	vor.u32 $0x5, v23;
	[tilespmem:v8+s21+$0x0] =	vst.idx.msk $0xffff, v13;
	v8 =	vor.u32 $0xB, v50  }
0x51d: {  	v3 =	vmul.f32 v13, v3;
	(erf) = vpow2.f32 v6;
	v13 =	vor.u32 $0x2, v51  }
0x51e: {  	(erf) = vpow2.f32 v9;
	v9 =	vpop (erf)  }
0x51f: {  	[tilespmem:v11+s21+$0x0] =	vst.idx.msk $0xffff, v3;
	v2 =	vmul.f32 v9, v2  }
0x520: {  	v14 =	vor.u32 $0x5, v26;
	[tilespmem:v15+s21+$0x0] =	vst.idx.msk $0xffff, v9  }
0x521: {  	[tilespmem:v8+s21+$0x0] =	vst.idx.msk $0xffff, v2;
	v8 =	vpop (erf)  }
0x522: {  	v0 =	vld.idx.msk [tilespmem:v0+s4+$0x0], $0xffff;
	[tilespmem:v13+s21+$0x0] =	vst.idx.msk $0xffff, v8  }
0x523: {  	s31 =	simm.s32 $0x40;
	v13 =	vld [tilespmem:$0x1FF00]  }
0x524: {  	v16 =	vmov s31;
	v11 =	vor.u32 $0x4, v63  }
0x525: {  	v16 =	vshll.u32 v16, $0x4;
	v6 =	vld.idx.msk [tilespmem:v14+s4+$0x0], $0xffff;
	v14 =	vor.u32 $0xA, v51  }
0x526: {  	v53 =	vor.u32 v25, v16;
	v16 =	vor.u32 $0x1, v52  }
0x527: {  	v26 =	vld [tilespmem:$0x1FE70]  }
0x528: {  	v10 =	vmul.f32 v8, v10;
	v0 =	vmul.f32 v0, v13;
	v13 =	vor.u32 $0x9, v52  }
0x529: {  	v11 =	vld.idx.msk [tilespmem:v11+s4+$0x0], $0xffff  }
0x52a: {  	s26 =	simm.s32 $0x138D0;
	[tilespmem:v14+s21+$0x0] =	vst.idx.msk $0xffff, v10;
	v14 =	vpop (erf)  }
0x52b: {  	v15 =	vld [tilespmem:s26+$0x0];
	v19 =	vpop (erf);
	v12 =	vmul.f32 v14, v12;
	[tilespmem:v16+s21+$0x0] =	vst.idx.msk $0xffff, v14  }
0x52c: {  	v3 =	vor.u32 $0x4, v1;
	[tilespmem:v53+s21+$0x0] =	vst.idx.msk $0xffff, v19;
	v8 =	vmul.f32 v6, v26  }
0x52d: {  	v9 =	vor.u32 $0x3, v58;
	[tilespmem:v13+s21+$0x0] =	vst.idx.msk $0xffff, v12  }
0x52e: {  	v11 =	vmul.f32 v11, v4;
	v0 =	vadd.f32 v0, v8;
	v4 =	vld [tilespmem:$0x1FF40]  }
0x52f: {  	s30 =	simm.s32 $0x140A0;
	v2 =	vor.u32 $0x3, v59  }
0x530: {  	v17 =	vld [tilespmem:s30+$0x0];
	v60 =	vshll.u32 v15, $0x3;
	v10 =	vor.u32 $0x2, v56;
	v15 =	vmul.f32 $2.000000030e-01, v0  }
0x531: {  	v18 =	vor.u32 $0x2, v54;
	v3 =	vld.idx.msk [tilespmem:v3+s4+$0x0], $0xffff  }
0x532: {  	v9 =	vld.idx.msk [tilespmem:v9+s4+$0x0], $0xffff;
	v0 =	vmax.f32 v0, v15  }
0x533: {  	v8 =	vor.u32 $0x8, v53;
	v0 =	vsub.f32 v0, v4;
	v4 =	vld [tilespmem:$0x1FF30]  }
0x534: {  	v20 =	vor.u32 $0x1, v55;
	v2 =	vld.idx.msk [tilespmem:v2+s4+$0x0], $0xffff  }
0x535: {  	v14 =	vor.u32 $0x1, v57;
	v10 =	vld.idx.msk [tilespmem:v10+s4+$0x0], $0xffff  }
0x536: {  	v21 =	vmul.f32 v3, v61;
	v7 =	vmul.f32 v19, v7;
	v12 =	vld.idx.msk [tilespmem:v18+s4+$0x0], $0xffff  }
0x537: {  	v61 =	vshll.u32 v17, $0x3;
	v15 =	vld.idx.msk [tilespmem:v60+s4+$0x0], $0xffff  }
0x538: {  	v11 =	vadd.f32 v11, v21;
	v13 =	vmul.f32 v9, v4;
	v4 =	vld [tilespmem:$0x1FF50];
	[tilespmem:v8+s21+$0x0] =	vst.idx.msk $0xffff, v7  }
0x539: {  	v16 =	vld.idx.msk [tilespmem:v20+s4+$0x0], $0xffff  }
0x53a: {  	v7 =	vmul.f32 $2.000000030e-01, v11;
	v8 =	vld.idx.msk [tilespmem:v14+s4+$0x0], $0xffff  }
0x53b: {  	v0 =	vmul.f32 $1.442695020e+00, v0;
	v14 =	vld [tilespmem:$0x1FF70]  }
0x53c: {  	v7 =	vmax.f32 v11, v7;
	v11 =	vld.idx.msk [tilespmem:v61+s4+$0x0], $0xffff  }
0x53d: {  	(erf) = vpow2.f32 v0;
	v0 =	vsub.f32 v7, v5;
	v5 =	vld [tilespmem:$0x1FE80];
	v2 =	vmul.f32 v2, v4  }
0x53e: {  	v4 =	vld [tilespmem:$0x1FEA0]  }
0x53f: {  	v2 =	vadd.f32 v2, v13;
	_ =	sdelay $0x1  }
0x540: {  	v12 =	vmul.f32 v12, v14;
	v7 =	vmul.f32 $2.000000030e-01, v2  }
0x541: {  	v14 =	vmul.f32 v15, v48;
	v13 =	vmul.f32 v10, v5  }
0x542: {  	v11 =	vmul.f32 v11, v4;
	v2 =	vmax.f32 v2, v7;
	v7 =	vmul.f32 v16, v27;
	v27 =	vld [tilespmem:$0x1FE90]  }
0x543: {  	v0 =	vmul.f32 $1.442695020e+00, v0  }
0x544: {  	v12 =	vadd.f32 v12, v13;
	v11 =	vadd.f32 v11, v14;
	v14 =	vld [tilespmem:$0x1FEC0]  }
0x545: {  	(erf) = vpow2.f32 v0;
	v0 =	vmul.f32 v8, v22;
	v8 =	vor.u32 $0x5, v49  }
0x546: {  	v13 =	vmul.f32 $2.000000030e-01, v12  }
0x547: {  	v0 =	vadd.f32 v0, v7;
	v2 =	vsub.f32 v2, v27  }
0x548: {  	v12 =	vmax.f32 v12, v13  }
0x549: {  	v13 =	vmul.f32 $2.000000030e-01, v0;
	v12 =	vsub.f32 v12, v14;
	v14 =	vpop (erf);
	v2 =	vmul.f32 $1.442695020e+00, v2  }
0x54a: {  	v4 =	vld [tilespmem:$0x1FDF0];
	[tilespmem:v8+s21+$0x0] =	vst.idx.msk $0xffff, v14  }
0x54b: {  	v0 =	vmax.f32 v0, v13;
	v13 =	vld [tilespmem:$0x1FED0];
	(erf) = vpow2.f32 v2;
	_ =	sdelay $0x1  }
0x54c: {  	v17 =	vor.u32 $0xD, v49;
	v12 =	vmul.f32 $1.442695020e+00, v12  }
0x54d: {  	v18 =	vor.u32 $0x4, v50  }
0x54e: {  	v7 =	vor.u32 $0x6, v4;
	v8 =	vor.u32 $0xC, v50  }
0x54f: {  	v6 =	vmul.f32 v14, v6;
	v0 =	vsub.f32 v0, v13;
	v13 =	vor.u32 $0x3, v51  }
0x550: {  	(erf) = vpow2.f32 v12;
	v12 =	vpop (erf)  }
0x551: {  	[tilespmem:v17+s21+$0x0] =	vst.idx.msk $0xffff, v6;
	v3 =	vmul.f32 v12, v3  }
0x552: {  	[tilespmem:v18+s21+$0x0] =	vst.idx.msk $0xffff, v12  }
0x553: {  	[tilespmem:v8+s21+$0x0] =	vst.idx.msk $0xffff, v3;
	v12 =	vpop (erf)  }
0x554: {  	v2 =	vor.u32 $0x6, v23;
	v24 =	vld.idx.msk [tilespmem:v7+s4+$0x0], $0xffff;
	[tilespmem:v13+s21+$0x0] =	vst.idx.msk $0xffff, v12  }
0x555: {  	v8 =	vld [tilespmem:$0x1FEE0];
	_ =	sdelay $0x1  }
0x556: {  	v19 =	vmul.f32 $2.000000030e-01, v11;
	_ =	sdelay $0x1  }
0x557: {  	v11 =	vmax.f32 v11, v19;
	v2 =	vld.idx.msk [tilespmem:v2+s4+$0x0], $0xffff  }
0x558: {  	v6 =	vor.u32 $0x5, v1;
	v3 =	vmul.f32 v12, v9;
	v9 =	vmul.f32 v24, v8;
	v8 =	vld [tilespmem:$0x1FEF0]  }
0x559: {  	v11 =	vsub.f32 v11, v62  }
0x55a: {  	v0 =	vmul.f32 $1.442695020e+00, v0  }
0x55b: {  	v11 =	vmul.f32 $1.442695020e+00, v11  }
0x55c: {  	v14 =	vor.u32 $0xB, v51;
	v7 =	vor.u32 $0x5, v63;
	(erf) = vpow2.f32 v0  }
0x55d: {  	(erf) = vpow2.f32 v11;
	v11 =	vld.idx.msk [tilespmem:v6+s4+$0x0], $0xffff;
	v6 =	vor.u32 $0x2, v52;
	v2 =	vmul.f32 v2, v8;
	_ =	sdelay $0x3  }
0x55e: {  	v17 =	vor.u32 $0x4, v58;
	[tilespmem:v14+s21+$0x0] =	vst.idx.msk $0xffff, v3;
	v9 =	vadd.f32 v2, v9;
	v2 =	vpop (erf)  }
0x55f: {  	v7 =	vld.idx.msk [tilespmem:v7+s4+$0x0], $0xffff;
	v13 =	vor.u32 $0xA, v52;
	[tilespmem:v6+s21+$0x0] =	vst.idx.msk $0xffff, v2  }
0x560: {  	v14 =	vor.u32 $0x3, v56;
	v10 =	vmul.f32 v2, v10;
	v2 =	vld [tilespmem:$0x1FF00]  }
0x561: {  	s31 =	simm.s32 $0x50  }
0x562: {  	v8 =	vmov s31  }
0x563: {  	s25 =	simm.s32 $0x138E0;
	v3 =	vshll.u32 v8, $0x4;
	v8 =	vld.idx.msk [tilespmem:v17+s4+$0x0], $0xffff;
	v17 =	vor.u32 $0x3, v54;
	v19 =	vmul.f32 $2.000000030e-01, v9  }
0x564: {  	v12 =	vld [tilespmem:s25+$0x0];
	v62 =	vor.u32 v25, v3;
	v3 =	vor.u32 $0x1, v53;
	[tilespmem:v13+s21+$0x0] =	vst.idx.msk $0xffff, v10  }
0x565: {  	v6 =	vmul.f32 v11, v26;
	v13 =	vmax.f32 v9, v19;
	v9 =	vld.idx.msk [tilespmem:v14+s4+$0x0], $0xffff;
	v7 =	vmul.f32 v7, v2  }
0x566: {  	v20 =	vor.u32 $0x9, v53;
	v19 =	vld [tilespmem:$0x1FF20]  }
0x567: {  	v10 =	vpop (erf);
	v7 =	vadd.f32 v7, v6;
	v6 =	vld [tilespmem:$0x1FFF0]  }
0x568: {  	v14 =	vmul.f32 v10, v16;
	v16 =	vld.idx.msk [tilespmem:v17+s4+$0x0], $0xffff  }
0x569: {  	v17 =	vld [tilespmem:$0x1FF10];
	v21 =	vpop (erf);
	[tilespmem:v3+s21+$0x0] =	vst.idx.msk $0xffff, v10  }
0x56a: {  	[tilespmem:v62+s21+$0x0] =	vst.idx.msk $0xffff, v21;
	v3 =	vmul.f32 $2.000000030e-01, v7  }
0x56b: {  	v2 =	vshll.u32 v12, $0x3;
	v12 =	vor.u32 $0x2, v55;
	[tilespmem:v20+s21+$0x0] =	vst.idx.msk $0xffff, v14  }
0x56c: {  	v3 =	vmax.f32 v7, v3;
	v7 =	vld [tilespmem:$0x1FF30];
	v6 =	vsub.f32 v13, v6;
	_ =	sdelay $0x1  }
0x56d: {  	v0 =	vor.u32 $0x4, v59;
	v10 =	vmul.f32 $1.442695020e+00, v6;
	_ =	sdelay $0x1  }
0x56e: {  	v18 =	vor.u32 $0x8, v62;
	(erf) = vpow2.f32 v10;
	v10 =	vld.idx.msk [tilespmem:v12+s4+$0x0], $0xffff  }
0x56f: {  	v12 =	vmul.f32 v9, v7;
	v7 =	vld [tilespmem:$0x1FF40];
	_ =	sdelay $0x1  }
0x570: {  	v0 =	vld.idx.msk [tilespmem:v0+s4+$0x0], $0xffff;
	v15 =	vmul.f32 v21, v15;
	_ =	sdelay $0x1  }
0x571: {  	[tilespmem:v18+s21+$0x0] =	vst.idx.msk $0xffff, v15  }
0x572: {  	v14 =	vsub.f32 v3, v7;
	v3 =	vld [tilespmem:$0x1FF50]  }
0x573: {  	s26 =	simm.s32 $0x140B0  }
0x574: {  	v0 =	vmul.f32 v0, v19;
	v19 =	vld [tilespmem:s26+$0x0];
	_ =	sdelay $0x2  }
0x575: {  	v17 =	vmul.f32 v8, v17;
	v15 =	vmul.f32 v16, v3  }
0x576: {  	v13 =	vor.u32 $0x2, v57  }
0x577: {  	v0 =	vadd.f32 v0, v17;
	v3 =	vshll.u32 v19, $0x3;
	v19 =	vadd.f32 v15, v12;
	v12 =	vld [tilespmem:$0x1FF60];
	_ =	sdelay $0x1  }
0x578: {  	v16 =	vmul.f32 $2.000000030e-01, v0;
	_ =	sdelay $0x1  }
0x579: {  	v13 =	vld.idx.msk [tilespmem:v13+s4+$0x0], $0xffff;
	v0 =	vmax.f32 v0, v16  }
0x57a: {  	v0 =	vsub.f32 v0, v12;
	v12 =	vor.u32 $0x7, v4;
	v4 =	vld [tilespmem:$0x1FF70];
	_ =	sdelay $0x1  }
0x57b: {  	v17 =	vmul.f32 $1.442695020e+00, v14;
	_ =	sdelay $0x1  }
0x57c: {  	(erf) = vpow2.f32 v17  }
0x57d: {  	v17 =	vmul.f32 v10, v5;
	v5 =	vmul.f32 v13, v4;
	v4 =	vld [tilespmem:$0x1FE00];
	_ =	sdelay $0x3  }
0x57e: {  	v22 =	vor.u32 $0x1, v60;
	v6 =	vld.idx.msk [tilespmem:v2+s4+$0x0], $0xffff  }
0x57f: {  	v16 =	vor.u32 $0x7, v4;
	v4 =	vld [tilespmem:$0x1FF90];
	_ =	sdelay $0x2  }
0x580: {  	v23 =	vor.u32 $0x1, v61  }
0x581: {  	v7 =	vld.idx.msk [tilespmem:v22+s4+$0x0], $0xffff  }
0x582: {  	v18 =	vmul.f32 v6, v4;
	v4 =	vld [tilespmem:$0x1FFA0];
	_ =	sdelay $0x1  }
0x583: {  	v0 =	vmul.f32 $1.442695020e+00, v0  }
0x584: {  	v23 =	vld.idx.msk [tilespmem:v23+s4+$0x0], $0xffff;
	v21 =	vmul.f32 $2.000000030e-01, v19  }
0x585: {  	(erf) = vpow2.f32 v0;
	v0 =	vld [tilespmem:$0x1FFB0]  }
0x586: {  	v20 =	vmul.f32 v7, v4;
	v4 =	vmax.f32 v19, v21;
	v19 =	vld.idx.msk [tilespmem:v3+s4+$0x0], $0xffff  }
0x587: {  	v14 =	vor.u32 $0x6, v49  }
0x588: {  	v22 =	vpop (erf);
	v15 =	vor.u32 $0xE, v49  }
0x589: {  	v13 =	vmul.f32 v22, v24;
	v5 =	vadd.f32 v5, v17  }
0x58a: {  	s29 =	simm.s32 $0x70;
	s28 =	simm.s32 $0x60;
	v17 =	vor.u32 $0x5, v50;
	v23 =	vmul.f32 v23, v0;
	v21 =	vsub.f32 v4, v27  }
.LBB2_8:
0x58b: {  	v24 =	vor.u32 $0xD, v50;
	v4 =	vmovc v60;
	v60 =	vmov v2;
	v2 =	vmul.f32 v19, v34  }
0x58c: {  	[tilespmem:v14+s21+$0x0] =	vst.idx.msk $0xffff, v22;
	v0 =	vmul.f32 $2.000000030e-01, v5;
	v21 =	vmul.f32 $1.442695020e+00, v21;
	v14 =	vadd.f32 v23, v20  }
0x58d: {  	[tilespmem:v15+s21+$0x0] =	vst.idx.msk $0xffff, v13;
	v15 =	vor.u32 $0x6, v63;
	v19 =	vor.u32 $0x6, v1;
	v2 =	vadd.f32 v2, v18  }
0x58e: {  	v0 =	vmax.f32 v5, v0;
	(erf) = vpow2.f32 v21;
	v13 =	vmul.f32 $2.000000030e-01, v14;
	v18 =	vpop (erf)  }
0x58f: {  	v12 =	vld.idx.msk [tilespmem:v12+s4+$0x0], $0xffff;
	v0 =	vsub.f32 v0, v44;
	v11 =	vmul.f32 v18, v11;
	v22 =	vmul.f32 $2.000000030e-01, v2  }
0x590: {  	v20 =	vor.u32 $0x4, v51;
	v16 =	vld.idx.msk [tilespmem:v16+s4+$0x0], $0xffff;
	v5 =	vmov v63;
	[tilespmem:v17+s21+$0x0] =	vst.idx.msk $0xffff, v18  }
0x591: {  	v13 =	vmax.f32 v14, v13;
	v0 =	vmul.f32 $1.442695020e+00, v0;
	[tilespmem:v24+s21+$0x0] =	vst.idx.msk $0xffff, v11;
	v2 =	vmax.f32 v2, v22;
	v22 =	vld [tilespmem:$0x1FFD0]  }
0x592: {  	v63 =	vmovc v59;
	v21 =	vor.u32 $0xC, v51;
	v59 =	vmovc v54;
	v14 =	vsub.f32 v13, v31;
	v17 =	vor.u32 $0x3, v52;
	v13 =	vld.idx.msk [tilespmem:v19+s4+$0x0], $0xffff  }
0x593: {  	v54 =	vmovc v57;
	v57 =	vmovc v61;
	v18 =	vor.u32 $0x5, v58;
	(erf) = vpow2.f32 v0;
	v2 =	vsub.f32 v2, v30;
	v19 =	vld [tilespmem:$0x1FFC0]  }
0x594: {  	v61 =	vmov v3;
	v0 =	vor.u32 $0x5, v63;
	v3 =	vpop (erf);
	v11 =	vmul.f32 $1.442695020e+00, v14;
	v14 =	vld.idx.msk [tilespmem:v15+s4+$0x0], $0xffff  }
0x595: {  	v8 =	vmul.f32 v3, v8;
	v15 =	vor.u32 $0xB, v52;
	v2 =	vmul.f32 $1.442695020e+00, v2  }
0x596: {  	s25 =	sadd.s32 $0x10, s25;
	v23 =	vor.u32 $0x4, v56;
	[tilespmem:v20+s21+$0x0] =	vst.idx.msk $0xffff, v3;
	(erf) = vpow2.f32 v11  }
0x597: {  	v20 =	vor.u32 $0x4, v59;
	v3 =	vld [tilespmem:s25+$0x0];
	[tilespmem:v21+s21+$0x0] =	vst.idx.msk $0xffff, v8;
	v24 =	vpop (erf);
	v16 =	vmul.f32 v16, v22;
	(erf) = vpow2.f32 v2  }
0x598: {  	v11 =	vld.idx.msk [tilespmem:v18+s4+$0x0], $0xffff;
	v2 =	vmul.f32 v24, v9;
	[tilespmem:v17+s21+$0x0] =	vst.idx.msk $0xffff, v24;
	v19 =	vmul.f32 v12, v19  }
0x599: {  	v22 =	vmov s28;
	v9 =	vor.u32 $0x2, v53;
	v0 =	vld.idx.msk [tilespmem:v0+s4+$0x0], $0xffff;
	v14 =	vmul.f32 v14, v33  }
0x59a: {  	[tilespmem:v15+s21+$0x0] =	vst.idx.msk $0xffff, v2;
	v2 =	vmul.f32 v13, v32;
	v16 =	vadd.f32 v16, v19;
	v19 =	vor.u32 $0xA, v53;
	_ =	sdelay $0x1  }
0x59b: {  	v8 =	vshll.u32 v22, $0x4;
	v22 =	vpop (erf);
	v14 =	vadd.f32 v14, v2;
	v2 =	vld [tilespmem:$0x1FFE0]  }
0x59c: {  	v18 =	vor.u32 v25, v8;
	v8 =	vld.idx.msk [tilespmem:v23+s4+$0x0], $0xffff;
	v10 =	vmul.f32 v22, v10  }
0x59d: {  	s26 =	sadd.s32 $0x10, s26;
	v20 =	vld.idx.msk [tilespmem:v20+s4+$0x0], $0xffff;
	v17 =	vmul.f32 $2.000000030e-01, v16;
	[tilespmem:v9+s21+$0x0] =	vst.idx.msk $0xffff, v22  }
0x59e: {  	v21 =	vor.u32 $0x3, v55;
	v22 =	vld [tilespmem:s26+$0x0];
	v0 =	vmul.f32 v0, v37;
	[tilespmem:v19+s21+$0x0] =	vst.idx.msk $0xffff, v10;
	v10 =	vmul.f32 v11, v35  }
0x59f: {  	v16 =	vmax.f32 v16, v17;
	v17 =	vor.u32 $0x3, v54  }
0x5a0: {  	v15 =	vor.u32 $0x1, v62;
	v16 =	vsub.f32 v16, v2;
	v0 =	vadd.f32 v0, v10;
	v10 =	vld [tilespmem:$0x1FFF0]  }
0x5a1: {  	v24 =	vor.u32 $0x9, v62;
	v2 =	vshll.u32 v3, $0x3;
	v3 =	vmul.f32 $2.000000030e-01, v14  }
0x5a2: {  	v25 =	vor.u32 $0x2, v4;
	v26 =	vpop (erf);
	v16 =	vmul.f32 $1.442695020e+00, v16  }
0x5a3: {  	v23 =	vor.u32 $0x8, v18;
	v7 =	vmul.f32 v26, v7;
	v9 =	vld.idx.msk [tilespmem:v21+s4+$0x0], $0xffff;
	v3 =	vmax.f32 v14, v3;
	v14 =	vpop (erf)  }
0x5a4: {  	v19 =	vor.u32 $0x2, v57;
	v20 =	vmul.f32 v20, v40;
	(erf) = vpow2.f32 v16;
	v16 =	vld.idx.msk [tilespmem:v17+s4+$0x0], $0xffff;
	[tilespmem:v18+s21+$0x0] =	vst.idx.msk $0xffff, v14  }
0x5a5: {  	v21 =	vmul.f32 v8, v38;
	v17 =	vor.u32 $0x1, v60;
	[tilespmem:v15+s21+$0x0] =	vst.idx.msk $0xffff, v26;
	v3 =	vsub.f32 v3, v10  }
0x5a6: {  	v14 =	vmul.f32 v14, v6;
	v15 =	vmul.f32 $2.000000030e-01, v0;
	v6 =	vld.idx.msk [tilespmem:v2+s4+$0x0], $0xffff;
	[tilespmem:v24+s21+$0x0] =	vst.idx.msk $0xffff, v7  }
0x5a7: {  	v20 =	vadd.f32 v20, v21;
	v10 =	vld.idx.msk [tilespmem:v25+s4+$0x0], $0xffff;
	v26 =	vmul.f32 $1.442695020e+00, v3  }
0x5a8: {  	v0 =	vmax.f32 v0, v15;
	[tilespmem:v23+s21+$0x0] =	vst.idx.msk $0xffff, v14;
	v3 =	vshll.u32 v22, $0x3;
	v22 =	vor.u32 $0x1, v61  }
0x5a9: {  	v27 =	vor.u32 $0x7, v49;
	v21 =	vld.idx.msk [tilespmem:v19+s4+$0x0], $0xffff;
	v0 =	vsub.f32 v0, v36;
	(erf) = vpow2.f32 v26  }
0x5aa: {  	v15 =	vmul.f32 v9, v41;
	v23 =	vor.u32 $0xF, v49;
	v49 =	vmovc v50;
	v19 =	vmul.f32 $2.000000030e-01, v20;
	v7 =	vld.idx.msk [tilespmem:v17+s4+$0x0], $0xffff  }
0x5ab: {  	v50 =	vmovc v51;
	v51 =	vmovc v52;
	v52 =	vmov v53;
	v16 =	vmul.f32 v16, v43;
	v0 =	vmul.f32 $1.442695020e+00, v0  }
0x5ac: {  	v53 =	vmovc v62;
	v62 =	vmovc v18;
	v14 =	vor.u32 $0x6, v49;
	v18 =	vmul.f32 v6, v48;
	v25 =	vmul.f32 v10, v45  }
0x5ad: {  	v24 =	vld.idx.msk [tilespmem:v22+s4+$0x0], $0xffff;
	v22 =	vadd.f32 v16, v15;
	v16 =	vmax.f32 v20, v19;
	v15 =	vor.u32 $0xE, v49;
	v17 =	vpop (erf)  }
0x5ae: {  	p0 =	sne.s32 s29, $0x7C0;
	(erf) = vpow2.f32 v0;
	v16 =	vsub.f32 v16, v39;
	v0 =	vmul.f32 v17, v12  }
.Ltmp3:
0x5af: {  	v19 =	vld.idx.msk [tilespmem:v3+s4+$0x0], $0xffff;
	[tilespmem:v27+s21+$0x0] =	vst.idx.msk $0xffff, v17;
	v17 =	vmul.f32 v21, v46;
	v20 =	vmul.f32 v7, v47;
	(pc) =	sbr.rel @p0 .LBB2_8-.Ltmp3, $4  }
0x5b0: {  	v12 =	vor.u32 $0x7, v1;
	v1 =	vmovc v58;
	v26 =	vmul.f32 $2.000000030e-01, v22;
	v27 =	vmul.f32 $1.442695020e+00, v16  }
0x5b1: {  	v58 =	vmovc v56;
	v56 =	vmovc v55;
	v55 =	vmov v4;
	v16 =	vor.u32 $0x7, v5;
	v5 =	vadd.f32 v17, v25  }
0x5b2: {  	[tilespmem:v23+s21+$0x0] =	vst.idx.msk $0xffff, v0;
	v17 =	vor.u32 $0x5, v50;
	v0 =	vmax.f32 v22, v26;
	(erf) = vpow2.f32 v27;
	v22 =	vpop (erf)  }
0x5b3: {  	s28 =	smov.u32 s29;
	s29 =	sadd.s32 $0x10, s29;
	v25 =	vmovc v28;
	v21 =	vsub.f32 v0, v42;
	v23 =	vmul.f32 v24, v29;
	v13 =	vmul.f32 v22, v13  }
0x5b4: {  	_ =	sdelay $0x3  }
0x5b5: {  	[tilespmem:v14+s21+$0x0] =	vst.idx.msk $0xffff, v22  }
0x5b6: {  	[tilespmem:v15+s21+$0x0] =	vst.idx.msk $0xffff, v13  }
0x5b7: {  	v22 =	vld.idx.msk [tilespmem:v12+s4+$0x0], $0xffff;
	_ =	sdelay $0x1  }
0x5b8: {  	v4 =	vmul.f32 $1.442695020e+00, v21;
	v21 =	vor.u32 $0xD, v50;
	_ =	sdelay $0x1  }
0x5b9: {  	v13 =	vpop (erf)  }
0x5ba: {  	v0 =	vmul.f32 $2.000000030e-01, v5;
	v11 =	vmul.f32 v13, v11;
	[tilespmem:$0x1FD30] =	vst v22  }
0x5bb: {  	v14 =	vmul.f32 v19, v34;
	v19 =	vadd.f32 v23, v20;
	[tilespmem:v17+s21+$0x0] =	vst.idx.msk $0xffff, v13  }
0x5bc: {  	v20 =	vor.u32 $0x6, v1;
	v0 =	vmax.f32 v5, v0;
	(erf) = vpow2.f32 v4;
	[tilespmem:v21+s21+$0x0] =	vst.idx.msk $0xffff, v11  }
0x5bd: {  	v5 =	vadd.f32 v14, v18;
	v12 =	vmul.f32 $2.000000030e-01, v19;
	v0 =	vsub.f32 v0, v44;
	v4 =	vld [tilespmem:$0x1FFC0]  }
0x5be: {  	v14 =	vor.u32 $0x6, v63  }
0x5bf: {  	v12 =	vmax.f32 v19, v12;
	v0 =	vmul.f32 $1.442695020e+00, v0;
	v15 =	vld.idx.msk [tilespmem:v16+s4+$0x0], $0xffff;
	v16 =	vmul.f32 $2.000000030e-01, v5  }
0x5c0: {  	v18 =	vor.u32 $0x4, v51;
	v19 =	vor.u32 $0xC, v51;
	v12 =	vsub.f32 v12, v31  }
0x5c1: {  	(erf) = vpow2.f32 v0;
	v0 =	vor.u32 $0x5, v58;
	v5 =	vmax.f32 v5, v16;
	v11 =	vld.idx.msk [tilespmem:v20+s4+$0x0], $0xffff  }
0x5c2: {  	v13 =	vor.u32 $0x3, v52;
	v5 =	vsub.f32 v5, v30;
	v20 =	vmul.f32 v22, v4;
	v4 =	vld [tilespmem:$0x1FFD0]  }
0x5c3: {  	v12 =	vmul.f32 $1.442695020e+00, v12;
	v17 =	vpop (erf);
	v21 =	vor.u32 $0xB, v52;
	v16 =	vor.u32 $0x5, v59  }
0x5c4: {  	v8 =	vmul.f32 v17, v8;
	v5 =	vmul.f32 $1.442695020e+00, v5  }
0x5c5: {  	v14 =	vld.idx.msk [tilespmem:v14+s4+$0x0], $0xffff;
	(erf) = vpow2.f32 v12;
	[tilespmem:v18+s21+$0x0] =	vst.idx.msk $0xffff, v17;
	v18 =	vpop (erf)  }
0x5c6: {  	(erf) = vpow2.f32 v5;
	[tilespmem:v19+s21+$0x0] =	vst.idx.msk $0xffff, v8;
	v5 =	vmul.f32 v18, v9  }
0x5c7: {  	v17 =	vor.u32 $0x4, v54;
	v8 =	vor.u32 $0x2, v53;
	[tilespmem:v13+s21+$0x0] =	vst.idx.msk $0xffff, v18;
	v26 =	vld.idx.msk [tilespmem:v0+s4+$0x0], $0xffff;
	v15 =	vmul.f32 v15, v4  }
0x5c8: {  	v22 =	vor.u32 $0x4, v56;
	v13 =	vld.idx.msk [tilespmem:v16+s4+$0x0], $0xffff;
	v16 =	vor.u32 $0xA, v53;
	[tilespmem:v21+s21+$0x0] =	vst.idx.msk $0xffff, v5  }
0x5c9: {  	v0 =	vld [tilespmem:$0x1FFE0];
	v12 =	vadd.f32 v15, v20  }
0x5ca: {  	v14 =	vmul.f32 v14, v33;
	v18 =	vmul.f32 v11, v32;
	v20 =	vpop (erf)  }
0x5cb: {  	v10 =	vmul.f32 v20, v10;
	v9 =	vmul.f32 $2.000000030e-01, v12  }
0x5cc: {  	v19 =	vor.u32 $0x3, v55;
	v17 =	vld.idx.msk [tilespmem:v17+s4+$0x0], $0xffff;
	[tilespmem:v8+s21+$0x0] =	vst.idx.msk $0xffff, v20  }
0x5cd: {  	v14 =	vadd.f32 v14, v18;
	v15 =	vmov s28;
	[tilespmem:v16+s21+$0x0] =	vst.idx.msk $0xffff, v10;
	v5 =	vmax.f32 v12, v9;
	v9 =	vld.idx.msk [tilespmem:v22+s4+$0x0], $0xffff  }
0x5ce: {  	v15 =	vshll.u32 v15, $0x4;
	v12 =	vor.u32 $0x3, v57;
	v18 =	vsub.f32 v5, v0;
	v0 =	vld [tilespmem:$0x1FFF0]  }
0x5cf: {  	v13 =	vmul.f32 v13, v37;
	v5 =	vor.u32 v25, v15;
	v15 =	vor.u32 $0x1, v62  }
0x5d0: {  	v8 =	vmul.f32 $2.000000030e-01, v14;
	v23 =	vpop (erf);
	v10 =	vmul.f32 v26, v35  }
0x5d1: {  	v20 =	vor.u32 $0x9, v62;
	v7 =	vmul.f32 v23, v7;
	v16 =	vor.u32 $0x2, v60  }
0x5d2: {  	v8 =	vmax.f32 v14, v8;
	v14 =	vpop (erf);
	v17 =	vmul.f32 v17, v40;
	v19 =	vld.idx.msk [tilespmem:v19+s4+$0x0], $0xffff;
	v10 =	vadd.f32 v13, v10  }
0x5d3: {  	v6 =	vmul.f32 v14, v6;
	v12 =	vld.idx.msk [tilespmem:v12+s4+$0x0], $0xffff;
	v24 =	vmul.f32 v9, v38;
	v8 =	vsub.f32 v8, v0  }
0x5d4: {  	v21 =	vor.u32 $0x8, v5;
	v18 =	vmul.f32 $1.442695020e+00, v18;
	[tilespmem:v15+s21+$0x0] =	vst.idx.msk $0xffff, v23;
	v15 =	vmul.f32 $2.000000030e-01, v10  }
0x5d5: {  	[tilespmem:v5+s21+$0x0] =	vst.idx.msk $0xffff, v14;
	v23 =	vor.u32 $0x1, v3;
	v14 =	vadd.f32 v17, v24;
	v8 =	vmul.f32 $1.442695020e+00, v8  }
0x5d6: {  	v22 =	vor.u32 $0x2, v61;
	(erf) = vpow2.f32 v18  }
0x5d7: {  	v10 =	vmax.f32 v10, v15;
	v15 =	vmul.f32 $2.000000030e-01, v14;
	(erf) = vpow2.f32 v8  }
0x5d8: {  	v13 =	vor.u32 $0x1, v2;
	[tilespmem:v20+s21+$0x0] =	vst.idx.msk $0xffff, v7;
	v8 =	vmul.f32 v19, v41;
	v12 =	vmul.f32 v12, v43  }
0x5d9: {  	[tilespmem:v21+s21+$0x0] =	vst.idx.msk $0xffff, v6;
	v7 =	vld.idx.msk [tilespmem:v16+s4+$0x0], $0xffff  }
0x5da: {  	v16 =	vld.idx.msk [tilespmem:v23+s4+$0x0], $0xffff;
	v8 =	vadd.f32 v12, v8;
	v12 =	vmax.f32 v14, v15  }
0x5db: {  	v12 =	vsub.f32 v12, v39  }
0x5dc: {  	v6 =	vld.idx.msk [tilespmem:v22+s4+$0x0], $0xffff;
	v10 =	vsub.f32 v10, v36  }
0x5dd: {  	v13 =	vld.idx.msk [tilespmem:v13+s4+$0x0], $0xffff;
	v14 =	vmul.f32 $2.000000030e-01, v8;
	v12 =	vmul.f32 $1.442695020e+00, v12  }
0x5de: {  	v10 =	vmul.f32 $1.442695020e+00, v10;
	v15 =	vor.u32 $0x6, v50  }
0x5df: {  	v8 =	vmax.f32 v8, v14;
	v14 =	vmul.f32 v16, v29;
	v16 =	vor.u32 $0xE, v50  }
0x5e0: {  	v1 =	vor.u32 $0x7, v1;
	(erf) = vpow2.f32 v10;
	v10 =	vmul.f32 v7, v45;
	v0 =	vpop (erf)  }
0x5e1: {  	v6 =	vmul.f32 v6, v46;
	(erf) = vpow2.f32 v12;
	v12 =	vpop (erf)  }
0x5e2: {  	v17 =	vmul.f32 v13, v47;
	[tilespmem:$0x1FD40] =	vst v0;
	v11 =	vmul.f32 v12, v11  }
0x5e3: {  	[tilespmem:v15+s21+$0x0] =	vst.idx.msk $0xffff, v12  }
0x5e4: {  	v10 =	vadd.f32 v6, v10;
	v14 =	vadd.f32 v14, v17;
	v17 =	vor.u32 $0x7, v63;
	v63 =	vld [tilespmem:$0x1FEC0];
	[tilespmem:v16+s21+$0x0] =	vst.idx.msk $0xffff, v11  }
0x5e5: {  	v1 =	vld.idx.msk [tilespmem:v1+s4+$0x0], $0xffff  }
0x5e6: {  	v8 =	vsub.f32 v8, v42;
	v18 =	vmul.f32 $2.000000030e-01, v10;
	v0 =	vld [tilespmem:$0x1FED0]  }
0x5e7: {  	v20 =	vor.u32 $0x5, v51;
	v21 =	vor.u32 $0xD, v51  }
0x5e8: {  	v8 =	vmul.f32 $1.442695020e+00, v8;
	v10 =	vmax.f32 v10, v18;
	v18 =	vmul.f32 $2.000000030e-01, v14;
	_ =	sdelay $0x1  }
0x5e9: {  	(erf) = vpow2.f32 v8;
	v8 =	vmax.f32 v14, v18;
	v14 =	vpop (erf)  }
0x5ea: {  	[tilespmem:$0x1FD50] =	vst v1;
	v8 =	vsub.f32 v8, v0;
	v0 =	vmul.f32 v14, v26  }
0x5eb: {  	[tilespmem:v20+s21+$0x0] =	vst.idx.msk $0xffff, v14  }
0x5ec: {  	[tilespmem:v21+s21+$0x0] =	vst.idx.msk $0xffff, v0  }
0x5ed: {  	v10 =	vsub.f32 v10, v63;
	v20 =	vld [tilespmem:$0x1FFC0];
	_ =	sdelay $0x1  }
0x5ee: {  	v10 =	vmul.f32 $1.442695020e+00, v10  }
0x5ef: {  	v16 =	vor.u32 $0x4, v52  }
0x5f0: {  	v12 =	vor.u32 $0x6, v58;
	v15 =	vld.idx.msk [tilespmem:v17+s4+$0x0], $0xffff;
	(erf) = vpow2.f32 v10;
	v10 =	vor.u32 $0xC, v52  }
0x5f1: {  	v20 =	vmul.f32 v1, v20;
	v1 =	vld [tilespmem:$0x1FFD0]  }
0x5f2: {  	v14 =	vpop (erf)  }
0x5f3: {  	v8 =	vmul.f32 $1.442695020e+00, v8;
	v9 =	vmul.f32 v14, v9  }
0x5f4: {  	[tilespmem:v16+s21+$0x0] =	vst.idx.msk $0xffff, v14  }
0x5f5: {  	v11 =	vor.u32 $0x6, v59;
	v12 =	vld.idx.msk [tilespmem:v12+s4+$0x0], $0xffff;
	(erf) = vpow2.f32 v8;
	v8 =	vor.u32 $0x3, v53;
	[tilespmem:v10+s21+$0x0] =	vst.idx.msk $0xffff, v9  }
0x5f6: {  	v15 =	vmul.f32 v15, v1;
	v1 =	vld [tilespmem:$0x1FEE0];
	_ =	sdelay $0x2  }
0x5f7: {  	v18 =	vor.u32 $0xB, v53;
	v16 =	vpop (erf)  }
0x5f8: {  	v11 =	vld.idx.msk [tilespmem:v11+s4+$0x0], $0xffff;
	v10 =	vor.u32 $0x2, v62;
	[tilespmem:v8+s21+$0x0] =	vst.idx.msk $0xffff, v16  }
0x5f9: {  	v9 =	vadd.f32 v15, v20;
	v20 =	vmul.f32 v12, v1;
	v1 =	vld [tilespmem:$0x1FEF0]  }
0x5fa: {  	v15 =	vmul.f32 v16, v19;
	_ =	sdelay $0x1  }
0x5fb: {  	[tilespmem:v18+s21+$0x0] =	vst.idx.msk $0xffff, v15;
	v18 =	vpop (erf)  }
0x5fc: {  	v0 =	vor.u32 $0x5, v56;
	v19 =	vor.u32 $0xA, v62;
	[tilespmem:v10+s21+$0x0] =	vst.idx.msk $0xffff, v18  }
0x5fd: {  	v11 =	vmul.f32 v11, v1;
	v1 =	vld [tilespmem:$0x1FFE0];
	_ =	sdelay $0x1  }
0x5fe: {  	v22 =	vmul.f32 $2.000000030e-01, v9;
	v7 =	vmul.f32 v18, v7;
	_ =	sdelay $0x1  }
0x5ff: {  	v17 =	vor.u32 $0x5, v54;
	v0 =	vld.idx.msk [tilespmem:v0+s4+$0x0], $0xffff;
	v9 =	vmax.f32 v9, v22;
	[tilespmem:v19+s21+$0x0] =	vst.idx.msk $0xffff, v7  }
0x600: {  	v9 =	vsub.f32 v9, v1;
	v1 =	vld [tilespmem:$0x1FE70];
	_ =	sdelay $0x2  }
0x601: {  	v16 =	vor.u32 $0x1, v5  }
0x602: {  	v23 =	vor.u32 $0x9, v5;
	v8 =	vld.idx.msk [tilespmem:v17+s4+$0x0], $0xffff;
	v18 =	vpop (erf)  }
0x603: {  	v7 =	vmul.f32 v18, v13;
	v13 =	vmul.f32 v0, v1;
	v1 =	vld [tilespmem:$0x1FF00];
	_ =	sdelay $0x2  }
0x604: {  	[tilespmem:v16+s21+$0x0] =	vst.idx.msk $0xffff, v18  }
0x605: {  	v21 =	vor.u32 $0x4, v55;
	[tilespmem:v23+s21+$0x0] =	vst.idx.msk $0xffff, v7  }
0x606: {  	v11 =	vadd.f32 v11, v20;
	v8 =	vmul.f32 v8, v1;
	v1 =	vld [tilespmem:$0x1FFF0];
	_ =	sdelay $0x1  }
0x607: {  	v22 =	vmul.f32 $2.000000030e-01, v11;
	_ =	sdelay $0x1  }
0x608: {  	v14 =	vor.u32 $0x4, v57;
	v21 =	vld.idx.msk [tilespmem:v21+s4+$0x0], $0xffff;
	v7 =	vmul.f32 $1.442695020e+00, v9;
	v9 =	vmax.f32 v11, v22  }
0x609: {  	v9 =	vsub.f32 v9, v1;
	v1 =	vld [tilespmem:$0x1FF10];
	_ =	sdelay $0x1  }
0x60a: {  	v17 =	vor.u32 $0x3, v60  }
0x60b: {  	v15 =	vor.u32 $0x3, v61  }
0x60c: {  	v14 =	vld.idx.msk [tilespmem:v14+s4+$0x0], $0xffff  }
0x60d: {  	v8 =	vadd.f32 v8, v13;
	v13 =	vmul.f32 v21, v1;
	v1 =	vld [tilespmem:$0x1FF20]  }
0x60e: {  	v20 =	vor.u32 $0x2, v2  }
0x60f: {  	v10 =	vor.u32 $0x2, v3;
	v17 =	vld.idx.msk [tilespmem:v17+s4+$0x0], $0xffff  }
0x610: {  	v15 =	vld.idx.msk [tilespmem:v15+s4+$0x0], $0xffff  }
0x611: {  	v26 =	vld [tilespmem:$0x1FF50]  }
0x612: {  	v14 =	vmul.f32 v14, v1;
	v1 =	vld [tilespmem:$0x1FF40]  }
0x613: {  	v11 =	vld.idx.msk [tilespmem:v20+s4+$0x0], $0xffff  }
0x614: {  	v10 =	vld.idx.msk [tilespmem:v10+s4+$0x0], $0xffff;
	v16 =	vmul.f32 $2.000000030e-01, v8  }
0x615: {  	v4 =	vld [tilespmem:$0x1FF60];
	(erf) = vpow2.f32 v7;
	v7 =	vmul.f32 $1.442695020e+00, v9;
	v9 =	vadd.f32 v14, v13  }
0x616: {  	v8 =	vmax.f32 v8, v16;
	v13 =	vmul.f32 v17, v41;
	v14 =	vmul.f32 v15, v26  }
0x617: {  	(erf) = vpow2.f32 v7;
	v7 =	vsub.f32 v8, v1;
	v8 =	vmul.f32 $2.000000030e-01, v9  }
0x618: {  	v13 =	vadd.f32 v14, v13  }
0x619: {  	v10 =	vmul.f32 v10, v46;
	v14 =	vmul.f32 v11, v45;
	v8 =	vmax.f32 v9, v8  }
0x61a: {  	v7 =	vmul.f32 $1.442695020e+00, v7;
	v9 =	vmul.f32 $2.000000030e-01, v13;
	v8 =	vsub.f32 v8, v4  }
0x61b: {  	v10 =	vadd.f32 v10, v14  }
0x61c: {  	(erf) = vpow2.f32 v7;
	v7 =	vmul.f32 $1.442695020e+00, v8;
	v8 =	vmax.f32 v13, v9  }
0x61d: {  	v9 =	vmul.f32 $2.000000030e-01, v10;
	v8 =	vsub.f32 v8, v42  }
0x61e: {  	v13 =	vor.u32 $0x6, v51;
	(erf) = vpow2.f32 v7  }
0x61f: {  	v7 =	vmax.f32 v10, v9;
	v9 =	vor.u32 $0xE, v51;
	v8 =	vmul.f32 $1.442695020e+00, v8  }
0x620: {  	v14 =	vor.u32 $0x7, v58;
	v4 =	vpop (erf);
	v10 =	vsub.f32 v7, v63  }
0x621: {  	v16 =	vpop (erf);
	(erf) = vpow2.f32 v8  }
0x622: {  	[tilespmem:$0x1FD60] =	vst v4;
	v8 =	vmul.f32 $1.442695020e+00, v10;
	v10 =	vmul.f32 v16, v12  }
0x623: {  	[tilespmem:v13+s21+$0x0] =	vst.idx.msk $0xffff, v16  }
0x624: {  	[tilespmem:v9+s21+$0x0] =	vst.idx.msk $0xffff, v10  }
0x625: {  	v7 =	vld.idx.msk [tilespmem:v14+s4+$0x0], $0xffff  }
0x626: {  	v18 =	vor.u32 $0x5, v52  }
0x627: {  	v15 =	vor.u32 $0x7, v59;
	v12 =	vor.u32 $0xD, v52  }
0x628: {  	v13 =	vor.u32 $0x6, v56;
	(erf) = vpow2.f32 v8  }
0x629: {  	v16 =	vor.u32 $0x4, v53;
	v9 =	vor.u32 $0x6, v54;
	v10 =	vpop (erf)  }
0x62a: {  	v14 =	vor.u32 $0xC, v53;
	v0 =	vmul.f32 v10, v0;
	[tilespmem:$0x1FD70] =	vst v7  }
0x62b: {  	[tilespmem:v18+s21+$0x0] =	vst.idx.msk $0xffff, v10;
	v18 =	vor.u32 $0x3, v62  }
0x62c: {  	v20 =	vor.u32 $0xB, v62;
	v15 =	vld.idx.msk [tilespmem:v15+s4+$0x0], $0xffff;
	v10 =	vor.u32 $0x5, v55;
	[tilespmem:v12+s21+$0x0] =	vst.idx.msk $0xffff, v0;
	v12 =	vpop (erf)  }
0x62d: {  	v13 =	vld.idx.msk [tilespmem:v13+s4+$0x0], $0xffff;
	v19 =	vmul.f32 v12, v21  }
0x62e: {  	v9 =	vld.idx.msk [tilespmem:v9+s4+$0x0], $0xffff;
	[tilespmem:v16+s21+$0x0] =	vst.idx.msk $0xffff, v12;
	v12 =	vor.u32 $0x2, v5;
	v23 =	vpop (erf)  }
0x62f: {  	v0 =	vor.u32 $0x5, v57;
	v4 =	vld [tilespmem:$0x1FFC0];
	v17 =	vmul.f32 v23, v17;
	[tilespmem:v14+s21+$0x0] =	vst.idx.msk $0xffff, v19;
	v14 =	vor.u32 $0xA, v5  }
0x630: {  	v27 =	vld [tilespmem:$0x1FFD0];
	[tilespmem:v18+s21+$0x0] =	vst.idx.msk $0xffff, v23  }
0x631: {  	v10 =	vld.idx.msk [tilespmem:v10+s4+$0x0], $0xffff;
	v23 =	vpop (erf);
	[tilespmem:v20+s21+$0x0] =	vst.idx.msk $0xffff, v17  }
0x632: {  	v21 =	vor.u32 $0x4, v60;
	v11 =	vmul.f32 v23, v11;
	v59 =	vld [tilespmem:$0x1FEE0]  }
0x633: {  	v22 =	vor.u32 $0x4, v61;
	v63 =	vld [tilespmem:$0x1FEF0];
	[tilespmem:v12+s21+$0x0] =	vst.idx.msk $0xffff, v23  }
0x634: {  	v19 =	vor.u32 $0x3, v2;
	v0 =	vld.idx.msk [tilespmem:v0+s4+$0x0], $0xffff;
	[tilespmem:v14+s21+$0x0] =	vst.idx.msk $0xffff, v11  }
0x635: {  	v16 =	vmul.f32 v7, v4;
	v7 =	vld [tilespmem:$0x1FE70]  }
0x636: {  	v8 =	vld [tilespmem:$0x1FF00]  }
0x637: {  	v17 =	vld.idx.msk [tilespmem:v21+s4+$0x0], $0xffff;
	v15 =	vmul.f32 v15, v27  }
0x638: {  	v18 =	vor.u32 $0x3, v3;
	v12 =	vld.idx.msk [tilespmem:v22+s4+$0x0], $0xffff  }
0x639: {  	v14 =	vld.idx.msk [tilespmem:v19+s4+$0x0], $0xffff;
	v15 =	vadd.f32 v15, v16;
	v16 =	vmul.f32 v13, v59;
	v9 =	vmul.f32 v9, v63  }
0x63a: {  	v19 =	vld [tilespmem:$0x1FFE0]  }
0x63b: {  	v23 =	vld [tilespmem:$0x1FF10];
	v9 =	vadd.f32 v9, v16;
	v16 =	vmul.f32 v10, v7;
	v0 =	vmul.f32 v0, v8  }
0x63c: {  	v58 =	vld [tilespmem:$0x1FF20]  }
0x63d: {  	v11 =	vmul.f32 $2.000000030e-01, v15;
	v0 =	vadd.f32 v0, v16;
	v16 =	vld [tilespmem:$0x1FFF0]  }
0x63e: {  	v18 =	vld.idx.msk [tilespmem:v18+s4+$0x0], $0xffff  }
0x63f: {  	v11 =	vmax.f32 v15, v11;
	v15 =	vmul.f32 $2.000000030e-01, v9  }
0x640: {  	v11 =	vsub.f32 v11, v19  }
0x641: {  	v12 =	vmul.f32 v12, v58;
	v9 =	vmax.f32 v9, v15;
	v15 =	vmul.f32 v17, v23  }
0x642: {  	v11 =	vmul.f32 $1.442695020e+00, v11;
	v9 =	vsub.f32 v9, v16;
	v16 =	vmul.f32 $2.000000030e-01, v0  }
0x643: {  	v24 =	vld [tilespmem:$0x1FF60];
	v18 =	vmul.f32 v18, v26;
	v12 =	vadd.f32 v12, v15;
	v15 =	vmul.f32 v14, v41  }
0x644: {  	(erf) = vpow2.f32 v11;
	v9 =	vmul.f32 $1.442695020e+00, v9;
	v0 =	vmax.f32 v0, v16  }
0x645: {  	v11 =	vmul.f32 $2.000000030e-01, v12;
	v15 =	vadd.f32 v18, v15;
	v0 =	vsub.f32 v0, v1  }
0x646: {  	(erf) = vpow2.f32 v9  }
0x647: {  	v9 =	vmax.f32 v12, v11;
	v11 =	vmul.f32 $2.000000030e-01, v15;
	v0 =	vmul.f32 $1.442695020e+00, v0  }
0x648: {  	v9 =	vsub.f32 v9, v24  }
0x649: {  	(erf) = vpow2.f32 v0;
	v0 =	vmax.f32 v15, v11  }
0x64a: {  	v9 =	vmul.f32 $1.442695020e+00, v9;
	v0 =	vsub.f32 v0, v42;
	_ =	sdelay $0x1  }
0x64b: {  	(erf) = vpow2.f32 v9;
	v0 =	vmul.f32 $1.442695020e+00, v0  }
0x64c: {  	v11 =	vor.u32 $0x6, v52  }
0x64d: {  	v12 =	vor.u32 $0xE, v52;
	(erf) = vpow2.f32 v0  }
0x64e: {  	v15 =	vor.u32 $0x5, v53;
	v9 =	vpop (erf);
	v0 =	vor.u32 $0x7, v56  }
0x64f: {  	v19 =	vor.u32 $0xD, v53;
	v16 =	vor.u32 $0x7, v54;
	v18 =	vpop (erf)  }
0x650: {  	v20 =	vor.u32 $0x6, v55;
	v13 =	vmul.f32 v18, v13  }
0x651: {  	v21 =	vor.u32 $0x4, v62;
	[tilespmem:v11+s21+$0x0] =	vst.idx.msk $0xffff, v18;
	v11 =	vor.u32 $0x6, v57;
	v18 =	vpop (erf)  }
0x652: {  	[tilespmem:v12+s21+$0x0] =	vst.idx.msk $0xffff, v13;
	v12 =	vor.u32 $0xC, v62;
	v13 =	vmul.f32 v18, v10  }
0x653: {  	v10 =	vld.idx.msk [tilespmem:v0+s4+$0x0], $0xffff;
	[tilespmem:v15+s21+$0x0] =	vst.idx.msk $0xffff, v18;
	v0 =	vor.u32 $0x3, v5;
	v15 =	vor.u32 $0x5, v60  }
0x654: {  	v16 =	vld.idx.msk [tilespmem:v16+s4+$0x0], $0xffff;
	v18 =	vpop (erf);
	[tilespmem:v19+s21+$0x0] =	vst.idx.msk $0xffff, v13;
	v13 =	vor.u32 $0x5, v61;
	v19 =	vor.u32 $0xB, v5  }
0x655: {  	v22 =	vor.u32 $0x4, v2;
	v17 =	vmul.f32 v18, v17;
	v20 =	vld.idx.msk [tilespmem:v20+s4+$0x0], $0xffff  }
0x656: {  	[tilespmem:v21+s21+$0x0] =	vst.idx.msk $0xffff, v18;
	v18 =	vor.u32 $0x4, v3;
	v11 =	vld.idx.msk [tilespmem:v11+s4+$0x0], $0xffff;
	v21 =	vpop (erf)  }
0x657: {  	[tilespmem:v12+s21+$0x0] =	vst.idx.msk $0xffff, v17;
	v12 =	vmul.f32 v21, v14  }
0x658: {  	v14 =	vld.idx.msk [tilespmem:v15+s4+$0x0], $0xffff;
	[tilespmem:v0+s21+$0x0] =	vst.idx.msk $0xffff, v21  }
0x659: {  	v0 =	vmul.f32 v10, v4;
	v15 =	vmul.f32 v16, v27;
	v13 =	vld.idx.msk [tilespmem:v13+s4+$0x0], $0xffff;
	[tilespmem:v19+s21+$0x0] =	vst.idx.msk $0xffff, v12  }
0x65a: {  	v12 =	vld.idx.msk [tilespmem:v22+s4+$0x0], $0xffff  }
0x65b: {  	v0 =	vadd.f32 v15, v0;
	v15 =	vmul.f32 v20, v59;
	v11 =	vmul.f32 v11, v63;
	v16 =	vld.idx.msk [tilespmem:v18+s4+$0x0], $0xffff  }
0x65c: {  	v26 =	vld [tilespmem:$0x1FFE0]  }
0x65d: {  	v17 =	vmul.f32 $2.000000030e-01, v0;
	v11 =	vadd.f32 v11, v15  }
0x65e: {  	v54 =	vld [tilespmem:$0x1FFF0];
	v15 =	vmul.f32 v14, v7;
	v13 =	vmul.f32 v13, v8  }
0x65f: {  	v0 =	vmax.f32 v0, v17;
	v17 =	vmul.f32 $2.000000030e-01, v11  }
0x660: {  	v16 =	vmul.f32 v16, v58;
	v13 =	vadd.f32 v13, v15;
	v15 =	vmul.f32 v12, v23  }
0x661: {  	v0 =	vsub.f32 v0, v26  }
0x662: {  	v11 =	vmax.f32 v11, v17;
	v17 =	vmul.f32 $2.000000030e-01, v13;
	v15 =	vadd.f32 v16, v15  }
0x663: {  	v11 =	vsub.f32 v11, v54  }
0x664: {  	v0 =	vmul.f32 $1.442695020e+00, v0;
	v13 =	vmax.f32 v13, v17;
	v16 =	vmul.f32 $2.000000030e-01, v15  }
0x665: {  	v11 =	vmul.f32 $1.442695020e+00, v11;
	v13 =	vsub.f32 v13, v1  }
0x666: {  	(erf) = vpow2.f32 v0;
	v0 =	vmax.f32 v15, v16  }
0x667: {  	(erf) = vpow2.f32 v11;
	v11 =	vmul.f32 $1.442695020e+00, v13;
	v0 =	vsub.f32 v0, v24;
	_ =	sdelay $0x1  }
0x668: {  	(erf) = vpow2.f32 v11;
	v0 =	vmul.f32 $1.442695020e+00, v0;
	_ =	sdelay $0x1  }
0x669: {  	(erf) = vpow2.f32 v0;
	_ =	sdelay $0x1  }
0x66a: {  	v0 =	vor.u32 $0x6, v53  }
0x66b: {  	v13 =	vor.u32 $0xE, v53  }
0x66c: {  	v15 =	vor.u32 $0x7, v55;
	v16 =	vor.u32 $0x5, v62;
	v11 =	vpop (erf)  }
0x66d: {  	v19 =	vor.u32 $0xD, v62;
	v17 =	vor.u32 $0x7, v57;
	v18 =	vpop (erf)  }
0x66e: {  	v21 =	vor.u32 $0x6, v60;
	v22 =	vor.u32 $0x4, v5;
	v20 =	vmul.f32 v18, v20  }
0x66f: {  	v23 =	vor.u32 $0xC, v5;
	[tilespmem:v0+s21+$0x0] =	vst.idx.msk $0xffff, v18;
	v0 =	vor.u32 $0x6, v61;
	v18 =	vpop (erf)  }
0x670: {  	[tilespmem:v13+s21+$0x0] =	vst.idx.msk $0xffff, v20;
	v13 =	vmul.f32 v18, v14;
	v14 =	vor.u32 $0x5, v2  }
0x671: {  	v15 =	vld.idx.msk [tilespmem:v15+s4+$0x0], $0xffff;
	[tilespmem:v16+s21+$0x0] =	vst.idx.msk $0xffff, v18;
	v16 =	vor.u32 $0x5, v3;
	v18 =	vpop (erf)  }
0x672: {  	v17 =	vld.idx.msk [tilespmem:v17+s4+$0x0], $0xffff;
	[tilespmem:v19+s21+$0x0] =	vst.idx.msk $0xffff, v13;
	v12 =	vmul.f32 v18, v12  }
0x673: {  	[tilespmem:v22+s21+$0x0] =	vst.idx.msk $0xffff, v18;
	v13 =	vld.idx.msk [tilespmem:v21+s4+$0x0], $0xffff  }
0x674: {  	v0 =	vld.idx.msk [tilespmem:v0+s4+$0x0], $0xffff;
	[tilespmem:v23+s21+$0x0] =	vst.idx.msk $0xffff, v12  }
0x675: {  	v12 =	vld.idx.msk [tilespmem:v14+s4+$0x0], $0xffff  }
0x676: {  	v14 =	vld.idx.msk [tilespmem:v16+s4+$0x0], $0xffff;
	_ =	sdelay $0x1  }
0x677: {  	v17 =	vmul.f32 v17, v27;
	v16 =	vmul.f32 v15, v4  }
0x678: {  	v18 =	vmul.f32 v13, v59;
	v0 =	vmul.f32 v0, v63  }
0x679: {  	v16 =	vadd.f32 v17, v16  }
0x67a: {  	v0 =	vadd.f32 v0, v18;
	v17 =	vmul.f32 v12, v7;
	v14 =	vmul.f32 v14, v8  }
0x67b: {  	v18 =	vmul.f32 $2.000000030e-01, v16  }
0x67c: {  	v19 =	vmul.f32 $2.000000030e-01, v0;
	v14 =	vadd.f32 v14, v17  }
0x67d: {  	v16 =	vmax.f32 v16, v18  }
0x67e: {  	v16 =	vsub.f32 v16, v26;
	v0 =	vmax.f32 v0, v19;
	v17 =	vmul.f32 $2.000000030e-01, v14  }
0x67f: {  	v0 =	vsub.f32 v0, v54  }
0x680: {  	v16 =	vmul.f32 $1.442695020e+00, v16;
	v14 =	vmax.f32 v14, v17  }
0x681: {  	v0 =	vmul.f32 $1.442695020e+00, v0;
	v14 =	vsub.f32 v14, v1  }
0x682: {  	(erf) = vpow2.f32 v16  }
0x683: {  	(erf) = vpow2.f32 v0;
	v0 =	vmul.f32 $1.442695020e+00, v14;
	_ =	sdelay $0x1  }
0x684: {  	(erf) = vpow2.f32 v0;
	_ =	sdelay $0x3  }
0x685: {  	v0 =	vor.u32 $0x6, v62  }
0x686: {  	v14 =	vor.u32 $0xE, v62  }
0x687: {  	v18 =	vor.u32 $0x5, v5;
	v17 =	vor.u32 $0x7, v60;
	v16 =	vpop (erf)  }
0x688: {  	v21 =	vor.u32 $0xD, v5;
	v19 =	vor.u32 $0x7, v61;
	v20 =	vpop (erf)  }
0x689: {  	v22 =	vor.u32 $0x6, v2;
	v13 =	vmul.f32 v20, v13  }
0x68a: {  	[tilespmem:v0+s21+$0x0] =	vst.idx.msk $0xffff, v20;
	v0 =	vor.u32 $0x6, v3;
	v20 =	vpop (erf)  }
0x68b: {  	[tilespmem:v14+s21+$0x0] =	vst.idx.msk $0xffff, v13;
	v12 =	vmul.f32 v20, v12  }
0x68c: {  	[tilespmem:v18+s21+$0x0] =	vst.idx.msk $0xffff, v20;
	v13 =	vld.idx.msk [tilespmem:v17+s4+$0x0], $0xffff  }
0x68d: {  	v14 =	vld.idx.msk [tilespmem:v19+s4+$0x0], $0xffff;
	[tilespmem:v21+s21+$0x0] =	vst.idx.msk $0xffff, v12  }
0x68e: {  	v12 =	vld.idx.msk [tilespmem:v22+s4+$0x0], $0xffff  }
0x68f: {  	v0 =	vld.idx.msk [tilespmem:v0+s4+$0x0], $0xffff;
	_ =	sdelay $0x2  }
0x690: {  	v24 =	vmov v4  }
0x691: {  	v17 =	vmul.f32 v13, v24;
	v14 =	vmul.f32 v14, v27  }
0x692: {  	v18 =	vmul.f32 v12, v59;
	v0 =	vmul.f32 v0, v63  }
0x693: {  	v14 =	vadd.f32 v14, v17  }
0x694: {  	v0 =	vadd.f32 v0, v18  }
0x695: {  	v17 =	vmul.f32 $2.000000030e-01, v14  }
0x696: {  	v18 =	vmul.f32 $2.000000030e-01, v0  }
0x697: {  	v14 =	vmax.f32 v14, v17  }
0x698: {  	v14 =	vsub.f32 v14, v26;
	v0 =	vmax.f32 v0, v18  }
0x699: {  	v0 =	vsub.f32 v0, v54  }
0x69a: {  	v14 =	vmul.f32 $1.442695020e+00, v14  }
0x69b: {  	v0 =	vmul.f32 $1.442695020e+00, v0  }
0x69c: {  	(erf) = vpow2.f32 v14  }
0x69d: {  	(erf) = vpow2.f32 v0;
	_ =	sdelay $0x5  }
0x69e: {  	v0 =	vor.u32 $0x6, v5  }
0x69f: {  	v14 =	vor.u32 $0xE, v5  }
0x6a0: {  	v2 =	vor.u32 $0x7, v2;
	v17 =	vpop (erf)  }
0x6a1: {  	v3 =	vor.u32 $0x7, v3;
	v18 =	vpop (erf)  }
0x6a2: {  	v12 =	vmul.f32 v18, v12  }
0x6a3: {  	[tilespmem:v0+s21+$0x0] =	vst.idx.msk $0xffff, v18  }
0x6a4: {  	[tilespmem:v14+s21+$0x0] =	vst.idx.msk $0xffff, v12  }
0x6a5: {  	v0 =	vld.idx.msk [tilespmem:v2+s4+$0x0], $0xffff  }
0x6a6: {  	v2 =	vld.idx.msk [tilespmem:v3+s4+$0x0], $0xffff  }
0x6a7: {  	v4 =	vld [tilespmem:$0x1FD30]  }
0x6a8: {  	v6 =	vld [tilespmem:$0x1FD40]  }
0x6a9: {  	v12 =	vor.u32 $0x7, v49  }
0x6aa: {  	v14 =	vor.u32 $0xF, v49;
	_ =	sdelay $0x1  }
0x6ab: {  	v3 =	vmul.f32 v0, v24;
	v2 =	vmul.f32 v2, v27  }
0x6ac: {  	v4 =	vmul.f32 v6, v4  }
0x6ad: {  	[tilespmem:v12+s21+$0x0] =	vst.idx.msk $0xffff, v6;
	v2 =	vadd.f32 v2, v3  }
0x6ae: {  	[tilespmem:v14+s21+$0x0] =	vst.idx.msk $0xffff, v4  }
0x6af: {  	v1 =	vld [tilespmem:$0x1FD50];
	v3 =	vmul.f32 $2.000000030e-01, v2  }
0x6b0: {  	v7 =	vld [tilespmem:$0x1FD60]  }
0x6b1: {  	v2 =	vmax.f32 v2, v3;
	v3 =	vor.u32 $0x7, v50  }
0x6b2: {  	v18 =	vor.u32 $0xF, v50;
	_ =	sdelay $0x2  }
0x6b3: {  	v1 =	vmul.f32 v7, v1  }
0x6b4: {  	[tilespmem:v3+s21+$0x0] =	vst.idx.msk $0xffff, v7  }
0x6b5: {  	v2 =	vsub.f32 v2, v26;
	[tilespmem:v18+s21+$0x0] =	vst.idx.msk $0xffff, v1  }
0x6b6: {  	v1 =	vld [tilespmem:$0x1FD70]  }
0x6b7: {  	v19 =	vor.u32 $0x7, v51;
	v2 =	vmul.f32 $1.442695020e+00, v2  }
0x6b8: {  	v6 =	vor.u32 $0xF, v51  }
0x6b9: {  	v4 =	vor.u32 $0x7, v52;
	(erf) = vpow2.f32 v2  }
0x6ba: {  	v2 =	vor.u32 $0xF, v52  }
0x6bb: {  	v3 =	vor.u32 $0x7, v53;
	v1 =	vmul.f32 v9, v1  }
0x6bc: {  	v7 =	vor.u32 $0xF, v53;
	[tilespmem:v19+s21+$0x0] =	vst.idx.msk $0xffff, v9  }
0x6bd: {  	[tilespmem:v6+s21+$0x0] =	vst.idx.msk $0xffff, v1;
	v1 =	vmul.f32 v11, v10;
	v6 =	vor.u32 $0x7, v62  }
0x6be: {  	[tilespmem:v4+s21+$0x0] =	vst.idx.msk $0xffff, v11;
	v4 =	vor.u32 $0xF, v62  }
0x6bf: {  	[tilespmem:v2+s21+$0x0] =	vst.idx.msk $0xffff, v1;
	v1 =	vmul.f32 v16, v15;
	v2 =	vor.u32 $0x7, v5  }
0x6c0: {  	[tilespmem:v3+s21+$0x0] =	vst.idx.msk $0xffff, v16;
	v3 =	vor.u32 $0xF, v5  }
0x6c1: {  	[tilespmem:v7+s21+$0x0] =	vst.idx.msk $0xffff, v1;
	v1 =	vmul.f32 v17, v13  }
0x6c2: {  	v5 =	vpop (erf);
	[tilespmem:v6+s21+$0x0] =	vst.idx.msk $0xffff, v17  }
0x6c3: {  	v0 =	vmul.f32 v5, v0;
	[tilespmem:v4+s21+$0x0] =	vst.idx.msk $0xffff, v1  }
0x6c4: {  	[tilespmem:v2+s21+$0x0] =	vst.idx.msk $0xffff, v5  }
0x6c5: {  	s25 =	simm.s32 $0x14050;
	[tilespmem:v3+s21+$0x0] =	vst.idx.msk $0xffff, v0  }
0x6c6: {  	[spmem:s3] =	stream.indirect.scatter.add.f32 [tilespmem:s21], [sflag:$0x1], $0x10, s25, s22, $0xb8;
	[tilespmem:$0x1ED50] =	vst v63  }
0x6c7: {  	_ =	swait.ge [sflag:s19], $0x7D00  }
0x6c8: {  	[sflag:s19] =	ssyncset.done $0x0  }
0x6c9: {  	s26 =	simm.s32 $0x0;
	s28 =	simm.s32 $0x13880;
	[sflag:s19] =	ssyncadd.s32 $0xFFFF8300  }
0x6ca: {  	[tilespmem:s28], [sflag:$0x1] =	stream.linear.gather [hbm4b:s13+s26], $0x7D0, $0x38;
	[tilespmem:$0x1ED50] =	vst v63  }
0x6cb: {  	_ =	swait.ge [sflag:s19], $0x7D0  }
0x6cc: {  	[sflag:s19] =	ssyncset.done $0x0  }
0x6cd: {  	[sflag:s19] =	ssyncadd.s32 $0xFFFFF830  }
0x6ce: {  	[tilespmem:s25], [sflag:$0x1] =	stream.linear.gather [hbm4b:s14+s26], $0x7D0, $0x38;
	[tilespmem:$0x1ED50] =	vst v63  }
0x6cf: {  	_ =	swait.ge [sflag:s19], $0x7D0  }
0x6d0: {  	[sflag:s19] =	ssyncset.done $0x0  }
0x6d1: {  	[sflag:s19] =	ssyncadd.s32 $0xFFFFF830  }
0x6d2: {  	v0 =	vld [tilespmem:s28+$0x0]  }
0x6d3: {  	v1 =	vld [tilespmem:s25+$0x0];
	_ =	sdelay $0x3  }
0x6d4: {  	v9 =	vshll.u32 v0, $0x3  }
0x6d5: {  	v4 =	vshll.u32 v1, $0x3;
	_ =	sdelay $0x2  }
0x6d6: {  	v18 =	vld [tilespmem:$0x1FEA0]  }
0x6d7: {  	v0 =	vld.idx.msk [tilespmem:v9+s4+$0x0], $0xffff  }
0x6d8: {  	v1 =	vld.idx.msk [tilespmem:v4+s4+$0x0], $0xffff;
	_ =	sdelay $0x4  }
0x6d9: {  	v2 =	vmul.f32 v0, v48;
	v1 =	vmul.f32 v1, v18;
	_ =	sdelay $0x1  }
0x6da: {  	v62 =	vld [tilespmem:$0x1FE60];
	v1 =	vadd.f32 v1, v2;
	_ =	sdelay $0x1  }
0x6db: {  	v2 =	vmul.f32 $2.000000030e-01, v1;
	_ =	sdelay $0x1  }
0x6dc: {  	v1 =	vmax.f32 v1, v2  }
0x6dd: {  	v1 =	vsub.f32 v1, v62;
	_ =	sdelay $0x1  }
0x6de: {  	v1 =	vmul.f32 $1.442695020e+00, v1;
	_ =	sdelay $0x1  }
0x6df: {  	(erf) = vpow2.f32 v1;
	_ =	sdelay $0x3  }
0x6e0: {  	v1 =	vmov s26  }
0x6e1: {  	v1 =	vshll.u32 v1, $0x4  }
0x6e2: {  	v49 =	vor.u32 v25, v1  }
0x6e3: {  	v2 =	vor.u32 $0x8, v49  }
0x6e4: {  	v6 =	vor.u32 $0x1, v9  }
0x6e5: {  	s31 =	simm.s32 $0x13890;
	v8 =	vor.u32 $0x1, v4;
	v7 =	vpop (erf)  }
0x6e6: {  	s26 =	simm.s32 $0x14060;
	v1 =	vld [tilespmem:s31+$0x0];
	v0 =	vmul.f32 v7, v0  }
0x6e7: {  	v3 =	vld [tilespmem:s26+$0x0];
	[tilespmem:v49+s21+$0x0] =	vst.idx.msk $0xffff, v7  }
0x6e8: {  	[tilespmem:v2+s21+$0x0] =	vst.idx.msk $0xffff, v0  }
0x6e9: {  	v0 =	vld.idx.msk [tilespmem:v6+s4+$0x0], $0xffff  }
0x6ea: {  	v2 =	vld.idx.msk [tilespmem:v8+s4+$0x0], $0xffff  }
0x6eb: {  	v1 =	vshll.u32 v1, $0x3;
	v27 =	vld [tilespmem:$0x1FFA0]  }
0x6ec: {  	v63 =	vshll.u32 v3, $0x3;
	v22 =	vld [tilespmem:$0x1FFB0];
	_ =	sdelay $0x3  }
0x6ed: {  	v3 =	vld.idx.msk [tilespmem:v1+s4+$0x0], $0xffff  }
0x6ee: {  	v6 =	vld.idx.msk [tilespmem:v63+s4+$0x0], $0xffff;
	v7 =	vmul.f32 v0, v27;
	v2 =	vmul.f32 v2, v22;
	_ =	sdelay $0x1  }
0x6ef: {  	v17 =	vld [tilespmem:$0x1FED0];
	v2 =	vadd.f32 v2, v7;
	_ =	sdelay $0x1  }
0x6f0: {  	v8 =	vmul.f32 $2.000000030e-01, v2  }
0x6f1: {  	v6 =	vmul.f32 v6, v18;
	v7 =	vmul.f32 v3, v48  }
0x6f2: {  	v2 =	vmax.f32 v2, v8  }
0x6f3: {  	v6 =	vadd.f32 v6, v7;
	v2 =	vsub.f32 v2, v17;
	_ =	sdelay $0x1  }
0x6f4: {  	v7 =	vmul.f32 $2.000000030e-01, v6;
	v2 =	vmul.f32 $1.442695020e+00, v2;
	_ =	sdelay $0x1  }
0x6f5: {  	v6 =	vmax.f32 v6, v7;
	(erf) = vpow2.f32 v2  }
0x6f6: {  	v6 =	vsub.f32 v6, v62;
	_ =	sdelay $0x1  }
0x6f7: {  	v2 =	vmul.f32 $1.442695020e+00, v6;
	_ =	sdelay $0x1  }
0x6f8: {  	(erf) = vpow2.f32 v2;
	_ =	sdelay $0x2  }
0x6f9: {  	s30 =	simm.s32 $0x10;
	v2 =	vor.u32 $0x1, v49  }
0x6fa: {  	v7 =	vmov s30;
	v6 =	vor.u32 $0x9, v49;
	v10 =	vpop (erf)  }
0x6fb: {  	v7 =	vshll.u32 v7, $0x4;
	v0 =	vmul.f32 v10, v0  }
0x6fc: {  	v8 =	vor.u32 $0x2, v9;
	v50 =	vor.u32 v25, v7  }
0x6fd: {  	v13 =	vmov v9;
	v9 =	vor.u32 $0x2, v4;
	v11 =	vor.u32 $0x8, v50  }
0x6fe: {  	s31 =	simm.s32 $0x138A0;
	[tilespmem:v2+s21+$0x0] =	vst.idx.msk $0xffff, v10  }
0x6ff: {  	s26 =	simm.s32 $0x14070;
	v7 =	vld [tilespmem:s31+$0x0];
	[tilespmem:v6+s21+$0x0] =	vst.idx.msk $0xffff, v0;
	v0 =	vpop (erf)  }
0x700: {  	v2 =	vld [tilespmem:s26+$0x0];
	v3 =	vmul.f32 v0, v3  }
0x701: {  	v8 =	vld.idx.msk [tilespmem:v8+s4+$0x0], $0xffff;
	[tilespmem:v50+s21+$0x0] =	vst.idx.msk $0xffff, v0  }
0x702: {  	v9 =	vld.idx.msk [tilespmem:v9+s4+$0x0], $0xffff;
	[tilespmem:v11+s21+$0x0] =	vst.idx.msk $0xffff, v3  }
0x703: {  	v10 =	vor.u32 $0x1, v1;
	v60 =	vld [tilespmem:$0x1FE80]  }
0x704: {  	v6 =	vor.u32 $0x1, v63;
	v53 =	vld [tilespmem:$0x1FF70];
	_ =	sdelay $0x3  }
0x705: {  	v58 =	vshll.u32 v7, $0x3;
	v0 =	vld.idx.msk [tilespmem:v10+s4+$0x0], $0xffff  }
0x706: {  	v59 =	vshll.u32 v2, $0x3;
	v2 =	vld.idx.msk [tilespmem:v6+s4+$0x0], $0xffff;
	v3 =	vmul.f32 v8, v60;
	v6 =	vmul.f32 v9, v53;
	_ =	sdelay $0x1  }
0x707: {  	v23 =	vld [tilespmem:$0x1FEC0];
	v3 =	vadd.f32 v6, v3;
	_ =	sdelay $0x1  }
0x708: {  	v7 =	vld.idx.msk [tilespmem:v58+s4+$0x0], $0xffff;
	v10 =	vmul.f32 $2.000000030e-01, v3  }
0x709: {  	v9 =	vmul.f32 v0, v27;
	v2 =	vmul.f32 v2, v22;
	v6 =	vld.idx.msk [tilespmem:v59+s4+$0x0], $0xffff  }
0x70a: {  	v3 =	vmax.f32 v3, v10  }
0x70b: {  	v2 =	vadd.f32 v2, v9;
	v3 =	vsub.f32 v3, v23;
	_ =	sdelay $0x1  }
0x70c: {  	v10 =	vmul.f32 $2.000000030e-01, v2;
	v3 =	vmul.f32 $1.442695020e+00, v3  }
0x70d: {  	v9 =	vmul.f32 v7, v48;
	v6 =	vmul.f32 v6, v18  }
0x70e: {  	v2 =	vmax.f32 v2, v10;
	(erf) = vpow2.f32 v3  }
0x70f: {  	v6 =	vadd.f32 v6, v9;
	v2 =	vsub.f32 v2, v17;
	_ =	sdelay $0x1  }
0x710: {  	v3 =	vmul.f32 $2.000000030e-01, v6;
	v2 =	vmul.f32 $1.442695020e+00, v2;
	_ =	sdelay $0x1  }
0x711: {  	v3 =	vmax.f32 v6, v3;
	(erf) = vpow2.f32 v2  }
0x712: {  	v3 =	vsub.f32 v3, v62;
	_ =	sdelay $0x1  }
0x713: {  	v2 =	vmul.f32 $1.442695020e+00, v3;
	v3 =	vor.u32 $0x2, v49  }
0x714: {  	v6 =	vor.u32 $0xA, v49;
	v10 =	vpop (erf)  }
0x715: {  	(erf) = vpow2.f32 v2;
	v8 =	vmul.f32 v10, v8;
	_ =	sdelay $0x1  }
0x716: {  	s30 =	simm.s32 $0x20  }
0x717: {  	v11 =	vor.u32 $0x1, v50;
	[tilespmem:v3+s21+$0x0] =	vst.idx.msk $0xffff, v10;
	v3 =	vmov s30  }
0x718: {  	v12 =	vor.u32 $0x9, v50;
	v2 =	vor.u32 $0x3, v13;
	v3 =	vshll.u32 v3, $0x4;
	[tilespmem:v6+s21+$0x0] =	vst.idx.msk $0xffff, v8;
	v8 =	vpop (erf)  }
0x719: {  	v9 =	vor.u32 $0x3, v4;
	v51 =	vor.u32 v25, v3;
	v0 =	vmul.f32 v8, v0;
	_ =	sdelay $0x2  }
0x71a: {  	[tilespmem:v11+s21+$0x0] =	vst.idx.msk $0xffff, v8  }
0x71b: {  	v2 =	vld.idx.msk [tilespmem:v2+s4+$0x0], $0xffff;
	[tilespmem:v12+s21+$0x0] =	vst.idx.msk $0xffff, v0;
	v0 =	vpop (erf)  }
0x71c: {  	v26 =	vmov v13;
	v13 =	vor.u32 $0x2, v1;
	v3 =	vld.idx.msk [tilespmem:v9+s4+$0x0], $0xffff;
	[tilespmem:v51+s21+$0x0] =	vst.idx.msk $0xffff, v0  }
0x71d: {  	v6 =	vor.u32 $0x2, v63;
	v21 =	vld [tilespmem:$0x1FF30]  }
0x71e: {  	s31 =	simm.s32 $0x138B0;
	v20 =	vld [tilespmem:$0x1FF50]  }
0x71f: {  	s26 =	simm.s32 $0x14080;
	v10 =	vld [tilespmem:s31+$0x0];
	v9 =	vor.u32 $0x8, v51  }
0x720: {  	v14 =	vld [tilespmem:s26+$0x0]  }
0x721: {  	v8 =	vor.u32 $0x1, v58;
	v12 =	vld.idx.msk [tilespmem:v13+s4+$0x0], $0xffff  }
0x722: {  	v11 =	vor.u32 $0x1, v59;
	v6 =	vld.idx.msk [tilespmem:v6+s4+$0x0], $0xffff;
	v7 =	vmul.f32 v0, v7  }
0x723: {  	v0 =	vmul.f32 v2, v21;
	v3 =	vmul.f32 v3, v20  }
0x724: {  	v56 =	vshll.u32 v10, $0x3;
	[tilespmem:v9+s21+$0x0] =	vst.idx.msk $0xffff, v7  }
0x725: {  	v54 =	vshll.u32 v14, $0x3;
	v19 =	vld [tilespmem:$0x1FE90];
	v0 =	vadd.f32 v3, v0  }
0x726: {  	v7 =	vld.idx.msk [tilespmem:v8+s4+$0x0], $0xffff;
	v8 =	vmul.f32 v12, v60  }
0x727: {  	v6 =	vmul.f32 v6, v53;
	v3 =	vld.idx.msk [tilespmem:v11+s4+$0x0], $0xffff;
	v9 =	vmul.f32 $2.000000030e-01, v0;
	_ =	sdelay $0x1  }
0x728: {  	v10 =	vld.idx.msk [tilespmem:v56+s4+$0x0], $0xffff;
	v6 =	vadd.f32 v6, v8;
	v0 =	vmax.f32 v0, v9  }
0x729: {  	v11 =	vld.idx.msk [tilespmem:v54+s4+$0x0], $0xffff;
	v0 =	vsub.f32 v0, v19  }
0x72a: {  	v8 =	vmul.f32 v7, v27;
	v9 =	vmul.f32 $2.000000030e-01, v6  }
0x72b: {  	v3 =	vmul.f32 v3, v22;
	v0 =	vmul.f32 $1.442695020e+00, v0  }
0x72c: {  	v6 =	vmax.f32 v6, v9  }
0x72d: {  	v3 =	vadd.f32 v3, v8;
	(erf) = vpow2.f32 v0;
	v0 =	vsub.f32 v6, v23  }
0x72e: {  	v13 =	vmul.f32 v10, v48;
	v8 =	vmul.f32 v11, v18  }
0x72f: {  	v6 =	vmul.f32 $2.000000030e-01, v3;
	v0 =	vmul.f32 $1.442695020e+00, v0  }
0x730: {  	v8 =	vadd.f32 v8, v13  }
0x731: {  	v3 =	vmax.f32 v3, v6;
	(erf) = vpow2.f32 v0  }
0x732: {  	v6 =	vmul.f32 $2.000000030e-01, v8;
	v3 =	vsub.f32 v3, v17  }
0x733: {  	v0 =	vor.u32 $0x3, v49  }
0x734: {  	v6 =	vmax.f32 v8, v6;
	v8 =	vor.u32 $0xB, v49;
	v3 =	vmul.f32 $1.442695020e+00, v3  }
0x735: {  	v9 =	vor.u32 $0x4, v26;
	v6 =	vsub.f32 v6, v62  }
0x736: {  	v13 =	vor.u32 $0x2, v50;
	(erf) = vpow2.f32 v3;
	v11 =	vpop (erf)  }
0x737: {  	[tilespmem:$0x1FD80] =	vst v26;
	v3 =	vmul.f32 $1.442695020e+00, v6;
	v6 =	vor.u32 $0x4, v4;
	v2 =	vmul.f32 v11, v2  }
0x738: {  	[tilespmem:v0+s21+$0x0] =	vst.idx.msk $0xffff, v11;
	v0 =	vor.u32 $0xA, v50  }
0x739: {  	[tilespmem:v8+s21+$0x0] =	vst.idx.msk $0xffff, v2;
	v2 =	vor.u32 $0x3, v1  }
0x73a: {  	s31 =	simm.s32 $0x138C0;
	(erf) = vpow2.f32 v3;
	v3 =	vld.idx.msk [tilespmem:v9+s4+$0x0], $0xffff;
	v9 =	vpop (erf)  }
0x73b: {  	s30 =	simm.s32 $0x30;
	v15 =	vld [tilespmem:s31+$0x0];
	v12 =	vmul.f32 v9, v12  }
0x73c: {  	v14 =	vmov s30;
	s30 =	simm.s32 $0x14090;
	v8 =	vor.u32 $0x3, v63;
	v6 =	vld.idx.msk [tilespmem:v6+s4+$0x0], $0xffff;
	[tilespmem:v13+s21+$0x0] =	vst.idx.msk $0xffff, v9  }
0x73d: {  	v13 =	vld [tilespmem:s30+$0x0];
	[tilespmem:v0+s21+$0x0] =	vst.idx.msk $0xffff, v12  }
0x73e: {  	v11 =	vor.u32 $0x1, v51;
	v9 =	vshll.u32 v14, $0x4;
	v2 =	vld.idx.msk [tilespmem:v2+s4+$0x0], $0xffff  }
0x73f: {  	v16 =	vor.u32 $0x9, v51;
	v61 =	vld [tilespmem:$0x1FF10]  }
0x740: {  	v23 =	vmov v4;
	v4 =	vld [tilespmem:$0x1FF20]  }
0x741: {  	v52 =	vor.u32 v25, v9;
	v9 =	vpop (erf);
	v8 =	vld.idx.msk [tilespmem:v8+s4+$0x0], $0xffff  }
0x742: {  	v14 =	vor.u32 $0x2, v58;
	v7 =	vmul.f32 v9, v7  }
0x743: {  	v0 =	vor.u32 $0x2, v59;
	v12 =	vor.u32 $0x8, v52;
	[tilespmem:v11+s21+$0x0] =	vst.idx.msk $0xffff, v9;
	v9 =	vpop (erf)  }
0x744: {  	[tilespmem:v16+s21+$0x0] =	vst.idx.msk $0xffff, v7;
	v7 =	vmul.f32 v9, v10  }
0x745: {  	v57 =	vshll.u32 v13, $0x3;
	v18 =	vmul.f32 v3, v61;
	v6 =	vmul.f32 v6, v4  }
0x746: {  	v55 =	vshll.u32 v15, $0x3;
	[tilespmem:v52+s21+$0x0] =	vst.idx.msk $0xffff, v9;
	v9 =	vmul.f32 v2, v21;
	v8 =	vmul.f32 v8, v20  }
0x747: {  	v10 =	vld.idx.msk [tilespmem:v14+s4+$0x0], $0xffff;
	v6 =	vadd.f32 v6, v18  }
0x748: {  	v0 =	vld.idx.msk [tilespmem:v0+s4+$0x0], $0xffff;
	[tilespmem:v12+s21+$0x0] =	vst.idx.msk $0xffff, v7;
	v8 =	vadd.f32 v8, v9  }
0x749: {  	v5 =	vld [tilespmem:$0x1FF60];
	v7 =	vmul.f32 $2.000000030e-01, v6  }
0x74a: {  	v9 =	vld.idx.msk [tilespmem:v57+s4+$0x0], $0xffff;
	v14 =	vmul.f32 $2.000000030e-01, v8  }
0x74b: {  	v11 =	vor.u32 $0x1, v54;
	v6 =	vmax.f32 v6, v7;
	v7 =	vld.idx.msk [tilespmem:v55+s4+$0x0], $0xffff  }
0x74c: {  	v17 =	vor.u32 $0x1, v56;
	v8 =	vmax.f32 v8, v14;
	v14 =	vld [tilespmem:$0x1FEA0];
	_ =	sdelay $0x2  }
0x74d: {  	v13 =	vmul.f32 v10, v60;
	v0 =	vmul.f32 v0, v53  }
0x74e: {  	v11 =	vld.idx.msk [tilespmem:v11+s4+$0x0], $0xffff;
	v6 =	vsub.f32 v6, v5  }
0x74f: {  	v12 =	vld.idx.msk [tilespmem:v17+s4+$0x0], $0xffff;
	v0 =	vadd.f32 v0, v13;
	v13 =	vmul.f32 v7, v48;
	v9 =	vmul.f32 v9, v14  }
0x750: {  	v6 =	vmul.f32 $1.442695020e+00, v6  }
0x751: {  	v9 =	vadd.f32 v9, v13;
	v13 =	vld [tilespmem:$0x1FEC0]  }
0x752: {  	(erf) = vpow2.f32 v6  }
0x753: {  	v8 =	vsub.f32 v8, v19;
	v6 =	vmul.f32 v11, v22;
	v11 =	vmul.f32 $2.000000030e-01, v0  }
0x754: {  	v15 =	vmul.f32 v12, v27  }
0x755: {  	v8 =	vmul.f32 $1.442695020e+00, v8;
	v0 =	vmax.f32 v0, v11  }
0x756: {  	v14 =	vld [tilespmem:$0x1FED0];
	v6 =	vadd.f32 v6, v15;
	v0 =	vsub.f32 v0, v13  }
0x757: {  	(erf) = vpow2.f32 v8;
	v13 =	vmul.f32 $2.000000030e-01, v9  }
0x758: {  	v11 =	vmul.f32 $2.000000030e-01, v6;
	v0 =	vmul.f32 $1.442695020e+00, v0  }
0x759: {  	v8 =	vor.u32 $0x4, v49;
	v9 =	vmax.f32 v9, v13  }
0x75a: {  	v6 =	vmax.f32 v6, v11;
	v9 =	vsub.f32 v9, v62;
	(erf) = vpow2.f32 v0  }
0x75b: {  	v6 =	vsub.f32 v6, v14  }
0x75c: {  	v11 =	vor.u32 $0xC, v49;
	v9 =	vmul.f32 $1.442695020e+00, v9  }
0x75d: {  	[tilespmem:$0x1FD90] =	vst v23;
	v15 =	vor.u32 $0x3, v50;
	v6 =	vmul.f32 $1.442695020e+00, v6;
	v13 =	vpop (erf)  }
0x75e: {  	v0 =	vor.u32 $0x5, v23;
	[tilespmem:v8+s21+$0x0] =	vst.idx.msk $0xffff, v13;
	v8 =	vor.u32 $0xB, v50  }
0x75f: {  	v3 =	vmul.f32 v13, v3;
	(erf) = vpow2.f32 v6;
	v13 =	vor.u32 $0x2, v51  }
0x760: {  	(erf) = vpow2.f32 v9;
	v9 =	vpop (erf)  }
0x761: {  	[tilespmem:v11+s21+$0x0] =	vst.idx.msk $0xffff, v3;
	v2 =	vmul.f32 v9, v2  }
0x762: {  	v14 =	vor.u32 $0x5, v26;
	[tilespmem:v15+s21+$0x0] =	vst.idx.msk $0xffff, v9  }
0x763: {  	[tilespmem:v8+s21+$0x0] =	vst.idx.msk $0xffff, v2;
	v8 =	vpop (erf)  }
0x764: {  	v0 =	vld.idx.msk [tilespmem:v0+s4+$0x0], $0xffff;
	[tilespmem:v13+s21+$0x0] =	vst.idx.msk $0xffff, v8  }
0x765: {  	s31 =	simm.s32 $0x40;
	v13 =	vld [tilespmem:$0x1FF00]  }
0x766: {  	v16 =	vmov s31;
	v11 =	vor.u32 $0x4, v63  }
0x767: {  	v16 =	vshll.u32 v16, $0x4;
	v6 =	vld.idx.msk [tilespmem:v14+s4+$0x0], $0xffff;
	v14 =	vor.u32 $0xA, v51  }
0x768: {  	v53 =	vor.u32 v25, v16;
	v16 =	vor.u32 $0x1, v52  }
0x769: {  	v26 =	vld [tilespmem:$0x1FE70]  }
0x76a: {  	v10 =	vmul.f32 v8, v10;
	v0 =	vmul.f32 v0, v13;
	v13 =	vor.u32 $0x9, v52  }
0x76b: {  	v11 =	vld.idx.msk [tilespmem:v11+s4+$0x0], $0xffff  }
0x76c: {  	s26 =	simm.s32 $0x138D0;
	[tilespmem:v14+s21+$0x0] =	vst.idx.msk $0xffff, v10;
	v14 =	vpop (erf)  }
0x76d: {  	v15 =	vld [tilespmem:s26+$0x0];
	v19 =	vpop (erf);
	v12 =	vmul.f32 v14, v12;
	[tilespmem:v16+s21+$0x0] =	vst.idx.msk $0xffff, v14  }
0x76e: {  	v3 =	vor.u32 $0x4, v1;
	[tilespmem:v53+s21+$0x0] =	vst.idx.msk $0xffff, v19;
	v8 =	vmul.f32 v6, v26  }
0x76f: {  	v9 =	vor.u32 $0x3, v58;
	[tilespmem:v13+s21+$0x0] =	vst.idx.msk $0xffff, v12  }
0x770: {  	v11 =	vmul.f32 v11, v4;
	v0 =	vadd.f32 v0, v8;
	v4 =	vld [tilespmem:$0x1FF40]  }
0x771: {  	s30 =	simm.s32 $0x140A0;
	v2 =	vor.u32 $0x3, v59  }
0x772: {  	v17 =	vld [tilespmem:s30+$0x0];
	v60 =	vshll.u32 v15, $0x3;
	v10 =	vor.u32 $0x2, v56;
	v15 =	vmul.f32 $2.000000030e-01, v0  }
0x773: {  	v18 =	vor.u32 $0x2, v54;
	v3 =	vld.idx.msk [tilespmem:v3+s4+$0x0], $0xffff  }
0x774: {  	v9 =	vld.idx.msk [tilespmem:v9+s4+$0x0], $0xffff;
	v0 =	vmax.f32 v0, v15  }
0x775: {  	v8 =	vor.u32 $0x8, v53;
	v0 =	vsub.f32 v0, v4;
	v4 =	vld [tilespmem:$0x1FF30]  }
0x776: {  	v20 =	vor.u32 $0x1, v55;
	v2 =	vld.idx.msk [tilespmem:v2+s4+$0x0], $0xffff  }
0x777: {  	v14 =	vor.u32 $0x1, v57;
	v10 =	vld.idx.msk [tilespmem:v10+s4+$0x0], $0xffff  }
0x778: {  	v21 =	vmul.f32 v3, v61;
	v7 =	vmul.f32 v19, v7;
	v12 =	vld.idx.msk [tilespmem:v18+s4+$0x0], $0xffff  }
0x779: {  	v61 =	vshll.u32 v17, $0x3;
	v15 =	vld.idx.msk [tilespmem:v60+s4+$0x0], $0xffff  }
0x77a: {  	v11 =	vadd.f32 v11, v21;
	v13 =	vmul.f32 v9, v4;
	v4 =	vld [tilespmem:$0x1FF50];
	[tilespmem:v8+s21+$0x0] =	vst.idx.msk $0xffff, v7  }
0x77b: {  	v16 =	vld.idx.msk [tilespmem:v20+s4+$0x0], $0xffff  }
0x77c: {  	v7 =	vmul.f32 $2.000000030e-01, v11;
	v8 =	vld.idx.msk [tilespmem:v14+s4+$0x0], $0xffff  }
0x77d: {  	v0 =	vmul.f32 $1.442695020e+00, v0;
	v14 =	vld [tilespmem:$0x1FF70]  }
0x77e: {  	v7 =	vmax.f32 v11, v7;
	v11 =	vld.idx.msk [tilespmem:v61+s4+$0x0], $0xffff  }
0x77f: {  	(erf) = vpow2.f32 v0;
	v0 =	vsub.f32 v7, v5;
	v5 =	vld [tilespmem:$0x1FE80];
	v2 =	vmul.f32 v2, v4  }
0x780: {  	v4 =	vld [tilespmem:$0x1FEA0]  }
0x781: {  	v2 =	vadd.f32 v2, v13;
	_ =	sdelay $0x1  }
0x782: {  	v12 =	vmul.f32 v12, v14;
	v7 =	vmul.f32 $2.000000030e-01, v2  }
0x783: {  	v14 =	vmul.f32 v15, v48;
	v13 =	vmul.f32 v10, v5  }
0x784: {  	v11 =	vmul.f32 v11, v4;
	v2 =	vmax.f32 v2, v7;
	v7 =	vmul.f32 v16, v27;
	v27 =	vld [tilespmem:$0x1FE90]  }
0x785: {  	v0 =	vmul.f32 $1.442695020e+00, v0  }
0x786: {  	v12 =	vadd.f32 v12, v13;
	v11 =	vadd.f32 v11, v14;
	v14 =	vld [tilespmem:$0x1FEC0]  }
0x787: {  	(erf) = vpow2.f32 v0;
	v0 =	vmul.f32 v8, v22;
	v8 =	vor.u32 $0x5, v49  }
0x788: {  	v13 =	vmul.f32 $2.000000030e-01, v12  }
0x789: {  	v0 =	vadd.f32 v0, v7;
	v2 =	vsub.f32 v2, v27  }
0x78a: {  	v12 =	vmax.f32 v12, v13  }
0x78b: {  	v13 =	vmul.f32 $2.000000030e-01, v0;
	v12 =	vsub.f32 v12, v14;
	v14 =	vpop (erf);
	v2 =	vmul.f32 $1.442695020e+00, v2  }
0x78c: {  	v4 =	vld [tilespmem:$0x1FD80];
	[tilespmem:v8+s21+$0x0] =	vst.idx.msk $0xffff, v14  }
0x78d: {  	v0 =	vmax.f32 v0, v13;
	v13 =	vld [tilespmem:$0x1FED0];
	(erf) = vpow2.f32 v2;
	_ =	sdelay $0x1  }
0x78e: {  	v17 =	vor.u32 $0xD, v49;
	v12 =	vmul.f32 $1.442695020e+00, v12  }
0x78f: {  	v18 =	vor.u32 $0x4, v50  }
0x790: {  	v7 =	vor.u32 $0x6, v4;
	v8 =	vor.u32 $0xC, v50  }
0x791: {  	v6 =	vmul.f32 v14, v6;
	v0 =	vsub.f32 v0, v13;
	v13 =	vor.u32 $0x3, v51  }
0x792: {  	(erf) = vpow2.f32 v12;
	v12 =	vpop (erf)  }
0x793: {  	[tilespmem:v17+s21+$0x0] =	vst.idx.msk $0xffff, v6;
	v3 =	vmul.f32 v12, v3  }
0x794: {  	[tilespmem:v18+s21+$0x0] =	vst.idx.msk $0xffff, v12  }
0x795: {  	[tilespmem:v8+s21+$0x0] =	vst.idx.msk $0xffff, v3;
	v12 =	vpop (erf)  }
0x796: {  	v2 =	vor.u32 $0x6, v23;
	v24 =	vld.idx.msk [tilespmem:v7+s4+$0x0], $0xffff;
	[tilespmem:v13+s21+$0x0] =	vst.idx.msk $0xffff, v12  }
0x797: {  	v8 =	vld [tilespmem:$0x1FEE0];
	_ =	sdelay $0x1  }
0x798: {  	v19 =	vmul.f32 $2.000000030e-01, v11;
	_ =	sdelay $0x1  }
0x799: {  	v11 =	vmax.f32 v11, v19;
	v2 =	vld.idx.msk [tilespmem:v2+s4+$0x0], $0xffff  }
0x79a: {  	v6 =	vor.u32 $0x5, v1;
	v3 =	vmul.f32 v12, v9;
	v9 =	vmul.f32 v24, v8;
	v8 =	vld [tilespmem:$0x1FEF0]  }
0x79b: {  	v11 =	vsub.f32 v11, v62  }
0x79c: {  	v0 =	vmul.f32 $1.442695020e+00, v0  }
0x79d: {  	v11 =	vmul.f32 $1.442695020e+00, v11  }
0x79e: {  	v14 =	vor.u32 $0xB, v51;
	v7 =	vor.u32 $0x5, v63;
	(erf) = vpow2.f32 v0  }
0x79f: {  	(erf) = vpow2.f32 v11;
	v11 =	vld.idx.msk [tilespmem:v6+s4+$0x0], $0xffff;
	v6 =	vor.u32 $0x2, v52;
	v2 =	vmul.f32 v2, v8;
	_ =	sdelay $0x3  }
0x7a0: {  	v17 =	vor.u32 $0x4, v58;
	[tilespmem:v14+s21+$0x0] =	vst.idx.msk $0xffff, v3;
	v9 =	vadd.f32 v2, v9;
	v2 =	vpop (erf)  }
0x7a1: {  	v7 =	vld.idx.msk [tilespmem:v7+s4+$0x0], $0xffff;
	v13 =	vor.u32 $0xA, v52;
	[tilespmem:v6+s21+$0x0] =	vst.idx.msk $0xffff, v2  }
0x7a2: {  	v14 =	vor.u32 $0x3, v56;
	v10 =	vmul.f32 v2, v10;
	v2 =	vld [tilespmem:$0x1FF00]  }
0x7a3: {  	s31 =	simm.s32 $0x50  }
0x7a4: {  	v8 =	vmov s31  }
0x7a5: {  	s25 =	simm.s32 $0x138E0;
	v3 =	vshll.u32 v8, $0x4;
	v8 =	vld.idx.msk [tilespmem:v17+s4+$0x0], $0xffff;
	v17 =	vor.u32 $0x3, v54;
	v19 =	vmul.f32 $2.000000030e-01, v9  }
0x7a6: {  	v12 =	vld [tilespmem:s25+$0x0];
	v62 =	vor.u32 v25, v3;
	v3 =	vor.u32 $0x1, v53;
	[tilespmem:v13+s21+$0x0] =	vst.idx.msk $0xffff, v10  }
0x7a7: {  	v6 =	vmul.f32 v11, v26;
	v13 =	vmax.f32 v9, v19;
	v9 =	vld.idx.msk [tilespmem:v14+s4+$0x0], $0xffff;
	v7 =	vmul.f32 v7, v2  }
0x7a8: {  	v20 =	vor.u32 $0x9, v53;
	v19 =	vld [tilespmem:$0x1FF20]  }
0x7a9: {  	v10 =	vpop (erf);
	v7 =	vadd.f32 v7, v6;
	v6 =	vld [tilespmem:$0x1FFF0]  }
0x7aa: {  	v14 =	vmul.f32 v10, v16;
	v16 =	vld.idx.msk [tilespmem:v17+s4+$0x0], $0xffff  }
0x7ab: {  	v17 =	vld [tilespmem:$0x1FF10];
	v21 =	vpop (erf);
	[tilespmem:v3+s21+$0x0] =	vst.idx.msk $0xffff, v10  }
0x7ac: {  	[tilespmem:v62+s21+$0x0] =	vst.idx.msk $0xffff, v21;
	v3 =	vmul.f32 $2.000000030e-01, v7  }
0x7ad: {  	v2 =	vshll.u32 v12, $0x3;
	v12 =	vor.u32 $0x2, v55;
	[tilespmem:v20+s21+$0x0] =	vst.idx.msk $0xffff, v14  }
0x7ae: {  	v3 =	vmax.f32 v7, v3;
	v7 =	vld [tilespmem:$0x1FF30];
	v6 =	vsub.f32 v13, v6;
	_ =	sdelay $0x1  }
0x7af: {  	v0 =	vor.u32 $0x4, v59;
	v10 =	vmul.f32 $1.442695020e+00, v6;
	_ =	sdelay $0x1  }
0x7b0: {  	v18 =	vor.u32 $0x8, v62;
	(erf) = vpow2.f32 v10;
	v10 =	vld.idx.msk [tilespmem:v12+s4+$0x0], $0xffff  }
0x7b1: {  	v12 =	vmul.f32 v9, v7;
	v7 =	vld [tilespmem:$0x1FF40];
	_ =	sdelay $0x1  }
0x7b2: {  	v0 =	vld.idx.msk [tilespmem:v0+s4+$0x0], $0xffff;
	v15 =	vmul.f32 v21, v15;
	_ =	sdelay $0x1  }
0x7b3: {  	[tilespmem:v18+s21+$0x0] =	vst.idx.msk $0xffff, v15  }
0x7b4: {  	v14 =	vsub.f32 v3, v7;
	v3 =	vld [tilespmem:$0x1FF50]  }
0x7b5: {  	s26 =	simm.s32 $0x140B0  }
0x7b6: {  	v0 =	vmul.f32 v0, v19;
	v19 =	vld [tilespmem:s26+$0x0];
	_ =	sdelay $0x2  }
0x7b7: {  	v17 =	vmul.f32 v8, v17;
	v15 =	vmul.f32 v16, v3  }
0x7b8: {  	v13 =	vor.u32 $0x2, v57  }
0x7b9: {  	v0 =	vadd.f32 v0, v17;
	v3 =	vshll.u32 v19, $0x3;
	v19 =	vadd.f32 v15, v12;
	v12 =	vld [tilespmem:$0x1FF60];
	_ =	sdelay $0x1  }
0x7ba: {  	v16 =	vmul.f32 $2.000000030e-01, v0;
	_ =	sdelay $0x1  }
0x7bb: {  	v13 =	vld.idx.msk [tilespmem:v13+s4+$0x0], $0xffff;
	v0 =	vmax.f32 v0, v16  }
0x7bc: {  	v0 =	vsub.f32 v0, v12;
	v12 =	vor.u32 $0x7, v4;
	v4 =	vld [tilespmem:$0x1FF70];
	_ =	sdelay $0x1  }
0x7bd: {  	v17 =	vmul.f32 $1.442695020e+00, v14;
	_ =	sdelay $0x1  }
0x7be: {  	(erf) = vpow2.f32 v17  }
0x7bf: {  	v17 =	vmul.f32 v10, v5;
	v5 =	vmul.f32 v13, v4;
	v4 =	vld [tilespmem:$0x1FD90];
	_ =	sdelay $0x3  }
0x7c0: {  	v22 =	vor.u32 $0x1, v60;
	v6 =	vld.idx.msk [tilespmem:v2+s4+$0x0], $0xffff  }
0x7c1: {  	v16 =	vor.u32 $0x7, v4;
	v4 =	vld [tilespmem:$0x1FF90];
	_ =	sdelay $0x2  }
0x7c2: {  	v23 =	vor.u32 $0x1, v61  }
0x7c3: {  	v7 =	vld.idx.msk [tilespmem:v22+s4+$0x0], $0xffff  }
0x7c4: {  	v18 =	vmul.f32 v6, v4;
	v4 =	vld [tilespmem:$0x1FFA0];
	_ =	sdelay $0x1  }
0x7c5: {  	v0 =	vmul.f32 $1.442695020e+00, v0  }
0x7c6: {  	v23 =	vld.idx.msk [tilespmem:v23+s4+$0x0], $0xffff;
	v21 =	vmul.f32 $2.000000030e-01, v19  }
0x7c7: {  	(erf) = vpow2.f32 v0;
	v0 =	vld [tilespmem:$0x1FFB0]  }
0x7c8: {  	v20 =	vmul.f32 v7, v4;
	v4 =	vmax.f32 v19, v21;
	v19 =	vld.idx.msk [tilespmem:v3+s4+$0x0], $0xffff  }
0x7c9: {  	v14 =	vor.u32 $0x6, v49  }
0x7ca: {  	v22 =	vpop (erf);
	v15 =	vor.u32 $0xE, v49  }
0x7cb: {  	v13 =	vmul.f32 v22, v24;
	v5 =	vadd.f32 v5, v17  }
0x7cc: {  	s29 =	simm.s32 $0x70;
	s28 =	simm.s32 $0x60;
	v17 =	vor.u32 $0x5, v50;
	v23 =	vmul.f32 v23, v0;
	v21 =	vsub.f32 v4, v27  }
.LBB2_10:
0x7cd: {  	v24 =	vor.u32 $0xD, v50;
	v4 =	vmovc v60;
	v60 =	vmov v2;
	v2 =	vmul.f32 v19, v34  }
0x7ce: {  	[tilespmem:v14+s21+$0x0] =	vst.idx.msk $0xffff, v22;
	v0 =	vmul.f32 $2.000000030e-01, v5;
	v21 =	vmul.f32 $1.442695020e+00, v21;
	v14 =	vadd.f32 v23, v20  }
0x7cf: {  	[tilespmem:v15+s21+$0x0] =	vst.idx.msk $0xffff, v13;
	v15 =	vor.u32 $0x6, v63;
	v19 =	vor.u32 $0x6, v1;
	v2 =	vadd.f32 v2, v18  }
0x7d0: {  	v0 =	vmax.f32 v5, v0;
	(erf) = vpow2.f32 v21;
	v13 =	vmul.f32 $2.000000030e-01, v14;
	v18 =	vpop (erf)  }
0x7d1: {  	v12 =	vld.idx.msk [tilespmem:v12+s4+$0x0], $0xffff;
	v0 =	vsub.f32 v0, v44;
	v11 =	vmul.f32 v18, v11;
	v22 =	vmul.f32 $2.000000030e-01, v2  }
0x7d2: {  	v20 =	vor.u32 $0x4, v51;
	v16 =	vld.idx.msk [tilespmem:v16+s4+$0x0], $0xffff;
	v5 =	vmov v63;
	[tilespmem:v17+s21+$0x0] =	vst.idx.msk $0xffff, v18  }
0x7d3: {  	v13 =	vmax.f32 v14, v13;
	v0 =	vmul.f32 $1.442695020e+00, v0;
	[tilespmem:v24+s21+$0x0] =	vst.idx.msk $0xffff, v11;
	v2 =	vmax.f32 v2, v22;
	v22 =	vld [tilespmem:$0x1FFD0]  }
0x7d4: {  	v63 =	vmovc v59;
	v21 =	vor.u32 $0xC, v51;
	v59 =	vmovc v54;
	v14 =	vsub.f32 v13, v31;
	v17 =	vor.u32 $0x3, v52;
	v13 =	vld.idx.msk [tilespmem:v19+s4+$0x0], $0xffff  }
0x7d5: {  	v54 =	vmovc v57;
	v57 =	vmovc v61;
	v18 =	vor.u32 $0x5, v58;
	(erf) = vpow2.f32 v0;
	v2 =	vsub.f32 v2, v30;
	v19 =	vld [tilespmem:$0x1FFC0]  }
0x7d6: {  	v61 =	vmov v3;
	v0 =	vor.u32 $0x5, v63;
	v3 =	vpop (erf);
	v11 =	vmul.f32 $1.442695020e+00, v14;
	v14 =	vld.idx.msk [tilespmem:v15+s4+$0x0], $0xffff  }
0x7d7: {  	v8 =	vmul.f32 v3, v8;
	v15 =	vor.u32 $0xB, v52;
	v2 =	vmul.f32 $1.442695020e+00, v2  }
0x7d8: {  	s25 =	sadd.s32 $0x10, s25;
	v23 =	vor.u32 $0x4, v56;
	[tilespmem:v20+s21+$0x0] =	vst.idx.msk $0xffff, v3;
	(erf) = vpow2.f32 v11  }
0x7d9: {  	v20 =	vor.u32 $0x4, v59;
	v3 =	vld [tilespmem:s25+$0x0];
	[tilespmem:v21+s21+$0x0] =	vst.idx.msk $0xffff, v8;
	v24 =	vpop (erf);
	v16 =	vmul.f32 v16, v22;
	(erf) = vpow2.f32 v2  }
0x7da: {  	v11 =	vld.idx.msk [tilespmem:v18+s4+$0x0], $0xffff;
	v2 =	vmul.f32 v24, v9;
	[tilespmem:v17+s21+$0x0] =	vst.idx.msk $0xffff, v24;
	v19 =	vmul.f32 v12, v19  }
0x7db: {  	v22 =	vmov s28;
	v9 =	vor.u32 $0x2, v53;
	v0 =	vld.idx.msk [tilespmem:v0+s4+$0x0], $0xffff;
	v14 =	vmul.f32 v14, v33  }
0x7dc: {  	[tilespmem:v15+s21+$0x0] =	vst.idx.msk $0xffff, v2;
	v2 =	vmul.f32 v13, v32;
	v16 =	vadd.f32 v16, v19;
	v19 =	vor.u32 $0xA, v53;
	_ =	sdelay $0x1  }
0x7dd: {  	v8 =	vshll.u32 v22, $0x4;
	v22 =	vpop (erf);
	v14 =	vadd.f32 v14, v2;
	v2 =	vld [tilespmem:$0x1FFE0]  }
0x7de: {  	v18 =	vor.u32 v25, v8;
	v8 =	vld.idx.msk [tilespmem:v23+s4+$0x0], $0xffff;
	v10 =	vmul.f32 v22, v10  }
0x7df: {  	s26 =	sadd.s32 $0x10, s26;
	v20 =	vld.idx.msk [tilespmem:v20+s4+$0x0], $0xffff;
	v17 =	vmul.f32 $2.000000030e-01, v16;
	[tilespmem:v9+s21+$0x0] =	vst.idx.msk $0xffff, v22  }
0x7e0: {  	v21 =	vor.u32 $0x3, v55;
	v22 =	vld [tilespmem:s26+$0x0];
	v0 =	vmul.f32 v0, v37;
	[tilespmem:v19+s21+$0x0] =	vst.idx.msk $0xffff, v10;
	v10 =	vmul.f32 v11, v35  }
0x7e1: {  	v16 =	vmax.f32 v16, v17;
	v17 =	vor.u32 $0x3, v54  }
0x7e2: {  	v15 =	vor.u32 $0x1, v62;
	v16 =	vsub.f32 v16, v2;
	v0 =	vadd.f32 v0, v10;
	v10 =	vld [tilespmem:$0x1FFF0]  }
0x7e3: {  	v24 =	vor.u32 $0x9, v62;
	v2 =	vshll.u32 v3, $0x3;
	v3 =	vmul.f32 $2.000000030e-01, v14  }
0x7e4: {  	v25 =	vor.u32 $0x2, v4;
	v26 =	vpop (erf);
	v16 =	vmul.f32 $1.442695020e+00, v16  }
0x7e5: {  	v23 =	vor.u32 $0x8, v18;
	v7 =	vmul.f32 v26, v7;
	v9 =	vld.idx.msk [tilespmem:v21+s4+$0x0], $0xffff;
	v3 =	vmax.f32 v14, v3;
	v14 =	vpop (erf)  }
0x7e6: {  	v19 =	vor.u32 $0x2, v57;
	v20 =	vmul.f32 v20, v40;
	(erf) = vpow2.f32 v16;
	v16 =	vld.idx.msk [tilespmem:v17+s4+$0x0], $0xffff;
	[tilespmem:v18+s21+$0x0] =	vst.idx.msk $0xffff, v14  }
0x7e7: {  	v21 =	vmul.f32 v8, v38;
	v17 =	vor.u32 $0x1, v60;
	[tilespmem:v15+s21+$0x0] =	vst.idx.msk $0xffff, v26;
	v3 =	vsub.f32 v3, v10  }
0x7e8: {  	v14 =	vmul.f32 v14, v6;
	v15 =	vmul.f32 $2.000000030e-01, v0;
	v6 =	vld.idx.msk [tilespmem:v2+s4+$0x0], $0xffff;
	[tilespmem:v24+s21+$0x0] =	vst.idx.msk $0xffff, v7  }
0x7e9: {  	v20 =	vadd.f32 v20, v21;
	v10 =	vld.idx.msk [tilespmem:v25+s4+$0x0], $0xffff;
	v26 =	vmul.f32 $1.442695020e+00, v3  }
0x7ea: {  	v0 =	vmax.f32 v0, v15;
	[tilespmem:v23+s21+$0x0] =	vst.idx.msk $0xffff, v14;
	v3 =	vshll.u32 v22, $0x3;
	v22 =	vor.u32 $0x1, v61  }
0x7eb: {  	v27 =	vor.u32 $0x7, v49;
	v21 =	vld.idx.msk [tilespmem:v19+s4+$0x0], $0xffff;
	v0 =	vsub.f32 v0, v36;
	(erf) = vpow2.f32 v26  }
0x7ec: {  	v15 =	vmul.f32 v9, v41;
	v23 =	vor.u32 $0xF, v49;
	v49 =	vmovc v50;
	v19 =	vmul.f32 $2.000000030e-01, v20;
	v7 =	vld.idx.msk [tilespmem:v17+s4+$0x0], $0xffff  }
0x7ed: {  	v50 =	vmovc v51;
	v51 =	vmovc v52;
	v52 =	vmov v53;
	v16 =	vmul.f32 v16, v43;
	v0 =	vmul.f32 $1.442695020e+00, v0  }
0x7ee: {  	v53 =	vmovc v62;
	v62 =	vmovc v18;
	v14 =	vor.u32 $0x6, v49;
	v18 =	vmul.f32 v6, v48;
	v25 =	vmul.f32 v10, v45  }
0x7ef: {  	v24 =	vld.idx.msk [tilespmem:v22+s4+$0x0], $0xffff;
	v22 =	vadd.f32 v16, v15;
	v16 =	vmax.f32 v20, v19;
	v15 =	vor.u32 $0xE, v49;
	v17 =	vpop (erf)  }
0x7f0: {  	p0 =	sne.s32 s29, $0x7C0;
	(erf) = vpow2.f32 v0;
	v16 =	vsub.f32 v16, v39;
	v0 =	vmul.f32 v17, v12  }
.Ltmp4:
0x7f1: {  	v19 =	vld.idx.msk [tilespmem:v3+s4+$0x0], $0xffff;
	[tilespmem:v27+s21+$0x0] =	vst.idx.msk $0xffff, v17;
	v17 =	vmul.f32 v21, v46;
	v20 =	vmul.f32 v7, v47;
	(pc) =	sbr.rel @p0 .LBB2_10-.Ltmp4, $4  }
0x7f2: {  	v12 =	vor.u32 $0x7, v1;
	v1 =	vmovc v58;
	v26 =	vmul.f32 $2.000000030e-01, v22;
	v27 =	vmul.f32 $1.442695020e+00, v16  }
0x7f3: {  	v58 =	vmovc v56;
	v56 =	vmovc v55;
	v55 =	vmov v4;
	v16 =	vor.u32 $0x7, v5;
	v5 =	vadd.f32 v17, v25  }
0x7f4: {  	[tilespmem:v23+s21+$0x0] =	vst.idx.msk $0xffff, v0;
	v17 =	vor.u32 $0x5, v50;
	v0 =	vmax.f32 v22, v26;
	(erf) = vpow2.f32 v27;
	v22 =	vpop (erf)  }
0x7f5: {  	s28 =	smov.u32 s29;
	s29 =	sadd.s32 $0x10, s29;
	v25 =	vmovc v28;
	v21 =	vsub.f32 v0, v42;
	v23 =	vmul.f32 v24, v29;
	v13 =	vmul.f32 v22, v13  }
0x7f6: {  	_ =	sdelay $0x3  }
0x7f7: {  	[tilespmem:v14+s21+$0x0] =	vst.idx.msk $0xffff, v22  }
0x7f8: {  	[tilespmem:v15+s21+$0x0] =	vst.idx.msk $0xffff, v13  }
0x7f9: {  	v22 =	vld.idx.msk [tilespmem:v12+s4+$0x0], $0xffff;
	_ =	sdelay $0x1  }
0x7fa: {  	v4 =	vmul.f32 $1.442695020e+00, v21;
	v21 =	vor.u32 $0xD, v50;
	_ =	sdelay $0x1  }
0x7fb: {  	v13 =	vpop (erf)  }
0x7fc: {  	v0 =	vmul.f32 $2.000000030e-01, v5;
	v11 =	vmul.f32 v13, v11;
	[tilespmem:$0x1FCC0] =	vst v22  }
0x7fd: {  	v14 =	vmul.f32 v19, v34;
	v19 =	vadd.f32 v23, v20;
	[tilespmem:v17+s21+$0x0] =	vst.idx.msk $0xffff, v13  }
0x7fe: {  	v20 =	vor.u32 $0x6, v1;
	v0 =	vmax.f32 v5, v0;
	(erf) = vpow2.f32 v4;
	[tilespmem:v21+s21+$0x0] =	vst.idx.msk $0xffff, v11  }
0x7ff: {  	v5 =	vadd.f32 v14, v18;
	v12 =	vmul.f32 $2.000000030e-01, v19;
	v0 =	vsub.f32 v0, v44;
	v4 =	vld [tilespmem:$0x1FFC0]  }
0x800: {  	v14 =	vor.u32 $0x6, v63  }
0x801: {  	v12 =	vmax.f32 v19, v12;
	v0 =	vmul.f32 $1.442695020e+00, v0;
	v15 =	vld.idx.msk [tilespmem:v16+s4+$0x0], $0xffff;
	v16 =	vmul.f32 $2.000000030e-01, v5  }
0x802: {  	v18 =	vor.u32 $0x4, v51;
	v19 =	vor.u32 $0xC, v51;
	v12 =	vsub.f32 v12, v31  }
0x803: {  	(erf) = vpow2.f32 v0;
	v0 =	vor.u32 $0x5, v58;
	v5 =	vmax.f32 v5, v16;
	v11 =	vld.idx.msk [tilespmem:v20+s4+$0x0], $0xffff  }
0x804: {  	v13 =	vor.u32 $0x3, v52;
	v5 =	vsub.f32 v5, v30;
	v20 =	vmul.f32 v22, v4;
	v4 =	vld [tilespmem:$0x1FFD0]  }
0x805: {  	v12 =	vmul.f32 $1.442695020e+00, v12;
	v17 =	vpop (erf);
	v21 =	vor.u32 $0xB, v52;
	v16 =	vor.u32 $0x5, v59  }
0x806: {  	v8 =	vmul.f32 v17, v8;
	v5 =	vmul.f32 $1.442695020e+00, v5  }
0x807: {  	v14 =	vld.idx.msk [tilespmem:v14+s4+$0x0], $0xffff;
	(erf) = vpow2.f32 v12;
	[tilespmem:v18+s21+$0x0] =	vst.idx.msk $0xffff, v17;
	v18 =	vpop (erf)  }
0x808: {  	(erf) = vpow2.f32 v5;
	[tilespmem:v19+s21+$0x0] =	vst.idx.msk $0xffff, v8;
	v5 =	vmul.f32 v18, v9  }
0x809: {  	v17 =	vor.u32 $0x4, v54;
	v8 =	vor.u32 $0x2, v53;
	[tilespmem:v13+s21+$0x0] =	vst.idx.msk $0xffff, v18;
	v26 =	vld.idx.msk [tilespmem:v0+s4+$0x0], $0xffff;
	v15 =	vmul.f32 v15, v4  }
0x80a: {  	v22 =	vor.u32 $0x4, v56;
	v13 =	vld.idx.msk [tilespmem:v16+s4+$0x0], $0xffff;
	v16 =	vor.u32 $0xA, v53;
	[tilespmem:v21+s21+$0x0] =	vst.idx.msk $0xffff, v5  }
0x80b: {  	v0 =	vld [tilespmem:$0x1FFE0];
	v12 =	vadd.f32 v15, v20  }
0x80c: {  	v14 =	vmul.f32 v14, v33;
	v18 =	vmul.f32 v11, v32;
	v20 =	vpop (erf)  }
0x80d: {  	v10 =	vmul.f32 v20, v10;
	v9 =	vmul.f32 $2.000000030e-01, v12  }
0x80e: {  	v19 =	vor.u32 $0x3, v55;
	v17 =	vld.idx.msk [tilespmem:v17+s4+$0x0], $0xffff;
	[tilespmem:v8+s21+$0x0] =	vst.idx.msk $0xffff, v20  }
0x80f: {  	v14 =	vadd.f32 v14, v18;
	v15 =	vmov s28;
	[tilespmem:v16+s21+$0x0] =	vst.idx.msk $0xffff, v10;
	v5 =	vmax.f32 v12, v9;
	v9 =	vld.idx.msk [tilespmem:v22+s4+$0x0], $0xffff  }
0x810: {  	v15 =	vshll.u32 v15, $0x4;
	v12 =	vor.u32 $0x3, v57;
	v18 =	vsub.f32 v5, v0;
	v0 =	vld [tilespmem:$0x1FFF0]  }
0x811: {  	v13 =	vmul.f32 v13, v37;
	v5 =	vor.u32 v25, v15;
	v15 =	vor.u32 $0x1, v62  }
0x812: {  	v8 =	vmul.f32 $2.000000030e-01, v14;
	v23 =	vpop (erf);
	v10 =	vmul.f32 v26, v35  }
0x813: {  	v20 =	vor.u32 $0x9, v62;
	v7 =	vmul.f32 v23, v7;
	v16 =	vor.u32 $0x2, v60  }
0x814: {  	v8 =	vmax.f32 v14, v8;
	v14 =	vpop (erf);
	v17 =	vmul.f32 v17, v40;
	v19 =	vld.idx.msk [tilespmem:v19+s4+$0x0], $0xffff;
	v10 =	vadd.f32 v13, v10  }
0x815: {  	v6 =	vmul.f32 v14, v6;
	v12 =	vld.idx.msk [tilespmem:v12+s4+$0x0], $0xffff;
	v24 =	vmul.f32 v9, v38;
	v8 =	vsub.f32 v8, v0  }
0x816: {  	v21 =	vor.u32 $0x8, v5;
	v18 =	vmul.f32 $1.442695020e+00, v18;
	[tilespmem:v15+s21+$0x0] =	vst.idx.msk $0xffff, v23;
	v15 =	vmul.f32 $2.000000030e-01, v10  }
0x817: {  	[tilespmem:v5+s21+$0x0] =	vst.idx.msk $0xffff, v14;
	v23 =	vor.u32 $0x1, v3;
	v14 =	vadd.f32 v17, v24;
	v8 =	vmul.f32 $1.442695020e+00, v8  }
0x818: {  	v22 =	vor.u32 $0x2, v61;
	(erf) = vpow2.f32 v18  }
0x819: {  	v10 =	vmax.f32 v10, v15;
	v15 =	vmul.f32 $2.000000030e-01, v14;
	(erf) = vpow2.f32 v8  }
0x81a: {  	v13 =	vor.u32 $0x1, v2;
	[tilespmem:v20+s21+$0x0] =	vst.idx.msk $0xffff, v7;
	v8 =	vmul.f32 v19, v41;
	v12 =	vmul.f32 v12, v43  }
0x81b: {  	[tilespmem:v21+s21+$0x0] =	vst.idx.msk $0xffff, v6;
	v7 =	vld.idx.msk [tilespmem:v16+s4+$0x0], $0xffff  }
0x81c: {  	v16 =	vld.idx.msk [tilespmem:v23+s4+$0x0], $0xffff;
	v8 =	vadd.f32 v12, v8;
	v12 =	vmax.f32 v14, v15  }
0x81d: {  	v12 =	vsub.f32 v12, v39  }
0x81e: {  	v6 =	vld.idx.msk [tilespmem:v22+s4+$0x0], $0xffff;
	v10 =	vsub.f32 v10, v36  }
0x81f: {  	v13 =	vld.idx.msk [tilespmem:v13+s4+$0x0], $0xffff;
	v14 =	vmul.f32 $2.000000030e-01, v8;
	v12 =	vmul.f32 $1.442695020e+00, v12  }
0x820: {  	v10 =	vmul.f32 $1.442695020e+00, v10;
	v15 =	vor.u32 $0x6, v50  }
0x821: {  	v8 =	vmax.f32 v8, v14;
	v14 =	vmul.f32 v16, v29;
	v16 =	vor.u32 $0xE, v50  }
0x822: {  	v1 =	vor.u32 $0x7, v1;
	(erf) = vpow2.f32 v10;
	v10 =	vmul.f32 v7, v45;
	v0 =	vpop (erf)  }
0x823: {  	v6 =	vmul.f32 v6, v46;
	(erf) = vpow2.f32 v12;
	v12 =	vpop (erf)  }
0x824: {  	v17 =	vmul.f32 v13, v47;
	[tilespmem:$0x1FCD0] =	vst v0;
	v11 =	vmul.f32 v12, v11  }
0x825: {  	[tilespmem:v15+s21+$0x0] =	vst.idx.msk $0xffff, v12  }
0x826: {  	v10 =	vadd.f32 v6, v10;
	v14 =	vadd.f32 v14, v17;
	v17 =	vor.u32 $0x7, v63;
	v63 =	vld [tilespmem:$0x1FEC0];
	[tilespmem:v16+s21+$0x0] =	vst.idx.msk $0xffff, v11  }
0x827: {  	v1 =	vld.idx.msk [tilespmem:v1+s4+$0x0], $0xffff  }
0x828: {  	v8 =	vsub.f32 v8, v42;
	v18 =	vmul.f32 $2.000000030e-01, v10;
	v0 =	vld [tilespmem:$0x1FED0]  }
0x829: {  	v20 =	vor.u32 $0x5, v51;
	v21 =	vor.u32 $0xD, v51  }
0x82a: {  	v8 =	vmul.f32 $1.442695020e+00, v8;
	v10 =	vmax.f32 v10, v18;
	v18 =	vmul.f32 $2.000000030e-01, v14;
	_ =	sdelay $0x1  }
0x82b: {  	(erf) = vpow2.f32 v8;
	v8 =	vmax.f32 v14, v18;
	v14 =	vpop (erf)  }
0x82c: {  	[tilespmem:$0x1FCE0] =	vst v1;
	v8 =	vsub.f32 v8, v0;
	v0 =	vmul.f32 v14, v26  }
0x82d: {  	[tilespmem:v20+s21+$0x0] =	vst.idx.msk $0xffff, v14  }
0x82e: {  	[tilespmem:v21+s21+$0x0] =	vst.idx.msk $0xffff, v0  }
0x82f: {  	v10 =	vsub.f32 v10, v63;
	v20 =	vld [tilespmem:$0x1FFC0];
	_ =	sdelay $0x1  }
0x830: {  	v10 =	vmul.f32 $1.442695020e+00, v10  }
0x831: {  	v16 =	vor.u32 $0x4, v52  }
0x832: {  	v12 =	vor.u32 $0x6, v58;
	v15 =	vld.idx.msk [tilespmem:v17+s4+$0x0], $0xffff;
	(erf) = vpow2.f32 v10;
	v10 =	vor.u32 $0xC, v52  }
0x833: {  	v20 =	vmul.f32 v1, v20;
	v1 =	vld [tilespmem:$0x1FFD0]  }
0x834: {  	v14 =	vpop (erf)  }
0x835: {  	v8 =	vmul.f32 $1.442695020e+00, v8;
	v9 =	vmul.f32 v14, v9  }
0x836: {  	[tilespmem:v16+s21+$0x0] =	vst.idx.msk $0xffff, v14  }
0x837: {  	v11 =	vor.u32 $0x6, v59;
	v12 =	vld.idx.msk [tilespmem:v12+s4+$0x0], $0xffff;
	(erf) = vpow2.f32 v8;
	v8 =	vor.u32 $0x3, v53;
	[tilespmem:v10+s21+$0x0] =	vst.idx.msk $0xffff, v9  }
0x838: {  	v15 =	vmul.f32 v15, v1;
	v1 =	vld [tilespmem:$0x1FEE0];
	_ =	sdelay $0x2  }
0x839: {  	v18 =	vor.u32 $0xB, v53;
	v16 =	vpop (erf)  }
0x83a: {  	v11 =	vld.idx.msk [tilespmem:v11+s4+$0x0], $0xffff;
	v10 =	vor.u32 $0x2, v62;
	[tilespmem:v8+s21+$0x0] =	vst.idx.msk $0xffff, v16  }
0x83b: {  	v9 =	vadd.f32 v15, v20;
	v20 =	vmul.f32 v12, v1;
	v1 =	vld [tilespmem:$0x1FEF0]  }
0x83c: {  	v15 =	vmul.f32 v16, v19;
	_ =	sdelay $0x1  }
0x83d: {  	[tilespmem:v18+s21+$0x0] =	vst.idx.msk $0xffff, v15;
	v18 =	vpop (erf)  }
0x83e: {  	v0 =	vor.u32 $0x5, v56;
	v19 =	vor.u32 $0xA, v62;
	[tilespmem:v10+s21+$0x0] =	vst.idx.msk $0xffff, v18  }
0x83f: {  	v11 =	vmul.f32 v11, v1;
	v1 =	vld [tilespmem:$0x1FFE0];
	_ =	sdelay $0x1  }
0x840: {  	v22 =	vmul.f32 $2.000000030e-01, v9;
	v7 =	vmul.f32 v18, v7;
	_ =	sdelay $0x1  }
0x841: {  	v17 =	vor.u32 $0x5, v54;
	v0 =	vld.idx.msk [tilespmem:v0+s4+$0x0], $0xffff;
	v9 =	vmax.f32 v9, v22;
	[tilespmem:v19+s21+$0x0] =	vst.idx.msk $0xffff, v7  }
0x842: {  	v9 =	vsub.f32 v9, v1;
	v1 =	vld [tilespmem:$0x1FE70];
	_ =	sdelay $0x2  }
0x843: {  	v16 =	vor.u32 $0x1, v5  }
0x844: {  	v23 =	vor.u32 $0x9, v5;
	v8 =	vld.idx.msk [tilespmem:v17+s4+$0x0], $0xffff;
	v18 =	vpop (erf)  }
0x845: {  	v7 =	vmul.f32 v18, v13;
	v13 =	vmul.f32 v0, v1;
	v1 =	vld [tilespmem:$0x1FF00];
	_ =	sdelay $0x2  }
0x846: {  	[tilespmem:v16+s21+$0x0] =	vst.idx.msk $0xffff, v18  }
0x847: {  	v21 =	vor.u32 $0x4, v55;
	[tilespmem:v23+s21+$0x0] =	vst.idx.msk $0xffff, v7  }
0x848: {  	v11 =	vadd.f32 v11, v20;
	v8 =	vmul.f32 v8, v1;
	v1 =	vld [tilespmem:$0x1FFF0];
	_ =	sdelay $0x1  }
0x849: {  	v22 =	vmul.f32 $2.000000030e-01, v11;
	_ =	sdelay $0x1  }
0x84a: {  	v14 =	vor.u32 $0x4, v57;
	v21 =	vld.idx.msk [tilespmem:v21+s4+$0x0], $0xffff;
	v7 =	vmul.f32 $1.442695020e+00, v9;
	v9 =	vmax.f32 v11, v22  }
0x84b: {  	v9 =	vsub.f32 v9, v1;
	v1 =	vld [tilespmem:$0x1FF10];
	_ =	sdelay $0x1  }
0x84c: {  	v17 =	vor.u32 $0x3, v60  }
0x84d: {  	v15 =	vor.u32 $0x3, v61  }
0x84e: {  	v14 =	vld.idx.msk [tilespmem:v14+s4+$0x0], $0xffff  }
0x84f: {  	v8 =	vadd.f32 v8, v13;
	v13 =	vmul.f32 v21, v1;
	v1 =	vld [tilespmem:$0x1FF20]  }
0x850: {  	v20 =	vor.u32 $0x2, v2  }
0x851: {  	v10 =	vor.u32 $0x2, v3;
	v17 =	vld.idx.msk [tilespmem:v17+s4+$0x0], $0xffff  }
0x852: {  	v15 =	vld.idx.msk [tilespmem:v15+s4+$0x0], $0xffff  }
0x853: {  	v26 =	vld [tilespmem:$0x1FF50]  }
0x854: {  	v14 =	vmul.f32 v14, v1;
	v1 =	vld [tilespmem:$0x1FF40]  }
0x855: {  	v11 =	vld.idx.msk [tilespmem:v20+s4+$0x0], $0xffff  }
0x856: {  	v10 =	vld.idx.msk [tilespmem:v10+s4+$0x0], $0xffff;
	v16 =	vmul.f32 $2.000000030e-01, v8  }
0x857: {  	v4 =	vld [tilespmem:$0x1FF60];
	(erf) = vpow2.f32 v7;
	v7 =	vmul.f32 $1.442695020e+00, v9;
	v9 =	vadd.f32 v14, v13  }
0x858: {  	v8 =	vmax.f32 v8, v16;
	v13 =	vmul.f32 v17, v41;
	v14 =	vmul.f32 v15, v26  }
0x859: {  	(erf) = vpow2.f32 v7;
	v7 =	vsub.f32 v8, v1;
	v8 =	vmul.f32 $2.000000030e-01, v9  }
0x85a: {  	v13 =	vadd.f32 v14, v13  }
0x85b: {  	v10 =	vmul.f32 v10, v46;
	v14 =	vmul.f32 v11, v45;
	v8 =	vmax.f32 v9, v8  }
0x85c: {  	v7 =	vmul.f32 $1.442695020e+00, v7;
	v9 =	vmul.f32 $2.000000030e-01, v13;
	v8 =	vsub.f32 v8, v4  }
0x85d: {  	v10 =	vadd.f32 v10, v14  }
0x85e: {  	(erf) = vpow2.f32 v7;
	v7 =	vmul.f32 $1.442695020e+00, v8;
	v8 =	vmax.f32 v13, v9  }
0x85f: {  	v9 =	vmul.f32 $2.000000030e-01, v10;
	v8 =	vsub.f32 v8, v42  }
0x860: {  	v13 =	vor.u32 $0x6, v51;
	(erf) = vpow2.f32 v7  }
0x861: {  	v7 =	vmax.f32 v10, v9;
	v9 =	vor.u32 $0xE, v51;
	v8 =	vmul.f32 $1.442695020e+00, v8  }
0x862: {  	v14 =	vor.u32 $0x7, v58;
	v4 =	vpop (erf);
	v10 =	vsub.f32 v7, v63  }
0x863: {  	v16 =	vpop (erf);
	(erf) = vpow2.f32 v8  }
0x864: {  	[tilespmem:$0x1FCF0] =	vst v4;
	v8 =	vmul.f32 $1.442695020e+00, v10;
	v10 =	vmul.f32 v16, v12  }
0x865: {  	[tilespmem:v13+s21+$0x0] =	vst.idx.msk $0xffff, v16  }
0x866: {  	[tilespmem:v9+s21+$0x0] =	vst.idx.msk $0xffff, v10  }
0x867: {  	v7 =	vld.idx.msk [tilespmem:v14+s4+$0x0], $0xffff  }
0x868: {  	v18 =	vor.u32 $0x5, v52  }
0x869: {  	v15 =	vor.u32 $0x7, v59;
	v12 =	vor.u32 $0xD, v52  }
0x86a: {  	v13 =	vor.u32 $0x6, v56;
	(erf) = vpow2.f32 v8  }
0x86b: {  	v16 =	vor.u32 $0x4, v53;
	v9 =	vor.u32 $0x6, v54;
	v10 =	vpop (erf)  }
0x86c: {  	v14 =	vor.u32 $0xC, v53;
	v0 =	vmul.f32 v10, v0;
	[tilespmem:$0x1FD00] =	vst v7  }
0x86d: {  	[tilespmem:v18+s21+$0x0] =	vst.idx.msk $0xffff, v10;
	v18 =	vor.u32 $0x3, v62  }
0x86e: {  	v20 =	vor.u32 $0xB, v62;
	v15 =	vld.idx.msk [tilespmem:v15+s4+$0x0], $0xffff;
	v10 =	vor.u32 $0x5, v55;
	[tilespmem:v12+s21+$0x0] =	vst.idx.msk $0xffff, v0;
	v12 =	vpop (erf)  }
0x86f: {  	v13 =	vld.idx.msk [tilespmem:v13+s4+$0x0], $0xffff;
	v19 =	vmul.f32 v12, v21  }
0x870: {  	v9 =	vld.idx.msk [tilespmem:v9+s4+$0x0], $0xffff;
	[tilespmem:v16+s21+$0x0] =	vst.idx.msk $0xffff, v12;
	v12 =	vor.u32 $0x2, v5;
	v23 =	vpop (erf)  }
0x871: {  	v0 =	vor.u32 $0x5, v57;
	v4 =	vld [tilespmem:$0x1FFC0];
	v17 =	vmul.f32 v23, v17;
	[tilespmem:v14+s21+$0x0] =	vst.idx.msk $0xffff, v19;
	v14 =	vor.u32 $0xA, v5  }
0x872: {  	v27 =	vld [tilespmem:$0x1FFD0];
	[tilespmem:v18+s21+$0x0] =	vst.idx.msk $0xffff, v23  }
0x873: {  	v10 =	vld.idx.msk [tilespmem:v10+s4+$0x0], $0xffff;
	v23 =	vpop (erf);
	[tilespmem:v20+s21+$0x0] =	vst.idx.msk $0xffff, v17  }
0x874: {  	v21 =	vor.u32 $0x4, v60;
	v11 =	vmul.f32 v23, v11;
	v59 =	vld [tilespmem:$0x1FEE0]  }
0x875: {  	v22 =	vor.u32 $0x4, v61;
	v63 =	vld [tilespmem:$0x1FEF0];
	[tilespmem:v12+s21+$0x0] =	vst.idx.msk $0xffff, v23  }
0x876: {  	v19 =	vor.u32 $0x3, v2;
	v0 =	vld.idx.msk [tilespmem:v0+s4+$0x0], $0xffff;
	[tilespmem:v14+s21+$0x0] =	vst.idx.msk $0xffff, v11  }
0x877: {  	v16 =	vmul.f32 v7, v4;
	v7 =	vld [tilespmem:$0x1FE70]  }
0x878: {  	v8 =	vld [tilespmem:$0x1FF00]  }
0x879: {  	v17 =	vld.idx.msk [tilespmem:v21+s4+$0x0], $0xffff;
	v15 =	vmul.f32 v15, v27  }
0x87a: {  	v18 =	vor.u32 $0x3, v3;
	v12 =	vld.idx.msk [tilespmem:v22+s4+$0x0], $0xffff  }
0x87b: {  	v14 =	vld.idx.msk [tilespmem:v19+s4+$0x0], $0xffff;
	v15 =	vadd.f32 v15, v16;
	v16 =	vmul.f32 v13, v59;
	v9 =	vmul.f32 v9, v63  }
0x87c: {  	v19 =	vld [tilespmem:$0x1FFE0]  }
0x87d: {  	v23 =	vld [tilespmem:$0x1FF10];
	v9 =	vadd.f32 v9, v16;
	v16 =	vmul.f32 v10, v7;
	v0 =	vmul.f32 v0, v8  }
0x87e: {  	v58 =	vld [tilespmem:$0x1FF20]  }
0x87f: {  	v11 =	vmul.f32 $2.000000030e-01, v15;
	v0 =	vadd.f32 v0, v16;
	v16 =	vld [tilespmem:$0x1FFF0]  }
0x880: {  	v18 =	vld.idx.msk [tilespmem:v18+s4+$0x0], $0xffff  }
0x881: {  	v11 =	vmax.f32 v15, v11;
	v15 =	vmul.f32 $2.000000030e-01, v9  }
0x882: {  	v11 =	vsub.f32 v11, v19  }
0x883: {  	v12 =	vmul.f32 v12, v58;
	v9 =	vmax.f32 v9, v15;
	v15 =	vmul.f32 v17, v23  }
0x884: {  	v11 =	vmul.f32 $1.442695020e+00, v11;
	v9 =	vsub.f32 v9, v16;
	v16 =	vmul.f32 $2.000000030e-01, v0  }
0x885: {  	v24 =	vld [tilespmem:$0x1FF60];
	v18 =	vmul.f32 v18, v26;
	v12 =	vadd.f32 v12, v15;
	v15 =	vmul.f32 v14, v41  }
0x886: {  	(erf) = vpow2.f32 v11;
	v9 =	vmul.f32 $1.442695020e+00, v9;
	v0 =	vmax.f32 v0, v16  }
0x887: {  	v11 =	vmul.f32 $2.000000030e-01, v12;
	v15 =	vadd.f32 v18, v15;
	v0 =	vsub.f32 v0, v1  }
0x888: {  	(erf) = vpow2.f32 v9  }
0x889: {  	v9 =	vmax.f32 v12, v11;
	v11 =	vmul.f32 $2.000000030e-01, v15;
	v0 =	vmul.f32 $1.442695020e+00, v0  }
0x88a: {  	v9 =	vsub.f32 v9, v24  }
0x88b: {  	(erf) = vpow2.f32 v0;
	v0 =	vmax.f32 v15, v11  }
0x88c: {  	v9 =	vmul.f32 $1.442695020e+00, v9;
	v0 =	vsub.f32 v0, v42;
	_ =	sdelay $0x1  }
0x88d: {  	(erf) = vpow2.f32 v9;
	v0 =	vmul.f32 $1.442695020e+00, v0  }
0x88e: {  	v11 =	vor.u32 $0x6, v52  }
0x88f: {  	v12 =	vor.u32 $0xE, v52;
	(erf) = vpow2.f32 v0  }
0x890: {  	v15 =	vor.u32 $0x5, v53;
	v9 =	vpop (erf);
	v0 =	vor.u32 $0x7, v56  }
0x891: {  	v19 =	vor.u32 $0xD, v53;
	v16 =	vor.u32 $0x7, v54;
	v18 =	vpop (erf)  }
0x892: {  	v20 =	vor.u32 $0x6, v55;
	v13 =	vmul.f32 v18, v13  }
0x893: {  	v21 =	vor.u32 $0x4, v62;
	[tilespmem:v11+s21+$0x0] =	vst.idx.msk $0xffff, v18;
	v11 =	vor.u32 $0x6, v57;
	v18 =	vpop (erf)  }
0x894: {  	[tilespmem:v12+s21+$0x0] =	vst.idx.msk $0xffff, v13;
	v12 =	vor.u32 $0xC, v62;
	v13 =	vmul.f32 v18, v10  }
0x895: {  	v10 =	vld.idx.msk [tilespmem:v0+s4+$0x0], $0xffff;
	[tilespmem:v15+s21+$0x0] =	vst.idx.msk $0xffff, v18;
	v0 =	vor.u32 $0x3, v5;
	v15 =	vor.u32 $0x5, v60  }
0x896: {  	v16 =	vld.idx.msk [tilespmem:v16+s4+$0x0], $0xffff;
	v18 =	vpop (erf);
	[tilespmem:v19+s21+$0x0] =	vst.idx.msk $0xffff, v13;
	v13 =	vor.u32 $0x5, v61;
	v19 =	vor.u32 $0xB, v5  }
0x897: {  	v22 =	vor.u32 $0x4, v2;
	v17 =	vmul.f32 v18, v17;
	v20 =	vld.idx.msk [tilespmem:v20+s4+$0x0], $0xffff  }
0x898: {  	[tilespmem:v21+s21+$0x0] =	vst.idx.msk $0xffff, v18;
	v18 =	vor.u32 $0x4, v3;
	v11 =	vld.idx.msk [tilespmem:v11+s4+$0x0], $0xffff;
	v21 =	vpop (erf)  }
0x899: {  	[tilespmem:v12+s21+$0x0] =	vst.idx.msk $0xffff, v17;
	v12 =	vmul.f32 v21, v14  }
0x89a: {  	v14 =	vld.idx.msk [tilespmem:v15+s4+$0x0], $0xffff;
	[tilespmem:v0+s21+$0x0] =	vst.idx.msk $0xffff, v21  }
0x89b: {  	v0 =	vmul.f32 v10, v4;
	v15 =	vmul.f32 v16, v27;
	v13 =	vld.idx.msk [tilespmem:v13+s4+$0x0], $0xffff;
	[tilespmem:v19+s21+$0x0] =	vst.idx.msk $0xffff, v12  }
0x89c: {  	v12 =	vld.idx.msk [tilespmem:v22+s4+$0x0], $0xffff  }
0x89d: {  	v0 =	vadd.f32 v15, v0;
	v15 =	vmul.f32 v20, v59;
	v11 =	vmul.f32 v11, v63;
	v16 =	vld.idx.msk [tilespmem:v18+s4+$0x0], $0xffff  }
0x89e: {  	v26 =	vld [tilespmem:$0x1FFE0]  }
0x89f: {  	v17 =	vmul.f32 $2.000000030e-01, v0;
	v11 =	vadd.f32 v11, v15  }
0x8a0: {  	v54 =	vld [tilespmem:$0x1FFF0];
	v15 =	vmul.f32 v14, v7;
	v13 =	vmul.f32 v13, v8  }
0x8a1: {  	v0 =	vmax.f32 v0, v17;
	v17 =	vmul.f32 $2.000000030e-01, v11  }
0x8a2: {  	v16 =	vmul.f32 v16, v58;
	v13 =	vadd.f32 v13, v15;
	v15 =	vmul.f32 v12, v23  }
0x8a3: {  	v0 =	vsub.f32 v0, v26  }
0x8a4: {  	v11 =	vmax.f32 v11, v17;
	v17 =	vmul.f32 $2.000000030e-01, v13;
	v15 =	vadd.f32 v16, v15  }
0x8a5: {  	v11 =	vsub.f32 v11, v54  }
0x8a6: {  	v0 =	vmul.f32 $1.442695020e+00, v0;
	v13 =	vmax.f32 v13, v17;
	v16 =	vmul.f32 $2.000000030e-01, v15  }
0x8a7: {  	v11 =	vmul.f32 $1.442695020e+00, v11;
	v13 =	vsub.f32 v13, v1  }
0x8a8: {  	(erf) = vpow2.f32 v0;
	v0 =	vmax.f32 v15, v16  }
0x8a9: {  	(erf) = vpow2.f32 v11;
	v11 =	vmul.f32 $1.442695020e+00, v13;
	v0 =	vsub.f32 v0, v24;
	_ =	sdelay $0x1  }
0x8aa: {  	(erf) = vpow2.f32 v11;
	v0 =	vmul.f32 $1.442695020e+00, v0;
	_ =	sdelay $0x1  }
0x8ab: {  	(erf) = vpow2.f32 v0;
	_ =	sdelay $0x1  }
0x8ac: {  	v0 =	vor.u32 $0x6, v53  }
0x8ad: {  	v13 =	vor.u32 $0xE, v53  }
0x8ae: {  	v15 =	vor.u32 $0x7, v55;
	v16 =	vor.u32 $0x5, v62;
	v11 =	vpop (erf)  }
0x8af: {  	v19 =	vor.u32 $0xD, v62;
	v17 =	vor.u32 $0x7, v57;
	v18 =	vpop (erf)  }
0x8b0: {  	v21 =	vor.u32 $0x6, v60;
	v22 =	vor.u32 $0x4, v5;
	v20 =	vmul.f32 v18, v20  }
0x8b1: {  	v23 =	vor.u32 $0xC, v5;
	[tilespmem:v0+s21+$0x0] =	vst.idx.msk $0xffff, v18;
	v0 =	vor.u32 $0x6, v61;
	v18 =	vpop (erf)  }
0x8b2: {  	[tilespmem:v13+s21+$0x0] =	vst.idx.msk $0xffff, v20;
	v13 =	vmul.f32 v18, v14;
	v14 =	vor.u32 $0x5, v2  }
0x8b3: {  	v15 =	vld.idx.msk [tilespmem:v15+s4+$0x0], $0xffff;
	[tilespmem:v16+s21+$0x0] =	vst.idx.msk $0xffff, v18;
	v16 =	vor.u32 $0x5, v3;
	v18 =	vpop (erf)  }
0x8b4: {  	v17 =	vld.idx.msk [tilespmem:v17+s4+$0x0], $0xffff;
	[tilespmem:v19+s21+$0x0] =	vst.idx.msk $0xffff, v13;
	v12 =	vmul.f32 v18, v12  }
0x8b5: {  	[tilespmem:v22+s21+$0x0] =	vst.idx.msk $0xffff, v18;
	v13 =	vld.idx.msk [tilespmem:v21+s4+$0x0], $0xffff  }
0x8b6: {  	v0 =	vld.idx.msk [tilespmem:v0+s4+$0x0], $0xffff;
	[tilespmem:v23+s21+$0x0] =	vst.idx.msk $0xffff, v12  }
0x8b7: {  	v12 =	vld.idx.msk [tilespmem:v14+s4+$0x0], $0xffff  }
0x8b8: {  	v14 =	vld.idx.msk [tilespmem:v16+s4+$0x0], $0xffff;
	_ =	sdelay $0x1  }
0x8b9: {  	v17 =	vmul.f32 v17, v27;
	v16 =	vmul.f32 v15, v4  }
0x8ba: {  	v18 =	vmul.f32 v13, v59;
	v0 =	vmul.f32 v0, v63  }
0x8bb: {  	v16 =	vadd.f32 v17, v16  }
0x8bc: {  	v0 =	vadd.f32 v0, v18;
	v17 =	vmul.f32 v12, v7;
	v14 =	vmul.f32 v14, v8  }
0x8bd: {  	v18 =	vmul.f32 $2.000000030e-01, v16  }
0x8be: {  	v19 =	vmul.f32 $2.000000030e-01, v0;
	v14 =	vadd.f32 v14, v17  }
0x8bf: {  	v16 =	vmax.f32 v16, v18  }
0x8c0: {  	v16 =	vsub.f32 v16, v26;
	v0 =	vmax.f32 v0, v19;
	v17 =	vmul.f32 $2.000000030e-01, v14  }
0x8c1: {  	v0 =	vsub.f32 v0, v54  }
0x8c2: {  	v16 =	vmul.f32 $1.442695020e+00, v16;
	v14 =	vmax.f32 v14, v17  }
0x8c3: {  	v0 =	vmul.f32 $1.442695020e+00, v0;
	v14 =	vsub.f32 v14, v1  }
0x8c4: {  	(erf) = vpow2.f32 v16  }
0x8c5: {  	(erf) = vpow2.f32 v0;
	v0 =	vmul.f32 $1.442695020e+00, v14;
	_ =	sdelay $0x1  }
0x8c6: {  	(erf) = vpow2.f32 v0;
	_ =	sdelay $0x3  }
0x8c7: {  	v0 =	vor.u32 $0x6, v62  }
0x8c8: {  	v14 =	vor.u32 $0xE, v62  }
0x8c9: {  	v18 =	vor.u32 $0x5, v5;
	v17 =	vor.u32 $0x7, v60;
	v16 =	vpop (erf)  }
0x8ca: {  	v21 =	vor.u32 $0xD, v5;
	v19 =	vor.u32 $0x7, v61;
	v20 =	vpop (erf)  }
0x8cb: {  	v22 =	vor.u32 $0x6, v2;
	v13 =	vmul.f32 v20, v13  }
0x8cc: {  	[tilespmem:v0+s21+$0x0] =	vst.idx.msk $0xffff, v20;
	v0 =	vor.u32 $0x6, v3;
	v20 =	vpop (erf)  }
0x8cd: {  	[tilespmem:v14+s21+$0x0] =	vst.idx.msk $0xffff, v13;
	v12 =	vmul.f32 v20, v12  }
0x8ce: {  	[tilespmem:v18+s21+$0x0] =	vst.idx.msk $0xffff, v20;
	v13 =	vld.idx.msk [tilespmem:v17+s4+$0x0], $0xffff  }
0x8cf: {  	v14 =	vld.idx.msk [tilespmem:v19+s4+$0x0], $0xffff;
	[tilespmem:v21+s21+$0x0] =	vst.idx.msk $0xffff, v12  }
0x8d0: {  	v12 =	vld.idx.msk [tilespmem:v22+s4+$0x0], $0xffff  }
0x8d1: {  	v0 =	vld.idx.msk [tilespmem:v0+s4+$0x0], $0xffff;
	_ =	sdelay $0x2  }
0x8d2: {  	v24 =	vmov v4  }
0x8d3: {  	v17 =	vmul.f32 v13, v24;
	v14 =	vmul.f32 v14, v27  }
0x8d4: {  	v18 =	vmul.f32 v12, v59;
	v0 =	vmul.f32 v0, v63  }
0x8d5: {  	v14 =	vadd.f32 v14, v17  }
0x8d6: {  	v0 =	vadd.f32 v0, v18  }
0x8d7: {  	v17 =	vmul.f32 $2.000000030e-01, v14  }
0x8d8: {  	v18 =	vmul.f32 $2.000000030e-01, v0  }
0x8d9: {  	v14 =	vmax.f32 v14, v17  }
0x8da: {  	v14 =	vsub.f32 v14, v26;
	v0 =	vmax.f32 v0, v18  }
0x8db: {  	v0 =	vsub.f32 v0, v54  }
0x8dc: {  	v14 =	vmul.f32 $1.442695020e+00, v14  }
0x8dd: {  	v0 =	vmul.f32 $1.442695020e+00, v0  }
0x8de: {  	(erf) = vpow2.f32 v14  }
0x8df: {  	(erf) = vpow2.f32 v0;
	_ =	sdelay $0x5  }
0x8e0: {  	v0 =	vor.u32 $0x6, v5  }
0x8e1: {  	v14 =	vor.u32 $0xE, v5  }
0x8e2: {  	v2 =	vor.u32 $0x7, v2;
	v17 =	vpop (erf)  }
0x8e3: {  	v3 =	vor.u32 $0x7, v3;
	v18 =	vpop (erf)  }
0x8e4: {  	v12 =	vmul.f32 v18, v12  }
0x8e5: {  	[tilespmem:v0+s21+$0x0] =	vst.idx.msk $0xffff, v18  }
0x8e6: {  	[tilespmem:v14+s21+$0x0] =	vst.idx.msk $0xffff, v12  }
0x8e7: {  	v0 =	vld.idx.msk [tilespmem:v2+s4+$0x0], $0xffff  }
0x8e8: {  	v2 =	vld.idx.msk [tilespmem:v3+s4+$0x0], $0xffff  }
0x8e9: {  	v4 =	vld [tilespmem:$0x1FCC0]  }
0x8ea: {  	v6 =	vld [tilespmem:$0x1FCD0]  }
0x8eb: {  	v12 =	vor.u32 $0x7, v49  }
0x8ec: {  	v14 =	vor.u32 $0xF, v49;
	_ =	sdelay $0x1  }
0x8ed: {  	v3 =	vmul.f32 v0, v24;
	v2 =	vmul.f32 v2, v27  }
0x8ee: {  	v4 =	vmul.f32 v6, v4  }
0x8ef: {  	[tilespmem:v12+s21+$0x0] =	vst.idx.msk $0xffff, v6;
	v2 =	vadd.f32 v2, v3  }
0x8f0: {  	[tilespmem:v14+s21+$0x0] =	vst.idx.msk $0xffff, v4  }
0x8f1: {  	v1 =	vld [tilespmem:$0x1FCE0];
	v3 =	vmul.f32 $2.000000030e-01, v2  }
0x8f2: {  	v7 =	vld [tilespmem:$0x1FCF0]  }
0x8f3: {  	v2 =	vmax.f32 v2, v3;
	v3 =	vor.u32 $0x7, v50  }
0x8f4: {  	v18 =	vor.u32 $0xF, v50;
	_ =	sdelay $0x2  }
0x8f5: {  	v1 =	vmul.f32 v7, v1  }
0x8f6: {  	[tilespmem:v3+s21+$0x0] =	vst.idx.msk $0xffff, v7  }
0x8f7: {  	v2 =	vsub.f32 v2, v26;
	[tilespmem:v18+s21+$0x0] =	vst.idx.msk $0xffff, v1  }
0x8f8: {  	v1 =	vld [tilespmem:$0x1FD00]  }
0x8f9: {  	v19 =	vor.u32 $0x7, v51;
	v2 =	vmul.f32 $1.442695020e+00, v2  }
0x8fa: {  	v6 =	vor.u32 $0xF, v51  }
0x8fb: {  	v4 =	vor.u32 $0x7, v52;
	(erf) = vpow2.f32 v2  }
0x8fc: {  	v2 =	vor.u32 $0xF, v52  }
0x8fd: {  	v3 =	vor.u32 $0x7, v53;
	v1 =	vmul.f32 v9, v1  }
0x8fe: {  	v7 =	vor.u32 $0xF, v53;
	[tilespmem:v19+s21+$0x0] =	vst.idx.msk $0xffff, v9  }
0x8ff: {  	[tilespmem:v6+s21+$0x0] =	vst.idx.msk $0xffff, v1;
	v1 =	vmul.f32 v11, v10;
	v6 =	vor.u32 $0x7, v62  }
0x900: {  	[tilespmem:v4+s21+$0x0] =	vst.idx.msk $0xffff, v11;
	v4 =	vor.u32 $0xF, v62  }
0x901: {  	[tilespmem:v2+s21+$0x0] =	vst.idx.msk $0xffff, v1;
	v1 =	vmul.f32 v16, v15;
	v2 =	vor.u32 $0x7, v5  }
0x902: {  	[tilespmem:v3+s21+$0x0] =	vst.idx.msk $0xffff, v16;
	v3 =	vor.u32 $0xF, v5  }
0x903: {  	[tilespmem:v7+s21+$0x0] =	vst.idx.msk $0xffff, v1;
	v1 =	vmul.f32 v17, v13  }
0x904: {  	v5 =	vpop (erf);
	[tilespmem:v6+s21+$0x0] =	vst.idx.msk $0xffff, v17  }
0x905: {  	v0 =	vmul.f32 v5, v0;
	[tilespmem:v4+s21+$0x0] =	vst.idx.msk $0xffff, v1  }
0x906: {  	[tilespmem:v2+s21+$0x0] =	vst.idx.msk $0xffff, v5  }
0x907: {  	s25 =	simm.s32 $0x14050;
	[tilespmem:v3+s21+$0x0] =	vst.idx.msk $0xffff, v0  }
0x908: {  	[spmem:s3] =	stream.indirect.scatter.add.f32 [tilespmem:s21], [sflag:$0x1], $0x10, s25, s22, $0xb8;
	[tilespmem:$0x1ED50] =	vst v63  }
0x909: {  	_ =	swait.ge [sflag:s19], $0x7D00  }
0x90a: {  	[sflag:s19] =	ssyncset.done $0x0  }
0x90b: {  	s26 =	simm.s32 $0x0;
	s28 =	simm.s32 $0x13880;
	[sflag:s19] =	ssyncadd.s32 $0xFFFF8300  }
0x90c: {  	[tilespmem:s28], [sflag:$0x1] =	stream.linear.gather [hbm4b:s15+s26], $0x7D0, $0x38;
	[tilespmem:$0x1ED50] =	vst v63  }
0x90d: {  	_ =	swait.ge [sflag:s19], $0x7D0  }
0x90e: {  	[sflag:s19] =	ssyncset.done $0x0  }
0x90f: {  	[sflag:s19] =	ssyncadd.s32 $0xFFFFF830  }
0x910: {  	[tilespmem:s25], [sflag:$0x1] =	stream.linear.gather [hbm4b:s16+s26], $0x7D0, $0x38;
	[tilespmem:$0x1ED50] =	vst v63  }
0x911: {  	_ =	swait.ge [sflag:s19], $0x7D0  }
0x912: {  	[sflag:s19] =	ssyncset.done $0x0  }
0x913: {  	[sflag:s19] =	ssyncadd.s32 $0xFFFFF830  }
0x914: {  	v0 =	vld [tilespmem:s28+$0x0]  }
0x915: {  	v1 =	vld [tilespmem:s25+$0x0];
	_ =	sdelay $0x3  }
0x916: {  	v9 =	vshll.u32 v0, $0x3  }
0x917: {  	v4 =	vshll.u32 v1, $0x3;
	_ =	sdelay $0x2  }
0x918: {  	v18 =	vld [tilespmem:$0x1FEA0]  }
0x919: {  	v0 =	vld.idx.msk [tilespmem:v9+s4+$0x0], $0xffff  }
0x91a: {  	v1 =	vld.idx.msk [tilespmem:v4+s4+$0x0], $0xffff;
	_ =	sdelay $0x4  }
0x91b: {  	v2 =	vmul.f32 v0, v48;
	v1 =	vmul.f32 v1, v18;
	_ =	sdelay $0x1  }
0x91c: {  	v62 =	vld [tilespmem:$0x1FE60];
	v1 =	vadd.f32 v1, v2;
	_ =	sdelay $0x1  }
0x91d: {  	v2 =	vmul.f32 $2.000000030e-01, v1;
	_ =	sdelay $0x1  }
0x91e: {  	v1 =	vmax.f32 v1, v2  }
0x91f: {  	v1 =	vsub.f32 v1, v62;
	_ =	sdelay $0x1  }
0x920: {  	v1 =	vmul.f32 $1.442695020e+00, v1;
	_ =	sdelay $0x1  }
0x921: {  	(erf) = vpow2.f32 v1;
	_ =	sdelay $0x3  }
0x922: {  	v1 =	vmov s26  }
0x923: {  	v1 =	vshll.u32 v1, $0x4  }
0x924: {  	v49 =	vor.u32 v25, v1  }
0x925: {  	v2 =	vor.u32 $0x8, v49  }
0x926: {  	v6 =	vor.u32 $0x1, v9  }
0x927: {  	s31 =	simm.s32 $0x13890;
	v8 =	vor.u32 $0x1, v4;
	v7 =	vpop (erf)  }
0x928: {  	s26 =	simm.s32 $0x14060;
	v1 =	vld [tilespmem:s31+$0x0];
	v0 =	vmul.f32 v7, v0  }
0x929: {  	v3 =	vld [tilespmem:s26+$0x0];
	[tilespmem:v49+s21+$0x0] =	vst.idx.msk $0xffff, v7  }
0x92a: {  	[tilespmem:v2+s21+$0x0] =	vst.idx.msk $0xffff, v0  }
0x92b: {  	v0 =	vld.idx.msk [tilespmem:v6+s4+$0x0], $0xffff  }
0x92c: {  	v2 =	vld.idx.msk [tilespmem:v8+s4+$0x0], $0xffff  }
0x92d: {  	v1 =	vshll.u32 v1, $0x3;
	v27 =	vld [tilespmem:$0x1FFA0]  }
0x92e: {  	v63 =	vshll.u32 v3, $0x3;
	v22 =	vld [tilespmem:$0x1FFB0];
	_ =	sdelay $0x3  }
0x92f: {  	v3 =	vld.idx.msk [tilespmem:v1+s4+$0x0], $0xffff  }
0x930: {  	v6 =	vld.idx.msk [tilespmem:v63+s4+$0x0], $0xffff;
	v7 =	vmul.f32 v0, v27;
	v2 =	vmul.f32 v2, v22;
	_ =	sdelay $0x1  }
0x931: {  	v17 =	vld [tilespmem:$0x1FED0];
	v2 =	vadd.f32 v2, v7;
	_ =	sdelay $0x1  }
0x932: {  	v8 =	vmul.f32 $2.000000030e-01, v2  }
0x933: {  	v6 =	vmul.f32 v6, v18;
	v7 =	vmul.f32 v3, v48  }
0x934: {  	v2 =	vmax.f32 v2, v8  }
0x935: {  	v6 =	vadd.f32 v6, v7;
	v2 =	vsub.f32 v2, v17;
	_ =	sdelay $0x1  }
0x936: {  	v7 =	vmul.f32 $2.000000030e-01, v6;
	v2 =	vmul.f32 $1.442695020e+00, v2;
	_ =	sdelay $0x1  }
0x937: {  	v6 =	vmax.f32 v6, v7;
	(erf) = vpow2.f32 v2  }
0x938: {  	v6 =	vsub.f32 v6, v62;
	_ =	sdelay $0x1  }
0x939: {  	v2 =	vmul.f32 $1.442695020e+00, v6;
	_ =	sdelay $0x1  }
0x93a: {  	(erf) = vpow2.f32 v2;
	_ =	sdelay $0x2  }
0x93b: {  	s30 =	simm.s32 $0x10;
	v2 =	vor.u32 $0x1, v49  }
0x93c: {  	v7 =	vmov s30;
	v6 =	vor.u32 $0x9, v49;
	v10 =	vpop (erf)  }
0x93d: {  	v7 =	vshll.u32 v7, $0x4;
	v0 =	vmul.f32 v10, v0  }
0x93e: {  	v8 =	vor.u32 $0x2, v9;
	v50 =	vor.u32 v25, v7  }
0x93f: {  	v13 =	vmov v9;
	v9 =	vor.u32 $0x2, v4;
	v11 =	vor.u32 $0x8, v50  }
0x940: {  	s31 =	simm.s32 $0x138A0;
	[tilespmem:v2+s21+$0x0] =	vst.idx.msk $0xffff, v10  }
0x941: {  	s26 =	simm.s32 $0x14070;
	v7 =	vld [tilespmem:s31+$0x0];
	[tilespmem:v6+s21+$0x0] =	vst.idx.msk $0xffff, v0;
	v0 =	vpop (erf)  }
0x942: {  	v2 =	vld [tilespmem:s26+$0x0];
	v3 =	vmul.f32 v0, v3  }
0x943: {  	v8 =	vld.idx.msk [tilespmem:v8+s4+$0x0], $0xffff;
	[tilespmem:v50+s21+$0x0] =	vst.idx.msk $0xffff, v0  }
0x944: {  	v9 =	vld.idx.msk [tilespmem:v9+s4+$0x0], $0xffff;
	[tilespmem:v11+s21+$0x0] =	vst.idx.msk $0xffff, v3  }
0x945: {  	v10 =	vor.u32 $0x1, v1;
	v60 =	vld [tilespmem:$0x1FE80]  }
0x946: {  	v6 =	vor.u32 $0x1, v63;
	v53 =	vld [tilespmem:$0x1FF70];
	_ =	sdelay $0x3  }
0x947: {  	v58 =	vshll.u32 v7, $0x3;
	v0 =	vld.idx.msk [tilespmem:v10+s4+$0x0], $0xffff  }
0x948: {  	v59 =	vshll.u32 v2, $0x3;
	v2 =	vld.idx.msk [tilespmem:v6+s4+$0x0], $0xffff;
	v3 =	vmul.f32 v8, v60;
	v6 =	vmul.f32 v9, v53;
	_ =	sdelay $0x1  }
0x949: {  	v23 =	vld [tilespmem:$0x1FEC0];
	v3 =	vadd.f32 v6, v3;
	_ =	sdelay $0x1  }
0x94a: {  	v7 =	vld.idx.msk [tilespmem:v58+s4+$0x0], $0xffff;
	v10 =	vmul.f32 $2.000000030e-01, v3  }
0x94b: {  	v9 =	vmul.f32 v0, v27;
	v2 =	vmul.f32 v2, v22;
	v6 =	vld.idx.msk [tilespmem:v59+s4+$0x0], $0xffff  }
0x94c: {  	v3 =	vmax.f32 v3, v10  }
0x94d: {  	v2 =	vadd.f32 v2, v9;
	v3 =	vsub.f32 v3, v23;
	_ =	sdelay $0x1  }
0x94e: {  	v10 =	vmul.f32 $2.000000030e-01, v2;
	v3 =	vmul.f32 $1.442695020e+00, v3  }
0x94f: {  	v9 =	vmul.f32 v7, v48;
	v6 =	vmul.f32 v6, v18  }
0x950: {  	v2 =	vmax.f32 v2, v10;
	(erf) = vpow2.f32 v3  }
0x951: {  	v6 =	vadd.f32 v6, v9;
	v2 =	vsub.f32 v2, v17;
	_ =	sdelay $0x1  }
0x952: {  	v3 =	vmul.f32 $2.000000030e-01, v6;
	v2 =	vmul.f32 $1.442695020e+00, v2;
	_ =	sdelay $0x1  }
0x953: {  	v3 =	vmax.f32 v6, v3;
	(erf) = vpow2.f32 v2  }
0x954: {  	v3 =	vsub.f32 v3, v62;
	_ =	sdelay $0x1  }
0x955: {  	v2 =	vmul.f32 $1.442695020e+00, v3;
	v3 =	vor.u32 $0x2, v49  }
0x956: {  	v6 =	vor.u32 $0xA, v49;
	v10 =	vpop (erf)  }
0x957: {  	(erf) = vpow2.f32 v2;
	v8 =	vmul.f32 v10, v8;
	_ =	sdelay $0x1  }
0x958: {  	s30 =	simm.s32 $0x20  }
0x959: {  	v11 =	vor.u32 $0x1, v50;
	[tilespmem:v3+s21+$0x0] =	vst.idx.msk $0xffff, v10;
	v3 =	vmov s30  }
0x95a: {  	v12 =	vor.u32 $0x9, v50;
	v2 =	vor.u32 $0x3, v13;
	v3 =	vshll.u32 v3, $0x4;
	[tilespmem:v6+s21+$0x0] =	vst.idx.msk $0xffff, v8;
	v8 =	vpop (erf)  }
0x95b: {  	v9 =	vor.u32 $0x3, v4;
	v51 =	vor.u32 v25, v3;
	v0 =	vmul.f32 v8, v0;
	_ =	sdelay $0x2  }
0x95c: {  	[tilespmem:v11+s21+$0x0] =	vst.idx.msk $0xffff, v8  }
0x95d: {  	v2 =	vld.idx.msk [tilespmem:v2+s4+$0x0], $0xffff;
	[tilespmem:v12+s21+$0x0] =	vst.idx.msk $0xffff, v0;
	v0 =	vpop (erf)  }
0x95e: {  	v26 =	vmov v13;
	v13 =	vor.u32 $0x2, v1;
	v3 =	vld.idx.msk [tilespmem:v9+s4+$0x0], $0xffff;
	[tilespmem:v51+s21+$0x0] =	vst.idx.msk $0xffff, v0  }
0x95f: {  	v6 =	vor.u32 $0x2, v63;
	v21 =	vld [tilespmem:$0x1FF30]  }
0x960: {  	s31 =	simm.s32 $0x138B0;
	v20 =	vld [tilespmem:$0x1FF50]  }
0x961: {  	s26 =	simm.s32 $0x14080;
	v10 =	vld [tilespmem:s31+$0x0];
	v9 =	vor.u32 $0x8, v51  }
0x962: {  	v14 =	vld [tilespmem:s26+$0x0]  }
0x963: {  	v8 =	vor.u32 $0x1, v58;
	v12 =	vld.idx.msk [tilespmem:v13+s4+$0x0], $0xffff  }
0x964: {  	v11 =	vor.u32 $0x1, v59;
	v6 =	vld.idx.msk [tilespmem:v6+s4+$0x0], $0xffff;
	v7 =	vmul.f32 v0, v7  }
0x965: {  	v0 =	vmul.f32 v2, v21;
	v3 =	vmul.f32 v3, v20  }
0x966: {  	v56 =	vshll.u32 v10, $0x3;
	[tilespmem:v9+s21+$0x0] =	vst.idx.msk $0xffff, v7  }
0x967: {  	v54 =	vshll.u32 v14, $0x3;
	v19 =	vld [tilespmem:$0x1FE90];
	v0 =	vadd.f32 v3, v0  }
0x968: {  	v7 =	vld.idx.msk [tilespmem:v8+s4+$0x0], $0xffff;
	v8 =	vmul.f32 v12, v60  }
0x969: {  	v6 =	vmul.f32 v6, v53;
	v3 =	vld.idx.msk [tilespmem:v11+s4+$0x0], $0xffff;
	v9 =	vmul.f32 $2.000000030e-01, v0;
	_ =	sdelay $0x1  }
0x96a: {  	v10 =	vld.idx.msk [tilespmem:v56+s4+$0x0], $0xffff;
	v6 =	vadd.f32 v6, v8;
	v0 =	vmax.f32 v0, v9  }
0x96b: {  	v11 =	vld.idx.msk [tilespmem:v54+s4+$0x0], $0xffff;
	v0 =	vsub.f32 v0, v19  }
0x96c: {  	v8 =	vmul.f32 v7, v27;
	v9 =	vmul.f32 $2.000000030e-01, v6  }
0x96d: {  	v3 =	vmul.f32 v3, v22;
	v0 =	vmul.f32 $1.442695020e+00, v0  }
0x96e: {  	v6 =	vmax.f32 v6, v9  }
0x96f: {  	v3 =	vadd.f32 v3, v8;
	(erf) = vpow2.f32 v0;
	v0 =	vsub.f32 v6, v23  }
0x970: {  	v13 =	vmul.f32 v10, v48;
	v8 =	vmul.f32 v11, v18  }
0x971: {  	v6 =	vmul.f32 $2.000000030e-01, v3;
	v0 =	vmul.f32 $1.442695020e+00, v0  }
0x972: {  	v8 =	vadd.f32 v8, v13  }
0x973: {  	v3 =	vmax.f32 v3, v6;
	(erf) = vpow2.f32 v0  }
0x974: {  	v6 =	vmul.f32 $2.000000030e-01, v8;
	v3 =	vsub.f32 v3, v17  }
0x975: {  	v0 =	vor.u32 $0x3, v49  }
0x976: {  	v6 =	vmax.f32 v8, v6;
	v8 =	vor.u32 $0xB, v49;
	v3 =	vmul.f32 $1.442695020e+00, v3  }
0x977: {  	v9 =	vor.u32 $0x4, v26;
	v6 =	vsub.f32 v6, v62  }
0x978: {  	v13 =	vor.u32 $0x2, v50;
	(erf) = vpow2.f32 v3;
	v11 =	vpop (erf)  }
0x979: {  	[tilespmem:$0x1FD10] =	vst v26;
	v3 =	vmul.f32 $1.442695020e+00, v6;
	v6 =	vor.u32 $0x4, v4;
	v2 =	vmul.f32 v11, v2  }
0x97a: {  	[tilespmem:v0+s21+$0x0] =	vst.idx.msk $0xffff, v11;
	v0 =	vor.u32 $0xA, v50  }
0x97b: {  	[tilespmem:v8+s21+$0x0] =	vst.idx.msk $0xffff, v2;
	v2 =	vor.u32 $0x3, v1  }
0x97c: {  	s31 =	simm.s32 $0x138C0;
	(erf) = vpow2.f32 v3;
	v3 =	vld.idx.msk [tilespmem:v9+s4+$0x0], $0xffff;
	v9 =	vpop (erf)  }
0x97d: {  	s30 =	simm.s32 $0x30;
	v15 =	vld [tilespmem:s31+$0x0];
	v12 =	vmul.f32 v9, v12  }
0x97e: {  	v14 =	vmov s30;
	s30 =	simm.s32 $0x14090;
	v8 =	vor.u32 $0x3, v63;
	v6 =	vld.idx.msk [tilespmem:v6+s4+$0x0], $0xffff;
	[tilespmem:v13+s21+$0x0] =	vst.idx.msk $0xffff, v9  }
0x97f: {  	v13 =	vld [tilespmem:s30+$0x0];
	[tilespmem:v0+s21+$0x0] =	vst.idx.msk $0xffff, v12  }
0x980: {  	v11 =	vor.u32 $0x1, v51;
	v9 =	vshll.u32 v14, $0x4;
	v2 =	vld.idx.msk [tilespmem:v2+s4+$0x0], $0xffff  }
0x981: {  	v16 =	vor.u32 $0x9, v51;
	v61 =	vld [tilespmem:$0x1FF10]  }
0x982: {  	v23 =	vmov v4;
	v4 =	vld [tilespmem:$0x1FF20]  }
0x983: {  	v52 =	vor.u32 v25, v9;
	v9 =	vpop (erf);
	v8 =	vld.idx.msk [tilespmem:v8+s4+$0x0], $0xffff  }
0x984: {  	v14 =	vor.u32 $0x2, v58;
	v7 =	vmul.f32 v9, v7  }
0x985: {  	v0 =	vor.u32 $0x2, v59;
	v12 =	vor.u32 $0x8, v52;
	[tilespmem:v11+s21+$0x0] =	vst.idx.msk $0xffff, v9;
	v9 =	vpop (erf)  }
0x986: {  	[tilespmem:v16+s21+$0x0] =	vst.idx.msk $0xffff, v7;
	v7 =	vmul.f32 v9, v10  }
0x987: {  	v57 =	vshll.u32 v13, $0x3;
	v18 =	vmul.f32 v3, v61;
	v6 =	vmul.f32 v6, v4  }
0x988: {  	v55 =	vshll.u32 v15, $0x3;
	[tilespmem:v52+s21+$0x0] =	vst.idx.msk $0xffff, v9;
	v9 =	vmul.f32 v2, v21;
	v8 =	vmul.f32 v8, v20  }
0x989: {  	v10 =	vld.idx.msk [tilespmem:v14+s4+$0x0], $0xffff;
	v6 =	vadd.f32 v6, v18  }
0x98a: {  	v0 =	vld.idx.msk [tilespmem:v0+s4+$0x0], $0xffff;
	[tilespmem:v12+s21+$0x0] =	vst.idx.msk $0xffff, v7;
	v8 =	vadd.f32 v8, v9  }
0x98b: {  	v5 =	vld [tilespmem:$0x1FF60];
	v7 =	vmul.f32 $2.000000030e-01, v6  }
0x98c: {  	v9 =	vld.idx.msk [tilespmem:v57+s4+$0x0], $0xffff;
	v14 =	vmul.f32 $2.000000030e-01, v8  }
0x98d: {  	v11 =	vor.u32 $0x1, v54;
	v6 =	vmax.f32 v6, v7;
	v7 =	vld.idx.msk [tilespmem:v55+s4+$0x0], $0xffff  }
0x98e: {  	v17 =	vor.u32 $0x1, v56;
	v8 =	vmax.f32 v8, v14;
	v14 =	vld [tilespmem:$0x1FEA0];
	_ =	sdelay $0x2  }
0x98f: {  	v13 =	vmul.f32 v10, v60;
	v0 =	vmul.f32 v0, v53  }
0x990: {  	v11 =	vld.idx.msk [tilespmem:v11+s4+$0x0], $0xffff;
	v6 =	vsub.f32 v6, v5  }
0x991: {  	v12 =	vld.idx.msk [tilespmem:v17+s4+$0x0], $0xffff;
	v0 =	vadd.f32 v0, v13;
	v13 =	vmul.f32 v7, v48;
	v9 =	vmul.f32 v9, v14  }
0x992: {  	v6 =	vmul.f32 $1.442695020e+00, v6  }
0x993: {  	v9 =	vadd.f32 v9, v13;
	v13 =	vld [tilespmem:$0x1FEC0]  }
0x994: {  	(erf) = vpow2.f32 v6  }
0x995: {  	v8 =	vsub.f32 v8, v19;
	v6 =	vmul.f32 v11, v22;
	v11 =	vmul.f32 $2.000000030e-01, v0  }
0x996: {  	v15 =	vmul.f32 v12, v27  }
0x997: {  	v8 =	vmul.f32 $1.442695020e+00, v8;
	v0 =	vmax.f32 v0, v11  }
0x998: {  	v14 =	vld [tilespmem:$0x1FED0];
	v6 =	vadd.f32 v6, v15;
	v0 =	vsub.f32 v0, v13  }
0x999: {  	(erf) = vpow2.f32 v8;
	v13 =	vmul.f32 $2.000000030e-01, v9  }
0x99a: {  	v11 =	vmul.f32 $2.000000030e-01, v6;
	v0 =	vmul.f32 $1.442695020e+00, v0  }
0x99b: {  	v8 =	vor.u32 $0x4, v49;
	v9 =	vmax.f32 v9, v13  }
0x99c: {  	v6 =	vmax.f32 v6, v11;
	v9 =	vsub.f32 v9, v62;
	(erf) = vpow2.f32 v0  }
0x99d: {  	v6 =	vsub.f32 v6, v14  }
0x99e: {  	v11 =	vor.u32 $0xC, v49;
	v9 =	vmul.f32 $1.442695020e+00, v9  }
0x99f: {  	[tilespmem:$0x1FD20] =	vst v23;
	v15 =	vor.u32 $0x3, v50;
	v6 =	vmul.f32 $1.442695020e+00, v6;
	v13 =	vpop (erf)  }
0x9a0: {  	v0 =	vor.u32 $0x5, v23;
	[tilespmem:v8+s21+$0x0] =	vst.idx.msk $0xffff, v13;
	v8 =	vor.u32 $0xB, v50  }
0x9a1: {  	v3 =	vmul.f32 v13, v3;
	(erf) = vpow2.f32 v6;
	v13 =	vor.u32 $0x2, v51  }
0x9a2: {  	(erf) = vpow2.f32 v9;
	v9 =	vpop (erf)  }
0x9a3: {  	[tilespmem:v11+s21+$0x0] =	vst.idx.msk $0xffff, v3;
	v2 =	vmul.f32 v9, v2  }
0x9a4: {  	v14 =	vor.u32 $0x5, v26;
	[tilespmem:v15+s21+$0x0] =	vst.idx.msk $0xffff, v9  }
0x9a5: {  	[tilespmem:v8+s21+$0x0] =	vst.idx.msk $0xffff, v2;
	v8 =	vpop (erf)  }
0x9a6: {  	v0 =	vld.idx.msk [tilespmem:v0+s4+$0x0], $0xffff;
	[tilespmem:v13+s21+$0x0] =	vst.idx.msk $0xffff, v8  }
0x9a7: {  	s31 =	simm.s32 $0x40;
	v13 =	vld [tilespmem:$0x1FF00]  }
0x9a8: {  	v16 =	vmov s31;
	v11 =	vor.u32 $0x4, v63  }
0x9a9: {  	v16 =	vshll.u32 v16, $0x4;
	v6 =	vld.idx.msk [tilespmem:v14+s4+$0x0], $0xffff;
	v14 =	vor.u32 $0xA, v51  }
0x9aa: {  	v53 =	vor.u32 v25, v16;
	v16 =	vor.u32 $0x1, v52  }
0x9ab: {  	v26 =	vld [tilespmem:$0x1FE70]  }
0x9ac: {  	v10 =	vmul.f32 v8, v10;
	v0 =	vmul.f32 v0, v13;
	v13 =	vor.u32 $0x9, v52  }
0x9ad: {  	v11 =	vld.idx.msk [tilespmem:v11+s4+$0x0], $0xffff  }
0x9ae: {  	s26 =	simm.s32 $0x138D0;
	[tilespmem:v14+s21+$0x0] =	vst.idx.msk $0xffff, v10;
	v14 =	vpop (erf)  }
0x9af: {  	v15 =	vld [tilespmem:s26+$0x0];
	v19 =	vpop (erf);
	v12 =	vmul.f32 v14, v12;
	[tilespmem:v16+s21+$0x0] =	vst.idx.msk $0xffff, v14  }
0x9b0: {  	v3 =	vor.u32 $0x4, v1;
	[tilespmem:v53+s21+$0x0] =	vst.idx.msk $0xffff, v19;
	v8 =	vmul.f32 v6, v26  }
0x9b1: {  	v9 =	vor.u32 $0x3, v58;
	[tilespmem:v13+s21+$0x0] =	vst.idx.msk $0xffff, v12  }
0x9b2: {  	v11 =	vmul.f32 v11, v4;
	v0 =	vadd.f32 v0, v8;
	v4 =	vld [tilespmem:$0x1FF40]  }
0x9b3: {  	s30 =	simm.s32 $0x140A0;
	v2 =	vor.u32 $0x3, v59  }
0x9b4: {  	v17 =	vld [tilespmem:s30+$0x0];
	v60 =	vshll.u32 v15, $0x3;
	v10 =	vor.u32 $0x2, v56;
	v15 =	vmul.f32 $2.000000030e-01, v0  }
0x9b5: {  	v18 =	vor.u32 $0x2, v54;
	v3 =	vld.idx.msk [tilespmem:v3+s4+$0x0], $0xffff  }
0x9b6: {  	v9 =	vld.idx.msk [tilespmem:v9+s4+$0x0], $0xffff;
	v0 =	vmax.f32 v0, v15  }
0x9b7: {  	v8 =	vor.u32 $0x8, v53;
	v0 =	vsub.f32 v0, v4;
	v4 =	vld [tilespmem:$0x1FF30]  }
0x9b8: {  	v20 =	vor.u32 $0x1, v55;
	v2 =	vld.idx.msk [tilespmem:v2+s4+$0x0], $0xffff  }
0x9b9: {  	v14 =	vor.u32 $0x1, v57;
	v10 =	vld.idx.msk [tilespmem:v10+s4+$0x0], $0xffff  }
0x9ba: {  	v21 =	vmul.f32 v3, v61;
	v7 =	vmul.f32 v19, v7;
	v12 =	vld.idx.msk [tilespmem:v18+s4+$0x0], $0xffff  }
0x9bb: {  	v61 =	vshll.u32 v17, $0x3;
	v15 =	vld.idx.msk [tilespmem:v60+s4+$0x0], $0xffff  }
0x9bc: {  	v11 =	vadd.f32 v11, v21;
	v13 =	vmul.f32 v9, v4;
	v4 =	vld [tilespmem:$0x1FF50];
	[tilespmem:v8+s21+$0x0] =	vst.idx.msk $0xffff, v7  }
0x9bd: {  	v16 =	vld.idx.msk [tilespmem:v20+s4+$0x0], $0xffff  }
0x9be: {  	v7 =	vmul.f32 $2.000000030e-01, v11;
	v8 =	vld.idx.msk [tilespmem:v14+s4+$0x0], $0xffff  }
0x9bf: {  	v0 =	vmul.f32 $1.442695020e+00, v0;
	v14 =	vld [tilespmem:$0x1FF70]  }
0x9c0: {  	v7 =	vmax.f32 v11, v7;
	v11 =	vld.idx.msk [tilespmem:v61+s4+$0x0], $0xffff  }
0x9c1: {  	(erf) = vpow2.f32 v0;
	v0 =	vsub.f32 v7, v5;
	v5 =	vld [tilespmem:$0x1FE80];
	v2 =	vmul.f32 v2, v4  }
0x9c2: {  	v4 =	vld [tilespmem:$0x1FEA0]  }
0x9c3: {  	v2 =	vadd.f32 v2, v13;
	_ =	sdelay $0x1  }
0x9c4: {  	v12 =	vmul.f32 v12, v14;
	v7 =	vmul.f32 $2.000000030e-01, v2  }
0x9c5: {  	v14 =	vmul.f32 v15, v48;
	v13 =	vmul.f32 v10, v5  }
0x9c6: {  	v11 =	vmul.f32 v11, v4;
	v2 =	vmax.f32 v2, v7;
	v7 =	vmul.f32 v16, v27;
	v27 =	vld [tilespmem:$0x1FE90]  }
0x9c7: {  	v0 =	vmul.f32 $1.442695020e+00, v0  }
0x9c8: {  	v12 =	vadd.f32 v12, v13;
	v11 =	vadd.f32 v11, v14;
	v14 =	vld [tilespmem:$0x1FEC0]  }
0x9c9: {  	(erf) = vpow2.f32 v0;
	v0 =	vmul.f32 v8, v22;
	v8 =	vor.u32 $0x5, v49  }
0x9ca: {  	v13 =	vmul.f32 $2.000000030e-01, v12  }
0x9cb: {  	v0 =	vadd.f32 v0, v7;
	v2 =	vsub.f32 v2, v27  }
0x9cc: {  	v12 =	vmax.f32 v12, v13  }
0x9cd: {  	v13 =	vmul.f32 $2.000000030e-01, v0;
	v12 =	vsub.f32 v12, v14;
	v14 =	vpop (erf);
	v2 =	vmul.f32 $1.442695020e+00, v2  }
0x9ce: {  	v4 =	vld [tilespmem:$0x1FD10];
	[tilespmem:v8+s21+$0x0] =	vst.idx.msk $0xffff, v14  }
0x9cf: {  	v0 =	vmax.f32 v0, v13;
	v13 =	vld [tilespmem:$0x1FED0];
	(erf) = vpow2.f32 v2;
	_ =	sdelay $0x1  }
0x9d0: {  	v17 =	vor.u32 $0xD, v49;
	v12 =	vmul.f32 $1.442695020e+00, v12  }
0x9d1: {  	v18 =	vor.u32 $0x4, v50  }
0x9d2: {  	v7 =	vor.u32 $0x6, v4;
	v8 =	vor.u32 $0xC, v50  }
0x9d3: {  	v6 =	vmul.f32 v14, v6;
	v0 =	vsub.f32 v0, v13;
	v13 =	vor.u32 $0x3, v51  }
0x9d4: {  	(erf) = vpow2.f32 v12;
	v12 =	vpop (erf)  }
0x9d5: {  	[tilespmem:v17+s21+$0x0] =	vst.idx.msk $0xffff, v6;
	v3 =	vmul.f32 v12, v3  }
0x9d6: {  	[tilespmem:v18+s21+$0x0] =	vst.idx.msk $0xffff, v12  }
0x9d7: {  	[tilespmem:v8+s21+$0x0] =	vst.idx.msk $0xffff, v3;
	v12 =	vpop (erf)  }
0x9d8: {  	v2 =	vor.u32 $0x6, v23;
	v24 =	vld.idx.msk [tilespmem:v7+s4+$0x0], $0xffff;
	[tilespmem:v13+s21+$0x0] =	vst.idx.msk $0xffff, v12  }
0x9d9: {  	v8 =	vld [tilespmem:$0x1FEE0];
	_ =	sdelay $0x1  }
0x9da: {  	v19 =	vmul.f32 $2.000000030e-01, v11;
	_ =	sdelay $0x1  }
0x9db: {  	v11 =	vmax.f32 v11, v19;
	v2 =	vld.idx.msk [tilespmem:v2+s4+$0x0], $0xffff  }
0x9dc: {  	v6 =	vor.u32 $0x5, v1;
	v3 =	vmul.f32 v12, v9;
	v9 =	vmul.f32 v24, v8;
	v8 =	vld [tilespmem:$0x1FEF0]  }
0x9dd: {  	v11 =	vsub.f32 v11, v62  }
0x9de: {  	v0 =	vmul.f32 $1.442695020e+00, v0  }
0x9df: {  	v11 =	vmul.f32 $1.442695020e+00, v11  }
0x9e0: {  	v14 =	vor.u32 $0xB, v51;
	v7 =	vor.u32 $0x5, v63;
	(erf) = vpow2.f32 v0  }
0x9e1: {  	(erf) = vpow2.f32 v11;
	v11 =	vld.idx.msk [tilespmem:v6+s4+$0x0], $0xffff;
	v6 =	vor.u32 $0x2, v52;
	v2 =	vmul.f32 v2, v8;
	_ =	sdelay $0x3  }
0x9e2: {  	v17 =	vor.u32 $0x4, v58;
	[tilespmem:v14+s21+$0x0] =	vst.idx.msk $0xffff, v3;
	v9 =	vadd.f32 v2, v9;
	v2 =	vpop (erf)  }
0x9e3: {  	v7 =	vld.idx.msk [tilespmem:v7+s4+$0x0], $0xffff;
	v13 =	vor.u32 $0xA, v52;
	[tilespmem:v6+s21+$0x0] =	vst.idx.msk $0xffff, v2  }
0x9e4: {  	v14 =	vor.u32 $0x3, v56;
	v10 =	vmul.f32 v2, v10;
	v2 =	vld [tilespmem:$0x1FF00]  }
0x9e5: {  	s31 =	simm.s32 $0x50  }
0x9e6: {  	v8 =	vmov s31  }
0x9e7: {  	s25 =	simm.s32 $0x138E0;
	v3 =	vshll.u32 v8, $0x4;
	v8 =	vld.idx.msk [tilespmem:v17+s4+$0x0], $0xffff;
	v17 =	vor.u32 $0x3, v54;
	v19 =	vmul.f32 $2.000000030e-01, v9  }
0x9e8: {  	v12 =	vld [tilespmem:s25+$0x0];
	v62 =	vor.u32 v25, v3;
	v3 =	vor.u32 $0x1, v53;
	[tilespmem:v13+s21+$0x0] =	vst.idx.msk $0xffff, v10  }
0x9e9: {  	v6 =	vmul.f32 v11, v26;
	v13 =	vmax.f32 v9, v19;
	v9 =	vld.idx.msk [tilespmem:v14+s4+$0x0], $0xffff;
	v7 =	vmul.f32 v7, v2  }
0x9ea: {  	v20 =	vor.u32 $0x9, v53;
	v19 =	vld [tilespmem:$0x1FF20]  }
0x9eb: {  	v10 =	vpop (erf);
	v7 =	vadd.f32 v7, v6;
	v6 =	vld [tilespmem:$0x1FFF0]  }
0x9ec: {  	v14 =	vmul.f32 v10, v16;
	v16 =	vld.idx.msk [tilespmem:v17+s4+$0x0], $0xffff  }
0x9ed: {  	v17 =	vld [tilespmem:$0x1FF10];
	v21 =	vpop (erf);
	[tilespmem:v3+s21+$0x0] =	vst.idx.msk $0xffff, v10  }
0x9ee: {  	[tilespmem:v62+s21+$0x0] =	vst.idx.msk $0xffff, v21;
	v3 =	vmul.f32 $2.000000030e-01, v7  }
0x9ef: {  	v2 =	vshll.u32 v12, $0x3;
	v12 =	vor.u32 $0x2, v55;
	[tilespmem:v20+s21+$0x0] =	vst.idx.msk $0xffff, v14  }
0x9f0: {  	v3 =	vmax.f32 v7, v3;
	v7 =	vld [tilespmem:$0x1FF30];
	v6 =	vsub.f32 v13, v6;
	_ =	sdelay $0x1  }
0x9f1: {  	v0 =	vor.u32 $0x4, v59;
	v10 =	vmul.f32 $1.442695020e+00, v6;
	_ =	sdelay $0x1  }
0x9f2: {  	v18 =	vor.u32 $0x8, v62;
	(erf) = vpow2.f32 v10;
	v10 =	vld.idx.msk [tilespmem:v12+s4+$0x0], $0xffff  }
0x9f3: {  	v12 =	vmul.f32 v9, v7;
	v7 =	vld [tilespmem:$0x1FF40];
	_ =	sdelay $0x1  }
0x9f4: {  	v0 =	vld.idx.msk [tilespmem:v0+s4+$0x0], $0xffff;
	v15 =	vmul.f32 v21, v15;
	_ =	sdelay $0x1  }
0x9f5: {  	[tilespmem:v18+s21+$0x0] =	vst.idx.msk $0xffff, v15  }
0x9f6: {  	v14 =	vsub.f32 v3, v7;
	v3 =	vld [tilespmem:$0x1FF50]  }
0x9f7: {  	s26 =	simm.s32 $0x140B0  }
0x9f8: {  	v0 =	vmul.f32 v0, v19;
	v19 =	vld [tilespmem:s26+$0x0];
	_ =	sdelay $0x2  }
0x9f9: {  	v17 =	vmul.f32 v8, v17;
	v15 =	vmul.f32 v16, v3  }
0x9fa: {  	v13 =	vor.u32 $0x2, v57  }
0x9fb: {  	v0 =	vadd.f32 v0, v17;
	v3 =	vshll.u32 v19, $0x3;
	v19 =	vadd.f32 v15, v12;
	v12 =	vld [tilespmem:$0x1FF60];
	_ =	sdelay $0x1  }
0x9fc: {  	v16 =	vmul.f32 $2.000000030e-01, v0;
	_ =	sdelay $0x1  }
0x9fd: {  	v13 =	vld.idx.msk [tilespmem:v13+s4+$0x0], $0xffff;
	v0 =	vmax.f32 v0, v16  }
0x9fe: {  	v0 =	vsub.f32 v0, v12;
	v12 =	vor.u32 $0x7, v4;
	v4 =	vld [tilespmem:$0x1FF70];
	_ =	sdelay $0x1  }
0x9ff: {  	v17 =	vmul.f32 $1.442695020e+00, v14;
	_ =	sdelay $0x1  }
0xa00: {  	(erf) = vpow2.f32 v17  }
0xa01: {  	v17 =	vmul.f32 v10, v5;
	v5 =	vmul.f32 v13, v4;
	v4 =	vld [tilespmem:$0x1FD20];
	_ =	sdelay $0x3  }
0xa02: {  	v22 =	vor.u32 $0x1, v60;
	v6 =	vld.idx.msk [tilespmem:v2+s4+$0x0], $0xffff  }
0xa03: {  	v16 =	vor.u32 $0x7, v4;
	v4 =	vld [tilespmem:$0x1FF90];
	_ =	sdelay $0x2  }
0xa04: {  	v23 =	vor.u32 $0x1, v61  }
0xa05: {  	v7 =	vld.idx.msk [tilespmem:v22+s4+$0x0], $0xffff  }
0xa06: {  	v18 =	vmul.f32 v6, v4;
	v4 =	vld [tilespmem:$0x1FFA0];
	_ =	sdelay $0x1  }
0xa07: {  	v0 =	vmul.f32 $1.442695020e+00, v0  }
0xa08: {  	v23 =	vld.idx.msk [tilespmem:v23+s4+$0x0], $0xffff;
	v21 =	vmul.f32 $2.000000030e-01, v19  }
0xa09: {  	(erf) = vpow2.f32 v0;
	v0 =	vld [tilespmem:$0x1FFB0]  }
0xa0a: {  	v20 =	vmul.f32 v7, v4;
	v4 =	vmax.f32 v19, v21;
	v19 =	vld.idx.msk [tilespmem:v3+s4+$0x0], $0xffff  }
0xa0b: {  	v14 =	vor.u32 $0x6, v49  }
0xa0c: {  	v22 =	vpop (erf);
	v15 =	vor.u32 $0xE, v49  }
0xa0d: {  	v13 =	vmul.f32 v22, v24;
	v5 =	vadd.f32 v5, v17  }
0xa0e: {  	s29 =	simm.s32 $0x70;
	s28 =	simm.s32 $0x60;
	v17 =	vor.u32 $0x5, v50;
	v23 =	vmul.f32 v23, v0;
	v21 =	vsub.f32 v4, v27  }
.LBB2_12:
0xa0f: {  	v24 =	vor.u32 $0xD, v50;
	v4 =	vmovc v60;
	v60 =	vmov v2;
	v2 =	vmul.f32 v19, v34  }
0xa10: {  	[tilespmem:v14+s21+$0x0] =	vst.idx.msk $0xffff, v22;
	v0 =	vmul.f32 $2.000000030e-01, v5;
	v21 =	vmul.f32 $1.442695020e+00, v21;
	v14 =	vadd.f32 v23, v20  }
0xa11: {  	[tilespmem:v15+s21+$0x0] =	vst.idx.msk $0xffff, v13;
	v15 =	vor.u32 $0x6, v63;
	v19 =	vor.u32 $0x6, v1;
	v2 =	vadd.f32 v2, v18  }
0xa12: {  	v0 =	vmax.f32 v5, v0;
	(erf) = vpow2.f32 v21;
	v13 =	vmul.f32 $2.000000030e-01, v14;
	v18 =	vpop (erf)  }
0xa13: {  	v12 =	vld.idx.msk [tilespmem:v12+s4+$0x0], $0xffff;
	v0 =	vsub.f32 v0, v44;
	v11 =	vmul.f32 v18, v11;
	v22 =	vmul.f32 $2.000000030e-01, v2  }
0xa14: {  	v20 =	vor.u32 $0x4, v51;
	v16 =	vld.idx.msk [tilespmem:v16+s4+$0x0], $0xffff;
	v5 =	vmov v63;
	[tilespmem:v17+s21+$0x0] =	vst.idx.msk $0xffff, v18  }
0xa15: {  	v13 =	vmax.f32 v14, v13;
	v0 =	vmul.f32 $1.442695020e+00, v0;
	[tilespmem:v24+s21+$0x0] =	vst.idx.msk $0xffff, v11;
	v2 =	vmax.f32 v2, v22;
	v22 =	vld [tilespmem:$0x1FFD0]  }
0xa16: {  	v63 =	vmovc v59;
	v21 =	vor.u32 $0xC, v51;
	v59 =	vmovc v54;
	v14 =	vsub.f32 v13, v31;
	v17 =	vor.u32 $0x3, v52;
	v13 =	vld.idx.msk [tilespmem:v19+s4+$0x0], $0xffff  }
0xa17: {  	v54 =	vmovc v57;
	v57 =	vmovc v61;
	v18 =	vor.u32 $0x5, v58;
	(erf) = vpow2.f32 v0;
	v2 =	vsub.f32 v2, v30;
	v19 =	vld [tilespmem:$0x1FFC0]  }
0xa18: {  	v61 =	vmov v3;
	v0 =	vor.u32 $0x5, v63;
	v3 =	vpop (erf);
	v11 =	vmul.f32 $1.442695020e+00, v14;
	v14 =	vld.idx.msk [tilespmem:v15+s4+$0x0], $0xffff  }
0xa19: {  	v8 =	vmul.f32 v3, v8;
	v15 =	vor.u32 $0xB, v52;
	v2 =	vmul.f32 $1.442695020e+00, v2  }
0xa1a: {  	s25 =	sadd.s32 $0x10, s25;
	v23 =	vor.u32 $0x4, v56;
	[tilespmem:v20+s21+$0x0] =	vst.idx.msk $0xffff, v3;
	(erf) = vpow2.f32 v11  }
0xa1b: {  	v20 =	vor.u32 $0x4, v59;
	v3 =	vld [tilespmem:s25+$0x0];
	[tilespmem:v21+s21+$0x0] =	vst.idx.msk $0xffff, v8;
	v24 =	vpop (erf);
	v16 =	vmul.f32 v16, v22;
	(erf) = vpow2.f32 v2  }
0xa1c: {  	v11 =	vld.idx.msk [tilespmem:v18+s4+$0x0], $0xffff;
	v2 =	vmul.f32 v24, v9;
	[tilespmem:v17+s21+$0x0] =	vst.idx.msk $0xffff, v24;
	v19 =	vmul.f32 v12, v19  }
0xa1d: {  	v22 =	vmov s28;
	v9 =	vor.u32 $0x2, v53;
	v0 =	vld.idx.msk [tilespmem:v0+s4+$0x0], $0xffff;
	v14 =	vmul.f32 v14, v33  }
0xa1e: {  	[tilespmem:v15+s21+$0x0] =	vst.idx.msk $0xffff, v2;
	v2 =	vmul.f32 v13, v32;
	v16 =	vadd.f32 v16, v19;
	v19 =	vor.u32 $0xA, v53;
	_ =	sdelay $0x1  }
0xa1f: {  	v8 =	vshll.u32 v22, $0x4;
	v22 =	vpop (erf);
	v14 =	vadd.f32 v14, v2;
	v2 =	vld [tilespmem:$0x1FFE0]  }
0xa20: {  	v18 =	vor.u32 v25, v8;
	v8 =	vld.idx.msk [tilespmem:v23+s4+$0x0], $0xffff;
	v10 =	vmul.f32 v22, v10  }
0xa21: {  	s26 =	sadd.s32 $0x10, s26;
	v20 =	vld.idx.msk [tilespmem:v20+s4+$0x0], $0xffff;
	v17 =	vmul.f32 $2.000000030e-01, v16;
	[tilespmem:v9+s21+$0x0] =	vst.idx.msk $0xffff, v22  }
0xa22: {  	v21 =	vor.u32 $0x3, v55;
	v22 =	vld [tilespmem:s26+$0x0];
	v0 =	vmul.f32 v0, v37;
	[tilespmem:v19+s21+$0x0] =	vst.idx.msk $0xffff, v10;
	v10 =	vmul.f32 v11, v35  }
0xa23: {  	v16 =	vmax.f32 v16, v17;
	v17 =	vor.u32 $0x3, v54  }
0xa24: {  	v15 =	vor.u32 $0x1, v62;
	v16 =	vsub.f32 v16, v2;
	v0 =	vadd.f32 v0, v10;
	v10 =	vld [tilespmem:$0x1FFF0]  }
0xa25: {  	v24 =	vor.u32 $0x9, v62;
	v2 =	vshll.u32 v3, $0x3;
	v3 =	vmul.f32 $2.000000030e-01, v14  }
0xa26: {  	v25 =	vor.u32 $0x2, v4;
	v26 =	vpop (erf);
	v16 =	vmul.f32 $1.442695020e+00, v16  }
0xa27: {  	v23 =	vor.u32 $0x8, v18;
	v7 =	vmul.f32 v26, v7;
	v9 =	vld.idx.msk [tilespmem:v21+s4+$0x0], $0xffff;
	v3 =	vmax.f32 v14, v3;
	v14 =	vpop (erf)  }
0xa28: {  	v19 =	vor.u32 $0x2, v57;
	v20 =	vmul.f32 v20, v40;
	(erf) = vpow2.f32 v16;
	v16 =	vld.idx.msk [tilespmem:v17+s4+$0x0], $0xffff;
	[tilespmem:v18+s21+$0x0] =	vst.idx.msk $0xffff, v14  }
0xa29: {  	v21 =	vmul.f32 v8, v38;
	v17 =	vor.u32 $0x1, v60;
	[tilespmem:v15+s21+$0x0] =	vst.idx.msk $0xffff, v26;
	v3 =	vsub.f32 v3, v10  }
0xa2a: {  	v14 =	vmul.f32 v14, v6;
	v15 =	vmul.f32 $2.000000030e-01, v0;
	v6 =	vld.idx.msk [tilespmem:v2+s4+$0x0], $0xffff;
	[tilespmem:v24+s21+$0x0] =	vst.idx.msk $0xffff, v7  }
0xa2b: {  	v20 =	vadd.f32 v20, v21;
	v10 =	vld.idx.msk [tilespmem:v25+s4+$0x0], $0xffff;
	v26 =	vmul.f32 $1.442695020e+00, v3  }
0xa2c: {  	v0 =	vmax.f32 v0, v15;
	[tilespmem:v23+s21+$0x0] =	vst.idx.msk $0xffff, v14;
	v3 =	vshll.u32 v22, $0x3;
	v22 =	vor.u32 $0x1, v61  }
0xa2d: {  	v27 =	vor.u32 $0x7, v49;
	v21 =	vld.idx.msk [tilespmem:v19+s4+$0x0], $0xffff;
	v0 =	vsub.f32 v0, v36;
	(erf) = vpow2.f32 v26  }
0xa2e: {  	v15 =	vmul.f32 v9, v41;
	v23 =	vor.u32 $0xF, v49;
	v49 =	vmovc v50;
	v19 =	vmul.f32 $2.000000030e-01, v20;
	v7 =	vld.idx.msk [tilespmem:v17+s4+$0x0], $0xffff  }
0xa2f: {  	v50 =	vmovc v51;
	v51 =	vmovc v52;
	v52 =	vmov v53;
	v16 =	vmul.f32 v16, v43;
	v0 =	vmul.f32 $1.442695020e+00, v0  }
0xa30: {  	v53 =	vmovc v62;
	v62 =	vmovc v18;
	v14 =	vor.u32 $0x6, v49;
	v18 =	vmul.f32 v6, v48;
	v25 =	vmul.f32 v10, v45  }
0xa31: {  	v24 =	vld.idx.msk [tilespmem:v22+s4+$0x0], $0xffff;
	v22 =	vadd.f32 v16, v15;
	v16 =	vmax.f32 v20, v19;
	v15 =	vor.u32 $0xE, v49;
	v17 =	vpop (erf)  }
0xa32: {  	p0 =	sne.s32 s29, $0x7C0;
	(erf) = vpow2.f32 v0;
	v16 =	vsub.f32 v16, v39;
	v0 =	vmul.f32 v17, v12  }
.Ltmp5:
0xa33: {  	v19 =	vld.idx.msk [tilespmem:v3+s4+$0x0], $0xffff;
	[tilespmem:v27+s21+$0x0] =	vst.idx.msk $0xffff, v17;
	v17 =	vmul.f32 v21, v46;
	v20 =	vmul.f32 v7, v47;
	(pc) =	sbr.rel @p0 .LBB2_12-.Ltmp5, $4  }
0xa34: {  	v12 =	vor.u32 $0x7, v1;
	v1 =	vmovc v58;
	v26 =	vmul.f32 $2.000000030e-01, v22;
	v27 =	vmul.f32 $1.442695020e+00, v16  }
0xa35: {  	v58 =	vmovc v56;
	v56 =	vmovc v55;
	v55 =	vmov v4;
	v16 =	vor.u32 $0x7, v5;
	v5 =	vadd.f32 v17, v25  }
0xa36: {  	[tilespmem:v23+s21+$0x0] =	vst.idx.msk $0xffff, v0;
	v17 =	vor.u32 $0x5, v50;
	v0 =	vmax.f32 v22, v26;
	(erf) = vpow2.f32 v27;
	v22 =	vpop (erf)  }
0xa37: {  	s28 =	smov.u32 s29;
	s29 =	sadd.s32 $0x10, s29;
	v25 =	vmovc v28;
	v21 =	vsub.f32 v0, v42;
	v23 =	vmul.f32 v24, v29;
	v13 =	vmul.f32 v22, v13  }
0xa38: {  	_ =	sdelay $0x1  }
0xa39: {  	v4 =	vmul.f32 $1.442695020e+00, v21;
	v21 =	vor.u32 $0xD, v50  }
0xa3a: {  	v28 =	vmul.f32 v19, v34  }
0xa3b: {  	[tilespmem:v14+s21+$0x0] =	vst.idx.msk $0xffff, v22;
	v22 =	vpop (erf)  }
0xa3c: {  	[tilespmem:v15+s21+$0x0] =	vst.idx.msk $0xffff, v13;
	v34 =	vadd.f32 v28, v18;
	v11 =	vmul.f32 v22, v11  }
0xa3d: {  	v0 =	vmul.f32 $2.000000030e-01, v5;
	[tilespmem:v17+s21+$0x0] =	vst.idx.msk $0xffff, v22  }
0xa3e: {  	(erf) = vpow2.f32 v4;
	v4 =	vld.idx.msk [tilespmem:v12+s4+$0x0], $0xffff;
	v28 =	vmul.f32 $2.000000030e-01, v34;
	[tilespmem:v21+s21+$0x0] =	vst.idx.msk $0xffff, v11  }
0xa3f: {  	v19 =	vadd.f32 v23, v20;
	v20 =	vor.u32 $0x6, v1;
	v27 =	vld [tilespmem:$0x1FFC0]  }
0xa40: {  	v23 =	vor.u32 $0x6, v63;
	v0 =	vmax.f32 v5, v0;
	v15 =	vld.idx.msk [tilespmem:v16+s4+$0x0], $0xffff;
	v5 =	vmax.f32 v34, v28  }
0xa41: {  	v48 =	vmul.f32 $2.000000030e-01, v19;
	v0 =	vsub.f32 v0, v44;
	v5 =	vsub.f32 v5, v30;
	v30 =	vld [tilespmem:$0x1FFD0]  }
0xa42: {  	v13 =	vor.u32 $0x3, v52  }
0xa43: {  	v18 =	vor.u32 $0x4, v51;
	v12 =	vmax.f32 v19, v48;
	v0 =	vmul.f32 $1.442695020e+00, v0  }
0xa44: {  	v19 =	vor.u32 $0xC, v51;
	v12 =	vsub.f32 v12, v31;
	v11 =	vld.idx.msk [tilespmem:v20+s4+$0x0], $0xffff;
	v48 =	vmul.f32 v4, v27  }
0xa45: {  	v16 =	vor.u32 $0x5, v59;
	(erf) = vpow2.f32 v0;
	v0 =	vor.u32 $0x5, v58;
	v14 =	vld.idx.msk [tilespmem:v23+s4+$0x0], $0xffff  }
0xa46: {  	v21 =	vor.u32 $0xB, v52;
	v34 =	vpop (erf);
	v12 =	vmul.f32 $1.442695020e+00, v12;
	v15 =	vmul.f32 v15, v30  }
0xa47: {  	v8 =	vmul.f32 v34, v8  }
0xa48: {  	[tilespmem:v18+s21+$0x0] =	vst.idx.msk $0xffff, v34;
	(erf) = vpow2.f32 v12;
	v12 =	vadd.f32 v15, v48;
	v48 =	vpop (erf)  }
0xa49: {  	v26 =	vmovc v31;
	v22 =	vor.u32 $0x4, v56;
	v17 =	vor.u32 $0x4, v54;
	[tilespmem:v19+s21+$0x0] =	vst.idx.msk $0xffff, v8;
	v23 =	vmul.f32 v48, v9  }
0xa4a: {  	v0 =	vld.idx.msk [tilespmem:v0+s4+$0x0], $0xffff;
	v31 =	vmul.f32 v11, v32;
	v14 =	vmul.f32 v14, v33;
	[tilespmem:v13+s21+$0x0] =	vst.idx.msk $0xffff, v48  }
0xa4b: {  	v34 =	vmov s28;
	v5 =	vmul.f32 $1.442695020e+00, v5;
	v8 =	vor.u32 $0x2, v53;
	v13 =	vld.idx.msk [tilespmem:v16+s4+$0x0], $0xffff;
	[tilespmem:v21+s21+$0x0] =	vst.idx.msk $0xffff, v23  }
0xa4c: {  	v14 =	vadd.f32 v14, v31;
	v28 =	vmul.f32 $2.000000030e-01, v12;
	v16 =	vor.u32 $0xA, v53;
	v31 =	vld [tilespmem:$0x1FFE0]  }
0xa4d: {  	(erf) = vpow2.f32 v5  }
0xa4e: {  	v15 =	vshll.u32 v34, $0x4;
	v34 =	vpop (erf);
	v48 =	vmax.f32 v12, v28;
	v12 =	vor.u32 $0x3, v57  }
0xa4f: {  	v19 =	vor.u32 $0x3, v55;
	v10 =	vmul.f32 v34, v10;
	v9 =	vld.idx.msk [tilespmem:v22+s4+$0x0], $0xffff  }
0xa50: {  	v17 =	vld.idx.msk [tilespmem:v17+s4+$0x0], $0xffff;
	[tilespmem:v8+s21+$0x0] =	vst.idx.msk $0xffff, v34;
	v34 =	vmul.f32 v0, v35;
	v13 =	vmul.f32 v13, v37  }
0xa51: {  	[tilespmem:v16+s21+$0x0] =	vst.idx.msk $0xffff, v10;
	v48 =	vsub.f32 v48, v31  }
0xa52: {  	v5 =	vor.u32 v25, v15;
	v15 =	vor.u32 $0x1, v62;
	v10 =	vadd.f32 v13, v34;
	v34 =	vld [tilespmem:$0x1FFF0]  }
0xa53: {  	v20 =	vor.u32 $0x9, v62;
	v28 =	vmul.f32 $2.000000030e-01, v14;
	v21 =	vor.u32 $0x8, v5;
	v12 =	vld.idx.msk [tilespmem:v12+s4+$0x0], $0xffff  }
0xa54: {  	v23 =	vor.u32 $0x1, v3;
	v16 =	vor.u32 $0x2, v60;
	v24 =	vmul.f32 v9, v38  }
0xa55: {  	v22 =	vor.u32 $0x2, v61;
	v19 =	vld.idx.msk [tilespmem:v19+s4+$0x0], $0xffff;
	v17 =	vmul.f32 v17, v40;
	v18 =	vmul.f32 $1.442695020e+00, v48;
	v48 =	vpop (erf)  }
0xa56: {  	v8 =	vmax.f32 v14, v28;
	v13 =	vor.u32 $0x1, v2;
	v7 =	vmul.f32 v48, v7  }
0xa57: {  	v14 =	vadd.f32 v17, v24;
	v8 =	vsub.f32 v8, v34;
	v28 =	vpop (erf);
	[tilespmem:v15+s21+$0x0] =	vst.idx.msk $0xffff, v48;
	v48 =	vmul.f32 $2.000000030e-01, v10  }
0xa58: {  	v12 =	vmul.f32 v12, v43;
	v6 =	vmul.f32 v28, v6;
	[tilespmem:v20+s21+$0x0] =	vst.idx.msk $0xffff, v7  }
0xa59: {  	[tilespmem:v5+s21+$0x0] =	vst.idx.msk $0xffff, v28;
	v8 =	vmul.f32 $1.442695020e+00, v8;
	v10 =	vmax.f32 v10, v48;
	v7 =	vld.idx.msk [tilespmem:v16+s4+$0x0], $0xffff  }
0xa5a: {  	v28 =	vmul.f32 v19, v41;
	[tilespmem:v21+s21+$0x0] =	vst.idx.msk $0xffff, v6;
	v6 =	vld.idx.msk [tilespmem:v22+s4+$0x0], $0xffff;
	v10 =	vsub.f32 v10, v36  }
0xa5b: {  	(erf) = vpow2.f32 v18;
	v48 =	vmul.f32 $2.000000030e-01, v14;
	v13 =	vld.idx.msk [tilespmem:v13+s4+$0x0], $0xffff  }
0xa5c: {  	(erf) = vpow2.f32 v8;
	v8 =	vadd.f32 v12, v28;
	v20 =	vld.idx.msk [tilespmem:v23+s4+$0x0], $0xffff;
	v10 =	vmul.f32 $1.442695020e+00, v10  }
0xa5d: {  	v21 =	vmax.f32 v14, v48  }
0xa5e: {  	v12 =	vsub.f32 v21, v39;
	v23 =	vmul.f32 $2.000000030e-01, v8;
	(erf) = vpow2.f32 v10  }
0xa5f: {  	v22 =	vmul.f32 v7, v45;
	v6 =	vmul.f32 v6, v46  }
0xa60: {  	v12 =	vmul.f32 $1.442695020e+00, v12;
	v8 =	vmax.f32 v8, v23  }
0xa61: {  	v28 =	vmul.f32 v13, v47;
	v47 =	vmul.f32 v20, v29;
	v10 =	vadd.f32 v6, v22  }
0xa62: {  	v15 =	vor.u32 $0x6, v50;
	v16 =	vor.u32 $0xE, v50;
	v8 =	vsub.f32 v8, v42  }
0xa63: {  	(erf) = vpow2.f32 v12;
	v14 =	vadd.f32 v47, v28;
	v48 =	vmul.f32 $2.000000030e-01, v10  }
0xa64: {  	v1 =	vor.u32 $0x7, v1;
	v29 =	vor.u32 $0x5, v51;
	v8 =	vmul.f32 $1.442695020e+00, v8;
	v6 =	vpop (erf)  }
0xa65: {  	v28 =	vor.u32 $0x7, v63;
	v12 =	vpop (erf);
	v47 =	vmul.f32 $2.000000030e-01, v14;
	v10 =	vmax.f32 v10, v48  }
0xa66: {  	v11 =	vmul.f32 v12, v11;
	v48 =	vor.u32 $0xD, v51;
	v10 =	vsub.f32 v10, v44  }
0xa67: {  	v63 =	vor.u32 $0x6, v58;
	(erf) = vpow2.f32 v8;
	[tilespmem:v15+s21+$0x0] =	vst.idx.msk $0xffff, v12;
	v18 =	vmax.f32 v14, v47  }
0xa68: {  	v22 =	vor.u32 $0x6, v59;
	[tilespmem:v16+s21+$0x0] =	vst.idx.msk $0xffff, v11;
	v23 =	vpop (erf);
	v8 =	vsub.f32 v18, v26;
	v10 =	vmul.f32 $1.442695020e+00, v10  }
0xa69: {  	v1 =	vld.idx.msk [tilespmem:v1+s4+$0x0], $0xffff;
	v0 =	vmul.f32 v23, v0  }
0xa6a: {  	v15 =	vld.idx.msk [tilespmem:v28+s4+$0x0], $0xffff;
	v28 =	vor.u32 $0x4, v52;
	[tilespmem:v29+s21+$0x0] =	vst.idx.msk $0xffff, v23;
	v8 =	vmul.f32 $1.442695020e+00, v8;
	(erf) = vpow2.f32 v10  }
0xa6b: {  	v29 =	vor.u32 $0xC, v52;
	[tilespmem:v48+s21+$0x0] =	vst.idx.msk $0xffff, v0  }
0xa6c: {  	v47 =	vpop (erf);
	v0 =	vor.u32 $0x5, v56;
	v12 =	vld.idx.msk [tilespmem:v63+s4+$0x0], $0xffff;
	(erf) = vpow2.f32 v8  }
0xa6d: {  	v48 =	vor.u32 $0x5, v54;
	v8 =	vor.u32 $0x3, v53;
	v11 =	vld.idx.msk [tilespmem:v22+s4+$0x0], $0xffff  }
0xa6e: {  	v17 =	vor.u32 $0x3, v60;
	v18 =	vor.u32 $0xB, v53;
	v9 =	vmul.f32 v47, v9  }
0xa6f: {  	v21 =	vor.u32 $0x4, v55;
	v63 =	vmul.f32 v1, v27;
	v15 =	vmul.f32 v15, v30;
	[tilespmem:v28+s21+$0x0] =	vst.idx.msk $0xffff, v47  }
0xa70: {  	v14 =	vor.u32 $0x4, v57;
	v16 =	vor.u32 $0x1, v5;
	v10 =	vor.u32 $0x2, v62;
	v28 =	vpop (erf);
	[tilespmem:v29+s21+$0x0] =	vst.idx.msk $0xffff, v9  }
0xa71: {  	v29 =	vmul.f32 v28, v19;
	v19 =	vor.u32 $0xA, v62;
	v9 =	vadd.f32 v15, v63;
	v0 =	vld.idx.msk [tilespmem:v0+s4+$0x0], $0xffff  }
0xa72: {  	v47 =	vmul.f32 v12, v32;
	[tilespmem:v8+s21+$0x0] =	vst.idx.msk $0xffff, v28;
	v8 =	vld.idx.msk [tilespmem:v48+s4+$0x0], $0xffff;
	v11 =	vmul.f32 v11, v33  }
0xa73: {  	v15 =	vor.u32 $0x3, v61;
	v28 =	vor.u32 $0x9, v5;
	v48 =	vmul.f32 $2.000000030e-01, v9;
	[tilespmem:v18+s21+$0x0] =	vst.idx.msk $0xffff, v29;
	v63 =	vpop (erf)  }
0xa74: {  	v20 =	vor.u32 $0x2, v2;
	v21 =	vld.idx.msk [tilespmem:v21+s4+$0x0], $0xffff;
	v11 =	vadd.f32 v11, v47;
	v7 =	vmul.f32 v63, v7  }
0xa75: {  	v14 =	vld.idx.msk [tilespmem:v14+s4+$0x0], $0xffff;
	v9 =	vmax.f32 v9, v48;
	[tilespmem:v10+s21+$0x0] =	vst.idx.msk $0xffff, v63;
	v10 =	vor.u32 $0x2, v3;
	v29 =	vpop (erf)  }
0xa76: {  	v9 =	vsub.f32 v9, v31;
	v47 =	vmul.f32 $2.000000030e-01, v11;
	v48 =	vmul.f32 v29, v13;
	[tilespmem:v19+s21+$0x0] =	vst.idx.msk $0xffff, v7  }
0xa77: {  	v63 =	vmul.f32 v0, v35;
	v8 =	vmul.f32 v8, v37;
	[tilespmem:v16+s21+$0x0] =	vst.idx.msk $0xffff, v29;
	v17 =	vld.idx.msk [tilespmem:v17+s4+$0x0], $0xffff  }
0xa78: {  	v15 =	vld.idx.msk [tilespmem:v15+s4+$0x0], $0xffff;
	[tilespmem:v28+s21+$0x0] =	vst.idx.msk $0xffff, v48  }
0xa79: {  	v23 =	vmul.f32 $1.442695020e+00, v9;
	v28 =	vmax.f32 v11, v47;
	v8 =	vadd.f32 v8, v63;
	v11 =	vld.idx.msk [tilespmem:v20+s4+$0x0], $0xffff  }
0xa7a: {  	v29 =	vmul.f32 v21, v38;
	v14 =	vmul.f32 v14, v40;
	v9 =	vsub.f32 v28, v34;
	v10 =	vld.idx.msk [tilespmem:v10+s4+$0x0], $0xffff  }
0xa7b: {  	v47 =	vmul.f32 $2.000000030e-01, v8  }
0xa7c: {  	(erf) = vpow2.f32 v23;
	v63 =	vadd.f32 v14, v29;
	v48 =	vmul.f32 $1.442695020e+00, v9  }
0xa7d: {  	v8 =	vmax.f32 v8, v47;
	v16 =	vmul.f32 v17, v41;
	v18 =	vmul.f32 v15, v43  }
0xa7e: {  	v20 =	vmul.f32 $2.000000030e-01, v63;
	(erf) = vpow2.f32 v48;
	v19 =	vsub.f32 v8, v36  }
0xa7f: {  	v22 =	vmul.f32 v11, v45;
	v13 =	vadd.f32 v18, v16;
	v10 =	vmul.f32 v10, v46  }
0xa80: {  	v8 =	vmax.f32 v63, v20;
	v7 =	vmul.f32 $1.442695020e+00, v19  }
0xa81: {  	v8 =	vsub.f32 v8, v39;
	v23 =	vmul.f32 $2.000000030e-01, v13;
	v10 =	vadd.f32 v10, v22  }
0xa82: {  	(erf) = vpow2.f32 v7  }
0xa83: {  	v28 =	vmul.f32 $1.442695020e+00, v8;
	v29 =	vmax.f32 v13, v23;
	v45 =	vmul.f32 $2.000000030e-01, v10  }
0xa84: {  	v8 =	vsub.f32 v29, v42  }
0xa85: {  	v46 =	vor.u32 $0x6, v51;
	(erf) = vpow2.f32 v28;
	v47 =	vmax.f32 v10, v45  }
0xa86: {  	v48 =	vor.u32 $0xE, v51;
	v8 =	vmul.f32 $1.442695020e+00, v8;
	v10 =	vsub.f32 v47, v44  }
0xa87: {  	v59 =	vor.u32 $0x7, v59;
	v58 =	vor.u32 $0x7, v58;
	v7 =	vpop (erf)  }
0xa88: {  	v22 =	vor.u32 $0x5, v52;
	v63 =	vpop (erf);
	(erf) = vpow2.f32 v8;
	v23 =	vmul.f32 $1.442695020e+00, v10  }
0xa89: {  	v29 =	vor.u32 $0xD, v52;
	v28 =	vmul.f32 v63, v12  }
0xa8a: {  	v44 =	vor.u32 $0x6, v56;
	[tilespmem:v46+s21+$0x0] =	vst.idx.msk $0xffff, v63;
	(erf) = vpow2.f32 v23  }
0xa8b: {  	v45 =	vor.u32 $0x6, v54;
	v47 =	vor.u32 $0x4, v53;
	[tilespmem:v48+s21+$0x0] =	vst.idx.msk $0xffff, v28;
	v46 =	vpop (erf)  }
0xa8c: {  	v48 =	vor.u32 $0xC, v53;
	v8 =	vld.idx.msk [tilespmem:v58+s4+$0x0], $0xffff;
	v0 =	vmul.f32 v46, v0  }
0xa8d: {  	v15 =	vld.idx.msk [tilespmem:v59+s4+$0x0], $0xffff;
	v58 =	vor.u32 $0x5, v55;
	[tilespmem:v22+s21+$0x0] =	vst.idx.msk $0xffff, v46  }
0xa8e: {  	v18 =	vor.u32 $0x3, v62;
	v59 =	vpop (erf);
	[tilespmem:v29+s21+$0x0] =	vst.idx.msk $0xffff, v0;
	v0 =	vor.u32 $0x5, v57  }
0xa8f: {  	v28 =	vor.u32 $0xB, v62;
	v63 =	vmul.f32 v59, v21;
	v13 =	vld.idx.msk [tilespmem:v44+s4+$0x0], $0xffff  }
0xa90: {  	v29 =	vor.u32 $0x4, v60;
	[tilespmem:v47+s21+$0x0] =	vst.idx.msk $0xffff, v59;
	v9 =	vld.idx.msk [tilespmem:v45+s4+$0x0], $0xffff;
	v44 =	vor.u32 $0x2, v5  }
0xa91: {  	v46 =	vor.u32 $0x4, v61;
	v45 =	vmul.f32 v8, v27;
	[tilespmem:v48+s21+$0x0] =	vst.idx.msk $0xffff, v63;
	v48 =	vor.u32 $0xA, v5;
	v47 =	vpop (erf)  }
0xa92: {  	v15 =	vmul.f32 v15, v30;
	v10 =	vld.idx.msk [tilespmem:v58+s4+$0x0], $0xffff;
	v58 =	vor.u32 $0x3, v2;
	v17 =	vmul.f32 v47, v17  }
0xa93: {  	v59 =	vor.u32 $0x3, v3;
	[tilespmem:v18+s21+$0x0] =	vst.idx.msk $0xffff, v47;
	v0 =	vld.idx.msk [tilespmem:v0+s4+$0x0], $0xffff;
	v63 =	vpop (erf)  }
0xa94: {  	v15 =	vadd.f32 v15, v45;
	[tilespmem:v28+s21+$0x0] =	vst.idx.msk $0xffff, v17;
	v11 =	vmul.f32 v63, v11  }
0xa95: {  	v20 =	vmul.f32 v13, v32;
	v9 =	vmul.f32 v9, v33;
	[tilespmem:v44+s21+$0x0] =	vst.idx.msk $0xffff, v63;
	v17 =	vld.idx.msk [tilespmem:v29+s4+$0x0], $0xffff  }
0xa96: {  	v21 =	vld.idx.msk [tilespmem:v46+s4+$0x0], $0xffff;
	[tilespmem:v48+s21+$0x0] =	vst.idx.msk $0xffff, v11  }
0xa97: {  	v22 =	vmul.f32 $2.000000030e-01, v15;
	v9 =	vadd.f32 v9, v20;
	v14 =	vld.idx.msk [tilespmem:v58+s4+$0x0], $0xffff  }
0xa98: {  	v23 =	vmul.f32 v10, v35;
	v0 =	vmul.f32 v0, v37;
	v18 =	vld.idx.msk [tilespmem:v59+s4+$0x0], $0xffff  }
0xa99: {  	v11 =	vmax.f32 v15, v22;
	v28 =	vmul.f32 $2.000000030e-01, v9  }
0xa9a: {  	v11 =	vsub.f32 v11, v31;
	v0 =	vadd.f32 v0, v23  }
0xa9b: {  	v9 =	vmax.f32 v9, v28;
	v29 =	vmul.f32 v17, v38;
	v12 =	vmul.f32 v21, v40  }
0xa9c: {  	v11 =	vmul.f32 $1.442695020e+00, v11;
	v9 =	vsub.f32 v9, v34;
	v16 =	vmul.f32 $2.000000030e-01, v0  }
0xa9d: {  	v12 =	vadd.f32 v12, v29;
	v41 =	vmul.f32 v14, v41;
	v18 =	vmul.f32 v18, v43  }
0xa9e: {  	(erf) = vpow2.f32 v11;
	v9 =	vmul.f32 $1.442695020e+00, v9;
	v0 =	vmax.f32 v0, v16  }
0xa9f: {  	v0 =	vsub.f32 v0, v36;
	v43 =	vmul.f32 $2.000000030e-01, v12;
	v15 =	vadd.f32 v18, v41  }
0xaa0: {  	(erf) = vpow2.f32 v9  }
0xaa1: {  	v0 =	vmul.f32 $1.442695020e+00, v0;
	v44 =	vmax.f32 v12, v43;
	v45 =	vmul.f32 $2.000000030e-01, v15  }
0xaa2: {  	v9 =	vsub.f32 v44, v39  }
0xaa3: {  	(erf) = vpow2.f32 v0;
	v0 =	vmax.f32 v15, v45  }
0xaa4: {  	v9 =	vmul.f32 $1.442695020e+00, v9;
	v0 =	vsub.f32 v0, v42;
	_ =	sdelay $0x1  }
0xaa5: {  	(erf) = vpow2.f32 v9;
	v0 =	vmul.f32 $1.442695020e+00, v0  }
0xaa6: {  	v46 =	vor.u32 $0x6, v52  }
0xaa7: {  	v47 =	vor.u32 $0xE, v52;
	(erf) = vpow2.f32 v0  }
0xaa8: {  	v48 =	vor.u32 $0x5, v53;
	v9 =	vpop (erf);
	v0 =	vor.u32 $0x7, v56  }
0xaa9: {  	v59 =	vor.u32 $0xD, v53;
	v56 =	vor.u32 $0x7, v54;
	v58 =	vpop (erf)  }
0xaaa: {  	v63 =	vor.u32 $0x6, v55;
	v13 =	vmul.f32 v58, v13  }
0xaab: {  	v28 =	vor.u32 $0x6, v57;
	v41 =	vor.u32 $0x4, v62;
	[tilespmem:v46+s21+$0x0] =	vst.idx.msk $0xffff, v58;
	v29 =	vpop (erf)  }
0xaac: {  	v42 =	vor.u32 $0xC, v62;
	[tilespmem:v47+s21+$0x0] =	vst.idx.msk $0xffff, v13;
	v43 =	vmul.f32 v29, v10  }
0xaad: {  	v44 =	vor.u32 $0x5, v60;
	v10 =	vld.idx.msk [tilespmem:v0+s4+$0x0], $0xffff;
	[tilespmem:v48+s21+$0x0] =	vst.idx.msk $0xffff, v29;
	v0 =	vor.u32 $0x3, v5  }
0xaae: {  	v45 =	vor.u32 $0x5, v61;
	v47 =	vor.u32 $0xB, v5;
	v16 =	vld.idx.msk [tilespmem:v56+s4+$0x0], $0xffff;
	[tilespmem:v59+s21+$0x0] =	vst.idx.msk $0xffff, v43;
	v46 =	vpop (erf)  }
0xaaf: {  	v48 =	vor.u32 $0x4, v2;
	v20 =	vld.idx.msk [tilespmem:v63+s4+$0x0], $0xffff;
	v17 =	vmul.f32 v46, v17  }
0xab0: {  	v54 =	vor.u32 $0x4, v3;
	v11 =	vld.idx.msk [tilespmem:v28+s4+$0x0], $0xffff;
	[tilespmem:v41+s21+$0x0] =	vst.idx.msk $0xffff, v46;
	v56 =	vpop (erf)  }
0xab1: {  	[tilespmem:v42+s21+$0x0] =	vst.idx.msk $0xffff, v17;
	v58 =	vmul.f32 v56, v14  }
0xab2: {  	[tilespmem:v0+s21+$0x0] =	vst.idx.msk $0xffff, v56;
	v59 =	vld.idx.msk [tilespmem:v44+s4+$0x0], $0xffff  }
0xab3: {  	v0 =	vmul.f32 v10, v27;
	v63 =	vmul.f32 v16, v30;
	v13 =	vld.idx.msk [tilespmem:v45+s4+$0x0], $0xffff;
	[tilespmem:v47+s21+$0x0] =	vst.idx.msk $0xffff, v58  }
0xab4: {  	v12 =	vld.idx.msk [tilespmem:v48+s4+$0x0], $0xffff  }
0xab5: {  	v0 =	vadd.f32 v63, v0;
	v21 =	vmul.f32 v20, v32;
	v11 =	vmul.f32 v11, v33;
	v22 =	vld.idx.msk [tilespmem:v54+s4+$0x0], $0xffff;
	_ =	sdelay $0x1  }
0xab6: {  	v23 =	vmul.f32 $2.000000030e-01, v0;
	v11 =	vadd.f32 v11, v21  }
0xab7: {  	v28 =	vmul.f32 v59, v35;
	v13 =	vmul.f32 v13, v37  }
0xab8: {  	v0 =	vmax.f32 v0, v23;
	v29 =	vmul.f32 $2.000000030e-01, v11  }
0xab9: {  	v13 =	vadd.f32 v13, v28;
	v38 =	vmul.f32 v12, v38;
	v16 =	vmul.f32 v22, v40  }
0xaba: {  	v0 =	vsub.f32 v0, v31  }
0xabb: {  	v11 =	vmax.f32 v11, v29;
	v40 =	vmul.f32 $2.000000030e-01, v13;
	v15 =	vadd.f32 v16, v38  }
0xabc: {  	v11 =	vsub.f32 v11, v34  }
0xabd: {  	v0 =	vmul.f32 $1.442695020e+00, v0;
	v13 =	vmax.f32 v13, v40;
	v16 =	vmul.f32 $2.000000030e-01, v15  }
0xabe: {  	v11 =	vmul.f32 $1.442695020e+00, v11;
	v13 =	vsub.f32 v13, v36  }
0xabf: {  	(erf) = vpow2.f32 v0;
	v0 =	vmax.f32 v15, v16  }
0xac0: {  	(erf) = vpow2.f32 v11;
	v41 =	vmul.f32 $1.442695020e+00, v13;
	v0 =	vsub.f32 v0, v39;
	_ =	sdelay $0x1  }
0xac1: {  	(erf) = vpow2.f32 v41;
	v0 =	vmul.f32 $1.442695020e+00, v0;
	_ =	sdelay $0x1  }
0xac2: {  	(erf) = vpow2.f32 v0;
	_ =	sdelay $0x1  }
0xac3: {  	v0 =	vor.u32 $0x6, v53  }
0xac4: {  	v42 =	vor.u32 $0xE, v53  }
0xac5: {  	v43 =	vor.u32 $0x7, v55;
	v44 =	vor.u32 $0x5, v62;
	v11 =	vpop (erf)  }
0xac6: {  	v45 =	vor.u32 $0x7, v57;
	v47 =	vor.u32 $0xD, v62;
	v46 =	vpop (erf)  }
0xac7: {  	v48 =	vor.u32 $0x6, v60;
	v54 =	vor.u32 $0x4, v5;
	v20 =	vmul.f32 v46, v20  }
0xac8: {  	v56 =	vor.u32 $0xC, v5;
	[tilespmem:v0+s21+$0x0] =	vst.idx.msk $0xffff, v46;
	v0 =	vor.u32 $0x6, v61;
	v55 =	vpop (erf)  }
0xac9: {  	v58 =	vor.u32 $0x5, v2;
	[tilespmem:v42+s21+$0x0] =	vst.idx.msk $0xffff, v20;
	v57 =	vmul.f32 v55, v59  }
0xaca: {  	v15 =	vld.idx.msk [tilespmem:v43+s4+$0x0], $0xffff;
	[tilespmem:v44+s21+$0x0] =	vst.idx.msk $0xffff, v55;
	v59 =	vor.u32 $0x5, v3;
	v63 =	vpop (erf)  }
0xacb: {  	v17 =	vld.idx.msk [tilespmem:v45+s4+$0x0], $0xffff;
	[tilespmem:v47+s21+$0x0] =	vst.idx.msk $0xffff, v57;
	v12 =	vmul.f32 v63, v12  }
0xacc: {  	[tilespmem:v54+s21+$0x0] =	vst.idx.msk $0xffff, v63;
	v13 =	vld.idx.msk [tilespmem:v48+s4+$0x0], $0xffff  }
0xacd: {  	v0 =	vld.idx.msk [tilespmem:v0+s4+$0x0], $0xffff;
	[tilespmem:v56+s21+$0x0] =	vst.idx.msk $0xffff, v12  }
0xace: {  	v12 =	vld.idx.msk [tilespmem:v58+s4+$0x0], $0xffff  }
0xacf: {  	v21 =	vld.idx.msk [tilespmem:v59+s4+$0x0], $0xffff;
	_ =	sdelay $0x1  }
0xad0: {  	v22 =	vmul.f32 v15, v27;
	v17 =	vmul.f32 v17, v30  }
0xad1: {  	v23 =	vmul.f32 v13, v32;
	v0 =	vmul.f32 v0, v33  }
0xad2: {  	v16 =	vadd.f32 v17, v22  }
0xad3: {  	v0 =	vadd.f32 v0, v23;
	v28 =	vmul.f32 v12, v35;
	v14 =	vmul.f32 v21, v37  }
0xad4: {  	v29 =	vmul.f32 $2.000000030e-01, v16  }
0xad5: {  	v35 =	vmul.f32 $2.000000030e-01, v0;
	v14 =	vadd.f32 v14, v28  }
0xad6: {  	v16 =	vmax.f32 v16, v29  }
0xad7: {  	v16 =	vsub.f32 v16, v31;
	v0 =	vmax.f32 v0, v35;
	v17 =	vmul.f32 $2.000000030e-01, v14  }
0xad8: {  	v0 =	vsub.f32 v0, v34  }
0xad9: {  	v16 =	vmul.f32 $1.442695020e+00, v16;
	v14 =	vmax.f32 v14, v17  }
0xada: {  	v0 =	vmul.f32 $1.442695020e+00, v0;
	v14 =	vsub.f32 v14, v36  }
0xadb: {  	(erf) = vpow2.f32 v16  }
0xadc: {  	(erf) = vpow2.f32 v0;
	v0 =	vmul.f32 $1.442695020e+00, v14;
	_ =	sdelay $0x1  }
0xadd: {  	(erf) = vpow2.f32 v0;
	_ =	sdelay $0x3  }
0xade: {  	v0 =	vor.u32 $0x6, v62  }
0xadf: {  	v37 =	vor.u32 $0xE, v62  }
0xae0: {  	v38 =	vor.u32 $0x7, v60;
	v39 =	vor.u32 $0x5, v5;
	v16 =	vpop (erf)  }
0xae1: {  	v40 =	vor.u32 $0x7, v61;
	v42 =	vor.u32 $0xD, v5;
	v41 =	vpop (erf)  }
0xae2: {  	v43 =	vor.u32 $0x6, v2;
	v13 =	vmul.f32 v41, v13  }
0xae3: {  	[tilespmem:v0+s21+$0x0] =	vst.idx.msk $0xffff, v41;
	v0 =	vor.u32 $0x6, v3;
	v44 =	vpop (erf)  }
0xae4: {  	[tilespmem:v37+s21+$0x0] =	vst.idx.msk $0xffff, v13;
	v12 =	vmul.f32 v44, v12  }
0xae5: {  	[tilespmem:v39+s21+$0x0] =	vst.idx.msk $0xffff, v44;
	v13 =	vld.idx.msk [tilespmem:v38+s4+$0x0], $0xffff  }
0xae6: {  	v14 =	vld.idx.msk [tilespmem:v40+s4+$0x0], $0xffff;
	[tilespmem:v42+s21+$0x0] =	vst.idx.msk $0xffff, v12  }
0xae7: {  	v12 =	vld.idx.msk [tilespmem:v43+s4+$0x0], $0xffff  }
0xae8: {  	v0 =	vld.idx.msk [tilespmem:v0+s4+$0x0], $0xffff;
	_ =	sdelay $0x3  }
0xae9: {  	v17 =	vmul.f32 v13, v27;
	v14 =	vmul.f32 v14, v30  }
0xaea: {  	v45 =	vmul.f32 v12, v32;
	v0 =	vmul.f32 v0, v33  }
0xaeb: {  	v14 =	vadd.f32 v14, v17  }
0xaec: {  	v0 =	vadd.f32 v0, v45  }
0xaed: {  	v17 =	vmul.f32 $2.000000030e-01, v14  }
0xaee: {  	v18 =	vmul.f32 $2.000000030e-01, v0  }
0xaef: {  	v14 =	vmax.f32 v14, v17  }
0xaf0: {  	v14 =	vsub.f32 v14, v31;
	v0 =	vmax.f32 v0, v18  }
0xaf1: {  	v0 =	vsub.f32 v0, v34  }
0xaf2: {  	v14 =	vmul.f32 $1.442695020e+00, v14  }
0xaf3: {  	v0 =	vmul.f32 $1.442695020e+00, v0  }
0xaf4: {  	(erf) = vpow2.f32 v14  }
0xaf5: {  	(erf) = vpow2.f32 v0;
	_ =	sdelay $0x5  }
0xaf6: {  	v0 =	vor.u32 $0x6, v5  }
0xaf7: {  	v46 =	vor.u32 $0xE, v5  }
0xaf8: {  	v2 =	vor.u32 $0x7, v2;
	v47 =	vpop (erf)  }
0xaf9: {  	v3 =	vor.u32 $0x7, v3;
	v48 =	vpop (erf)  }
0xafa: {  	v12 =	vmul.f32 v48, v12  }
0xafb: {  	[tilespmem:v0+s21+$0x0] =	vst.idx.msk $0xffff, v48  }
0xafc: {  	[tilespmem:v46+s21+$0x0] =	vst.idx.msk $0xffff, v12  }
0xafd: {  	v0 =	vld.idx.msk [tilespmem:v2+s4+$0x0], $0xffff  }
0xafe: {  	v2 =	vld.idx.msk [tilespmem:v3+s4+$0x0], $0xffff;
	_ =	sdelay $0x4  }
0xaff: {  	v3 =	vmul.f32 v0, v27;
	v2 =	vmul.f32 v2, v30;
	_ =	sdelay $0x1  }
0xb00: {  	v2 =	vadd.f32 v2, v3;
	_ =	sdelay $0x1  }
0xb01: {  	v3 =	vmul.f32 $2.000000030e-01, v2  }
0xb02: {  	v54 =	vor.u32 $0x7, v49  }
0xb03: {  	v57 =	vor.u32 $0x7, v51;
	v2 =	vmax.f32 v2, v3  }
0xb04: {  	v3 =	vor.u32 $0x7, v50;
	v2 =	vsub.f32 v2, v31  }
0xb05: {  	v56 =	vor.u32 $0xF, v50  }
0xb06: {  	v55 =	vor.u32 $0xF, v49;
	v2 =	vmul.f32 $1.442695020e+00, v2  }
0xb07: {  	v58 =	vor.u32 $0xF, v51;
	[tilespmem:v54+s21+$0x0] =	vst.idx.msk $0xffff, v6  }
0xb08: {  	v1 =	vmul.f32 v7, v1;
	v59 =	vor.u32 $0x7, v52;
	[tilespmem:v57+s21+$0x0] =	vst.idx.msk $0xffff, v9;
	(erf) = vpow2.f32 v2  }
0xb09: {  	v4 =	vmul.f32 v6, v4;
	[tilespmem:v3+s21+$0x0] =	vst.idx.msk $0xffff, v7;
	v2 =	vor.u32 $0xF, v52  }
0xb0a: {  	v3 =	vor.u32 $0x7, v53;
	[tilespmem:v56+s21+$0x0] =	vst.idx.msk $0xffff, v1;
	v1 =	vmul.f32 v9, v8  }
0xb0b: {  	v60 =	vor.u32 $0xF, v53;
	[tilespmem:v55+s21+$0x0] =	vst.idx.msk $0xffff, v4  }
0xb0c: {  	v61 =	vor.u32 $0x7, v62;
	[tilespmem:v58+s21+$0x0] =	vst.idx.msk $0xffff, v1;
	v1 =	vmul.f32 v11, v10  }
0xb0d: {  	[tilespmem:v59+s21+$0x0] =	vst.idx.msk $0xffff, v11;
	v62 =	vor.u32 $0xF, v62  }
0xb0e: {  	[tilespmem:v2+s21+$0x0] =	vst.idx.msk $0xffff, v1;
	v1 =	vmul.f32 v16, v15;
	v2 =	vor.u32 $0x7, v5  }
0xb0f: {  	[tilespmem:v3+s21+$0x0] =	vst.idx.msk $0xffff, v16;
	v3 =	vor.u32 $0xF, v5  }
0xb10: {  	[tilespmem:v60+s21+$0x0] =	vst.idx.msk $0xffff, v1;
	v1 =	vmul.f32 v47, v13  }
0xb11: {  	[tilespmem:v61+s21+$0x0] =	vst.idx.msk $0xffff, v47;
	v63 =	vpop (erf)  }
0xb12: {  	[tilespmem:v62+s21+$0x0] =	vst.idx.msk $0xffff, v1;
	v0 =	vmul.f32 v63, v0  }
0xb13: {  	[tilespmem:v2+s21+$0x0] =	vst.idx.msk $0xffff, v63  }
0xb14: {  	[tilespmem:v3+s21+$0x0] =	vst.idx.msk $0xffff, v0  }
0xb15: {  	[spmem:s3] =	stream.indirect.scatter.add.f32 [tilespmem:s21], [sflag:$0x1], $0x10, s23, s22, $0xb8;
	[tilespmem:$0x1ED50] =	vst v63  }
0xb16: {  	_ =	swait.ge [sflag:s19], $0x7D00  }
0xb17: {  	s25 =	sshll.u32 s0, $0x6;
	s24 =	sadd.s32 $0x1, s24;
	[sflag:s19] =	ssyncset.done $0x0  }
0xb18: {  	s26 =	sshrl.u32 s6, $0x3;
	p0 =	sne.s32 s24, s18;
	[sflag:s19] =	ssyncadd.s32 $0xFFFF8300  }
.Ltmp6:
0xb19: {  	s25 =	sor.u32 $0x1C01, s25;
	[bflag:$0x0] =	sbarrier.arrive $0xFFFF;
	(pc) =	sbr.rel @p0 .LBB2_1-.Ltmp6, $4  }
0xb1a: {  	[hbm:s17], [sflag:s25] =	dma.local [spmem:s26], $0x500  }
0xb1b: {  	_ =	swait.ge [sflag:s19], $0x500  }
0xb1c: {  	[sflag:s19] =	ssyncset.done $0x0  }
0xb1d: {  	v0 =	vimm.f32 $0.0e+00;
	[sflag:s19] =	ssyncadd.s32 $0xFFFFFB00  }
0xb1e: {  	_ =	sfence.sel $0x180000  }
0xb1f: {  	[bflag:$0x0] =	sbarrier.arrive $0xFFFF  }
0xb20: {  	p0 =	sne.s32 s0, $0x0;
	_ =	strace $0x90000047  }
0xb21: {  	s0 =	sadd.s32 @!p0 $0x100000, s1;
	[bflag:$0x2] =	sbarrier.arrive $0xFFFF  }
0xb22: {  	[sflag:s0] =	ssyncadd.tile.s32 @!p0 $0x1;
	_ =	shalt  }
.Lfunc_end2:
_tile_overlayer_lowered:
.L_overlay_start_2:
0xb23: {  	(tag) =	ssettag $0x2  }
0xb24: {  	s0 =	rddreg [dreg:$0x0];
	s2 =	stileid.u32  }
0xb25: {  	s1 =	rddreg [dreg:$0x1];
	p0 =	sne.s32 s2, $0x0  }
0xb26: {  	s3 =	rddreg [dreg:$0x2];
	[bflag:$0x3] =	sbarrier.arrive $0xFFFF;
	s2 =	simm.s32 @!p0 $0x1C01  }
0xb27: {  	[timem:s3], [sflag:s2] =	dma.local @!p0 [hbm:s0], s1  }
0xb28: {  	s0 =	simm.s32 @!p0 $0x1  }
0xb29: {  	_ =	swait.ge @!p0 [sflag:s0], s1  }
0xb2a: {  	s1 =	ssub.s32 @!p0 $0x0, s1;
	[sflag:s0] =	ssyncset.done @!p0 $0x0  }
0xb2b: {  	[sflag:s0] =	ssyncadd.s32 @!p0 s1  }
0xb2c: {  	[bflag:$0x3] =	sbarrier.arrive $0xFFFF  }
0xb2d: {  	_ =	shalt  }

</sc_bundles>
